<compile_context>
chip_gen: v7x
topology: tpu7x:2x2x1
jax: 0.10.2.dev20260603
libtpu: 0.0.44.dev20260713+nightly
codegen_flags: <defaults>
</compile_context>

<pallas_src>
import functools

import jax
import jax.numpy as jnp
from jax import lax
from jax.experimental import pallas as pl
from jax.experimental.pallas import tpu as pltpu
from jax.experimental.pallas import tpu_sc as plsc

NUM_RAYS = 65536
NS = 128
NB = NS + 1
NOUT = 2 * NB
NVREG = 16
HSTRIDE = 144
CSTRIDE = 256
NW = 32
RAYS_PER_W = NUM_RAYS // NW
CB = 64
NCHUNK = RAYS_PER_W // CB

HIST_PAD = 0.01
EPS = 1e-5

_mesh = plsc.VectorSubcoreMesh(
    core_axis_name="c", subcore_axis_name="s", num_cores=2, num_subcores=16
)


@functools.partial(
    pl.kernel,
    out_type=jax.ShapeDtypeStruct((NUM_RAYS * NOUT,), jnp.float32),
    mesh=_mesh,
    compiler_params=pltpu.CompilerParams(
        needs_layout_passes=False, disable_bounds_checks=True),
    scratch_types=[
        pltpu.VMEM((CB, NS), jnp.float32),
        pltpu.VMEM((CB * NB,), jnp.float32),
        pltpu.VMEM((CB,), jnp.float32),
        pltpu.VMEM((CB,), jnp.float32),
        pltpu.VMEM((CB * CSTRIDE,), jnp.float32),
        pltpu.VMEM((CB * HSTRIDE,), jnp.int32),
        pltpu.VMEM((CB * NOUT,), jnp.float32),
    ],
)
def _sampler(w_hbm, eb_hbm, ne_hbm, fa_hbm, out_hbm,
             w_v, eb_v, ne_v, fa_v, cdf_v, h_v, out_v):
    wid = lax.axis_index("s") * 2 + lax.axis_index("c")
    base0 = wid * RAYS_PER_W

    iota = lax.broadcasted_iota(jnp.int32, (NVREG,), 0)
    ones_i = jnp.ones((NVREG,), jnp.int32)
    zeros_i = jnp.zeros((NVREG,), jnp.int32)
    zeros_f = jnp.zeros((NVREG,), jnp.float32)
    seed0 = jnp.where(iota == 0, 1, 0).astype(jnp.int32)
    zcell = iota * CSTRIDE + (CSTRIDE - 1)
    nv = NS // NVREG
    nh = HSTRIDE // NVREG
    ujc = [(iota + q * NVREG).astype(jnp.float32) * jnp.float32(1.0 / NB)
           + jnp.float32(1.0 / (2 * NB)) for q in range(nh)]

    def chunk_body(ci, _):
        base = base0 + ci * CB
        pltpu.sync_copy(w_hbm.at[pl.ds(base, CB)], w_v)
        pltpu.sync_copy(eb_hbm.at[pl.ds(base * NB, CB * NB)], eb_v)
        pltpu.sync_copy(ne_hbm.at[pl.ds(base, CB)], ne_v)
        pltpu.sync_copy(fa_hbm.at[pl.ds(base, CB)], fa_v)
        for g in range(CB // NVREG):
            plsc.store_scatter(cdf_v, [zcell + g * (NVREG * CSTRIDE)], zeros_f)

        @plsc.parallel_loop(0, CB, 1, unroll=8)
        def ray_body(r):
            row = jnp.full((NVREG,), r, jnp.int32)
            h_sl = h_v.at[pl.ds(pl.multiple_of(r * HSTRIDE, 8), HSTRIDE)]
            cdf_sl = cdf_v.at[pl.ds(pl.multiple_of(r * CSTRIDE, 8), CSTRIDE)]
            ebase = jnp.full((NVREG,), r * NB, jnp.int32)
            obase = jnp.full((NVREG,), r * NOUT, jnp.int32)

            near = plsc.load_gather(ne_v, [row])
            fmn = plsc.load_gather(fa_v, [row]) - near

            h_v[pl.ds(r * HSTRIDE, NVREG)] = seed0
            for q in range(1, nh):
                h_v[pl.ds(r * HSTRIDE + q * NVREG, NVREG)] = zeros_i

            wv = [w_v[r, pl.ds(v * NVREG, NVREG)] + HIST_PAD for v in range(nv)]
            csr = [plsc.cumsum(wv[v]) for v in range(nv)]
            pre = [jnp.float32(0.0)]
            for v in range(nv):
                pre.append(pre[v] + csr[v][NVREG - 1])
            w_sum = pre[nv]
            pad = jnp.maximum(EPS - w_sum, 0.0)
            w_sum2 = w_sum + pad
            padc = pad * (1.0 / NS)
            recip = 1.0 / jnp.full((NVREG,), w_sum2, jnp.float32)
            kvec = (iota + 1).astype(jnp.float32)
            mcar = jnp.int32(0)
            for v in range(nv):
                cs = (csr[v] + pre[v] + (kvec + (v * NVREG)) * padc) * recip
                cdfv = jnp.minimum(cs, 1.0)
                cdf_sl[pl.ds(v * NVREG, NVREG)] = cdfv
                m = (cdfv * jnp.float32(NB) + 0.5).astype(jnp.int32)
                m = jnp.maximum(plsc.cummax(m), mcar)
                mcar = m[NVREG - 1]
                plsc.addupdate_scatter(h_sl, [m], ones_i)
                ebg = plsc.load_gather(eb_v, [ebase + (iota + (v * NVREG + 1))])
                eu_e = near + ebg * fmn
                pos_e = (obase + (iota + (v * NVREG + 1))) + m
                plsc.store_scatter(out_v, [pos_e], eu_e)
            eb0 = plsc.load_gather(eb_v, [ebase])
            plsc.store_scatter(out_v, [obase], near + eb0 * fmn,
                               mask=iota == 0)

            hv = [h_v[pl.ds(r * HSTRIDE + q * NVREG, NVREG)] for q in range(nh)]
            csq = [plsc.cumsum(hv[q]) for q in range(nh)]
            ipre = [jnp.int32(0)]
            for q in range(nh):
                ipre.append(ipre[q] + csq[q][NVREG - 1])
            for q in range(nh):
                inds = csq[q] + ipre[q]
                below = jnp.minimum(inds - 1, NS)
                above = jnp.minimum(inds, NS)
                cdf_below = plsc.load_gather(
                    cdf_sl, [(below - 1) & (CSTRIDE - 1)])
                cdf_above = plsc.load_gather(cdf_sl, [above - 1])
                eb_below = plsc.load_gather(eb_v, [ebase + below])
                eb_above = plsc.load_gather(eb_v, [ebase + above])
                denom = jnp.maximum(cdf_above - cdf_below, 1e-37)
                t = jnp.clip((ujc[q] - cdf_below) / denom, 0.0, 1.0)
                sample = eb_below + t * (eb_above - eb_below)
                eu_s = near + sample * fmn
                pos_s = (obase + inds) + (iota + q * NVREG)
                if (q + 1) * NVREG <= NB:
                    plsc.store_scatter(out_v, [pos_s], eu_s)
                else:
                    plsc.store_scatter(out_v, [pos_s], eu_s,
                                       mask=(iota + q * NVREG) < NB)

        pltpu.sync_copy(out_v, out_hbm.at[pl.ds(base * NOUT, CB * NOUT)])
        return _

    lax.fori_loop(0, NCHUNK, chunk_body, 0)


def kernel(weights, existing_bins, nears, fars):
    w2 = weights[..., 0]
    eb1 = existing_bins.reshape(NUM_RAYS * NB)
    ne = nears[:, 0]
    fa = fars[:, 0]
    out = _sampler(w2, eb1, ne, fa)
    return out.reshape(NUM_RAYS, NOUT)

# --- scband reference (transcript-rebuilt; emitter-appended) ---
"""Pipeline reference for scband-active-neu-sacc-sampler-17222818856988 (READ-ONLY COPY).

The authoritative reference and input builder live on the scoring server;
editing this copy changes nothing except your own understanding.
"""

import jax, jax.numpy as jnp
import numpy as np

NUM_RAYS = 65536
NUM_SAMPLES = 128
HIST_PAD = 0.01
EPS = 1e-5


def setup_inputs(seed: int = 0) -> dict:
    key = jax.random.key(seed)
    k1, k2, k3, k4 = jax.random.split(key, 4)
    weights = jax.random.uniform(k1, (NUM_RAYS, NUM_SAMPLES, 1), dtype=jnp.float32)
    # existing spacing bins must be monotonically increasing in [0, 1]
    eb = jax.random.uniform(k2, (NUM_RAYS, NUM_SAMPLES + 1), dtype=jnp.float32)
    existing_bins = jnp.sort(eb, axis=-1)
    nears = jax.random.uniform(k3, (NUM_RAYS, 1), dtype=jnp.float32) * 0.5 + 0.05
    fars = nears + 2.0 + jax.random.uniform(k4, (NUM_RAYS, 1), dtype=jnp.float32)
    return {"weights": weights, "existing_bins": existing_bins, "nears": nears, "fars": fars}


def reference(weights, existing_bins, nears, fars):
    num_samples = NUM_SAMPLES
    num_bins = num_samples + 1
    # histogram padding + eps renormalization (PDFSampler.generate_ray_samples)
    w = weights[..., 0] + HIST_PAD                      # [R, N]
    w_sum = jnp.sum(w, axis=-1, keepdims=True)          # [R, 1]
    padding = jax.nn.relu(EPS - w_sum)
    w = w + padding / w.shape[-1]
    w_sum = w_sum + padding
    pdf = w / w_sum                                      # [R, N]
    cdf = jnp.minimum(jnp.ones_like(pdf), jnp.cumsum(pdf, axis=-1))
    cdf = jnp.concatenate([jnp.zeros_like(cdf[..., :1]), cdf], axis=-1)  # [R, N+1]
    # eval mode: deterministic mid-bin u
    u = jnp.linspace(0.0, 1.0 - 1.0 / num_bins, num_bins, dtype=cdf.dtype)
    u = u + 1.0 / (2 * num_bins)
    u = jnp.broadcast_to(u, (cdf.shape[0], num_bins))    # [R, N+1]
    # inverse-CDF sampling via searchsorted + gathers
    inds = jax.vmap(lambda c, uu: jnp.searchsorted(c, uu, side='right'))(cdf, u)
    below = jnp.clip(inds - 1, 0, existing_bins.shape[-1] - 1)
    above = jnp.clip(inds, 0, existing_bins.shape[-1] - 1)
    cdf_g0 = jnp.take_along_axis(cdf, below, axis=-1)
    bins_g0 = jnp.take_along_axis(existing_bins, below, axis=-1)
    cdf_g1 = jnp.take_along_axis(cdf, above, axis=-1)
    bins_g1 = jnp.take_along_axis(existing_bins, above, axis=-1)
    t = jnp.clip(jnp.nan_to_num((u - cdf_g0) / (cdf_g1 - cdf_g0), nan=0.0), 0.0, 1.0)
    bins = bins_g0 + t * (bins_g1 - bins_g0)             # [R, N+1]
    # include_original: merge with existing bins and sort
    bins = jnp.sort(jnp.concatenate([existing_bins, bins], axis=-1), axis=-1)  # [R, 2N+2]
    bins = jax.lax.stop_gradient(bins)                   # torch: bins.detach()
    # spacing_to_euclidean_fn for uniform spacing: lerp(near, far)
    euclidean_bins = bins * fars + (1.0 - bins) * nears  # [R, 2N+2]
    return euclidean_bins

if __name__ == "__main__":
    import jax
    _d = setup_inputs()
    print(jax.jit(kernel)(*tuple(_d.values())))

</pallas_src>

<mosaic_0001>
#map = affine_map<(d0, d1) -> (0, 0)>
#map1 = affine_map<(d0, d1) -> (0)>
module attributes {stable_mosaic.version = 14 : i64} {
  func.func @_sampler(%arg0: i32, %arg1: i32, %arg2: memref<65536x128xf32, #tpu.memory_space<hbm>>, %arg3: memref<8454144xf32, #tpu.memory_space<hbm>>, %arg4: memref<65536xf32, #tpu.memory_space<hbm>>, %arg5: memref<65536xf32, #tpu.memory_space<hbm>>, %arg6: memref<16908288xf32, #tpu.memory_space<hbm>>, %arg7: memref<64x128xf32, #tpu.memory_space<vmem>>, %arg8: memref<8256xf32, #tpu.memory_space<vmem>>, %arg9: memref<64xf32, #tpu.memory_space<vmem>>, %arg10: memref<64xf32, #tpu.memory_space<vmem>>, %arg11: memref<16384xf32, #tpu.memory_space<vmem>>, %arg12: memref<9216xi32, #tpu.memory_space<vmem>>, %arg13: memref<16512xf32, #tpu.memory_space<vmem>>) attributes {dimension_semantics = [#tpu.dimension_semantics<core_parallel>, #tpu.dimension_semantics<subcore_parallel>], iteration_bounds = array<i64: 2, 16>, scalar_prefetch = 0 : i64, scratch_operands = 7 : i64, tpu.core_type = #tpu.core_type<sc_vector_subcore>, window_params = [{transform_indices = #map}, {transform_indices = #map1}, {transform_indices = #map1}, {transform_indices = #map1}, {transform_indices = #map1}]} {
    %mul3A = arith.constant 2 : i32
    %mul3A_0 = arith.muli %arg1, %mul3A : i32
    %add3A = arith.addi %mul3A_0, %arg0 : i32
    %mul3A_1 = arith.constant 2048 : i32
    %mul3A_2 = arith.muli %add3A, %mul3A_1 : i32
    %iota3A = tpu.iota {dimensions = array<i32: 0>} : vector<16xi32>
    %broadcast_in_dim3A = arith.constant 1 : i32
    %broadcast_in_dim3A_3 = vector.broadcast %broadcast_in_dim3A : i32 to vector<16xi32>
    %broadcast_in_dim3A_4 = arith.constant 0 : i32
    %broadcast_in_dim3A_5 = vector.broadcast %broadcast_in_dim3A_4 : i32 to vector<16xi32>
    %broadcast_in_dim3A_6 = arith.constant 0.000000e+00 : f32
    %broadcast_in_dim3A_7 = vector.broadcast %broadcast_in_dim3A_6 : f32 to vector<16xf32>
    %eq3A = arith.constant 0 : i32
    %eq3A_8 = vector.broadcast %eq3A : i32 to vector<16xi32>
    %eq3A_9 = arith.cmpi eq, %iota3A, %eq3A_8 : vector<16xi32>
    %jit3A = arith.constant 1 : i32
    %jit3A_10 = arith.constant 0 : i32
    %broadcast_in_dim3A_11 = vector.broadcast %jit3A : i32 to vector<16xi32>
    %broadcast_in_dim3A_12 = vector.broadcast %jit3A_10 : i32 to vector<16xi32>
    %select_n3A = arith.select %eq3A_9, %broadcast_in_dim3A_11, %broadcast_in_dim3A_12 : vector<16xi1>, vector<16xi32>
    %mul3A_13 = arith.constant 256 : i32
    %mul3A_14 = vector.broadcast %mul3A_13 : i32 to vector<16xi32>
    %mul3A_15 = arith.muli %iota3A, %mul3A_14 : vector<16xi32>
    %add3A_16 = arith.constant 255 : i32
    %add3A_17 = vector.broadcast %add3A_16 : i32 to vector<16xi32>
    %add3A_18 = arith.addi %mul3A_15, %add3A_17 : vector<16xi32>
    %add3A_19 = arith.constant 0 : i32
    %add3A_20 = vector.broadcast %add3A_19 : i32 to vector<16xi32>
    %add3A_21 = arith.addi %iota3A, %add3A_20 : vector<16xi32>
    %convert_element_type3A = arith.sitofp %add3A_21 : vector<16xi32> to vector<16xf32>
    %mul3A_22 = arith.constant 0.00775193795 : f32
    %mul3A_23 = vector.broadcast %mul3A_22 : f32 to vector<16xf32>
    %mul3A_24 = arith.mulf %convert_element_type3A, %mul3A_23 : vector<16xf32>
    %add3A_25 = arith.constant 0.00387596898 : f32
    %add3A_26 = vector.broadcast %add3A_25 : f32 to vector<16xf32>
    %add3A_27 = arith.addf %mul3A_24, %add3A_26 : vector<16xf32>
    %add3A_28 = arith.constant 16 : i32
    %add3A_29 = vector.broadcast %add3A_28 : i32 to vector<16xi32>
    %add3A_30 = arith.addi %iota3A, %add3A_29 : vector<16xi32>
    %convert_element_type3A_31 = arith.sitofp %add3A_30 : vector<16xi32> to vector<16xf32>
    %mul3A_32 = arith.constant 0.00775193795 : f32
    %mul3A_33 = vector.broadcast %mul3A_32 : f32 to vector<16xf32>
    %mul3A_34 = arith.mulf %convert_element_type3A_31, %mul3A_33 : vector<16xf32>
    %add3A_35 = arith.constant 0.00387596898 : f32
    %add3A_36 = vector.broadcast %add3A_35 : f32 to vector<16xf32>
    %add3A_37 = arith.addf %mul3A_34, %add3A_36 : vector<16xf32>
    %add3A_38 = arith.constant 32 : i32
    %add3A_39 = vector.broadcast %add3A_38 : i32 to vector<16xi32>
    %add3A_40 = arith.addi %iota3A, %add3A_39 : vector<16xi32>
    %convert_element_type3A_41 = arith.sitofp %add3A_40 : vector<16xi32> to vector<16xf32>
    %mul3A_42 = arith.constant 0.00775193795 : f32
    %mul3A_43 = vector.broadcast %mul3A_42 : f32 to vector<16xf32>
    %mul3A_44 = arith.mulf %convert_element_type3A_41, %mul3A_43 : vector<16xf32>
    %add3A_45 = arith.constant 0.00387596898 : f32
    %add3A_46 = vector.broadcast %add3A_45 : f32 to vector<16xf32>
    %add3A_47 = arith.addf %mul3A_44, %add3A_46 : vector<16xf32>
    %add3A_48 = arith.constant 48 : i32
    %add3A_49 = vector.broadcast %add3A_48 : i32 to vector<16xi32>
    %add3A_50 = arith.addi %iota3A, %add3A_49 : vector<16xi32>
    %convert_element_type3A_51 = arith.sitofp %add3A_50 : vector<16xi32> to vector<16xf32>
    %mul3A_52 = arith.constant 0.00775193795 : f32
    %mul3A_53 = vector.broadcast %mul3A_52 : f32 to vector<16xf32>
    %mul3A_54 = arith.mulf %convert_element_type3A_51, %mul3A_53 : vector<16xf32>
    %add3A_55 = arith.constant 0.00387596898 : f32
    %add3A_56 = vector.broadcast %add3A_55 : f32 to vector<16xf32>
    %add3A_57 = arith.addf %mul3A_54, %add3A_56 : vector<16xf32>
    %add3A_58 = arith.constant 64 : i32
    %add3A_59 = vector.broadcast %add3A_58 : i32 to vector<16xi32>
    %add3A_60 = arith.addi %iota3A, %add3A_59 : vector<16xi32>
    %convert_element_type3A_61 = arith.sitofp %add3A_60 : vector<16xi32> to vector<16xf32>
    %mul3A_62 = arith.constant 0.00775193795 : f32
    %mul3A_63 = vector.broadcast %mul3A_62 : f32 to vector<16xf32>
    %mul3A_64 = arith.mulf %convert_element_type3A_61, %mul3A_63 : vector<16xf32>
    %add3A_65 = arith.constant 0.00387596898 : f32
    %add3A_66 = vector.broadcast %add3A_65 : f32 to vector<16xf32>
    %add3A_67 = arith.addf %mul3A_64, %add3A_66 : vector<16xf32>
    %add3A_68 = arith.constant 80 : i32
    %add3A_69 = vector.broadcast %add3A_68 : i32 to vector<16xi32>
    %add3A_70 = arith.addi %iota3A, %add3A_69 : vector<16xi32>
    %convert_element_type3A_71 = arith.sitofp %add3A_70 : vector<16xi32> to vector<16xf32>
    %mul3A_72 = arith.constant 0.00775193795 : f32
    %mul3A_73 = vector.broadcast %mul3A_72 : f32 to vector<16xf32>
    %mul3A_74 = arith.mulf %convert_element_type3A_71, %mul3A_73 : vector<16xf32>
    %add3A_75 = arith.constant 0.00387596898 : f32
    %add3A_76 = vector.broadcast %add3A_75 : f32 to vector<16xf32>
    %add3A_77 = arith.addf %mul3A_74, %add3A_76 : vector<16xf32>
    %add3A_78 = arith.constant 96 : i32
    %add3A_79 = vector.broadcast %add3A_78 : i32 to vector<16xi32>
    %add3A_80 = arith.addi %iota3A, %add3A_79 : vector<16xi32>
    %convert_element_type3A_81 = arith.sitofp %add3A_80 : vector<16xi32> to vector<16xf32>
    %mul3A_82 = arith.constant 0.00775193795 : f32
    %mul3A_83 = vector.broadcast %mul3A_82 : f32 to vector<16xf32>
    %mul3A_84 = arith.mulf %convert_element_type3A_81, %mul3A_83 : vector<16xf32>
    %add3A_85 = arith.constant 0.00387596898 : f32
    %add3A_86 = vector.broadcast %add3A_85 : f32 to vector<16xf32>
    %add3A_87 = arith.addf %mul3A_84, %add3A_86 : vector<16xf32>
    %add3A_88 = arith.constant 112 : i32
    %add3A_89 = vector.broadcast %add3A_88 : i32 to vector<16xi32>
    %add3A_90 = arith.addi %iota3A, %add3A_89 : vector<16xi32>
    %convert_element_type3A_91 = arith.sitofp %add3A_90 : vector<16xi32> to vector<16xf32>
    %mul3A_92 = arith.constant 0.00775193795 : f32
    %mul3A_93 = vector.broadcast %mul3A_92 : f32 to vector<16xf32>
    %mul3A_94 = arith.mulf %convert_element_type3A_91, %mul3A_93 : vector<16xf32>
    %add3A_95 = arith.constant 0.00387596898 : f32
    %add3A_96 = vector.broadcast %add3A_95 : f32 to vector<16xf32>
    %add3A_97 = arith.addf %mul3A_94, %add3A_96 : vector<16xf32>
    %add3A_98 = arith.constant 128 : i32
    %add3A_99 = vector.broadcast %add3A_98 : i32 to vector<16xi32>
    %add3A_100 = arith.addi %iota3A, %add3A_99 : vector<16xi32>
    %convert_element_type3A_101 = arith.sitofp %add3A_100 : vector<16xi32> to vector<16xf32>
    %mul3A_102 = arith.constant 0.00775193795 : f32
    %mul3A_103 = vector.broadcast %mul3A_102 : f32 to vector<16xf32>
    %mul3A_104 = arith.mulf %convert_element_type3A_101, %mul3A_103 : vector<16xf32>
    %add3A_105 = arith.constant 0.00387596898 : f32
    %add3A_106 = vector.broadcast %add3A_105 : f32 to vector<16xf32>
    %add3A_107 = arith.addf %mul3A_104, %add3A_106 : vector<16xf32>
    %scan3A = arith.constant 0 : i32
    %scan3A_108 = arith.constant 0 : i32
    %scan3A_109 = arith.constant 32 : i32
    %scan3A_110 = arith.addi %scan3A_108, %scan3A_109 : i32
    %scan3A_111 = arith.constant 1 : i32
    scf.for %scan3A_113 = %scan3A_108 to %scan3A_110 step %scan3A_111  : i32 {
      %mul3A_114 = arith.constant 64 : i32
      %mul3A_115 = arith.muli %scan3A_113, %mul3A_114 : i32
      %add3A_116 = arith.addi %mul3A_2, %mul3A_115 : i32
      "tpu.region"() ({
        %run_scoped3A = tpu.sem_alloc : memref<!tpu.dma_semaphore, #tpu.memory_space<semaphore_mem>>
        %dma_start3A = arith.constant 0 : i32
        %dma_start3A_135 = tpu.memref_slice %arg2[%add3A_116, %dma_start3A] : memref<65536x128xf32, #tpu.memory_space<hbm>> -> memref<64x128xf32, #tpu.memory_space<hbm>>
        %dma_start3A_136 = arith.constant 0 : i32
        %dma_start3A_137 = tpu.memref_slice %arg2[%add3A_116, %dma_start3A_136] : memref<65536x128xf32, #tpu.memory_space<hbm>> -> memref<64x128xf32, #tpu.memory_space<hbm>>
        tpu.enqueue_dma source(%dma_start3A_137 : memref<64x128xf32, #tpu.memory_space<hbm>>) target(%arg7 : memref<64x128xf32, #tpu.memory_space<vmem>>) target_semaphore(%run_scoped3A : memref<!tpu.dma_semaphore, #tpu.memory_space<semaphore_mem>>)
        %dma_wait3A = arith.constant 0 : i32
        %dma_wait3A_138 = tpu.memref_slice %arg2[%add3A_116, %dma_wait3A] : memref<65536x128xf32, #tpu.memory_space<hbm>> -> memref<64x128xf32, #tpu.memory_space<hbm>>
        %dma_wait3A_139 = arith.constant 0 : i32
        %dma_wait3A_140 = tpu.memref_slice %arg2[%add3A_116, %dma_wait3A_139] : memref<65536x128xf32, #tpu.memory_space<hbm>> -> memref<64x128xf32, #tpu.memory_space<hbm>>
        tpu.wait_dma2 semaphore(%run_scoped3A : memref<!tpu.dma_semaphore, #tpu.memory_space<semaphore_mem>>) src(%dma_wait3A_140 : memref<64x128xf32, #tpu.memory_space<hbm>>) dst(%arg7 : memref<64x128xf32, #tpu.memory_space<vmem>>)
        tpu.yield
      }) : () -> ()
      %mul3A_117 = arith.constant 129 : i32
      %mul3A_118 = arith.muli %add3A_116, %mul3A_117 : i32
      "tpu.region"() ({
        %run_scoped3A = tpu.sem_alloc : memref<!tpu.dma_semaphore, #tpu.memory_space<semaphore_mem>>
        %dma_start3A = tpu.memref_slice %arg3[%mul3A_118] : memref<8454144xf32, #tpu.memory_space<hbm>> -> memref<8256xf32, #tpu.memory_space<hbm>>
        %dma_start3A_135 = tpu.memref_slice %arg3[%mul3A_118] : memref<8454144xf32, #tpu.memory_space<hbm>> -> memref<8256xf32, #tpu.memory_space<hbm>>
        tpu.enqueue_dma source(%dma_start3A_135 : memref<8256xf32, #tpu.memory_space<hbm>>) target(%arg8 : memref<8256xf32, #tpu.memory_space<vmem>>) target_semaphore(%run_scoped3A : memref<!tpu.dma_semaphore, #tpu.memory_space<semaphore_mem>>)
        %dma_wait3A = tpu.memref_slice %arg3[%mul3A_118] : memref<8454144xf32, #tpu.memory_space<hbm>> -> memref<8256xf32, #tpu.memory_space<hbm>>
        %dma_wait3A_136 = tpu.memref_slice %arg3[%mul3A_118] : memref<8454144xf32, #tpu.memory_space<hbm>> -> memref<8256xf32, #tpu.memory_space<hbm>>
        tpu.wait_dma2 semaphore(%run_scoped3A : memref<!tpu.dma_semaphore, #tpu.memory_space<semaphore_mem>>) src(%dma_wait3A_136 : memref<8256xf32, #tpu.memory_space<hbm>>) dst(%arg8 : memref<8256xf32, #tpu.memory_space<vmem>>)
        tpu.yield
      }) : () -> ()
      "tpu.region"() ({
        %run_scoped3A = tpu.sem_alloc : memref<!tpu.dma_semaphore, #tpu.memory_space<semaphore_mem>>
        %dma_start3A = tpu.memref_slice %arg4[%add3A_116] : memref<65536xf32, #tpu.memory_space<hbm>> -> memref<64xf32, #tpu.memory_space<hbm>>
        %dma_start3A_135 = tpu.memref_slice %arg4[%add3A_116] : memref<65536xf32, #tpu.memory_space<hbm>> -> memref<64xf32, #tpu.memory_space<hbm>>
        tpu.enqueue_dma source(%dma_start3A_135 : memref<64xf32, #tpu.memory_space<hbm>>) target(%arg9 : memref<64xf32, #tpu.memory_space<vmem>>) target_semaphore(%run_scoped3A : memref<!tpu.dma_semaphore, #tpu.memory_space<semaphore_mem>>)
        %dma_wait3A = tpu.memref_slice %arg4[%add3A_116] : memref<65536xf32, #tpu.memory_space<hbm>> -> memref<64xf32, #tpu.memory_space<hbm>>
        %dma_wait3A_136 = tpu.memref_slice %arg4[%add3A_116] : memref<65536xf32, #tpu.memory_space<hbm>> -> memref<64xf32, #tpu.memory_space<hbm>>
        tpu.wait_dma2 semaphore(%run_scoped3A : memref<!tpu.dma_semaphore, #tpu.memory_space<semaphore_mem>>) src(%dma_wait3A_136 : memref<64xf32, #tpu.memory_space<hbm>>) dst(%arg9 : memref<64xf32, #tpu.memory_space<vmem>>)
        tpu.yield
      }) : () -> ()
      "tpu.region"() ({
        %run_scoped3A = tpu.sem_alloc : memref<!tpu.dma_semaphore, #tpu.memory_space<semaphore_mem>>
        %dma_start3A = tpu.memref_slice %arg5[%add3A_116] : memref<65536xf32, #tpu.memory_space<hbm>> -> memref<64xf32, #tpu.memory_space<hbm>>
        %dma_start3A_135 = tpu.memref_slice %arg5[%add3A_116] : memref<65536xf32, #tpu.memory_space<hbm>> -> memref<64xf32, #tpu.memory_space<hbm>>
        tpu.enqueue_dma source(%dma_start3A_135 : memref<64xf32, #tpu.memory_space<hbm>>) target(%arg10 : memref<64xf32, #tpu.memory_space<vmem>>) target_semaphore(%run_scoped3A : memref<!tpu.dma_semaphore, #tpu.memory_space<semaphore_mem>>)
        %dma_wait3A = tpu.memref_slice %arg5[%add3A_116] : memref<65536xf32, #tpu.memory_space<hbm>> -> memref<64xf32, #tpu.memory_space<hbm>>
        %dma_wait3A_136 = tpu.memref_slice %arg5[%add3A_116] : memref<65536xf32, #tpu.memory_space<hbm>> -> memref<64xf32, #tpu.memory_space<hbm>>
        tpu.wait_dma2 semaphore(%run_scoped3A : memref<!tpu.dma_semaphore, #tpu.memory_space<semaphore_mem>>) src(%dma_wait3A_136 : memref<64xf32, #tpu.memory_space<hbm>>) dst(%arg10 : memref<64xf32, #tpu.memory_space<vmem>>)
        tpu.yield
      }) : () -> ()
      %add3A_119 = arith.constant 0 : i32
      %add3A_120 = vector.broadcast %add3A_119 : i32 to vector<16xi32>
      %add3A_121 = arith.addi %add3A_18, %add3A_120 : vector<16xi32>
      tpu.vector_store_idx %arg11[%add3A_121], %broadcast_in_dim3A_7 : memref<16384xf32, #tpu.memory_space<vmem>>[vector<16xi32>], vector<16xf32>,
      %add3A_122 = arith.constant 4096 : i32
      %add3A_123 = vector.broadcast %add3A_122 : i32 to vector<16xi32>
      %add3A_124 = arith.addi %add3A_18, %add3A_123 : vector<16xi32>
      tpu.vector_store_idx %arg11[%add3A_124], %broadcast_in_dim3A_7 : memref<16384xf32, #tpu.memory_space<vmem>>[vector<16xi32>], vector<16xf32>,
      %add3A_125 = arith.constant 8192 : i32
      %add3A_126 = vector.broadcast %add3A_125 : i32 to vector<16xi32>
      %add3A_127 = arith.addi %add3A_18, %add3A_126 : vector<16xi32>
      tpu.vector_store_idx %arg11[%add3A_127], %broadcast_in_dim3A_7 : memref<16384xf32, #tpu.memory_space<vmem>>[vector<16xi32>], vector<16xf32>,
      %add3A_128 = arith.constant 12288 : i32
      %add3A_129 = vector.broadcast %add3A_128 : i32 to vector<16xi32>
      %add3A_130 = arith.addi %add3A_18, %add3A_129 : vector<16xi32>
      tpu.vector_store_idx %arg11[%add3A_130], %broadcast_in_dim3A_7 : memref<16384xf32, #tpu.memory_space<vmem>>[vector<16xi32>], vector<16xf32>,
      %parallel_loop3A = arith.constant 0 : i32
      %parallel_loop3A_131 = arith.constant 64 : i32
      %parallel_loop3A_132 = arith.constant 1 : i32
      scf.for %parallel_loop3A_135 = %parallel_loop3A to %parallel_loop3A_131 step %parallel_loop3A_132  : i32 {
        %parallel_loop3A_136 = vector.broadcast %parallel_loop3A_135 : i32 to vector<16xi32>
        %parallel_loop3A_137 = arith.constant 144 : i32
        %parallel_loop3A_138 = arith.muli %parallel_loop3A_135, %parallel_loop3A_137 : i32
        %parallel_loop3A_139 = tpu.assume_multiple %parallel_loop3A_138, 8 : i32
        %parallel_loop3A_140 = arith.constant 256 : i32
        %parallel_loop3A_141 = arith.muli %parallel_loop3A_135, %parallel_loop3A_140 : i32
        %parallel_loop3A_142 = tpu.assume_multiple %parallel_loop3A_141, 8 : i32
        %parallel_loop3A_143 = arith.constant 129 : i32
        %parallel_loop3A_144 = arith.muli %parallel_loop3A_135, %parallel_loop3A_143 : i32
        %parallel_loop3A_145 = vector.broadcast %parallel_loop3A_144 : i32 to vector<16xi32>
        %parallel_loop3A_146 = arith.constant 258 : i32
        %parallel_loop3A_147 = arith.muli %parallel_loop3A_135, %parallel_loop3A_146 : i32
        %parallel_loop3A_148 = vector.broadcast %parallel_loop3A_147 : i32 to vector<16xi32>
        %parallel_loop3A_149 = tpu.vector_load_idx %arg9[%parallel_loop3A_136] : memref<64xf32, #tpu.memory_space<vmem>>[vector<16xi32>], vector<16xf32>,
        %parallel_loop3A_150 = tpu.vector_load_idx %arg10[%parallel_loop3A_136] : memref<64xf32, #tpu.memory_space<vmem>>[vector<16xi32>], vector<16xf32>,
        %parallel_loop3A_151 = arith.subf %parallel_loop3A_150, %parallel_loop3A_149 : vector<16xf32>
        %parallel_loop3A_152 = arith.constant 144 : i32
        %parallel_loop3A_153 = arith.muli %parallel_loop3A_135, %parallel_loop3A_152 : i32
        %parallel_loop3A_154 = arith.index_cast %parallel_loop3A_153 : i32 to index
        %parallel_loop3A_155 = tpu.vector_load %arg12[%parallel_loop3A_154] {strides = array<i32>} : memref<9216xi32, #tpu.memory_space<vmem>>, vector<16xi32>,
        tpu.vector_store %arg12[%parallel_loop3A_154], %select_n3A {strides = array<i32>} : memref<9216xi32, #tpu.memory_space<vmem>>, vector<16xi32>,
        %parallel_loop3A_156 = arith.constant 144 : i32
        %parallel_loop3A_157 = arith.muli %parallel_loop3A_135, %parallel_loop3A_156 : i32
        %parallel_loop3A_158 = arith.constant 16 : i32
        %parallel_loop3A_159 = arith.addi %parallel_loop3A_157, %parallel_loop3A_158 : i32
        %parallel_loop3A_160 = arith.index_cast %parallel_loop3A_159 : i32 to index
        %parallel_loop3A_161 = tpu.vector_load %arg12[%parallel_loop3A_160] {strides = array<i32>} : memref<9216xi32, #tpu.memory_space<vmem>>, vector<16xi32>,
        tpu.vector_store %arg12[%parallel_loop3A_160], %broadcast_in_dim3A_5 {strides = array<i32>} : memref<9216xi32, #tpu.memory_space<vmem>>, vector<16xi32>,
        %parallel_loop3A_162 = arith.constant 144 : i32
        %parallel_loop3A_163 = arith.muli %parallel_loop3A_135, %parallel_loop3A_162 : i32
        %parallel_loop3A_164 = arith.constant 32 : i32
        %parallel_loop3A_165 = arith.addi %parallel_loop3A_163, %parallel_loop3A_164 : i32
        %parallel_loop3A_166 = arith.index_cast %parallel_loop3A_165 : i32 to index
        %parallel_loop3A_167 = tpu.vector_load %arg12[%parallel_loop3A_166] {strides = array<i32>} : memref<9216xi32, #tpu.memory_space<vmem>>, vector<16xi32>,
        tpu.vector_store %arg12[%parallel_loop3A_166], %broadcast_in_dim3A_5 {strides = array<i32>} : memref<9216xi32, #tpu.memory_space<vmem>>, vector<16xi32>,
        %parallel_loop3A_168 = arith.constant 144 : i32
        %parallel_loop3A_169 = arith.muli %parallel_loop3A_135, %parallel_loop3A_168 : i32
        %parallel_loop3A_170 = arith.constant 48 : i32
        %parallel_loop3A_171 = arith.addi %parallel_loop3A_169, %parallel_loop3A_170 : i32
        %parallel_loop3A_172 = arith.index_cast %parallel_loop3A_171 : i32 to index
        %parallel_loop3A_173 = tpu.vector_load %arg12[%parallel_loop3A_172] {strides = array<i32>} : memref<9216xi32, #tpu.memory_space<vmem>>, vector<16xi32>,
        tpu.vector_store %arg12[%parallel_loop3A_172], %broadcast_in_dim3A_5 {strides = array<i32>} : memref<9216xi32, #tpu.memory_space<vmem>>, vector<16xi32>,
        %parallel_loop3A_174 = arith.constant 144 : i32
        %parallel_loop3A_175 = arith.muli %parallel_loop3A_135, %parallel_loop3A_174 : i32
        %parallel_loop3A_176 = arith.constant 64 : i32
        %parallel_loop3A_177 = arith.addi %parallel_loop3A_175, %parallel_loop3A_176 : i32
        %parallel_loop3A_178 = arith.index_cast %parallel_loop3A_177 : i32 to index
        %parallel_loop3A_179 = tpu.vector_load %arg12[%parallel_loop3A_178] {strides = array<i32>} : memref<9216xi32, #tpu.memory_space<vmem>>, vector<16xi32>,
        tpu.vector_store %arg12[%parallel_loop3A_178], %broadcast_in_dim3A_5 {strides = array<i32>} : memref<9216xi32, #tpu.memory_space<vmem>>, vector<16xi32>,
        %parallel_loop3A_180 = arith.constant 144 : i32
        %parallel_loop3A_181 = arith.muli %parallel_loop3A_135, %parallel_loop3A_180 : i32
        %parallel_loop3A_182 = arith.constant 80 : i32
        %parallel_loop3A_183 = arith.addi %parallel_loop3A_181, %parallel_loop3A_182 : i32
        %parallel_loop3A_184 = arith.index_cast %parallel_loop3A_183 : i32 to index
        %parallel_loop3A_185 = tpu.vector_load %arg12[%parallel_loop3A_184] {strides = array<i32>} : memref<9216xi32, #tpu.memory_space<vmem>>, vector<16xi32>,
        tpu.vector_store %arg12[%parallel_loop3A_184], %broadcast_in_dim3A_5 {strides = array<i32>} : memref<9216xi32, #tpu.memory_space<vmem>>, vector<16xi32>,
        %parallel_loop3A_186 = arith.constant 144 : i32
        %parallel_loop3A_187 = arith.muli %parallel_loop3A_135, %parallel_loop3A_186 : i32
        %parallel_loop3A_188 = arith.constant 96 : i32
        %parallel_loop3A_189 = arith.addi %parallel_loop3A_187, %parallel_loop3A_188 : i32
        %parallel_loop3A_190 = arith.index_cast %parallel_loop3A_189 : i32 to index
        %parallel_loop3A_191 = tpu.vector_load %arg12[%parallel_loop3A_190] {strides = array<i32>} : memref<9216xi32, #tpu.memory_space<vmem>>, vector<16xi32>,
        tpu.vector_store %arg12[%parallel_loop3A_190], %broadcast_in_dim3A_5 {strides = array<i32>} : memref<9216xi32, #tpu.memory_space<vmem>>, vector<16xi32>,
        %parallel_loop3A_192 = arith.constant 144 : i32
        %parallel_loop3A_193 = arith.muli %parallel_loop3A_135, %parallel_loop3A_192 : i32
        %parallel_loop3A_194 = arith.constant 112 : i32
        %parallel_loop3A_195 = arith.addi %parallel_loop3A_193, %parallel_loop3A_194 : i32
        %parallel_loop3A_196 = arith.index_cast %parallel_loop3A_195 : i32 to index
        %parallel_loop3A_197 = tpu.vector_load %arg12[%parallel_loop3A_196] {strides = array<i32>} : memref<9216xi32, #tpu.memory_space<vmem>>, vector<16xi32>,
        tpu.vector_store %arg12[%parallel_loop3A_196], %broadcast_in_dim3A_5 {strides = array<i32>} : memref<9216xi32, #tpu.memory_space<vmem>>, vector<16xi32>,
        %parallel_loop3A_198 = arith.constant 144 : i32
        %parallel_loop3A_199 = arith.muli %parallel_loop3A_135, %parallel_loop3A_198 : i32
        %parallel_loop3A_200 = arith.constant 128 : i32
        %parallel_loop3A_201 = arith.addi %parallel_loop3A_199, %parallel_loop3A_200 : i32
        %parallel_loop3A_202 = arith.index_cast %parallel_loop3A_201 : i32 to index
        %parallel_loop3A_203 = tpu.vector_load %arg12[%parallel_loop3A_202] {strides = array<i32>} : memref<9216xi32, #tpu.memory_space<vmem>>, vector<16xi32>,
        tpu.vector_store %arg12[%parallel_loop3A_202], %broadcast_in_dim3A_5 {strides = array<i32>} : memref<9216xi32, #tpu.memory_space<vmem>>, vector<16xi32>,
        %parallel_loop3A_204 = arith.index_cast %parallel_loop3A_135 : i32 to index
        %parallel_loop3A_205 = arith.constant 0 : index
        %parallel_loop3A_206 = tpu.vector_load %arg7[%parallel_loop3A_204, %parallel_loop3A_205] {strides = array<i32>} : memref<64x128xf32, #tpu.memory_space<vmem>>, vector<16xf32>,
        %parallel_loop3A_207 = arith.constant 0.00999999977 : f32
        %parallel_loop3A_208 = vector.broadcast %parallel_loop3A_207 : f32 to vector<16xf32>
        %parallel_loop3A_209 = arith.addf %parallel_loop3A_206, %parallel_loop3A_208 : vector<16xf32>
        %parallel_loop3A_210 = arith.index_cast %parallel_loop3A_135 : i32 to index
        %parallel_loop3A_211 = arith.constant 16 : index
        %parallel_loop3A_212 = tpu.vector_load %arg7[%parallel_loop3A_210, %parallel_loop3A_211] {strides = array<i32>} : memref<64x128xf32, #tpu.memory_space<vmem>>, vector<16xf32>,
        %parallel_loop3A_213 = arith.constant 0.00999999977 : f32
        %parallel_loop3A_214 = vector.broadcast %parallel_loop3A_213 : f32 to vector<16xf32>
        %parallel_loop3A_215 = arith.addf %parallel_loop3A_212, %parallel_loop3A_214 : vector<16xf32>
        %parallel_loop3A_216 = arith.index_cast %parallel_loop3A_135 : i32 to index
        %parallel_loop3A_217 = arith.constant 32 : index
        %parallel_loop3A_218 = tpu.vector_load %arg7[%parallel_loop3A_216, %parallel_loop3A_217] {strides = array<i32>} : memref<64x128xf32, #tpu.memory_space<vmem>>, vector<16xf32>,
        %parallel_loop3A_219 = arith.constant 0.00999999977 : f32
        %parallel_loop3A_220 = vector.broadcast %parallel_loop3A_219 : f32 to vector<16xf32>
        %parallel_loop3A_221 = arith.addf %parallel_loop3A_218, %parallel_loop3A_220 : vector<16xf32>
        %parallel_loop3A_222 = arith.index_cast %parallel_loop3A_135 : i32 to index
        %parallel_loop3A_223 = arith.constant 48 : index
        %parallel_loop3A_224 = tpu.vector_load %arg7[%parallel_loop3A_222, %parallel_loop3A_223] {strides = array<i32>} : memref<64x128xf32, #tpu.memory_space<vmem>>, vector<16xf32>,
        %parallel_loop3A_225 = arith.constant 0.00999999977 : f32
        %parallel_loop3A_226 = vector.broadcast %parallel_loop3A_225 : f32 to vector<16xf32>
        %parallel_loop3A_227 = arith.addf %parallel_loop3A_224, %parallel_loop3A_226 : vector<16xf32>
        %parallel_loop3A_228 = arith.index_cast %parallel_loop3A_135 : i32 to index
        %parallel_loop3A_229 = arith.constant 64 : index
        %parallel_loop3A_230 = tpu.vector_load %arg7[%parallel_loop3A_228, %parallel_loop3A_229] {strides = array<i32>} : memref<64x128xf32, #tpu.memory_space<vmem>>, vector<16xf32>,
        %parallel_loop3A_231 = arith.constant 0.00999999977 : f32
        %parallel_loop3A_232 = vector.broadcast %parallel_loop3A_231 : f32 to vector<16xf32>
        %parallel_loop3A_233 = arith.addf %parallel_loop3A_230, %parallel_loop3A_232 : vector<16xf32>
        %parallel_loop3A_234 = arith.index_cast %parallel_loop3A_135 : i32 to index
        %parallel_loop3A_235 = arith.constant 80 : index
        %parallel_loop3A_236 = tpu.vector_load %arg7[%parallel_loop3A_234, %parallel_loop3A_235] {strides = array<i32>} : memref<64x128xf32, #tpu.memory_space<vmem>>, vector<16xf32>,
        %parallel_loop3A_237 = arith.constant 0.00999999977 : f32
        %parallel_loop3A_238 = vector.broadcast %parallel_loop3A_237 : f32 to vector<16xf32>
        %parallel_loop3A_239 = arith.addf %parallel_loop3A_236, %parallel_loop3A_238 : vector<16xf32>
        %parallel_loop3A_240 = arith.index_cast %parallel_loop3A_135 : i32 to index
        %parallel_loop3A_241 = arith.constant 96 : index
        %parallel_loop3A_242 = tpu.vector_load %arg7[%parallel_loop3A_240, %parallel_loop3A_241] {strides = array<i32>} : memref<64x128xf32, #tpu.memory_space<vmem>>, vector<16xf32>,
        %parallel_loop3A_243 = arith.constant 0.00999999977 : f32
        %parallel_loop3A_244 = vector.broadcast %parallel_loop3A_243 : f32 to vector<16xf32>
        %parallel_loop3A_245 = arith.addf %parallel_loop3A_242, %parallel_loop3A_244 : vector<16xf32>
        %parallel_loop3A_246 = arith.index_cast %parallel_loop3A_135 : i32 to index
        %parallel_loop3A_247 = arith.constant 112 : index
        %parallel_loop3A_248 = tpu.vector_load %arg7[%parallel_loop3A_246, %parallel_loop3A_247] {strides = array<i32>} : memref<64x128xf32, #tpu.memory_space<vmem>>, vector<16xf32>,
        %parallel_loop3A_249 = arith.constant 0.00999999977 : f32
        %parallel_loop3A_250 = vector.broadcast %parallel_loop3A_249 : f32 to vector<16xf32>
        %parallel_loop3A_251 = arith.addf %parallel_loop3A_248, %parallel_loop3A_250 : vector<16xf32>
        %parallel_loop3A_252 = arith.constant true
        %parallel_loop3A_253 = vector.broadcast %parallel_loop3A_252 : i1 to vector<16xi1>
        %parallel_loop3A_254 = tpu.scan <sum>, %parallel_loop3A_209 masked %parallel_loop3A_253 : vector<16xf32>, vector<16xi1> -> vector<16xf32>
        %parallel_loop3A_255 = arith.constant true
        %parallel_loop3A_256 = vector.broadcast %parallel_loop3A_255 : i1 to vector<16xi1>
        %parallel_loop3A_257 = tpu.scan <sum>, %parallel_loop3A_215 masked %parallel_loop3A_256 : vector<16xf32>, vector<16xi1> -> vector<16xf32>
        %parallel_loop3A_258 = arith.constant true
        %parallel_loop3A_259 = vector.broadcast %parallel_loop3A_258 : i1 to vector<16xi1>
        %parallel_loop3A_260 = tpu.scan <sum>, %parallel_loop3A_221 masked %parallel_loop3A_259 : vector<16xf32>, vector<16xi1> -> vector<16xf32>
        %parallel_loop3A_261 = arith.constant true
        %parallel_loop3A_262 = vector.broadcast %parallel_loop3A_261 : i1 to vector<16xi1>
        %parallel_loop3A_263 = tpu.scan <sum>, %parallel_loop3A_227 masked %parallel_loop3A_262 : vector<16xf32>, vector<16xi1> -> vector<16xf32>
        %parallel_loop3A_264 = arith.constant true
        %parallel_loop3A_265 = vector.broadcast %parallel_loop3A_264 : i1 to vector<16xi1>
        %parallel_loop3A_266 = tpu.scan <sum>, %parallel_loop3A_233 masked %parallel_loop3A_265 : vector<16xf32>, vector<16xi1> -> vector<16xf32>
        %parallel_loop3A_267 = arith.constant true
        %parallel_loop3A_268 = vector.broadcast %parallel_loop3A_267 : i1 to vector<16xi1>
        %parallel_loop3A_269 = tpu.scan <sum>, %parallel_loop3A_239 masked %parallel_loop3A_268 : vector<16xf32>, vector<16xi1> -> vector<16xf32>
        %parallel_loop3A_270 = arith.constant true
        %parallel_loop3A_271 = vector.broadcast %parallel_loop3A_270 : i1 to vector<16xi1>
        %parallel_loop3A_272 = tpu.scan <sum>, %parallel_loop3A_245 masked %parallel_loop3A_271 : vector<16xf32>, vector<16xi1> -> vector<16xf32>
        %parallel_loop3A_273 = arith.constant true
        %parallel_loop3A_274 = vector.broadcast %parallel_loop3A_273 : i1 to vector<16xi1>
        %parallel_loop3A_275 = tpu.scan <sum>, %parallel_loop3A_251 masked %parallel_loop3A_274 : vector<16xf32>, vector<16xi1> -> vector<16xf32>
        %parallel_loop3A_276 = vector.extract_strided_slice %parallel_loop3A_254 {offsets = [15], sizes = [1], strides = [1]} : vector<16xf32> to vector<1xf32>
        %parallel_loop3A_277 = vector.extract %parallel_loop3A_276[0] : f32 from vector<1xf32>
        %parallel_loop3A_278 = arith.constant 0.000000e+00 : f32
        %parallel_loop3A_279 = arith.addf %parallel_loop3A_278, %parallel_loop3A_277 : f32
        %parallel_loop3A_280 = vector.extract_strided_slice %parallel_loop3A_257 {offsets = [15], sizes = [1], strides = [1]} : vector<16xf32> to vector<1xf32>
        %parallel_loop3A_281 = vector.extract %parallel_loop3A_280[0] : f32 from vector<1xf32>
        %parallel_loop3A_282 = arith.addf %parallel_loop3A_279, %parallel_loop3A_281 : f32
        %parallel_loop3A_283 = vector.extract_strided_slice %parallel_loop3A_260 {offsets = [15], sizes = [1], strides = [1]} : vector<16xf32> to vector<1xf32>
        %parallel_loop3A_284 = vector.extract %parallel_loop3A_283[0] : f32 from vector<1xf32>
        %parallel_loop3A_285 = arith.addf %parallel_loop3A_282, %parallel_loop3A_284 : f32
        %parallel_loop3A_286 = vector.extract_strided_slice %parallel_loop3A_263 {offsets = [15], sizes = [1], strides = [1]} : vector<16xf32> to vector<1xf32>
        %parallel_loop3A_287 = vector.extract %parallel_loop3A_286[0] : f32 from vector<1xf32>
        %parallel_loop3A_288 = arith.addf %parallel_loop3A_285, %parallel_loop3A_287 : f32
        %parallel_loop3A_289 = vector.extract_strided_slice %parallel_loop3A_266 {offsets = [15], sizes = [1], strides = [1]} : vector<16xf32> to vector<1xf32>
        %parallel_loop3A_290 = vector.extract %parallel_loop3A_289[0] : f32 from vector<1xf32>
        %parallel_loop3A_291 = arith.addf %parallel_loop3A_288, %parallel_loop3A_290 : f32
        %parallel_loop3A_292 = vector.extract_strided_slice %parallel_loop3A_269 {offsets = [15], sizes = [1], strides = [1]} : vector<16xf32> to vector<1xf32>
        %parallel_loop3A_293 = vector.extract %parallel_loop3A_292[0] : f32 from vector<1xf32>
        %parallel_loop3A_294 = arith.addf %parallel_loop3A_291, %parallel_loop3A_293 : f32
        %parallel_loop3A_295 = vector.extract_strided_slice %parallel_loop3A_272 {offsets = [15], sizes = [1], strides = [1]} : vector<16xf32> to vector<1xf32>
        %parallel_loop3A_296 = vector.extract %parallel_loop3A_295[0] : f32 from vector<1xf32>
        %parallel_loop3A_297 = arith.addf %parallel_loop3A_294, %parallel_loop3A_296 : f32
        %parallel_loop3A_298 = vector.extract_strided_slice %parallel_loop3A_275 {offsets = [15], sizes = [1], strides = [1]} : vector<16xf32> to vector<1xf32>
        %parallel_loop3A_299 = vector.extract %parallel_loop3A_298[0] : f32 from vector<1xf32>
        %parallel_loop3A_300 = arith.addf %parallel_loop3A_297, %parallel_loop3A_299 : f32
        %parallel_loop3A_301 = arith.constant 9.99999974E-6 : f32
        %parallel_loop3A_302 = arith.subf %parallel_loop3A_301, %parallel_loop3A_300 : f32
        %parallel_loop3A_303 = arith.constant 0.000000e+00 : f32
        %parallel_loop3A_304 = arith.maximumf %parallel_loop3A_302, %parallel_loop3A_303 : f32
        %parallel_loop3A_305 = arith.addf %parallel_loop3A_300, %parallel_loop3A_304 : f32
        %parallel_loop3A_306 = arith.constant 7.812500e-03 : f32
        %parallel_loop3A_307 = arith.mulf %parallel_loop3A_304, %parallel_loop3A_306 : f32
        %parallel_loop3A_308 = vector.broadcast %parallel_loop3A_305 : f32 to vector<16xf32>
        %parallel_loop3A_309 = arith.constant 1.000000e+00 : f32
        %parallel_loop3A_310 = vector.broadcast %parallel_loop3A_309 : f32 to vector<16xf32>
        %parallel_loop3A_311 = arith.divf %parallel_loop3A_310, %parallel_loop3A_308 : vector<16xf32>
        %parallel_loop3A_312 = arith.constant 1 : i32
        %parallel_loop3A_313 = vector.broadcast %parallel_loop3A_312 : i32 to vector<16xi32>
        %parallel_loop3A_314 = arith.addi %iota3A, %parallel_loop3A_313 : vector<16xi32>
        %parallel_loop3A_315 = arith.sitofp %parallel_loop3A_314 : vector<16xi32> to vector<16xf32>
        %parallel_loop3A_316 = arith.constant 0.000000e+00 : f32
        %parallel_loop3A_317 = vector.broadcast %parallel_loop3A_316 : f32 to vector<16xf32>
        %parallel_loop3A_318 = arith.addf %parallel_loop3A_254, %parallel_loop3A_317 : vector<16xf32>
        %parallel_loop3A_319 = arith.constant 0.000000e+00 : f32
        %parallel_loop3A_320 = vector.broadcast %parallel_loop3A_319 : f32 to vector<16xf32>
        %parallel_loop3A_321 = arith.addf %parallel_loop3A_315, %parallel_loop3A_320 : vector<16xf32>
        %parallel_loop3A_322 = vector.broadcast %parallel_loop3A_307 : f32 to vector<16xf32>
        %parallel_loop3A_323 = arith.mulf %parallel_loop3A_321, %parallel_loop3A_322 : vector<16xf32>
        %parallel_loop3A_324 = arith.addf %parallel_loop3A_318, %parallel_loop3A_323 : vector<16xf32>
        %parallel_loop3A_325 = arith.mulf %parallel_loop3A_324, %parallel_loop3A_311 : vector<16xf32>
        %parallel_loop3A_326 = arith.constant 1.000000e+00 : f32
        %parallel_loop3A_327 = vector.broadcast %parallel_loop3A_326 : f32 to vector<16xf32>
        %parallel_loop3A_328 = arith.minimumf %parallel_loop3A_325, %parallel_loop3A_327 : vector<16xf32>
        %parallel_loop3A_329 = tpu.memref_slice %arg11[%parallel_loop3A_142] : memref<16384xf32, #tpu.memory_space<vmem>> -> memref<256xf32, #tpu.memory_space<vmem>>
        %parallel_loop3A_330 = arith.constant 0 : index
        %parallel_loop3A_331 = tpu.vector_load %parallel_loop3A_329[%parallel_loop3A_330] {strides = array<i32>} : memref<256xf32, #tpu.memory_space<vmem>>, vector<16xf32>,
        tpu.vector_store %parallel_loop3A_329[%parallel_loop3A_330], %parallel_loop3A_328 {strides = array<i32>} : memref<256xf32, #tpu.memory_space<vmem>>, vector<16xf32>,
        %parallel_loop3A_332 = arith.constant 1.290000e+02 : f32
        %parallel_loop3A_333 = vector.broadcast %parallel_loop3A_332 : f32 to vector<16xf32>
        %parallel_loop3A_334 = arith.mulf %parallel_loop3A_328, %parallel_loop3A_333 : vector<16xf32>
        %parallel_loop3A_335 = arith.constant 5.000000e-01 : f32
        %parallel_loop3A_336 = vector.broadcast %parallel_loop3A_335 : f32 to vector<16xf32>
        %parallel_loop3A_337 = arith.addf %parallel_loop3A_334, %parallel_loop3A_336 : vector<16xf32>
        %parallel_loop3A_338 = arith.fptosi %parallel_loop3A_337 : vector<16xf32> to vector<16xi32>
        %parallel_loop3A_339 = arith.constant true
        %parallel_loop3A_340 = vector.broadcast %parallel_loop3A_339 : i1 to vector<16xi1>
        %parallel_loop3A_341 = arith.constant -2147483648 : i32
        %parallel_loop3A_342 = vector.broadcast %parallel_loop3A_341 : i32 to vector<16xi32>
        %parallel_loop3A_343 = arith.xori %parallel_loop3A_338, %parallel_loop3A_342 : vector<16xi32>
        %parallel_loop3A_344 = tpu.scan <max>, %parallel_loop3A_343 masked %parallel_loop3A_340 : vector<16xi32>, vector<16xi1> -> vector<16xi32>
        %parallel_loop3A_345 = arith.xori %parallel_loop3A_344, %parallel_loop3A_342 : vector<16xi32>
        %parallel_loop3A_346 = arith.constant 0 : i32
        %parallel_loop3A_347 = vector.broadcast %parallel_loop3A_346 : i32 to vector<16xi32>
        %parallel_loop3A_348 = arith.maxsi %parallel_loop3A_345, %parallel_loop3A_347 : vector<16xi32>
        %parallel_loop3A_349 = vector.extract_strided_slice %parallel_loop3A_348 {offsets = [15], sizes = [1], strides = [1]} : vector<16xi32> to vector<1xi32>
        %parallel_loop3A_350 = vector.extract %parallel_loop3A_349[0] : i32 from vector<1xi32>
        %parallel_loop3A_351 = tpu.memref_slice %arg12[%parallel_loop3A_139] : memref<9216xi32, #tpu.memory_space<vmem>> -> memref<144xi32, #tpu.memory_space<vmem>>
        tpu.vector_store_idx %parallel_loop3A_351[%parallel_loop3A_348], %broadcast_in_dim3A_3 {add = true} : memref<144xi32, #tpu.memory_space<vmem>>[vector<16xi32>], vector<16xi32>,
        %parallel_loop3A_352 = arith.constant 1 : i32
        %parallel_loop3A_353 = vector.broadcast %parallel_loop3A_352 : i32 to vector<16xi32>
        %parallel_loop3A_354 = arith.addi %iota3A, %parallel_loop3A_353 : vector<16xi32>
        %parallel_loop3A_355 = arith.addi %parallel_loop3A_145, %parallel_loop3A_354 : vector<16xi32>
        %parallel_loop3A_356 = tpu.vector_load_idx %arg8[%parallel_loop3A_355] : memref<8256xf32, #tpu.memory_space<vmem>>[vector<16xi32>], vector<16xf32>,
        %parallel_loop3A_357 = arith.mulf %parallel_loop3A_356, %parallel_loop3A_151 : vector<16xf32>
        %parallel_loop3A_358 = arith.addf %parallel_loop3A_149, %parallel_loop3A_357 : vector<16xf32>
        %parallel_loop3A_359 = arith.constant 1 : i32
        %parallel_loop3A_360 = vector.broadcast %parallel_loop3A_359 : i32 to vector<16xi32>
        %parallel_loop3A_361 = arith.addi %iota3A, %parallel_loop3A_360 : vector<16xi32>
        %parallel_loop3A_362 = arith.addi %parallel_loop3A_148, %parallel_loop3A_361 : vector<16xi32>
        %parallel_loop3A_363 = arith.addi %parallel_loop3A_362, %parallel_loop3A_348 : vector<16xi32>
        tpu.vector_store_idx %arg13[%parallel_loop3A_363], %parallel_loop3A_358 : memref<16512xf32, #tpu.memory_space<vmem>>[vector<16xi32>], vector<16xf32>,
        %parallel_loop3A_364 = vector.broadcast %parallel_loop3A_279 : f32 to vector<16xf32>
        %parallel_loop3A_365 = arith.addf %parallel_loop3A_257, %parallel_loop3A_364 : vector<16xf32>
        %parallel_loop3A_366 = arith.constant 1.600000e+01 : f32
        %parallel_loop3A_367 = vector.broadcast %parallel_loop3A_366 : f32 to vector<16xf32>
        %parallel_loop3A_368 = arith.addf %parallel_loop3A_315, %parallel_loop3A_367 : vector<16xf32>
        %parallel_loop3A_369 = vector.broadcast %parallel_loop3A_307 : f32 to vector<16xf32>
        %parallel_loop3A_370 = arith.mulf %parallel_loop3A_368, %parallel_loop3A_369 : vector<16xf32>
        %parallel_loop3A_371 = arith.addf %parallel_loop3A_365, %parallel_loop3A_370 : vector<16xf32>
        %parallel_loop3A_372 = arith.mulf %parallel_loop3A_371, %parallel_loop3A_311 : vector<16xf32>
        %parallel_loop3A_373 = arith.constant 1.000000e+00 : f32
        %parallel_loop3A_374 = vector.broadcast %parallel_loop3A_373 : f32 to vector<16xf32>
        %parallel_loop3A_375 = arith.minimumf %parallel_loop3A_372, %parallel_loop3A_374 : vector<16xf32>
        %parallel_loop3A_376 = tpu.memref_slice %arg11[%parallel_loop3A_142] : memref<16384xf32, #tpu.memory_space<vmem>> -> memref<256xf32, #tpu.memory_space<vmem>>
        %parallel_loop3A_377 = arith.constant 16 : index
        %parallel_loop3A_378 = tpu.vector_load %parallel_loop3A_376[%parallel_loop3A_377] {strides = array<i32>} : memref<256xf32, #tpu.memory_space<vmem>>, vector<16xf32>,
        tpu.vector_store %parallel_loop3A_376[%parallel_loop3A_377], %parallel_loop3A_375 {strides = array<i32>} : memref<256xf32, #tpu.memory_space<vmem>>, vector<16xf32>,
        %parallel_loop3A_379 = arith.constant 1.290000e+02 : f32
        %parallel_loop3A_380 = vector.broadcast %parallel_loop3A_379 : f32 to vector<16xf32>
        %parallel_loop3A_381 = arith.mulf %parallel_loop3A_375, %parallel_loop3A_380 : vector<16xf32>
        %parallel_loop3A_382 = arith.constant 5.000000e-01 : f32
        %parallel_loop3A_383 = vector.broadcast %parallel_loop3A_382 : f32 to vector<16xf32>
        %parallel_loop3A_384 = arith.addf %parallel_loop3A_381, %parallel_loop3A_383 : vector<16xf32>
        %parallel_loop3A_385 = arith.fptosi %parallel_loop3A_384 : vector<16xf32> to vector<16xi32>
        %parallel_loop3A_386 = arith.constant true
        %parallel_loop3A_387 = vector.broadcast %parallel_loop3A_386 : i1 to vector<16xi1>
        %parallel_loop3A_388 = arith.constant -2147483648 : i32
        %parallel_loop3A_389 = vector.broadcast %parallel_loop3A_388 : i32 to vector<16xi32>
        %parallel_loop3A_390 = arith.xori %parallel_loop3A_385, %parallel_loop3A_389 : vector<16xi32>
        %parallel_loop3A_391 = tpu.scan <max>, %parallel_loop3A_390 masked %parallel_loop3A_387 : vector<16xi32>, vector<16xi1> -> vector<16xi32>
        %parallel_loop3A_392 = arith.xori %parallel_loop3A_391, %parallel_loop3A_389 : vector<16xi32>
        %parallel_loop3A_393 = vector.broadcast %parallel_loop3A_350 : i32 to vector<16xi32>
        %parallel_loop3A_394 = arith.maxsi %parallel_loop3A_392, %parallel_loop3A_393 : vector<16xi32>
        %parallel_loop3A_395 = vector.extract_strided_slice %parallel_loop3A_394 {offsets = [15], sizes = [1], strides = [1]} : vector<16xi32> to vector<1xi32>
        %parallel_loop3A_396 = vector.extract %parallel_loop3A_395[0] : i32 from vector<1xi32>
        %parallel_loop3A_397 = tpu.memref_slice %arg12[%parallel_loop3A_139] : memref<9216xi32, #tpu.memory_space<vmem>> -> memref<144xi32, #tpu.memory_space<vmem>>
        tpu.vector_store_idx %parallel_loop3A_397[%parallel_loop3A_394], %broadcast_in_dim3A_3 {add = true} : memref<144xi32, #tpu.memory_space<vmem>>[vector<16xi32>], vector<16xi32>,
        %parallel_loop3A_398 = arith.constant 17 : i32
        %parallel_loop3A_399 = vector.broadcast %parallel_loop3A_398 : i32 to vector<16xi32>
        %parallel_loop3A_400 = arith.addi %iota3A, %parallel_loop3A_399 : vector<16xi32>
        %parallel_loop3A_401 = arith.addi %parallel_loop3A_145, %parallel_loop3A_400 : vector<16xi32>
        %parallel_loop3A_402 = tpu.vector_load_idx %arg8[%parallel_loop3A_401] : memref<8256xf32, #tpu.memory_space<vmem>>[vector<16xi32>], vector<16xf32>,
        %parallel_loop3A_403 = arith.mulf %parallel_loop3A_402, %parallel_loop3A_151 : vector<16xf32>
        %parallel_loop3A_404 = arith.addf %parallel_loop3A_149, %parallel_loop3A_403 : vector<16xf32>
        %parallel_loop3A_405 = arith.constant 17 : i32
        %parallel_loop3A_406 = vector.broadcast %parallel_loop3A_405 : i32 to vector<16xi32>
        %parallel_loop3A_407 = arith.addi %iota3A, %parallel_loop3A_406 : vector<16xi32>
        %parallel_loop3A_408 = arith.addi %parallel_loop3A_148, %parallel_loop3A_407 : vector<16xi32>
        %parallel_loop3A_409 = arith.addi %parallel_loop3A_408, %parallel_loop3A_394 : vector<16xi32>
        tpu.vector_store_idx %arg13[%parallel_loop3A_409], %parallel_loop3A_404 : memref<16512xf32, #tpu.memory_space<vmem>>[vector<16xi32>], vector<16xf32>,
        %parallel_loop3A_410 = vector.broadcast %parallel_loop3A_282 : f32 to vector<16xf32>
        %parallel_loop3A_411 = arith.addf %parallel_loop3A_260, %parallel_loop3A_410 : vector<16xf32>
        %parallel_loop3A_412 = arith.constant 3.200000e+01 : f32
        %parallel_loop3A_413 = vector.broadcast %parallel_loop3A_412 : f32 to vector<16xf32>
        %parallel_loop3A_414 = arith.addf %parallel_loop3A_315, %parallel_loop3A_413 : vector<16xf32>
        %parallel_loop3A_415 = vector.broadcast %parallel_loop3A_307 : f32 to vector<16xf32>
        %parallel_loop3A_416 = arith.mulf %parallel_loop3A_414, %parallel_loop3A_415 : vector<16xf32>
        %parallel_loop3A_417 = arith.addf %parallel_loop3A_411, %parallel_loop3A_416 : vector<16xf32>
        %parallel_loop3A_418 = arith.mulf %parallel_loop3A_417, %parallel_loop3A_311 : vector<16xf32>
        %parallel_loop3A_419 = arith.constant 1.000000e+00 : f32
        %parallel_loop3A_420 = vector.broadcast %parallel_loop3A_419 : f32 to vector<16xf32>
        %parallel_loop3A_421 = arith.minimumf %parallel_loop3A_418, %parallel_loop3A_420 : vector<16xf32>
        %parallel_loop3A_422 = tpu.memref_slice %arg11[%parallel_loop3A_142] : memref<16384xf32, #tpu.memory_space<vmem>> -> memref<256xf32, #tpu.memory_space<vmem>>
        %parallel_loop3A_423 = arith.constant 32 : index
        %parallel_loop3A_424 = tpu.vector_load %parallel_loop3A_422[%parallel_loop3A_423] {strides = array<i32>} : memref<256xf32, #tpu.memory_space<vmem>>, vector<16xf32>,
        tpu.vector_store %parallel_loop3A_422[%parallel_loop3A_423], %parallel_loop3A_421 {strides = array<i32>} : memref<256xf32, #tpu.memory_space<vmem>>, vector<16xf32>,
        %parallel_loop3A_425 = arith.constant 1.290000e+02 : f32
        %parallel_loop3A_426 = vector.broadcast %parallel_loop3A_425 : f32 to vector<16xf32>
        %parallel_loop3A_427 = arith.mulf %parallel_loop3A_421, %parallel_loop3A_426 : vector<16xf32>
        %parallel_loop3A_428 = arith.constant 5.000000e-01 : f32
        %parallel_loop3A_429 = vector.broadcast %parallel_loop3A_428 : f32 to vector<16xf32>
        %parallel_loop3A_430 = arith.addf %parallel_loop3A_427, %parallel_loop3A_429 : vector<16xf32>
        %parallel_loop3A_431 = arith.fptosi %parallel_loop3A_430 : vector<16xf32> to vector<16xi32>
        %parallel_loop3A_432 = arith.constant true
        %parallel_loop3A_433 = vector.broadcast %parallel_loop3A_432 : i1 to vector<16xi1>
        %parallel_loop3A_434 = arith.constant -2147483648 : i32
        %parallel_loop3A_435 = vector.broadcast %parallel_loop3A_434 : i32 to vector<16xi32>
        %parallel_loop3A_436 = arith.xori %parallel_loop3A_431, %parallel_loop3A_435 : vector<16xi32>
        %parallel_loop3A_437 = tpu.scan <max>, %parallel_loop3A_436 masked %parallel_loop3A_433 : vector<16xi32>, vector<16xi1> -> vector<16xi32>
        %parallel_loop3A_438 = arith.xori %parallel_loop3A_437, %parallel_loop3A_435 : vector<16xi32>
        %parallel_loop3A_439 = vector.broadcast %parallel_loop3A_396 : i32 to vector<16xi32>
        %parallel_loop3A_440 = arith.maxsi %parallel_loop3A_438, %parallel_loop3A_439 : vector<16xi32>
        %parallel_loop3A_441 = vector.extract_strided_slice %parallel_loop3A_440 {offsets = [15], sizes = [1], strides = [1]} : vector<16xi32> to vector<1xi32>
        %parallel_loop3A_442 = vector.extract %parallel_loop3A_441[0] : i32 from vector<1xi32>
        %parallel_loop3A_443 = tpu.memref_slice %arg12[%parallel_loop3A_139] : memref<9216xi32, #tpu.memory_space<vmem>> -> memref<144xi32, #tpu.memory_space<vmem>>
        tpu.vector_store_idx %parallel_loop3A_443[%parallel_loop3A_440], %broadcast_in_dim3A_3 {add = true} : memref<144xi32, #tpu.memory_space<vmem>>[vector<16xi32>], vector<16xi32>,
        %parallel_loop3A_444 = arith.constant 33 : i32
        %parallel_loop3A_445 = vector.broadcast %parallel_loop3A_444 : i32 to vector<16xi32>
        %parallel_loop3A_446 = arith.addi %iota3A, %parallel_loop3A_445 : vector<16xi32>
        %parallel_loop3A_447 = arith.addi %parallel_loop3A_145, %parallel_loop3A_446 : vector<16xi32>
        %parallel_loop3A_448 = tpu.vector_load_idx %arg8[%parallel_loop3A_447] : memref<8256xf32, #tpu.memory_space<vmem>>[vector<16xi32>], vector<16xf32>,
        %parallel_loop3A_449 = arith.mulf %parallel_loop3A_448, %parallel_loop3A_151 : vector<16xf32>
        %parallel_loop3A_450 = arith.addf %parallel_loop3A_149, %parallel_loop3A_449 : vector<16xf32>
        %parallel_loop3A_451 = arith.constant 33 : i32
        %parallel_loop3A_452 = vector.broadcast %parallel_loop3A_451 : i32 to vector<16xi32>
        %parallel_loop3A_453 = arith.addi %iota3A, %parallel_loop3A_452 : vector<16xi32>
        %parallel_loop3A_454 = arith.addi %parallel_loop3A_148, %parallel_loop3A_453 : vector<16xi32>
        %parallel_loop3A_455 = arith.addi %parallel_loop3A_454, %parallel_loop3A_440 : vector<16xi32>
        tpu.vector_store_idx %arg13[%parallel_loop3A_455], %parallel_loop3A_450 : memref<16512xf32, #tpu.memory_space<vmem>>[vector<16xi32>], vector<16xf32>,
        %parallel_loop3A_456 = vector.broadcast %parallel_loop3A_285 : f32 to vector<16xf32>
        %parallel_loop3A_457 = arith.addf %parallel_loop3A_263, %parallel_loop3A_456 : vector<16xf32>
        %parallel_loop3A_458 = arith.constant 4.800000e+01 : f32
        %parallel_loop3A_459 = vector.broadcast %parallel_loop3A_458 : f32 to vector<16xf32>
        %parallel_loop3A_460 = arith.addf %parallel_loop3A_315, %parallel_loop3A_459 : vector<16xf32>
        %parallel_loop3A_461 = vector.broadcast %parallel_loop3A_307 : f32 to vector<16xf32>
        %parallel_loop3A_462 = arith.mulf %parallel_loop3A_460, %parallel_loop3A_461 : vector<16xf32>
        %parallel_loop3A_463 = arith.addf %parallel_loop3A_457, %parallel_loop3A_462 : vector<16xf32>
        %parallel_loop3A_464 = arith.mulf %parallel_loop3A_463, %parallel_loop3A_311 : vector<16xf32>
        %parallel_loop3A_465 = arith.constant 1.000000e+00 : f32
        %parallel_loop3A_466 = vector.broadcast %parallel_loop3A_465 : f32 to vector<16xf32>
        %parallel_loop3A_467 = arith.minimumf %parallel_loop3A_464, %parallel_loop3A_466 : vector<16xf32>
        %parallel_loop3A_468 = tpu.memref_slice %arg11[%parallel_loop3A_142] : memref<16384xf32, #tpu.memory_space<vmem>> -> memref<256xf32, #tpu.memory_space<vmem>>
        %parallel_loop3A_469 = arith.constant 48 : index
        %parallel_loop3A_470 = tpu.vector_load %parallel_loop3A_468[%parallel_loop3A_469] {strides = array<i32>} : memref<256xf32, #tpu.memory_space<vmem>>, vector<16xf32>,
        tpu.vector_store %parallel_loop3A_468[%parallel_loop3A_469], %parallel_loop3A_467 {strides = array<i32>} : memref<256xf32, #tpu.memory_space<vmem>>, vector<16xf32>,
        %parallel_loop3A_471 = arith.constant 1.290000e+02 : f32
        %parallel_loop3A_472 = vector.broadcast %parallel_loop3A_471 : f32 to vector<16xf32>
        %parallel_loop3A_473 = arith.mulf %parallel_loop3A_467, %parallel_loop3A_472 : vector<16xf32>
        %parallel_loop3A_474 = arith.constant 5.000000e-01 : f32
        %parallel_loop3A_475 = vector.broadcast %parallel_loop3A_474 : f32 to vector<16xf32>
        %parallel_loop3A_476 = arith.addf %parallel_loop3A_473, %parallel_loop3A_475 : vector<16xf32>
        %parallel_loop3A_477 = arith.fptosi %parallel_loop3A_476 : vector<16xf32> to vector<16xi32>
        %parallel_loop3A_478 = arith.constant true
        %parallel_loop3A_479 = vector.broadcast %parallel_loop3A_478 : i1 to vector<16xi1>
        %parallel_loop3A_480 = arith.constant -2147483648 : i32
        %parallel_loop3A_481 = vector.broadcast %parallel_loop3A_480 : i32 to vector<16xi32>
        %parallel_loop3A_482 = arith.xori %parallel_loop3A_477, %parallel_loop3A_481 : vector<16xi32>
        %parallel_loop3A_483 = tpu.scan <max>, %parallel_loop3A_482 masked %parallel_loop3A_479 : vector<16xi32>, vector<16xi1> -> vector<16xi32>
        %parallel_loop3A_484 = arith.xori %parallel_loop3A_483, %parallel_loop3A_481 : vector<16xi32>
        %parallel_loop3A_485 = vector.broadcast %parallel_loop3A_442 : i32 to vector<16xi32>
        %parallel_loop3A_486 = arith.maxsi %parallel_loop3A_484, %parallel_loop3A_485 : vector<16xi32>
        %parallel_loop3A_487 = vector.extract_strided_slice %parallel_loop3A_486 {offsets = [15], sizes = [1], strides = [1]} : vector<16xi32> to vector<1xi32>
        %parallel_loop3A_488 = vector.extract %parallel_loop3A_487[0] : i32 from vector<1xi32>
        %parallel_loop3A_489 = tpu.memref_slice %arg12[%parallel_loop3A_139] : memref<9216xi32, #tpu.memory_space<vmem>> -> memref<144xi32, #tpu.memory_space<vmem>>
        tpu.vector_store_idx %parallel_loop3A_489[%parallel_loop3A_486], %broadcast_in_dim3A_3 {add = true} : memref<144xi32, #tpu.memory_space<vmem>>[vector<16xi32>], vector<16xi32>,
        %parallel_loop3A_490 = arith.constant 49 : i32
        %parallel_loop3A_491 = vector.broadcast %parallel_loop3A_490 : i32 to vector<16xi32>
        %parallel_loop3A_492 = arith.addi %iota3A, %parallel_loop3A_491 : vector<16xi32>
        %parallel_loop3A_493 = arith.addi %parallel_loop3A_145, %parallel_loop3A_492 : vector<16xi32>
        %parallel_loop3A_494 = tpu.vector_load_idx %arg8[%parallel_loop3A_493] : memref<8256xf32, #tpu.memory_space<vmem>>[vector<16xi32>], vector<16xf32>,
        %parallel_loop3A_495 = arith.mulf %parallel_loop3A_494, %parallel_loop3A_151 : vector<16xf32>
        %parallel_loop3A_496 = arith.addf %parallel_loop3A_149, %parallel_loop3A_495 : vector<16xf32>
        %parallel_loop3A_497 = arith.constant 49 : i32
        %parallel_loop3A_498 = vector.broadcast %parallel_loop3A_497 : i32 to vector<16xi32>
        %parallel_loop3A_499 = arith.addi %iota3A, %parallel_loop3A_498 : vector<16xi32>
        %parallel_loop3A_500 = arith.addi %parallel_loop3A_148, %parallel_loop3A_499 : vector<16xi32>
        %parallel_loop3A_501 = arith.addi %parallel_loop3A_500, %parallel_loop3A_486 : vector<16xi32>
        tpu.vector_store_idx %arg13[%parallel_loop3A_501], %parallel_loop3A_496 : memref<16512xf32, #tpu.memory_space<vmem>>[vector<16xi32>], vector<16xf32>,
        %parallel_loop3A_502 = vector.broadcast %parallel_loop3A_288 : f32 to vector<16xf32>
        %parallel_loop3A_503 = arith.addf %parallel_loop3A_266, %parallel_loop3A_502 : vector<16xf32>
        %parallel_loop3A_504 = arith.constant 6.400000e+01 : f32
        %parallel_loop3A_505 = vector.broadcast %parallel_loop3A_504 : f32 to vector<16xf32>
        %parallel_loop3A_506 = arith.addf %parallel_loop3A_315, %parallel_loop3A_505 : vector<16xf32>
        %parallel_loop3A_507 = vector.broadcast %parallel_loop3A_307 : f32 to vector<16xf32>
        %parallel_loop3A_508 = arith.mulf %parallel_loop3A_506, %parallel_loop3A_507 : vector<16xf32>
        %parallel_loop3A_509 = arith.addf %parallel_loop3A_503, %parallel_loop3A_508 : vector<16xf32>
        %parallel_loop3A_510 = arith.mulf %parallel_loop3A_509, %parallel_loop3A_311 : vector<16xf32>
        %parallel_loop3A_511 = arith.constant 1.000000e+00 : f32
        %parallel_loop3A_512 = vector.broadcast %parallel_loop3A_511 : f32 to vector<16xf32>
        %parallel_loop3A_513 = arith.minimumf %parallel_loop3A_510, %parallel_loop3A_512 : vector<16xf32>
        %parallel_loop3A_514 = tpu.memref_slice %arg11[%parallel_loop3A_142] : memref<16384xf32, #tpu.memory_space<vmem>> -> memref<256xf32, #tpu.memory_space<vmem>>
        %parallel_loop3A_515 = arith.constant 64 : index
        %parallel_loop3A_516 = tpu.vector_load %parallel_loop3A_514[%parallel_loop3A_515] {strides = array<i32>} : memref<256xf32, #tpu.memory_space<vmem>>, vector<16xf32>,
        tpu.vector_store %parallel_loop3A_514[%parallel_loop3A_515], %parallel_loop3A_513 {strides = array<i32>} : memref<256xf32, #tpu.memory_space<vmem>>, vector<16xf32>,
        %parallel_loop3A_517 = arith.constant 1.290000e+02 : f32
        %parallel_loop3A_518 = vector.broadcast %parallel_loop3A_517 : f32 to vector<16xf32>
        %parallel_loop3A_519 = arith.mulf %parallel_loop3A_513, %parallel_loop3A_518 : vector<16xf32>
        %parallel_loop3A_520 = arith.constant 5.000000e-01 : f32
        %parallel_loop3A_521 = vector.broadcast %parallel_loop3A_520 : f32 to vector<16xf32>
        %parallel_loop3A_522 = arith.addf %parallel_loop3A_519, %parallel_loop3A_521 : vector<16xf32>
        %parallel_loop3A_523 = arith.fptosi %parallel_loop3A_522 : vector<16xf32> to vector<16xi32>
        %parallel_loop3A_524 = arith.constant true
        %parallel_loop3A_525 = vector.broadcast %parallel_loop3A_524 : i1 to vector<16xi1>
        %parallel_loop3A_526 = arith.constant -2147483648 : i32
        %parallel_loop3A_527 = vector.broadcast %parallel_loop3A_526 : i32 to vector<16xi32>
        %parallel_loop3A_528 = arith.xori %parallel_loop3A_523, %parallel_loop3A_527 : vector<16xi32>
        %parallel_loop3A_529 = tpu.scan <max>, %parallel_loop3A_528 masked %parallel_loop3A_525 : vector<16xi32>, vector<16xi1> -> vector<16xi32>
        %parallel_loop3A_530 = arith.xori %parallel_loop3A_529, %parallel_loop3A_527 : vector<16xi32>
        %parallel_loop3A_531 = vector.broadcast %parallel_loop3A_488 : i32 to vector<16xi32>
        %parallel_loop3A_532 = arith.maxsi %parallel_loop3A_530, %parallel_loop3A_531 : vector<16xi32>
        %parallel_loop3A_533 = vector.extract_strided_slice %parallel_loop3A_532 {offsets = [15], sizes = [1], strides = [1]} : vector<16xi32> to vector<1xi32>
        %parallel_loop3A_534 = vector.extract %parallel_loop3A_533[0] : i32 from vector<1xi32>
        %parallel_loop3A_535 = tpu.memref_slice %arg12[%parallel_loop3A_139] : memref<9216xi32, #tpu.memory_space<vmem>> -> memref<144xi32, #tpu.memory_space<vmem>>
        tpu.vector_store_idx %parallel_loop3A_535[%parallel_loop3A_532], %broadcast_in_dim3A_3 {add = true} : memref<144xi32, #tpu.memory_space<vmem>>[vector<16xi32>], vector<16xi32>,
        %parallel_loop3A_536 = arith.constant 65 : i32
        %parallel_loop3A_537 = vector.broadcast %parallel_loop3A_536 : i32 to vector<16xi32>
        %parallel_loop3A_538 = arith.addi %iota3A, %parallel_loop3A_537 : vector<16xi32>
        %parallel_loop3A_539 = arith.addi %parallel_loop3A_145, %parallel_loop3A_538 : vector<16xi32>
        %parallel_loop3A_540 = tpu.vector_load_idx %arg8[%parallel_loop3A_539] : memref<8256xf32, #tpu.memory_space<vmem>>[vector<16xi32>], vector<16xf32>,
        %parallel_loop3A_541 = arith.mulf %parallel_loop3A_540, %parallel_loop3A_151 : vector<16xf32>
        %parallel_loop3A_542 = arith.addf %parallel_loop3A_149, %parallel_loop3A_541 : vector<16xf32>
        %parallel_loop3A_543 = arith.constant 65 : i32
        %parallel_loop3A_544 = vector.broadcast %parallel_loop3A_543 : i32 to vector<16xi32>
        %parallel_loop3A_545 = arith.addi %iota3A, %parallel_loop3A_544 : vector<16xi32>
        %parallel_loop3A_546 = arith.addi %parallel_loop3A_148, %parallel_loop3A_545 : vector<16xi32>
        %parallel_loop3A_547 = arith.addi %parallel_loop3A_546, %parallel_loop3A_532 : vector<16xi32>
        tpu.vector_store_idx %arg13[%parallel_loop3A_547], %parallel_loop3A_542 : memref<16512xf32, #tpu.memory_space<vmem>>[vector<16xi32>], vector<16xf32>,
        %parallel_loop3A_548 = vector.broadcast %parallel_loop3A_291 : f32 to vector<16xf32>
        %parallel_loop3A_549 = arith.addf %parallel_loop3A_269, %parallel_loop3A_548 : vector<16xf32>
        %parallel_loop3A_550 = arith.constant 8.000000e+01 : f32
        %parallel_loop3A_551 = vector.broadcast %parallel_loop3A_550 : f32 to vector<16xf32>
        %parallel_loop3A_552 = arith.addf %parallel_loop3A_315, %parallel_loop3A_551 : vector<16xf32>
        %parallel_loop3A_553 = vector.broadcast %parallel_loop3A_307 : f32 to vector<16xf32>
        %parallel_loop3A_554 = arith.mulf %parallel_loop3A_552, %parallel_loop3A_553 : vector<16xf32>
        %parallel_loop3A_555 = arith.addf %parallel_loop3A_549, %parallel_loop3A_554 : vector<16xf32>
        %parallel_loop3A_556 = arith.mulf %parallel_loop3A_555, %parallel_loop3A_311 : vector<16xf32>
        %parallel_loop3A_557 = arith.constant 1.000000e+00 : f32
        %parallel_loop3A_558 = vector.broadcast %parallel_loop3A_557 : f32 to vector<16xf32>
        %parallel_loop3A_559 = arith.minimumf %parallel_loop3A_556, %parallel_loop3A_558 : vector<16xf32>
        %parallel_loop3A_560 = tpu.memref_slice %arg11[%parallel_loop3A_142] : memref<16384xf32, #tpu.memory_space<vmem>> -> memref<256xf32, #tpu.memory_space<vmem>>
        %parallel_loop3A_561 = arith.constant 80 : index
        %parallel_loop3A_562 = tpu.vector_load %parallel_loop3A_560[%parallel_loop3A_561] {strides = array<i32>} : memref<256xf32, #tpu.memory_space<vmem>>, vector<16xf32>,
        tpu.vector_store %parallel_loop3A_560[%parallel_loop3A_561], %parallel_loop3A_559 {strides = array<i32>} : memref<256xf32, #tpu.memory_space<vmem>>, vector<16xf32>,
        %parallel_loop3A_563 = arith.constant 1.290000e+02 : f32
        %parallel_loop3A_564 = vector.broadcast %parallel_loop3A_563 : f32 to vector<16xf32>
        %parallel_loop3A_565 = arith.mulf %parallel_loop3A_559, %parallel_loop3A_564 : vector<16xf32>
        %parallel_loop3A_566 = arith.constant 5.000000e-01 : f32
        %parallel_loop3A_567 = vector.broadcast %parallel_loop3A_566 : f32 to vector<16xf32>
        %parallel_loop3A_568 = arith.addf %parallel_loop3A_565, %parallel_loop3A_567 : vector<16xf32>
        %parallel_loop3A_569 = arith.fptosi %parallel_loop3A_568 : vector<16xf32> to vector<16xi32>
        %parallel_loop3A_570 = arith.constant true
        %parallel_loop3A_571 = vector.broadcast %parallel_loop3A_570 : i1 to vector<16xi1>
        %parallel_loop3A_572 = arith.constant -2147483648 : i32
        %parallel_loop3A_573 = vector.broadcast %parallel_loop3A_572 : i32 to vector<16xi32>
        %parallel_loop3A_574 = arith.xori %parallel_loop3A_569, %parallel_loop3A_573 : vector<16xi32>
        %parallel_loop3A_575 = tpu.scan <max>, %parallel_loop3A_574 masked %parallel_loop3A_571 : vector<16xi32>, vector<16xi1> -> vector<16xi32>
        %parallel_loop3A_576 = arith.xori %parallel_loop3A_575, %parallel_loop3A_573 : vector<16xi32>
        %parallel_loop3A_577 = vector.broadcast %parallel_loop3A_534 : i32 to vector<16xi32>
        %parallel_loop3A_578 = arith.maxsi %parallel_loop3A_576, %parallel_loop3A_577 : vector<16xi32>
        %parallel_loop3A_579 = vector.extract_strided_slice %parallel_loop3A_578 {offsets = [15], sizes = [1], strides = [1]} : vector<16xi32> to vector<1xi32>
        %parallel_loop3A_580 = vector.extract %parallel_loop3A_579[0] : i32 from vector<1xi32>
        %parallel_loop3A_581 = tpu.memref_slice %arg12[%parallel_loop3A_139] : memref<9216xi32, #tpu.memory_space<vmem>> -> memref<144xi32, #tpu.memory_space<vmem>>
        tpu.vector_store_idx %parallel_loop3A_581[%parallel_loop3A_578], %broadcast_in_dim3A_3 {add = true} : memref<144xi32, #tpu.memory_space<vmem>>[vector<16xi32>], vector<16xi32>,
        %parallel_loop3A_582 = arith.constant 81 : i32
        %parallel_loop3A_583 = vector.broadcast %parallel_loop3A_582 : i32 to vector<16xi32>
        %parallel_loop3A_584 = arith.addi %iota3A, %parallel_loop3A_583 : vector<16xi32>
        %parallel_loop3A_585 = arith.addi %parallel_loop3A_145, %parallel_loop3A_584 : vector<16xi32>
        %parallel_loop3A_586 = tpu.vector_load_idx %arg8[%parallel_loop3A_585] : memref<8256xf32, #tpu.memory_space<vmem>>[vector<16xi32>], vector<16xf32>,
        %parallel_loop3A_587 = arith.mulf %parallel_loop3A_586, %parallel_loop3A_151 : vector<16xf32>
        %parallel_loop3A_588 = arith.addf %parallel_loop3A_149, %parallel_loop3A_587 : vector<16xf32>
        %parallel_loop3A_589 = arith.constant 81 : i32
        %parallel_loop3A_590 = vector.broadcast %parallel_loop3A_589 : i32 to vector<16xi32>
        %parallel_loop3A_591 = arith.addi %iota3A, %parallel_loop3A_590 : vector<16xi32>
        %parallel_loop3A_592 = arith.addi %parallel_loop3A_148, %parallel_loop3A_591 : vector<16xi32>
        %parallel_loop3A_593 = arith.addi %parallel_loop3A_592, %parallel_loop3A_578 : vector<16xi32>
        tpu.vector_store_idx %arg13[%parallel_loop3A_593], %parallel_loop3A_588 : memref<16512xf32, #tpu.memory_space<vmem>>[vector<16xi32>], vector<16xf32>,
        %parallel_loop3A_594 = vector.broadcast %parallel_loop3A_294 : f32 to vector<16xf32>
        %parallel_loop3A_595 = arith.addf %parallel_loop3A_272, %parallel_loop3A_594 : vector<16xf32>
        %parallel_loop3A_596 = arith.constant 9.600000e+01 : f32
        %parallel_loop3A_597 = vector.broadcast %parallel_loop3A_596 : f32 to vector<16xf32>
        %parallel_loop3A_598 = arith.addf %parallel_loop3A_315, %parallel_loop3A_597 : vector<16xf32>
        %parallel_loop3A_599 = vector.broadcast %parallel_loop3A_307 : f32 to vector<16xf32>
        %parallel_loop3A_600 = arith.mulf %parallel_loop3A_598, %parallel_loop3A_599 : vector<16xf32>
        %parallel_loop3A_601 = arith.addf %parallel_loop3A_595, %parallel_loop3A_600 : vector<16xf32>
        %parallel_loop3A_602 = arith.mulf %parallel_loop3A_601, %parallel_loop3A_311 : vector<16xf32>
        %parallel_loop3A_603 = arith.constant 1.000000e+00 : f32
        %parallel_loop3A_604 = vector.broadcast %parallel_loop3A_603 : f32 to vector<16xf32>
        %parallel_loop3A_605 = arith.minimumf %parallel_loop3A_602, %parallel_loop3A_604 : vector<16xf32>
        %parallel_loop3A_606 = tpu.memref_slice %arg11[%parallel_loop3A_142] : memref<16384xf32, #tpu.memory_space<vmem>> -> memref<256xf32, #tpu.memory_space<vmem>>
        %parallel_loop3A_607 = arith.constant 96 : index
        %parallel_loop3A_608 = tpu.vector_load %parallel_loop3A_606[%parallel_loop3A_607] {strides = array<i32>} : memref<256xf32, #tpu.memory_space<vmem>>, vector<16xf32>,
        tpu.vector_store %parallel_loop3A_606[%parallel_loop3A_607], %parallel_loop3A_605 {strides = array<i32>} : memref<256xf32, #tpu.memory_space<vmem>>, vector<16xf32>,
        %parallel_loop3A_609 = arith.constant 1.290000e+02 : f32
        %parallel_loop3A_610 = vector.broadcast %parallel_loop3A_609 : f32 to vector<16xf32>
        %parallel_loop3A_611 = arith.mulf %parallel_loop3A_605, %parallel_loop3A_610 : vector<16xf32>
        %parallel_loop3A_612 = arith.constant 5.000000e-01 : f32
        %parallel_loop3A_613 = vector.broadcast %parallel_loop3A_612 : f32 to vector<16xf32>
        %parallel_loop3A_614 = arith.addf %parallel_loop3A_611, %parallel_loop3A_613 : vector<16xf32>
        %parallel_loop3A_615 = arith.fptosi %parallel_loop3A_614 : vector<16xf32> to vector<16xi32>
        %parallel_loop3A_616 = arith.constant true
        %parallel_loop3A_617 = vector.broadcast %parallel_loop3A_616 : i1 to vector<16xi1>
        %parallel_loop3A_618 = arith.constant -2147483648 : i32
        %parallel_loop3A_619 = vector.broadcast %parallel_loop3A_618 : i32 to vector<16xi32>
        %parallel_loop3A_620 = arith.xori %parallel_loop3A_615, %parallel_loop3A_619 : vector<16xi32>
        %parallel_loop3A_621 = tpu.scan <max>, %parallel_loop3A_620 masked %parallel_loop3A_617 : vector<16xi32>, vector<16xi1> -> vector<16xi32>
        %parallel_loop3A_622 = arith.xori %parallel_loop3A_621, %parallel_loop3A_619 : vector<16xi32>
        %parallel_loop3A_623 = vector.broadcast %parallel_loop3A_580 : i32 to vector<16xi32>
        %parallel_loop3A_624 = arith.maxsi %parallel_loop3A_622, %parallel_loop3A_623 : vector<16xi32>
        %parallel_loop3A_625 = vector.extract_strided_slice %parallel_loop3A_624 {offsets = [15], sizes = [1], strides = [1]} : vector<16xi32> to vector<1xi32>
        %parallel_loop3A_626 = vector.extract %parallel_loop3A_625[0] : i32 from vector<1xi32>
        %parallel_loop3A_627 = tpu.memref_slice %arg12[%parallel_loop3A_139] : memref<9216xi32, #tpu.memory_space<vmem>> -> memref<144xi32, #tpu.memory_space<vmem>>
        tpu.vector_store_idx %parallel_loop3A_627[%parallel_loop3A_624], %broadcast_in_dim3A_3 {add = true} : memref<144xi32, #tpu.memory_space<vmem>>[vector<16xi32>], vector<16xi32>,
        %parallel_loop3A_628 = arith.constant 97 : i32
        %parallel_loop3A_629 = vector.broadcast %parallel_loop3A_628 : i32 to vector<16xi32>
        %parallel_loop3A_630 = arith.addi %iota3A, %parallel_loop3A_629 : vector<16xi32>
        %parallel_loop3A_631 = arith.addi %parallel_loop3A_145, %parallel_loop3A_630 : vector<16xi32>
        %parallel_loop3A_632 = tpu.vector_load_idx %arg8[%parallel_loop3A_631] : memref<8256xf32, #tpu.memory_space<vmem>>[vector<16xi32>], vector<16xf32>,
        %parallel_loop3A_633 = arith.mulf %parallel_loop3A_632, %parallel_loop3A_151 : vector<16xf32>
        %parallel_loop3A_634 = arith.addf %parallel_loop3A_149, %parallel_loop3A_633 : vector<16xf32>
        %parallel_loop3A_635 = arith.constant 97 : i32
        %parallel_loop3A_636 = vector.broadcast %parallel_loop3A_635 : i32 to vector<16xi32>
        %parallel_loop3A_637 = arith.addi %iota3A, %parallel_loop3A_636 : vector<16xi32>
        %parallel_loop3A_638 = arith.addi %parallel_loop3A_148, %parallel_loop3A_637 : vector<16xi32>
        %parallel_loop3A_639 = arith.addi %parallel_loop3A_638, %parallel_loop3A_624 : vector<16xi32>
        tpu.vector_store_idx %arg13[%parallel_loop3A_639], %parallel_loop3A_634 : memref<16512xf32, #tpu.memory_space<vmem>>[vector<16xi32>], vector<16xf32>,
        %parallel_loop3A_640 = vector.broadcast %parallel_loop3A_297 : f32 to vector<16xf32>
        %parallel_loop3A_641 = arith.addf %parallel_loop3A_275, %parallel_loop3A_640 : vector<16xf32>
        %parallel_loop3A_642 = arith.constant 1.120000e+02 : f32
        %parallel_loop3A_643 = vector.broadcast %parallel_loop3A_642 : f32 to vector<16xf32>
        %parallel_loop3A_644 = arith.addf %parallel_loop3A_315, %parallel_loop3A_643 : vector<16xf32>
        %parallel_loop3A_645 = vector.broadcast %parallel_loop3A_307 : f32 to vector<16xf32>
        %parallel_loop3A_646 = arith.mulf %parallel_loop3A_644, %parallel_loop3A_645 : vector<16xf32>
        %parallel_loop3A_647 = arith.addf %parallel_loop3A_641, %parallel_loop3A_646 : vector<16xf32>
        %parallel_loop3A_648 = arith.mulf %parallel_loop3A_647, %parallel_loop3A_311 : vector<16xf32>
        %parallel_loop3A_649 = arith.constant 1.000000e+00 : f32
        %parallel_loop3A_650 = vector.broadcast %parallel_loop3A_649 : f32 to vector<16xf32>
        %parallel_loop3A_651 = arith.minimumf %parallel_loop3A_648, %parallel_loop3A_650 : vector<16xf32>
        %parallel_loop3A_652 = tpu.memref_slice %arg11[%parallel_loop3A_142] : memref<16384xf32, #tpu.memory_space<vmem>> -> memref<256xf32, #tpu.memory_space<vmem>>
        %parallel_loop3A_653 = arith.constant 112 : index
        %parallel_loop3A_654 = tpu.vector_load %parallel_loop3A_652[%parallel_loop3A_653] {strides = array<i32>} : memref<256xf32, #tpu.memory_space<vmem>>, vector<16xf32>,
        tpu.vector_store %parallel_loop3A_652[%parallel_loop3A_653], %parallel_loop3A_651 {strides = array<i32>} : memref<256xf32, #tpu.memory_space<vmem>>, vector<16xf32>,
        %parallel_loop3A_655 = arith.constant 1.290000e+02 : f32
        %parallel_loop3A_656 = vector.broadcast %parallel_loop3A_655 : f32 to vector<16xf32>
        %parallel_loop3A_657 = arith.mulf %parallel_loop3A_651, %parallel_loop3A_656 : vector<16xf32>
        %parallel_loop3A_658 = arith.constant 5.000000e-01 : f32
        %parallel_loop3A_659 = vector.broadcast %parallel_loop3A_658 : f32 to vector<16xf32>
        %parallel_loop3A_660 = arith.addf %parallel_loop3A_657, %parallel_loop3A_659 : vector<16xf32>
        %parallel_loop3A_661 = arith.fptosi %parallel_loop3A_660 : vector<16xf32> to vector<16xi32>
        %parallel_loop3A_662 = arith.constant true
        %parallel_loop3A_663 = vector.broadcast %parallel_loop3A_662 : i1 to vector<16xi1>
        %parallel_loop3A_664 = arith.constant -2147483648 : i32
        %parallel_loop3A_665 = vector.broadcast %parallel_loop3A_664 : i32 to vector<16xi32>
        %parallel_loop3A_666 = arith.xori %parallel_loop3A_661, %parallel_loop3A_665 : vector<16xi32>
        %parallel_loop3A_667 = tpu.scan <max>, %parallel_loop3A_666 masked %parallel_loop3A_663 : vector<16xi32>, vector<16xi1> -> vector<16xi32>
        %parallel_loop3A_668 = arith.xori %parallel_loop3A_667, %parallel_loop3A_665 : vector<16xi32>
        %parallel_loop3A_669 = vector.broadcast %parallel_loop3A_626 : i32 to vector<16xi32>
        %parallel_loop3A_670 = arith.maxsi %parallel_loop3A_668, %parallel_loop3A_669 : vector<16xi32>
        %parallel_loop3A_671 = vector.extract_strided_slice %parallel_loop3A_670 {offsets = [15], sizes = [1], strides = [1]} : vector<16xi32> to vector<1xi32>
        %parallel_loop3A_672 = vector.extract %parallel_loop3A_671[0] : i32 from vector<1xi32>
        %parallel_loop3A_673 = tpu.memref_slice %arg12[%parallel_loop3A_139] : memref<9216xi32, #tpu.memory_space<vmem>> -> memref<144xi32, #tpu.memory_space<vmem>>
        tpu.vector_store_idx %parallel_loop3A_673[%parallel_loop3A_670], %broadcast_in_dim3A_3 {add = true} : memref<144xi32, #tpu.memory_space<vmem>>[vector<16xi32>], vector<16xi32>,
        %parallel_loop3A_674 = arith.constant 113 : i32
        %parallel_loop3A_675 = vector.broadcast %parallel_loop3A_674 : i32 to vector<16xi32>
        %parallel_loop3A_676 = arith.addi %iota3A, %parallel_loop3A_675 : vector<16xi32>
        %parallel_loop3A_677 = arith.addi %parallel_loop3A_145, %parallel_loop3A_676 : vector<16xi32>
        %parallel_loop3A_678 = tpu.vector_load_idx %arg8[%parallel_loop3A_677] : memref<8256xf32, #tpu.memory_space<vmem>>[vector<16xi32>], vector<16xf32>,
        %parallel_loop3A_679 = arith.mulf %parallel_loop3A_678, %parallel_loop3A_151 : vector<16xf32>
        %parallel_loop3A_680 = arith.addf %parallel_loop3A_149, %parallel_loop3A_679 : vector<16xf32>
        %parallel_loop3A_681 = arith.constant 113 : i32
        %parallel_loop3A_682 = vector.broadcast %parallel_loop3A_681 : i32 to vector<16xi32>
        %parallel_loop3A_683 = arith.addi %iota3A, %parallel_loop3A_682 : vector<16xi32>
        %parallel_loop3A_684 = arith.addi %parallel_loop3A_148, %parallel_loop3A_683 : vector<16xi32>
        %parallel_loop3A_685 = arith.addi %parallel_loop3A_684, %parallel_loop3A_670 : vector<16xi32>
        tpu.vector_store_idx %arg13[%parallel_loop3A_685], %parallel_loop3A_680 : memref<16512xf32, #tpu.memory_space<vmem>>[vector<16xi32>], vector<16xf32>,
        %parallel_loop3A_686 = tpu.vector_load_idx %arg8[%parallel_loop3A_145] : memref<8256xf32, #tpu.memory_space<vmem>>[vector<16xi32>], vector<16xf32>,
        %parallel_loop3A_687 = arith.mulf %parallel_loop3A_686, %parallel_loop3A_151 : vector<16xf32>
        %parallel_loop3A_688 = arith.addf %parallel_loop3A_149, %parallel_loop3A_687 : vector<16xf32>
        %parallel_loop3A_689 = arith.constant 0 : i32
        %parallel_loop3A_690 = vector.broadcast %parallel_loop3A_689 : i32 to vector<16xi32>
        %parallel_loop3A_691 = arith.cmpi eq, %iota3A, %parallel_loop3A_690 : vector<16xi32>
        tpu.vector_store_idx %arg13[%parallel_loop3A_148], %parallel_loop3A_688 masked %parallel_loop3A_691 : memref<16512xf32, #tpu.memory_space<vmem>>[vector<16xi32>], vector<16xf32>, vector<16xi1>
        %parallel_loop3A_692 = arith.constant 144 : i32
        %parallel_loop3A_693 = arith.muli %parallel_loop3A_135, %parallel_loop3A_692 : i32
        %parallel_loop3A_694 = arith.constant 0 : i32
        %parallel_loop3A_695 = arith.addi %parallel_loop3A_693, %parallel_loop3A_694 : i32
        %parallel_loop3A_696 = arith.index_cast %parallel_loop3A_695 : i32 to index
        %parallel_loop3A_697 = tpu.vector_load %arg12[%parallel_loop3A_696] {strides = array<i32>} : memref<9216xi32, #tpu.memory_space<vmem>>, vector<16xi32>,
        %parallel_loop3A_698 = arith.constant 144 : i32
        %parallel_loop3A_699 = arith.muli %parallel_loop3A_135, %parallel_loop3A_698 : i32
        %parallel_loop3A_700 = arith.constant 16 : i32
        %parallel_loop3A_701 = arith.addi %parallel_loop3A_699, %parallel_loop3A_700 : i32
        %parallel_loop3A_702 = arith.index_cast %parallel_loop3A_701 : i32 to index
        %parallel_loop3A_703 = tpu.vector_load %arg12[%parallel_loop3A_702] {strides = array<i32>} : memref<9216xi32, #tpu.memory_space<vmem>>, vector<16xi32>,
        %parallel_loop3A_704 = arith.constant 144 : i32
        %parallel_loop3A_705 = arith.muli %parallel_loop3A_135, %parallel_loop3A_704 : i32
        %parallel_loop3A_706 = arith.constant 32 : i32
        %parallel_loop3A_707 = arith.addi %parallel_loop3A_705, %parallel_loop3A_706 : i32
        %parallel_loop3A_708 = arith.index_cast %parallel_loop3A_707 : i32 to index
        %parallel_loop3A_709 = tpu.vector_load %arg12[%parallel_loop3A_708] {strides = array<i32>} : memref<9216xi32, #tpu.memory_space<vmem>>, vector<16xi32>,
        %parallel_loop3A_710 = arith.constant 144 : i32
        %parallel_loop3A_711 = arith.muli %parallel_loop3A_135, %parallel_loop3A_710 : i32
        %parallel_loop3A_712 = arith.constant 48 : i32
        %parallel_loop3A_713 = arith.addi %parallel_loop3A_711, %parallel_loop3A_712 : i32
        %parallel_loop3A_714 = arith.index_cast %parallel_loop3A_713 : i32 to index
        %parallel_loop3A_715 = tpu.vector_load %arg12[%parallel_loop3A_714] {strides = array<i32>} : memref<9216xi32, #tpu.memory_space<vmem>>, vector<16xi32>,
        %parallel_loop3A_716 = arith.constant 144 : i32
        %parallel_loop3A_717 = arith.muli %parallel_loop3A_135, %parallel_loop3A_716 : i32
        %parallel_loop3A_718 = arith.constant 64 : i32
        %parallel_loop3A_719 = arith.addi %parallel_loop3A_717, %parallel_loop3A_718 : i32
        %parallel_loop3A_720 = arith.index_cast %parallel_loop3A_719 : i32 to index
        %parallel_loop3A_721 = tpu.vector_load %arg12[%parallel_loop3A_720] {strides = array<i32>} : memref<9216xi32, #tpu.memory_space<vmem>>, vector<16xi32>,
        %parallel_loop3A_722 = arith.constant 144 : i32
        %parallel_loop3A_723 = arith.muli %parallel_loop3A_135, %parallel_loop3A_722 : i32
        %parallel_loop3A_724 = arith.constant 80 : i32
        %parallel_loop3A_725 = arith.addi %parallel_loop3A_723, %parallel_loop3A_724 : i32
        %parallel_loop3A_726 = arith.index_cast %parallel_loop3A_725 : i32 to index
        %parallel_loop3A_727 = tpu.vector_load %arg12[%parallel_loop3A_726] {strides = array<i32>} : memref<9216xi32, #tpu.memory_space<vmem>>, vector<16xi32>,
        %parallel_loop3A_728 = arith.constant 144 : i32
        %parallel_loop3A_729 = arith.muli %parallel_loop3A_135, %parallel_loop3A_728 : i32
        %parallel_loop3A_730 = arith.constant 96 : i32
        %parallel_loop3A_731 = arith.addi %parallel_loop3A_729, %parallel_loop3A_730 : i32
        %parallel_loop3A_732 = arith.index_cast %parallel_loop3A_731 : i32 to index
        %parallel_loop3A_733 = tpu.vector_load %arg12[%parallel_loop3A_732] {strides = array<i32>} : memref<9216xi32, #tpu.memory_space<vmem>>, vector<16xi32>,
        %parallel_loop3A_734 = arith.constant 144 : i32
        %parallel_loop3A_735 = arith.muli %parallel_loop3A_135, %parallel_loop3A_734 : i32
        %parallel_loop3A_736 = arith.constant 112 : i32
        %parallel_loop3A_737 = arith.addi %parallel_loop3A_735, %parallel_loop3A_736 : i32
        %parallel_loop3A_738 = arith.index_cast %parallel_loop3A_737 : i32 to index
        %parallel_loop3A_739 = tpu.vector_load %arg12[%parallel_loop3A_738] {strides = array<i32>} : memref<9216xi32, #tpu.memory_space<vmem>>, vector<16xi32>,
        %parallel_loop3A_740 = arith.constant 144 : i32
        %parallel_loop3A_741 = arith.muli %parallel_loop3A_135, %parallel_loop3A_740 : i32
        %parallel_loop3A_742 = arith.constant 128 : i32
        %parallel_loop3A_743 = arith.addi %parallel_loop3A_741, %parallel_loop3A_742 : i32
        %parallel_loop3A_744 = arith.index_cast %parallel_loop3A_743 : i32 to index
        %parallel_loop3A_745 = tpu.vector_load %arg12[%parallel_loop3A_744] {strides = array<i32>} : memref<9216xi32, #tpu.memory_space<vmem>>, vector<16xi32>,
        %parallel_loop3A_746 = arith.constant true
        %parallel_loop3A_747 = vector.broadcast %parallel_loop3A_746 : i1 to vector<16xi1>
        %parallel_loop3A_748 = tpu.scan <sum>, %parallel_loop3A_697 masked %parallel_loop3A_747 : vector<16xi32>, vector<16xi1> -> vector<16xi32>
        %parallel_loop3A_749 = arith.constant true
        %parallel_loop3A_750 = vector.broadcast %parallel_loop3A_749 : i1 to vector<16xi1>
        %parallel_loop3A_751 = tpu.scan <sum>, %parallel_loop3A_703 masked %parallel_loop3A_750 : vector<16xi32>, vector<16xi1> -> vector<16xi32>
        %parallel_loop3A_752 = arith.constant true
        %parallel_loop3A_753 = vector.broadcast %parallel_loop3A_752 : i1 to vector<16xi1>
        %parallel_loop3A_754 = tpu.scan <sum>, %parallel_loop3A_709 masked %parallel_loop3A_753 : vector<16xi32>, vector<16xi1> -> vector<16xi32>
        %parallel_loop3A_755 = arith.constant true
        %parallel_loop3A_756 = vector.broadcast %parallel_loop3A_755 : i1 to vector<16xi1>
        %parallel_loop3A_757 = tpu.scan <sum>, %parallel_loop3A_715 masked %parallel_loop3A_756 : vector<16xi32>, vector<16xi1> -> vector<16xi32>
        %parallel_loop3A_758 = arith.constant true
        %parallel_loop3A_759 = vector.broadcast %parallel_loop3A_758 : i1 to vector<16xi1>
        %parallel_loop3A_760 = tpu.scan <sum>, %parallel_loop3A_721 masked %parallel_loop3A_759 : vector<16xi32>, vector<16xi1> -> vector<16xi32>
        %parallel_loop3A_761 = arith.constant true
        %parallel_loop3A_762 = vector.broadcast %parallel_loop3A_761 : i1 to vector<16xi1>
        %parallel_loop3A_763 = tpu.scan <sum>, %parallel_loop3A_727 masked %parallel_loop3A_762 : vector<16xi32>, vector<16xi1> -> vector<16xi32>
        %parallel_loop3A_764 = arith.constant true
        %parallel_loop3A_765 = vector.broadcast %parallel_loop3A_764 : i1 to vector<16xi1>
        %parallel_loop3A_766 = tpu.scan <sum>, %parallel_loop3A_733 masked %parallel_loop3A_765 : vector<16xi32>, vector<16xi1> -> vector<16xi32>
        %parallel_loop3A_767 = arith.constant true
        %parallel_loop3A_768 = vector.broadcast %parallel_loop3A_767 : i1 to vector<16xi1>
        %parallel_loop3A_769 = tpu.scan <sum>, %parallel_loop3A_739 masked %parallel_loop3A_768 : vector<16xi32>, vector<16xi1> -> vector<16xi32>
        %parallel_loop3A_770 = arith.constant true
        %parallel_loop3A_771 = vector.broadcast %parallel_loop3A_770 : i1 to vector<16xi1>
        %parallel_loop3A_772 = tpu.scan <sum>, %parallel_loop3A_745 masked %parallel_loop3A_771 : vector<16xi32>, vector<16xi1> -> vector<16xi32>
        %parallel_loop3A_773 = vector.extract_strided_slice %parallel_loop3A_748 {offsets = [15], sizes = [1], strides = [1]} : vector<16xi32> to vector<1xi32>
        %parallel_loop3A_774 = vector.extract %parallel_loop3A_773[0] : i32 from vector<1xi32>
        %parallel_loop3A_775 = arith.constant 0 : i32
        %parallel_loop3A_776 = arith.addi %parallel_loop3A_775, %parallel_loop3A_774 : i32
        %parallel_loop3A_777 = vector.extract_strided_slice %parallel_loop3A_751 {offsets = [15], sizes = [1], strides = [1]} : vector<16xi32> to vector<1xi32>
        %parallel_loop3A_778 = vector.extract %parallel_loop3A_777[0] : i32 from vector<1xi32>
        %parallel_loop3A_779 = arith.addi %parallel_loop3A_776, %parallel_loop3A_778 : i32
        %parallel_loop3A_780 = vector.extract_strided_slice %parallel_loop3A_754 {offsets = [15], sizes = [1], strides = [1]} : vector<16xi32> to vector<1xi32>
        %parallel_loop3A_781 = vector.extract %parallel_loop3A_780[0] : i32 from vector<1xi32>
        %parallel_loop3A_782 = arith.addi %parallel_loop3A_779, %parallel_loop3A_781 : i32
        %parallel_loop3A_783 = vector.extract_strided_slice %parallel_loop3A_757 {offsets = [15], sizes = [1], strides = [1]} : vector<16xi32> to vector<1xi32>
        %parallel_loop3A_784 = vector.extract %parallel_loop3A_783[0] : i32 from vector<1xi32>
        %parallel_loop3A_785 = arith.addi %parallel_loop3A_782, %parallel_loop3A_784 : i32
        %parallel_loop3A_786 = vector.extract_strided_slice %parallel_loop3A_760 {offsets = [15], sizes = [1], strides = [1]} : vector<16xi32> to vector<1xi32>
        %parallel_loop3A_787 = vector.extract %parallel_loop3A_786[0] : i32 from vector<1xi32>
        %parallel_loop3A_788 = arith.addi %parallel_loop3A_785, %parallel_loop3A_787 : i32
        %parallel_loop3A_789 = vector.extract_strided_slice %parallel_loop3A_763 {offsets = [15], sizes = [1], strides = [1]} : vector<16xi32> to vector<1xi32>
        %parallel_loop3A_790 = vector.extract %parallel_loop3A_789[0] : i32 from vector<1xi32>
        %parallel_loop3A_791 = arith.addi %parallel_loop3A_788, %parallel_loop3A_790 : i32
        %parallel_loop3A_792 = vector.extract_strided_slice %parallel_loop3A_766 {offsets = [15], sizes = [1], strides = [1]} : vector<16xi32> to vector<1xi32>
        %parallel_loop3A_793 = vector.extract %parallel_loop3A_792[0] : i32 from vector<1xi32>
        %parallel_loop3A_794 = arith.addi %parallel_loop3A_791, %parallel_loop3A_793 : i32
        %parallel_loop3A_795 = vector.extract_strided_slice %parallel_loop3A_769 {offsets = [15], sizes = [1], strides = [1]} : vector<16xi32> to vector<1xi32>
        %parallel_loop3A_796 = vector.extract %parallel_loop3A_795[0] : i32 from vector<1xi32>
        %parallel_loop3A_797 = arith.addi %parallel_loop3A_794, %parallel_loop3A_796 : i32
        %parallel_loop3A_798 = vector.extract_strided_slice %parallel_loop3A_772 {offsets = [15], sizes = [1], strides = [1]} : vector<16xi32> to vector<1xi32>
        %parallel_loop3A_799 = vector.extract %parallel_loop3A_798[0] : i32 from vector<1xi32>
        %parallel_loop3A_800 = arith.addi %parallel_loop3A_797, %parallel_loop3A_799 : i32
        %parallel_loop3A_801 = arith.constant 0 : i32
        %parallel_loop3A_802 = vector.broadcast %parallel_loop3A_801 : i32 to vector<16xi32>
        %parallel_loop3A_803 = arith.addi %parallel_loop3A_748, %parallel_loop3A_802 : vector<16xi32>
        %parallel_loop3A_804 = arith.constant 1 : i32
        %parallel_loop3A_805 = vector.broadcast %parallel_loop3A_804 : i32 to vector<16xi32>
        %parallel_loop3A_806 = arith.subi %parallel_loop3A_803, %parallel_loop3A_805 : vector<16xi32>
        %parallel_loop3A_807 = arith.constant 128 : i32
        %parallel_loop3A_808 = vector.broadcast %parallel_loop3A_807 : i32 to vector<16xi32>
        %parallel_loop3A_809 = arith.minsi %parallel_loop3A_806, %parallel_loop3A_808 : vector<16xi32>
        %parallel_loop3A_810 = arith.constant 128 : i32
        %parallel_loop3A_811 = vector.broadcast %parallel_loop3A_810 : i32 to vector<16xi32>
        %parallel_loop3A_812 = arith.minsi %parallel_loop3A_803, %parallel_loop3A_811 : vector<16xi32>
        %parallel_loop3A_813 = arith.constant 1 : i32
        %parallel_loop3A_814 = vector.broadcast %parallel_loop3A_813 : i32 to vector<16xi32>
        %parallel_loop3A_815 = arith.subi %parallel_loop3A_809, %parallel_loop3A_814 : vector<16xi32>
        %parallel_loop3A_816 = arith.constant 255 : i32
        %parallel_loop3A_817 = vector.broadcast %parallel_loop3A_816 : i32 to vector<16xi32>
        %parallel_loop3A_818 = arith.andi %parallel_loop3A_815, %parallel_loop3A_817 : vector<16xi32>
        %parallel_loop3A_819 = tpu.memref_slice %arg11[%parallel_loop3A_142] : memref<16384xf32, #tpu.memory_space<vmem>> -> memref<256xf32, #tpu.memory_space<vmem>>
        %parallel_loop3A_820 = tpu.vector_load_idx %parallel_loop3A_819[%parallel_loop3A_818] : memref<256xf32, #tpu.memory_space<vmem>>[vector<16xi32>], vector<16xf32>,
        %parallel_loop3A_821 = arith.constant 1 : i32
        %parallel_loop3A_822 = vector.broadcast %parallel_loop3A_821 : i32 to vector<16xi32>
        %parallel_loop3A_823 = arith.subi %parallel_loop3A_812, %parallel_loop3A_822 : vector<16xi32>
        %parallel_loop3A_824 = tpu.memref_slice %arg11[%parallel_loop3A_142] : memref<16384xf32, #tpu.memory_space<vmem>> -> memref<256xf32, #tpu.memory_space<vmem>>
        %parallel_loop3A_825 = tpu.vector_load_idx %parallel_loop3A_824[%parallel_loop3A_823] : memref<256xf32, #tpu.memory_space<vmem>>[vector<16xi32>], vector<16xf32>,
        %parallel_loop3A_826 = arith.addi %parallel_loop3A_145, %parallel_loop3A_809 : vector<16xi32>
        %parallel_loop3A_827 = tpu.vector_load_idx %arg8[%parallel_loop3A_826] : memref<8256xf32, #tpu.memory_space<vmem>>[vector<16xi32>], vector<16xf32>,
        %parallel_loop3A_828 = arith.addi %parallel_loop3A_145, %parallel_loop3A_812 : vector<16xi32>
        %parallel_loop3A_829 = tpu.vector_load_idx %arg8[%parallel_loop3A_828] : memref<8256xf32, #tpu.memory_space<vmem>>[vector<16xi32>], vector<16xf32>,
        %parallel_loop3A_830 = arith.subf %parallel_loop3A_825, %parallel_loop3A_820 : vector<16xf32>
        %parallel_loop3A_831 = arith.constant 9.99999991E-38 : f32
        %parallel_loop3A_832 = vector.broadcast %parallel_loop3A_831 : f32 to vector<16xf32>
        %parallel_loop3A_833 = arith.maximumf %parallel_loop3A_830, %parallel_loop3A_832 : vector<16xf32>
        %parallel_loop3A_834 = arith.subf %add3A_27, %parallel_loop3A_820 : vector<16xf32>
        %parallel_loop3A_835 = arith.divf %parallel_loop3A_834, %parallel_loop3A_833 : vector<16xf32>
        %parallel_loop3A_836 = arith.constant 0.000000e+00 : f32
        %parallel_loop3A_837 = arith.constant 1.000000e+00 : f32
        %parallel_loop3A_838 = vector.broadcast %parallel_loop3A_836 : f32 to vector<16xf32>
        %parallel_loop3A_839 = arith.maximumf %parallel_loop3A_838, %parallel_loop3A_835 : vector<16xf32>
        %parallel_loop3A_840 = vector.broadcast %parallel_loop3A_837 : f32 to vector<16xf32>
        %parallel_loop3A_841 = arith.minimumf %parallel_loop3A_840, %parallel_loop3A_839 : vector<16xf32>
        %parallel_loop3A_842 = arith.subf %parallel_loop3A_829, %parallel_loop3A_827 : vector<16xf32>
        %parallel_loop3A_843 = arith.mulf %parallel_loop3A_841, %parallel_loop3A_842 : vector<16xf32>
        %parallel_loop3A_844 = arith.addf %parallel_loop3A_827, %parallel_loop3A_843 : vector<16xf32>
        %parallel_loop3A_845 = arith.mulf %parallel_loop3A_844, %parallel_loop3A_151 : vector<16xf32>
        %parallel_loop3A_846 = arith.addf %parallel_loop3A_149, %parallel_loop3A_845 : vector<16xf32>
        %parallel_loop3A_847 = arith.addi %parallel_loop3A_148, %parallel_loop3A_803 : vector<16xi32>
        %parallel_loop3A_848 = arith.constant 0 : i32
        %parallel_loop3A_849 = vector.broadcast %parallel_loop3A_848 : i32 to vector<16xi32>
        %parallel_loop3A_850 = arith.addi %iota3A, %parallel_loop3A_849 : vector<16xi32>
        %parallel_loop3A_851 = arith.addi %parallel_loop3A_847, %parallel_loop3A_850 : vector<16xi32>
        tpu.vector_store_idx %arg13[%parallel_loop3A_851], %parallel_loop3A_846 : memref<16512xf32, #tpu.memory_space<vmem>>[vector<16xi32>], vector<16xf32>,
        %parallel_loop3A_852 = vector.broadcast %parallel_loop3A_776 : i32 to vector<16xi32>
        %parallel_loop3A_853 = arith.addi %parallel_loop3A_751, %parallel_loop3A_852 : vector<16xi32>
        %parallel_loop3A_854 = arith.constant 1 : i32
        %parallel_loop3A_855 = vector.broadcast %parallel_loop3A_854 : i32 to vector<16xi32>
        %parallel_loop3A_856 = arith.subi %parallel_loop3A_853, %parallel_loop3A_855 : vector<16xi32>
        %parallel_loop3A_857 = arith.constant 128 : i32
        %parallel_loop3A_858 = vector.broadcast %parallel_loop3A_857 : i32 to vector<16xi32>
        %parallel_loop3A_859 = arith.minsi %parallel_loop3A_856, %parallel_loop3A_858 : vector<16xi32>
        %parallel_loop3A_860 = arith.constant 128 : i32
        %parallel_loop3A_861 = vector.broadcast %parallel_loop3A_860 : i32 to vector<16xi32>
        %parallel_loop3A_862 = arith.minsi %parallel_loop3A_853, %parallel_loop3A_861 : vector<16xi32>
        %parallel_loop3A_863 = arith.constant 1 : i32
        %parallel_loop3A_864 = vector.broadcast %parallel_loop3A_863 : i32 to vector<16xi32>
        %parallel_loop3A_865 = arith.subi %parallel_loop3A_859, %parallel_loop3A_864 : vector<16xi32>
        %parallel_loop3A_866 = arith.constant 255 : i32
        %parallel_loop3A_867 = vector.broadcast %parallel_loop3A_866 : i32 to vector<16xi32>
        %parallel_loop3A_868 = arith.andi %parallel_loop3A_865, %parallel_loop3A_867 : vector<16xi32>
        %parallel_loop3A_869 = tpu.memref_slice %arg11[%parallel_loop3A_142] : memref<16384xf32, #tpu.memory_space<vmem>> -> memref<256xf32, #tpu.memory_space<vmem>>
        %parallel_loop3A_870 = tpu.vector_load_idx %parallel_loop3A_869[%parallel_loop3A_868] : memref<256xf32, #tpu.memory_space<vmem>>[vector<16xi32>], vector<16xf32>,
        %parallel_loop3A_871 = arith.constant 1 : i32
        %parallel_loop3A_872 = vector.broadcast %parallel_loop3A_871 : i32 to vector<16xi32>
        %parallel_loop3A_873 = arith.subi %parallel_loop3A_862, %parallel_loop3A_872 : vector<16xi32>
        %parallel_loop3A_874 = tpu.memref_slice %arg11[%parallel_loop3A_142] : memref<16384xf32, #tpu.memory_space<vmem>> -> memref<256xf32, #tpu.memory_space<vmem>>
        %parallel_loop3A_875 = tpu.vector_load_idx %parallel_loop3A_874[%parallel_loop3A_873] : memref<256xf32, #tpu.memory_space<vmem>>[vector<16xi32>], vector<16xf32>,
        %parallel_loop3A_876 = arith.addi %parallel_loop3A_145, %parallel_loop3A_859 : vector<16xi32>
        %parallel_loop3A_877 = tpu.vector_load_idx %arg8[%parallel_loop3A_876] : memref<8256xf32, #tpu.memory_space<vmem>>[vector<16xi32>], vector<16xf32>,
        %parallel_loop3A_878 = arith.addi %parallel_loop3A_145, %parallel_loop3A_862 : vector<16xi32>
        %parallel_loop3A_879 = tpu.vector_load_idx %arg8[%parallel_loop3A_878] : memref<8256xf32, #tpu.memory_space<vmem>>[vector<16xi32>], vector<16xf32>,
        %parallel_loop3A_880 = arith.subf %parallel_loop3A_875, %parallel_loop3A_870 : vector<16xf32>
        %parallel_loop3A_881 = arith.constant 9.99999991E-38 : f32
        %parallel_loop3A_882 = vector.broadcast %parallel_loop3A_881 : f32 to vector<16xf32>
        %parallel_loop3A_883 = arith.maximumf %parallel_loop3A_880, %parallel_loop3A_882 : vector<16xf32>
        %parallel_loop3A_884 = arith.subf %add3A_37, %parallel_loop3A_870 : vector<16xf32>
        %parallel_loop3A_885 = arith.divf %parallel_loop3A_884, %parallel_loop3A_883 : vector<16xf32>
        %parallel_loop3A_886 = arith.constant 0.000000e+00 : f32
        %parallel_loop3A_887 = arith.constant 1.000000e+00 : f32
        %parallel_loop3A_888 = vector.broadcast %parallel_loop3A_886 : f32 to vector<16xf32>
        %parallel_loop3A_889 = arith.maximumf %parallel_loop3A_888, %parallel_loop3A_885 : vector<16xf32>
        %parallel_loop3A_890 = vector.broadcast %parallel_loop3A_887 : f32 to vector<16xf32>
        %parallel_loop3A_891 = arith.minimumf %parallel_loop3A_890, %parallel_loop3A_889 : vector<16xf32>
        %parallel_loop3A_892 = arith.subf %parallel_loop3A_879, %parallel_loop3A_877 : vector<16xf32>
        %parallel_loop3A_893 = arith.mulf %parallel_loop3A_891, %parallel_loop3A_892 : vector<16xf32>
        %parallel_loop3A_894 = arith.addf %parallel_loop3A_877, %parallel_loop3A_893 : vector<16xf32>
        %parallel_loop3A_895 = arith.mulf %parallel_loop3A_894, %parallel_loop3A_151 : vector<16xf32>
        %parallel_loop3A_896 = arith.addf %parallel_loop3A_149, %parallel_loop3A_895 : vector<16xf32>
        %parallel_loop3A_897 = arith.addi %parallel_loop3A_148, %parallel_loop3A_853 : vector<16xi32>
        %parallel_loop3A_898 = arith.constant 16 : i32
        %parallel_loop3A_899 = vector.broadcast %parallel_loop3A_898 : i32 to vector<16xi32>
        %parallel_loop3A_900 = arith.addi %iota3A, %parallel_loop3A_899 : vector<16xi32>
        %parallel_loop3A_901 = arith.addi %parallel_loop3A_897, %parallel_loop3A_900 : vector<16xi32>
        tpu.vector_store_idx %arg13[%parallel_loop3A_901], %parallel_loop3A_896 : memref<16512xf32, #tpu.memory_space<vmem>>[vector<16xi32>], vector<16xf32>,
        %parallel_loop3A_902 = vector.broadcast %parallel_loop3A_779 : i32 to vector<16xi32>
        %parallel_loop3A_903 = arith.addi %parallel_loop3A_754, %parallel_loop3A_902 : vector<16xi32>
        %parallel_loop3A_904 = arith.constant 1 : i32
        %parallel_loop3A_905 = vector.broadcast %parallel_loop3A_904 : i32 to vector<16xi32>
        %parallel_loop3A_906 = arith.subi %parallel_loop3A_903, %parallel_loop3A_905 : vector<16xi32>
        %parallel_loop3A_907 = arith.constant 128 : i32
        %parallel_loop3A_908 = vector.broadcast %parallel_loop3A_907 : i32 to vector<16xi32>
        %parallel_loop3A_909 = arith.minsi %parallel_loop3A_906, %parallel_loop3A_908 : vector<16xi32>
        %parallel_loop3A_910 = arith.constant 128 : i32
        %parallel_loop3A_911 = vector.broadcast %parallel_loop3A_910 : i32 to vector<16xi32>
        %parallel_loop3A_912 = arith.minsi %parallel_loop3A_903, %parallel_loop3A_911 : vector<16xi32>
        %parallel_loop3A_913 = arith.constant 1 : i32
        %parallel_loop3A_914 = vector.broadcast %parallel_loop3A_913 : i32 to vector<16xi32>
        %parallel_loop3A_915 = arith.subi %parallel_loop3A_909, %parallel_loop3A_914 : vector<16xi32>
        %parallel_loop3A_916 = arith.constant 255 : i32
        %parallel_loop3A_917 = vector.broadcast %parallel_loop3A_916 : i32 to vector<16xi32>
        %parallel_loop3A_918 = arith.andi %parallel_loop3A_915, %parallel_loop3A_917 : vector<16xi32>
        %parallel_loop3A_919 = tpu.memref_slice %arg11[%parallel_loop3A_142] : memref<16384xf32, #tpu.memory_space<vmem>> -> memref<256xf32, #tpu.memory_space<vmem>>
        %parallel_loop3A_920 = tpu.vector_load_idx %parallel_loop3A_919[%parallel_loop3A_918] : memref<256xf32, #tpu.memory_space<vmem>>[vector<16xi32>], vector<16xf32>,
        %parallel_loop3A_921 = arith.constant 1 : i32
        %parallel_loop3A_922 = vector.broadcast %parallel_loop3A_921 : i32 to vector<16xi32>
        %parallel_loop3A_923 = arith.subi %parallel_loop3A_912, %parallel_loop3A_922 : vector<16xi32>
        %parallel_loop3A_924 = tpu.memref_slice %arg11[%parallel_loop3A_142] : memref<16384xf32, #tpu.memory_space<vmem>> -> memref<256xf32, #tpu.memory_space<vmem>>
        %parallel_loop3A_925 = tpu.vector_load_idx %parallel_loop3A_924[%parallel_loop3A_923] : memref<256xf32, #tpu.memory_space<vmem>>[vector<16xi32>], vector<16xf32>,
        %parallel_loop3A_926 = arith.addi %parallel_loop3A_145, %parallel_loop3A_909 : vector<16xi32>
        %parallel_loop3A_927 = tpu.vector_load_idx %arg8[%parallel_loop3A_926] : memref<8256xf32, #tpu.memory_space<vmem>>[vector<16xi32>], vector<16xf32>,
        %parallel_loop3A_928 = arith.addi %parallel_loop3A_145, %parallel_loop3A_912 : vector<16xi32>
        %parallel_loop3A_929 = tpu.vector_load_idx %arg8[%parallel_loop3A_928] : memref<8256xf32, #tpu.memory_space<vmem>>[vector<16xi32>], vector<16xf32>,
        %parallel_loop3A_930 = arith.subf %parallel_loop3A_925, %parallel_loop3A_920 : vector<16xf32>
        %parallel_loop3A_931 = arith.constant 9.99999991E-38 : f32
        %parallel_loop3A_932 = vector.broadcast %parallel_loop3A_931 : f32 to vector<16xf32>
        %parallel_loop3A_933 = arith.maximumf %parallel_loop3A_930, %parallel_loop3A_932 : vector<16xf32>
        %parallel_loop3A_934 = arith.subf %add3A_47, %parallel_loop3A_920 : vector<16xf32>
        %parallel_loop3A_935 = arith.divf %parallel_loop3A_934, %parallel_loop3A_933 : vector<16xf32>
        %parallel_loop3A_936 = arith.constant 0.000000e+00 : f32
        %parallel_loop3A_937 = arith.constant 1.000000e+00 : f32
        %parallel_loop3A_938 = vector.broadcast %parallel_loop3A_936 : f32 to vector<16xf32>
        %parallel_loop3A_939 = arith.maximumf %parallel_loop3A_938, %parallel_loop3A_935 : vector<16xf32>
        %parallel_loop3A_940 = vector.broadcast %parallel_loop3A_937 : f32 to vector<16xf32>
        %parallel_loop3A_941 = arith.minimumf %parallel_loop3A_940, %parallel_loop3A_939 : vector<16xf32>
        %parallel_loop3A_942 = arith.subf %parallel_loop3A_929, %parallel_loop3A_927 : vector<16xf32>
        %parallel_loop3A_943 = arith.mulf %parallel_loop3A_941, %parallel_loop3A_942 : vector<16xf32>
        %parallel_loop3A_944 = arith.addf %parallel_loop3A_927, %parallel_loop3A_943 : vector<16xf32>
        %parallel_loop3A_945 = arith.mulf %parallel_loop3A_944, %parallel_loop3A_151 : vector<16xf32>
        %parallel_loop3A_946 = arith.addf %parallel_loop3A_149, %parallel_loop3A_945 : vector<16xf32>
        %parallel_loop3A_947 = arith.addi %parallel_loop3A_148, %parallel_loop3A_903 : vector<16xi32>
        %parallel_loop3A_948 = arith.constant 32 : i32
        %parallel_loop3A_949 = vector.broadcast %parallel_loop3A_948 : i32 to vector<16xi32>
        %parallel_loop3A_950 = arith.addi %iota3A, %parallel_loop3A_949 : vector<16xi32>
        %parallel_loop3A_951 = arith.addi %parallel_loop3A_947, %parallel_loop3A_950 : vector<16xi32>
        tpu.vector_store_idx %arg13[%parallel_loop3A_951], %parallel_loop3A_946 : memref<16512xf32, #tpu.memory_space<vmem>>[vector<16xi32>], vector<16xf32>,
        %parallel_loop3A_952 = vector.broadcast %parallel_loop3A_782 : i32 to vector<16xi32>
        %parallel_loop3A_953 = arith.addi %parallel_loop3A_757, %parallel_loop3A_952 : vector<16xi32>
        %parallel_loop3A_954 = arith.constant 1 : i32
        %parallel_loop3A_955 = vector.broadcast %parallel_loop3A_954 : i32 to vector<16xi32>
        %parallel_loop3A_956 = arith.subi %parallel_loop3A_953, %parallel_loop3A_955 : vector<16xi32>
        %parallel_loop3A_957 = arith.constant 128 : i32
        %parallel_loop3A_958 = vector.broadcast %parallel_loop3A_957 : i32 to vector<16xi32>
        %parallel_loop3A_959 = arith.minsi %parallel_loop3A_956, %parallel_loop3A_958 : vector<16xi32>
        %parallel_loop3A_960 = arith.constant 128 : i32
        %parallel_loop3A_961 = vector.broadcast %parallel_loop3A_960 : i32 to vector<16xi32>
        %parallel_loop3A_962 = arith.minsi %parallel_loop3A_953, %parallel_loop3A_961 : vector<16xi32>
        %parallel_loop3A_963 = arith.constant 1 : i32
        %parallel_loop3A_964 = vector.broadcast %parallel_loop3A_963 : i32 to vector<16xi32>
        %parallel_loop3A_965 = arith.subi %parallel_loop3A_959, %parallel_loop3A_964 : vector<16xi32>
        %parallel_loop3A_966 = arith.constant 255 : i32
        %parallel_loop3A_967 = vector.broadcast %parallel_loop3A_966 : i32 to vector<16xi32>
        %parallel_loop3A_968 = arith.andi %parallel_loop3A_965, %parallel_loop3A_967 : vector<16xi32>
        %parallel_loop3A_969 = tpu.memref_slice %arg11[%parallel_loop3A_142] : memref<16384xf32, #tpu.memory_space<vmem>> -> memref<256xf32, #tpu.memory_space<vmem>>
        %parallel_loop3A_970 = tpu.vector_load_idx %parallel_loop3A_969[%parallel_loop3A_968] : memref<256xf32, #tpu.memory_space<vmem>>[vector<16xi32>], vector<16xf32>,
        %parallel_loop3A_971 = arith.constant 1 : i32
        %parallel_loop3A_972 = vector.broadcast %parallel_loop3A_971 : i32 to vector<16xi32>
        %parallel_loop3A_973 = arith.subi %parallel_loop3A_962, %parallel_loop3A_972 : vector<16xi32>
        %parallel_loop3A_974 = tpu.memref_slice %arg11[%parallel_loop3A_142] : memref<16384xf32, #tpu.memory_space<vmem>> -> memref<256xf32, #tpu.memory_space<vmem>>
        %parallel_loop3A_975 = tpu.vector_load_idx %parallel_loop3A_974[%parallel_loop3A_973] : memref<256xf32, #tpu.memory_space<vmem>>[vector<16xi32>], vector<16xf32>,
        %parallel_loop3A_976 = arith.addi %parallel_loop3A_145, %parallel_loop3A_959 : vector<16xi32>
        %parallel_loop3A_977 = tpu.vector_load_idx %arg8[%parallel_loop3A_976] : memref<8256xf32, #tpu.memory_space<vmem>>[vector<16xi32>], vector<16xf32>,
        %parallel_loop3A_978 = arith.addi %parallel_loop3A_145, %parallel_loop3A_962 : vector<16xi32>
        %parallel_loop3A_979 = tpu.vector_load_idx %arg8[%parallel_loop3A_978] : memref<8256xf32, #tpu.memory_space<vmem>>[vector<16xi32>], vector<16xf32>,
        %parallel_loop3A_980 = arith.subf %parallel_loop3A_975, %parallel_loop3A_970 : vector<16xf32>
        %parallel_loop3A_981 = arith.constant 9.99999991E-38 : f32
        %parallel_loop3A_982 = vector.broadcast %parallel_loop3A_981 : f32 to vector<16xf32>
        %parallel_loop3A_983 = arith.maximumf %parallel_loop3A_980, %parallel_loop3A_982 : vector<16xf32>
        %parallel_loop3A_984 = arith.subf %add3A_57, %parallel_loop3A_970 : vector<16xf32>
        %parallel_loop3A_985 = arith.divf %parallel_loop3A_984, %parallel_loop3A_983 : vector<16xf32>
        %parallel_loop3A_986 = arith.constant 0.000000e+00 : f32
        %parallel_loop3A_987 = arith.constant 1.000000e+00 : f32
        %parallel_loop3A_988 = vector.broadcast %parallel_loop3A_986 : f32 to vector<16xf32>
        %parallel_loop3A_989 = arith.maximumf %parallel_loop3A_988, %parallel_loop3A_985 : vector<16xf32>
        %parallel_loop3A_990 = vector.broadcast %parallel_loop3A_987 : f32 to vector<16xf32>
        %parallel_loop3A_991 = arith.minimumf %parallel_loop3A_990, %parallel_loop3A_989 : vector<16xf32>
        %parallel_loop3A_992 = arith.subf %parallel_loop3A_979, %parallel_loop3A_977 : vector<16xf32>
        %parallel_loop3A_993 = arith.mulf %parallel_loop3A_991, %parallel_loop3A_992 : vector<16xf32>
        %parallel_loop3A_994 = arith.addf %parallel_loop3A_977, %parallel_loop3A_993 : vector<16xf32>
        %parallel_loop3A_995 = arith.mulf %parallel_loop3A_994, %parallel_loop3A_151 : vector<16xf32>
        %parallel_loop3A_996 = arith.addf %parallel_loop3A_149, %parallel_loop3A_995 : vector<16xf32>
        %parallel_loop3A_997 = arith.addi %parallel_loop3A_148, %parallel_loop3A_953 : vector<16xi32>
        %parallel_loop3A_998 = arith.constant 48 : i32
        %parallel_loop3A_999 = vector.broadcast %parallel_loop3A_998 : i32 to vector<16xi32>
        %parallel_loop3A_1000 = arith.addi %iota3A, %parallel_loop3A_999 : vector<16xi32>
        %parallel_loop3A_1001 = arith.addi %parallel_loop3A_997, %parallel_loop3A_1000 : vector<16xi32>
        tpu.vector_store_idx %arg13[%parallel_loop3A_1001], %parallel_loop3A_996 : memref<16512xf32, #tpu.memory_space<vmem>>[vector<16xi32>], vector<16xf32>,
        %parallel_loop3A_1002 = vector.broadcast %parallel_loop3A_785 : i32 to vector<16xi32>
        %parallel_loop3A_1003 = arith.addi %parallel_loop3A_760, %parallel_loop3A_1002 : vector<16xi32>
        %parallel_loop3A_1004 = arith.constant 1 : i32
        %parallel_loop3A_1005 = vector.broadcast %parallel_loop3A_1004 : i32 to vector<16xi32>
        %parallel_loop3A_1006 = arith.subi %parallel_loop3A_1003, %parallel_loop3A_1005 : vector<16xi32>
        %parallel_loop3A_1007 = arith.constant 128 : i32
        %parallel_loop3A_1008 = vector.broadcast %parallel_loop3A_1007 : i32 to vector<16xi32>
        %parallel_loop3A_1009 = arith.minsi %parallel_loop3A_1006, %parallel_loop3A_1008 : vector<16xi32>
        %parallel_loop3A_1010 = arith.constant 128 : i32
        %parallel_loop3A_1011 = vector.broadcast %parallel_loop3A_1010 : i32 to vector<16xi32>
        %parallel_loop3A_1012 = arith.minsi %parallel_loop3A_1003, %parallel_loop3A_1011 : vector<16xi32>
        %parallel_loop3A_1013 = arith.constant 1 : i32
        %parallel_loop3A_1014 = vector.broadcast %parallel_loop3A_1013 : i32 to vector<16xi32>
        %parallel_loop3A_1015 = arith.subi %parallel_loop3A_1009, %parallel_loop3A_1014 : vector<16xi32>
        %parallel_loop3A_1016 = arith.constant 255 : i32
        %parallel_loop3A_1017 = vector.broadcast %parallel_loop3A_1016 : i32 to vector<16xi32>
        %parallel_loop3A_1018 = arith.andi %parallel_loop3A_1015, %parallel_loop3A_1017 : vector<16xi32>
        %parallel_loop3A_1019 = tpu.memref_slice %arg11[%parallel_loop3A_142] : memref<16384xf32, #tpu.memory_space<vmem>> -> memref<256xf32, #tpu.memory_space<vmem>>
        %parallel_loop3A_1020 = tpu.vector_load_idx %parallel_loop3A_1019[%parallel_loop3A_1018] : memref<256xf32, #tpu.memory_space<vmem>>[vector<16xi32>], vector<16xf32>,
        %parallel_loop3A_1021 = arith.constant 1 : i32
        %parallel_loop3A_1022 = vector.broadcast %parallel_loop3A_1021 : i32 to vector<16xi32>
        %parallel_loop3A_1023 = arith.subi %parallel_loop3A_1012, %parallel_loop3A_1022 : vector<16xi32>
        %parallel_loop3A_1024 = tpu.memref_slice %arg11[%parallel_loop3A_142] : memref<16384xf32, #tpu.memory_space<vmem>> -> memref<256xf32, #tpu.memory_space<vmem>>
        %parallel_loop3A_1025 = tpu.vector_load_idx %parallel_loop3A_1024[%parallel_loop3A_1023] : memref<256xf32, #tpu.memory_space<vmem>>[vector<16xi32>], vector<16xf32>,
        %parallel_loop3A_1026 = arith.addi %parallel_loop3A_145, %parallel_loop3A_1009 : vector<16xi32>
        %parallel_loop3A_1027 = tpu.vector_load_idx %arg8[%parallel_loop3A_1026] : memref<8256xf32, #tpu.memory_space<vmem>>[vector<16xi32>], vector<16xf32>,
        %parallel_loop3A_1028 = arith.addi %parallel_loop3A_145, %parallel_loop3A_1012 : vector<16xi32>
        %parallel_loop3A_1029 = tpu.vector_load_idx %arg8[%parallel_loop3A_1028] : memref<8256xf32, #tpu.memory_space<vmem>>[vector<16xi32>], vector<16xf32>,
        %parallel_loop3A_1030 = arith.subf %parallel_loop3A_1025, %parallel_loop3A_1020 : vector<16xf32>
        %parallel_loop3A_1031 = arith.constant 9.99999991E-38 : f32
        %parallel_loop3A_1032 = vector.broadcast %parallel_loop3A_1031 : f32 to vector<16xf32>
        %parallel_loop3A_1033 = arith.maximumf %parallel_loop3A_1030, %parallel_loop3A_1032 : vector<16xf32>
        %parallel_loop3A_1034 = arith.subf %add3A_67, %parallel_loop3A_1020 : vector<16xf32>
        %parallel_loop3A_1035 = arith.divf %parallel_loop3A_1034, %parallel_loop3A_1033 : vector<16xf32>
        %parallel_loop3A_1036 = arith.constant 0.000000e+00 : f32
        %parallel_loop3A_1037 = arith.constant 1.000000e+00 : f32
        %parallel_loop3A_1038 = vector.broadcast %parallel_loop3A_1036 : f32 to vector<16xf32>
        %parallel_loop3A_1039 = arith.maximumf %parallel_loop3A_1038, %parallel_loop3A_1035 : vector<16xf32>
        %parallel_loop3A_1040 = vector.broadcast %parallel_loop3A_1037 : f32 to vector<16xf32>
        %parallel_loop3A_1041 = arith.minimumf %parallel_loop3A_1040, %parallel_loop3A_1039 : vector<16xf32>
        %parallel_loop3A_1042 = arith.subf %parallel_loop3A_1029, %parallel_loop3A_1027 : vector<16xf32>
        %parallel_loop3A_1043 = arith.mulf %parallel_loop3A_1041, %parallel_loop3A_1042 : vector<16xf32>
        %parallel_loop3A_1044 = arith.addf %parallel_loop3A_1027, %parallel_loop3A_1043 : vector<16xf32>
        %parallel_loop3A_1045 = arith.mulf %parallel_loop3A_1044, %parallel_loop3A_151 : vector<16xf32>
        %parallel_loop3A_1046 = arith.addf %parallel_loop3A_149, %parallel_loop3A_1045 : vector<16xf32>
        %parallel_loop3A_1047 = arith.addi %parallel_loop3A_148, %parallel_loop3A_1003 : vector<16xi32>
        %parallel_loop3A_1048 = arith.constant 64 : i32
        %parallel_loop3A_1049 = vector.broadcast %parallel_loop3A_1048 : i32 to vector<16xi32>
        %parallel_loop3A_1050 = arith.addi %iota3A, %parallel_loop3A_1049 : vector<16xi32>
        %parallel_loop3A_1051 = arith.addi %parallel_loop3A_1047, %parallel_loop3A_1050 : vector<16xi32>
        tpu.vector_store_idx %arg13[%parallel_loop3A_1051], %parallel_loop3A_1046 : memref<16512xf32, #tpu.memory_space<vmem>>[vector<16xi32>], vector<16xf32>,
        %parallel_loop3A_1052 = vector.broadcast %parallel_loop3A_788 : i32 to vector<16xi32>
        %parallel_loop3A_1053 = arith.addi %parallel_loop3A_763, %parallel_loop3A_1052 : vector<16xi32>
        %parallel_loop3A_1054 = arith.constant 1 : i32
        %parallel_loop3A_1055 = vector.broadcast %parallel_loop3A_1054 : i32 to vector<16xi32>
        %parallel_loop3A_1056 = arith.subi %parallel_loop3A_1053, %parallel_loop3A_1055 : vector<16xi32>
        %parallel_loop3A_1057 = arith.constant 128 : i32
        %parallel_loop3A_1058 = vector.broadcast %parallel_loop3A_1057 : i32 to vector<16xi32>
        %parallel_loop3A_1059 = arith.minsi %parallel_loop3A_1056, %parallel_loop3A_1058 : vector<16xi32>
        %parallel_loop3A_1060 = arith.constant 128 : i32
        %parallel_loop3A_1061 = vector.broadcast %parallel_loop3A_1060 : i32 to vector<16xi32>
        %parallel_loop3A_1062 = arith.minsi %parallel_loop3A_1053, %parallel_loop3A_1061 : vector<16xi32>
        %parallel_loop3A_1063 = arith.constant 1 : i32
        %parallel_loop3A_1064 = vector.broadcast %parallel_loop3A_1063 : i32 to vector<16xi32>
        %parallel_loop3A_1065 = arith.subi %parallel_loop3A_1059, %parallel_loop3A_1064 : vector<16xi32>
        %parallel_loop3A_1066 = arith.constant 255 : i32
        %parallel_loop3A_1067 = vector.broadcast %parallel_loop3A_1066 : i32 to vector<16xi32>
        %parallel_loop3A_1068 = arith.andi %parallel_loop3A_1065, %parallel_loop3A_1067 : vector<16xi32>
        %parallel_loop3A_1069 = tpu.memref_slice %arg11[%parallel_loop3A_142] : memref<16384xf32, #tpu.memory_space<vmem>> -> memref<256xf32, #tpu.memory_space<vmem>>
        %parallel_loop3A_1070 = tpu.vector_load_idx %parallel_loop3A_1069[%parallel_loop3A_1068] : memref<256xf32, #tpu.memory_space<vmem>>[vector<16xi32>], vector<16xf32>,
        %parallel_loop3A_1071 = arith.constant 1 : i32
        %parallel_loop3A_1072 = vector.broadcast %parallel_loop3A_1071 : i32 to vector<16xi32>
        %parallel_loop3A_1073 = arith.subi %parallel_loop3A_1062, %parallel_loop3A_1072 : vector<16xi32>
        %parallel_loop3A_1074 = tpu.memref_slice %arg11[%parallel_loop3A_142] : memref<16384xf32, #tpu.memory_space<vmem>> -> memref<256xf32, #tpu.memory_space<vmem>>
        %parallel_loop3A_1075 = tpu.vector_load_idx %parallel_loop3A_1074[%parallel_loop3A_1073] : memref<256xf32, #tpu.memory_space<vmem>>[vector<16xi32>], vector<16xf32>,
        %parallel_loop3A_1076 = arith.addi %parallel_loop3A_145, %parallel_loop3A_1059 : vector<16xi32>
        %parallel_loop3A_1077 = tpu.vector_load_idx %arg8[%parallel_loop3A_1076] : memref<8256xf32, #tpu.memory_space<vmem>>[vector<16xi32>], vector<16xf32>,
        %parallel_loop3A_1078 = arith.addi %parallel_loop3A_145, %parallel_loop3A_1062 : vector<16xi32>
        %parallel_loop3A_1079 = tpu.vector_load_idx %arg8[%parallel_loop3A_1078] : memref<8256xf32, #tpu.memory_space<vmem>>[vector<16xi32>], vector<16xf32>,
        %parallel_loop3A_1080 = arith.subf %parallel_loop3A_1075, %parallel_loop3A_1070 : vector<16xf32>
        %parallel_loop3A_1081 = arith.constant 9.99999991E-38 : f32
        %parallel_loop3A_1082 = vector.broadcast %parallel_loop3A_1081 : f32 to vector<16xf32>
        %parallel_loop3A_1083 = arith.maximumf %parallel_loop3A_1080, %parallel_loop3A_1082 : vector<16xf32>
        %parallel_loop3A_1084 = arith.subf %add3A_77, %parallel_loop3A_1070 : vector<16xf32>
        %parallel_loop3A_1085 = arith.divf %parallel_loop3A_1084, %parallel_loop3A_1083 : vector<16xf32>
        %parallel_loop3A_1086 = arith.constant 0.000000e+00 : f32
        %parallel_loop3A_1087 = arith.constant 1.000000e+00 : f32
        %parallel_loop3A_1088 = vector.broadcast %parallel_loop3A_1086 : f32 to vector<16xf32>
        %parallel_loop3A_1089 = arith.maximumf %parallel_loop3A_1088, %parallel_loop3A_1085 : vector<16xf32>
        %parallel_loop3A_1090 = vector.broadcast %parallel_loop3A_1087 : f32 to vector<16xf32>
        %parallel_loop3A_1091 = arith.minimumf %parallel_loop3A_1090, %parallel_loop3A_1089 : vector<16xf32>
        %parallel_loop3A_1092 = arith.subf %parallel_loop3A_1079, %parallel_loop3A_1077 : vector<16xf32>
        %parallel_loop3A_1093 = arith.mulf %parallel_loop3A_1091, %parallel_loop3A_1092 : vector<16xf32>
        %parallel_loop3A_1094 = arith.addf %parallel_loop3A_1077, %parallel_loop3A_1093 : vector<16xf32>
        %parallel_loop3A_1095 = arith.mulf %parallel_loop3A_1094, %parallel_loop3A_151 : vector<16xf32>
        %parallel_loop3A_1096 = arith.addf %parallel_loop3A_149, %parallel_loop3A_1095 : vector<16xf32>
        %parallel_loop3A_1097 = arith.addi %parallel_loop3A_148, %parallel_loop3A_1053 : vector<16xi32>
        %parallel_loop3A_1098 = arith.constant 80 : i32
        %parallel_loop3A_1099 = vector.broadcast %parallel_loop3A_1098 : i32 to vector<16xi32>
        %parallel_loop3A_1100 = arith.addi %iota3A, %parallel_loop3A_1099 : vector<16xi32>
        %parallel_loop3A_1101 = arith.addi %parallel_loop3A_1097, %parallel_loop3A_1100 : vector<16xi32>
        tpu.vector_store_idx %arg13[%parallel_loop3A_1101], %parallel_loop3A_1096 : memref<16512xf32, #tpu.memory_space<vmem>>[vector<16xi32>], vector<16xf32>,
        %parallel_loop3A_1102 = vector.broadcast %parallel_loop3A_791 : i32 to vector<16xi32>
        %parallel_loop3A_1103 = arith.addi %parallel_loop3A_766, %parallel_loop3A_1102 : vector<16xi32>
        %parallel_loop3A_1104 = arith.constant 1 : i32
        %parallel_loop3A_1105 = vector.broadcast %parallel_loop3A_1104 : i32 to vector<16xi32>
        %parallel_loop3A_1106 = arith.subi %parallel_loop3A_1103, %parallel_loop3A_1105 : vector<16xi32>
        %parallel_loop3A_1107 = arith.constant 128 : i32
        %parallel_loop3A_1108 = vector.broadcast %parallel_loop3A_1107 : i32 to vector<16xi32>
        %parallel_loop3A_1109 = arith.minsi %parallel_loop3A_1106, %parallel_loop3A_1108 : vector<16xi32>
        %parallel_loop3A_1110 = arith.constant 128 : i32
        %parallel_loop3A_1111 = vector.broadcast %parallel_loop3A_1110 : i32 to vector<16xi32>
        %parallel_loop3A_1112 = arith.minsi %parallel_loop3A_1103, %parallel_loop3A_1111 : vector<16xi32>
        %parallel_loop3A_1113 = arith.constant 1 : i32
        %parallel_loop3A_1114 = vector.broadcast %parallel_loop3A_1113 : i32 to vector<16xi32>
        %parallel_loop3A_1115 = arith.subi %parallel_loop3A_1109, %parallel_loop3A_1114 : vector<16xi32>
        %parallel_loop3A_1116 = arith.constant 255 : i32
        %parallel_loop3A_1117 = vector.broadcast %parallel_loop3A_1116 : i32 to vector<16xi32>
        %parallel_loop3A_1118 = arith.andi %parallel_loop3A_1115, %parallel_loop3A_1117 : vector<16xi32>
        %parallel_loop3A_1119 = tpu.memref_slice %arg11[%parallel_loop3A_142] : memref<16384xf32, #tpu.memory_space<vmem>> -> memref<256xf32, #tpu.memory_space<vmem>>
        %parallel_loop3A_1120 = tpu.vector_load_idx %parallel_loop3A_1119[%parallel_loop3A_1118] : memref<256xf32, #tpu.memory_space<vmem>>[vector<16xi32>], vector<16xf32>,
        %parallel_loop3A_1121 = arith.constant 1 : i32
        %parallel_loop3A_1122 = vector.broadcast %parallel_loop3A_1121 : i32 to vector<16xi32>
        %parallel_loop3A_1123 = arith.subi %parallel_loop3A_1112, %parallel_loop3A_1122 : vector<16xi32>
        %parallel_loop3A_1124 = tpu.memref_slice %arg11[%parallel_loop3A_142] : memref<16384xf32, #tpu.memory_space<vmem>> -> memref<256xf32, #tpu.memory_space<vmem>>
        %parallel_loop3A_1125 = tpu.vector_load_idx %parallel_loop3A_1124[%parallel_loop3A_1123] : memref<256xf32, #tpu.memory_space<vmem>>[vector<16xi32>], vector<16xf32>,
        %parallel_loop3A_1126 = arith.addi %parallel_loop3A_145, %parallel_loop3A_1109 : vector<16xi32>
        %parallel_loop3A_1127 = tpu.vector_load_idx %arg8[%parallel_loop3A_1126] : memref<8256xf32, #tpu.memory_space<vmem>>[vector<16xi32>], vector<16xf32>,
        %parallel_loop3A_1128 = arith.addi %parallel_loop3A_145, %parallel_loop3A_1112 : vector<16xi32>
        %parallel_loop3A_1129 = tpu.vector_load_idx %arg8[%parallel_loop3A_1128] : memref<8256xf32, #tpu.memory_space<vmem>>[vector<16xi32>], vector<16xf32>,
        %parallel_loop3A_1130 = arith.subf %parallel_loop3A_1125, %parallel_loop3A_1120 : vector<16xf32>
        %parallel_loop3A_1131 = arith.constant 9.99999991E-38 : f32
        %parallel_loop3A_1132 = vector.broadcast %parallel_loop3A_1131 : f32 to vector<16xf32>
        %parallel_loop3A_1133 = arith.maximumf %parallel_loop3A_1130, %parallel_loop3A_1132 : vector<16xf32>
        %parallel_loop3A_1134 = arith.subf %add3A_87, %parallel_loop3A_1120 : vector<16xf32>
        %parallel_loop3A_1135 = arith.divf %parallel_loop3A_1134, %parallel_loop3A_1133 : vector<16xf32>
        %parallel_loop3A_1136 = arith.constant 0.000000e+00 : f32
        %parallel_loop3A_1137 = arith.constant 1.000000e+00 : f32
        %parallel_loop3A_1138 = vector.broadcast %parallel_loop3A_1136 : f32 to vector<16xf32>
        %parallel_loop3A_1139 = arith.maximumf %parallel_loop3A_1138, %parallel_loop3A_1135 : vector<16xf32>
        %parallel_loop3A_1140 = vector.broadcast %parallel_loop3A_1137 : f32 to vector<16xf32>
        %parallel_loop3A_1141 = arith.minimumf %parallel_loop3A_1140, %parallel_loop3A_1139 : vector<16xf32>
        %parallel_loop3A_1142 = arith.subf %parallel_loop3A_1129, %parallel_loop3A_1127 : vector<16xf32>
        %parallel_loop3A_1143 = arith.mulf %parallel_loop3A_1141, %parallel_loop3A_1142 : vector<16xf32>
        %parallel_loop3A_1144 = arith.addf %parallel_loop3A_1127, %parallel_loop3A_1143 : vector<16xf32>
        %parallel_loop3A_1145 = arith.mulf %parallel_loop3A_1144, %parallel_loop3A_151 : vector<16xf32>
        %parallel_loop3A_1146 = arith.addf %parallel_loop3A_149, %parallel_loop3A_1145 : vector<16xf32>
        %parallel_loop3A_1147 = arith.addi %parallel_loop3A_148, %parallel_loop3A_1103 : vector<16xi32>
        %parallel_loop3A_1148 = arith.constant 96 : i32
        %parallel_loop3A_1149 = vector.broadcast %parallel_loop3A_1148 : i32 to vector<16xi32>
        %parallel_loop3A_1150 = arith.addi %iota3A, %parallel_loop3A_1149 : vector<16xi32>
        %parallel_loop3A_1151 = arith.addi %parallel_loop3A_1147, %parallel_loop3A_1150 : vector<16xi32>
        tpu.vector_store_idx %arg13[%parallel_loop3A_1151], %parallel_loop3A_1146 : memref<16512xf32, #tpu.memory_space<vmem>>[vector<16xi32>], vector<16xf32>,
        %parallel_loop3A_1152 = vector.broadcast %parallel_loop3A_794 : i32 to vector<16xi32>
        %parallel_loop3A_1153 = arith.addi %parallel_loop3A_769, %parallel_loop3A_1152 : vector<16xi32>
        %parallel_loop3A_1154 = arith.constant 1 : i32
        %parallel_loop3A_1155 = vector.broadcast %parallel_loop3A_1154 : i32 to vector<16xi32>
        %parallel_loop3A_1156 = arith.subi %parallel_loop3A_1153, %parallel_loop3A_1155 : vector<16xi32>
        %parallel_loop3A_1157 = arith.constant 128 : i32
        %parallel_loop3A_1158 = vector.broadcast %parallel_loop3A_1157 : i32 to vector<16xi32>
        %parallel_loop3A_1159 = arith.minsi %parallel_loop3A_1156, %parallel_loop3A_1158 : vector<16xi32>
        %parallel_loop3A_1160 = arith.constant 128 : i32
        %parallel_loop3A_1161 = vector.broadcast %parallel_loop3A_1160 : i32 to vector<16xi32>
        %parallel_loop3A_1162 = arith.minsi %parallel_loop3A_1153, %parallel_loop3A_1161 : vector<16xi32>
        %parallel_loop3A_1163 = arith.constant 1 : i32
        %parallel_loop3A_1164 = vector.broadcast %parallel_loop3A_1163 : i32 to vector<16xi32>
        %parallel_loop3A_1165 = arith.subi %parallel_loop3A_1159, %parallel_loop3A_1164 : vector<16xi32>
        %parallel_loop3A_1166 = arith.constant 255 : i32
        %parallel_loop3A_1167 = vector.broadcast %parallel_loop3A_1166 : i32 to vector<16xi32>
        %parallel_loop3A_1168 = arith.andi %parallel_loop3A_1165, %parallel_loop3A_1167 : vector<16xi32>
        %parallel_loop3A_1169 = tpu.memref_slice %arg11[%parallel_loop3A_142] : memref<16384xf32, #tpu.memory_space<vmem>> -> memref<256xf32, #tpu.memory_space<vmem>>
        %parallel_loop3A_1170 = tpu.vector_load_idx %parallel_loop3A_1169[%parallel_loop3A_1168] : memref<256xf32, #tpu.memory_space<vmem>>[vector<16xi32>], vector<16xf32>,
        %parallel_loop3A_1171 = arith.constant 1 : i32
        %parallel_loop3A_1172 = vector.broadcast %parallel_loop3A_1171 : i32 to vector<16xi32>
        %parallel_loop3A_1173 = arith.subi %parallel_loop3A_1162, %parallel_loop3A_1172 : vector<16xi32>
        %parallel_loop3A_1174 = tpu.memref_slice %arg11[%parallel_loop3A_142] : memref<16384xf32, #tpu.memory_space<vmem>> -> memref<256xf32, #tpu.memory_space<vmem>>
        %parallel_loop3A_1175 = tpu.vector_load_idx %parallel_loop3A_1174[%parallel_loop3A_1173] : memref<256xf32, #tpu.memory_space<vmem>>[vector<16xi32>], vector<16xf32>,
        %parallel_loop3A_1176 = arith.addi %parallel_loop3A_145, %parallel_loop3A_1159 : vector<16xi32>
        %parallel_loop3A_1177 = tpu.vector_load_idx %arg8[%parallel_loop3A_1176] : memref<8256xf32, #tpu.memory_space<vmem>>[vector<16xi32>], vector<16xf32>,
        %parallel_loop3A_1178 = arith.addi %parallel_loop3A_145, %parallel_loop3A_1162 : vector<16xi32>
        %parallel_loop3A_1179 = tpu.vector_load_idx %arg8[%parallel_loop3A_1178] : memref<8256xf32, #tpu.memory_space<vmem>>[vector<16xi32>], vector<16xf32>,
        %parallel_loop3A_1180 = arith.subf %parallel_loop3A_1175, %parallel_loop3A_1170 : vector<16xf32>
        %parallel_loop3A_1181 = arith.constant 9.99999991E-38 : f32
        %parallel_loop3A_1182 = vector.broadcast %parallel_loop3A_1181 : f32 to vector<16xf32>
        %parallel_loop3A_1183 = arith.maximumf %parallel_loop3A_1180, %parallel_loop3A_1182 : vector<16xf32>
        %parallel_loop3A_1184 = arith.subf %add3A_97, %parallel_loop3A_1170 : vector<16xf32>
        %parallel_loop3A_1185 = arith.divf %parallel_loop3A_1184, %parallel_loop3A_1183 : vector<16xf32>
        %parallel_loop3A_1186 = arith.constant 0.000000e+00 : f32
        %parallel_loop3A_1187 = arith.constant 1.000000e+00 : f32
        %parallel_loop3A_1188 = vector.broadcast %parallel_loop3A_1186 : f32 to vector<16xf32>
        %parallel_loop3A_1189 = arith.maximumf %parallel_loop3A_1188, %parallel_loop3A_1185 : vector<16xf32>
        %parallel_loop3A_1190 = vector.broadcast %parallel_loop3A_1187 : f32 to vector<16xf32>
        %parallel_loop3A_1191 = arith.minimumf %parallel_loop3A_1190, %parallel_loop3A_1189 : vector<16xf32>
        %parallel_loop3A_1192 = arith.subf %parallel_loop3A_1179, %parallel_loop3A_1177 : vector<16xf32>
        %parallel_loop3A_1193 = arith.mulf %parallel_loop3A_1191, %parallel_loop3A_1192 : vector<16xf32>
        %parallel_loop3A_1194 = arith.addf %parallel_loop3A_1177, %parallel_loop3A_1193 : vector<16xf32>
        %parallel_loop3A_1195 = arith.mulf %parallel_loop3A_1194, %parallel_loop3A_151 : vector<16xf32>
        %parallel_loop3A_1196 = arith.addf %parallel_loop3A_149, %parallel_loop3A_1195 : vector<16xf32>
        %parallel_loop3A_1197 = arith.addi %parallel_loop3A_148, %parallel_loop3A_1153 : vector<16xi32>
        %parallel_loop3A_1198 = arith.constant 112 : i32
        %parallel_loop3A_1199 = vector.broadcast %parallel_loop3A_1198 : i32 to vector<16xi32>
        %parallel_loop3A_1200 = arith.addi %iota3A, %parallel_loop3A_1199 : vector<16xi32>
        %parallel_loop3A_1201 = arith.addi %parallel_loop3A_1197, %parallel_loop3A_1200 : vector<16xi32>
        tpu.vector_store_idx %arg13[%parallel_loop3A_1201], %parallel_loop3A_1196 : memref<16512xf32, #tpu.memory_space<vmem>>[vector<16xi32>], vector<16xf32>,
        %parallel_loop3A_1202 = vector.broadcast %parallel_loop3A_797 : i32 to vector<16xi32>
        %parallel_loop3A_1203 = arith.addi %parallel_loop3A_772, %parallel_loop3A_1202 : vector<16xi32>
        %parallel_loop3A_1204 = arith.constant 1 : i32
        %parallel_loop3A_1205 = vector.broadcast %parallel_loop3A_1204 : i32 to vector<16xi32>
        %parallel_loop3A_1206 = arith.subi %parallel_loop3A_1203, %parallel_loop3A_1205 : vector<16xi32>
        %parallel_loop3A_1207 = arith.constant 128 : i32
        %parallel_loop3A_1208 = vector.broadcast %parallel_loop3A_1207 : i32 to vector<16xi32>
        %parallel_loop3A_1209 = arith.minsi %parallel_loop3A_1206, %parallel_loop3A_1208 : vector<16xi32>
        %parallel_loop3A_1210 = arith.constant 128 : i32
        %parallel_loop3A_1211 = vector.broadcast %parallel_loop3A_1210 : i32 to vector<16xi32>
        %parallel_loop3A_1212 = arith.minsi %parallel_loop3A_1203, %parallel_loop3A_1211 : vector<16xi32>
        %parallel_loop3A_1213 = arith.constant 1 : i32
        %parallel_loop3A_1214 = vector.broadcast %parallel_loop3A_1213 : i32 to vector<16xi32>
        %parallel_loop3A_1215 = arith.subi %parallel_loop3A_1209, %parallel_loop3A_1214 : vector<16xi32>
        %parallel_loop3A_1216 = arith.constant 255 : i32
        %parallel_loop3A_1217 = vector.broadcast %parallel_loop3A_1216 : i32 to vector<16xi32>
        %parallel_loop3A_1218 = arith.andi %parallel_loop3A_1215, %parallel_loop3A_1217 : vector<16xi32>
        %parallel_loop3A_1219 = tpu.memref_slice %arg11[%parallel_loop3A_142] : memref<16384xf32, #tpu.memory_space<vmem>> -> memref<256xf32, #tpu.memory_space<vmem>>
        %parallel_loop3A_1220 = tpu.vector_load_idx %parallel_loop3A_1219[%parallel_loop3A_1218] : memref<256xf32, #tpu.memory_space<vmem>>[vector<16xi32>], vector<16xf32>,
        %parallel_loop3A_1221 = arith.constant 1 : i32
        %parallel_loop3A_1222 = vector.broadcast %parallel_loop3A_1221 : i32 to vector<16xi32>
        %parallel_loop3A_1223 = arith.subi %parallel_loop3A_1212, %parallel_loop3A_1222 : vector<16xi32>
        %parallel_loop3A_1224 = tpu.memref_slice %arg11[%parallel_loop3A_142] : memref<16384xf32, #tpu.memory_space<vmem>> -> memref<256xf32, #tpu.memory_space<vmem>>
        %parallel_loop3A_1225 = tpu.vector_load_idx %parallel_loop3A_1224[%parallel_loop3A_1223] : memref<256xf32, #tpu.memory_space<vmem>>[vector<16xi32>], vector<16xf32>,
        %parallel_loop3A_1226 = arith.addi %parallel_loop3A_145, %parallel_loop3A_1209 : vector<16xi32>
        %parallel_loop3A_1227 = tpu.vector_load_idx %arg8[%parallel_loop3A_1226] : memref<8256xf32, #tpu.memory_space<vmem>>[vector<16xi32>], vector<16xf32>,
        %parallel_loop3A_1228 = arith.addi %parallel_loop3A_145, %parallel_loop3A_1212 : vector<16xi32>
        %parallel_loop3A_1229 = tpu.vector_load_idx %arg8[%parallel_loop3A_1228] : memref<8256xf32, #tpu.memory_space<vmem>>[vector<16xi32>], vector<16xf32>,
        %parallel_loop3A_1230 = arith.subf %parallel_loop3A_1225, %parallel_loop3A_1220 : vector<16xf32>
        %parallel_loop3A_1231 = arith.constant 9.99999991E-38 : f32
        %parallel_loop3A_1232 = vector.broadcast %parallel_loop3A_1231 : f32 to vector<16xf32>
        %parallel_loop3A_1233 = arith.maximumf %parallel_loop3A_1230, %parallel_loop3A_1232 : vector<16xf32>
        %parallel_loop3A_1234 = arith.subf %add3A_107, %parallel_loop3A_1220 : vector<16xf32>
        %parallel_loop3A_1235 = arith.divf %parallel_loop3A_1234, %parallel_loop3A_1233 : vector<16xf32>
        %parallel_loop3A_1236 = arith.constant 0.000000e+00 : f32
        %parallel_loop3A_1237 = arith.constant 1.000000e+00 : f32
        %parallel_loop3A_1238 = vector.broadcast %parallel_loop3A_1236 : f32 to vector<16xf32>
        %parallel_loop3A_1239 = arith.maximumf %parallel_loop3A_1238, %parallel_loop3A_1235 : vector<16xf32>
        %parallel_loop3A_1240 = vector.broadcast %parallel_loop3A_1237 : f32 to vector<16xf32>
        %parallel_loop3A_1241 = arith.minimumf %parallel_loop3A_1240, %parallel_loop3A_1239 : vector<16xf32>
        %parallel_loop3A_1242 = arith.subf %parallel_loop3A_1229, %parallel_loop3A_1227 : vector<16xf32>
        %parallel_loop3A_1243 = arith.mulf %parallel_loop3A_1241, %parallel_loop3A_1242 : vector<16xf32>
        %parallel_loop3A_1244 = arith.addf %parallel_loop3A_1227, %parallel_loop3A_1243 : vector<16xf32>
        %parallel_loop3A_1245 = arith.mulf %parallel_loop3A_1244, %parallel_loop3A_151 : vector<16xf32>
        %parallel_loop3A_1246 = arith.addf %parallel_loop3A_149, %parallel_loop3A_1245 : vector<16xf32>
        %parallel_loop3A_1247 = arith.addi %parallel_loop3A_148, %parallel_loop3A_1203 : vector<16xi32>
        %parallel_loop3A_1248 = arith.constant 128 : i32
        %parallel_loop3A_1249 = vector.broadcast %parallel_loop3A_1248 : i32 to vector<16xi32>
        %parallel_loop3A_1250 = arith.addi %iota3A, %parallel_loop3A_1249 : vector<16xi32>
        %parallel_loop3A_1251 = arith.addi %parallel_loop3A_1247, %parallel_loop3A_1250 : vector<16xi32>
        %parallel_loop3A_1252 = arith.constant 128 : i32
        %parallel_loop3A_1253 = vector.broadcast %parallel_loop3A_1252 : i32 to vector<16xi32>
        %parallel_loop3A_1254 = arith.addi %iota3A, %parallel_loop3A_1253 : vector<16xi32>
        %parallel_loop3A_1255 = arith.constant 129 : i32
        %parallel_loop3A_1256 = vector.broadcast %parallel_loop3A_1255 : i32 to vector<16xi32>
        %parallel_loop3A_1257 = arith.cmpi slt, %parallel_loop3A_1254, %parallel_loop3A_1256 : vector<16xi32>
        tpu.vector_store_idx %arg13[%parallel_loop3A_1251], %parallel_loop3A_1246 masked %parallel_loop3A_1257 : memref<16512xf32, #tpu.memory_space<vmem>>[vector<16xi32>], vector<16xf32>, vector<16xi1>
      } {sc.loop_unroll_factor = 8 : i64, sc.parallel_access}
      %mul3A_133 = arith.constant 258 : i32
      %mul3A_134 = arith.muli %add3A_116, %mul3A_133 : i32
      "tpu.region"() ({
        %run_scoped3A = tpu.sem_alloc : memref<!tpu.dma_semaphore, #tpu.memory_space<semaphore_mem>>
        %dma_start3A = tpu.memref_slice %arg6[%mul3A_134] : memref<16908288xf32, #tpu.memory_space<hbm>> -> memref<16512xf32, #tpu.memory_space<hbm>>
        %dma_start3A_135 = tpu.memref_slice %arg6[%mul3A_134] : memref<16908288xf32, #tpu.memory_space<hbm>> -> memref<16512xf32, #tpu.memory_space<hbm>>
        tpu.enqueue_dma source(%arg13 : memref<16512xf32, #tpu.memory_space<vmem>>) target(%dma_start3A_135 : memref<16512xf32, #tpu.memory_space<hbm>>) target_semaphore(%run_scoped3A : memref<!tpu.dma_semaphore, #tpu.memory_space<semaphore_mem>>)
        %dma_wait3A = tpu.memref_slice %arg6[%mul3A_134] : memref<16908288xf32, #tpu.memory_space<hbm>> -> memref<16512xf32, #tpu.memory_space<hbm>>
        %dma_wait3A_136 = tpu.memref_slice %arg6[%mul3A_134] : memref<16908288xf32, #tpu.memory_space<hbm>> -> memref<16512xf32, #tpu.memory_space<hbm>>
        tpu.wait_dma2 semaphore(%run_scoped3A : memref<!tpu.dma_semaphore, #tpu.memory_space<semaphore_mem>>) src(%arg13 : memref<16512xf32, #tpu.memory_space<vmem>>) dst(%dma_wait3A_136 : memref<16512xf32, #tpu.memory_space<hbm>>)
        tpu.yield
      }) : () -> ()
    }
    %scan3A_112 = arith.constant 32 : i32
    return
  }
}

</mosaic_0001>

<sc_bundles>
// kernel: kernel.3.cloned.1.call-start
scs
__scs_entry_jumppad:
0x0: {  	(pc) =	sbr.rel $0x88, $3  }
0x1: {  	(tag) =	ssettag $0x0;
	lr =	simm.s32 $0x1  }
0x2: {  	[smem:$0x3F9D] =	sst lr;
	_ =	strace $0xD0000000  }
0x3: {  	_ = 	snop  }
0x4: {  	_ = 	snop  }
0x5: {  	_ = 	snop  }
0x6: {  	_ = 	snop  }
0x7: {  	_ = 	snop  }
__scs_overlays_trampoline_lowered:
0x8: {  	[smem:$0x3FAC] =	sst s0  }
0x9: {  	[smem:$0x3FAD] =	sst s1  }
0xa: {  	[smem:$0x3FAE] =	sst s2  }
0xb: {  	[smem:$0x3FAF] =	sst s3  }
0xc: {  	[smem:$0x3FB0] =	sst s4  }
0xd: {  	[smem:$0x3FB1] =	sst s5  }
0xe: {  	[smem:$0x3FB2] =	sst s6  }
0xf: {  	[smem:$0x3FB3] =	sst s7  }
0x10: {  	[smem:$0x3FB4] =	sst s8  }
0x11: {  	[smem:$0x3FB5] =	sst s9;
	s0 =	simm.s32 @!p0 $0x0  }
0x12: {  	s1 =	sld [smem:$0x3F9B];
	s0 =	simm.s32 @p0 $0x1  }
0x13: {  	[smem:$0x3FB6] =	sst s0;
	s0 =	simm.s32 @!p1 $0x0  }
0x14: {  	s2 =	sld [smem:$0x3F9A];
	s0 =	simm.s32 @p1 $0x1  }
0x15: {  	[smem:$0x3FB7] =	sst s0;
	s0 =	simm.s32 @!p2 $0x0  }
0x16: {  	s3 =	sld [smem:$0x3FDB];
	s0 =	simm.s32 @p2 $0x1  }
0x17: {  	s4 =	simm.s32 $0x1BF5;
	[smem:$0x3FB9] =	sst s0  }
0x18: {  	s0 =	sld [smem:$0x3F9C];
	_ =	swait.ge [sflag:s4], $0x0  }
0x19: {  	s7 =	sld [smem:$0x3F9D]  }
0x1a: {  	s8 =	sadd.s32 $0xFFFFE003, lr  }
0x1b: {  	s9 =	sadd.s32 $0xFFFFFEF7, lr;
	s5 =	simm.s32 $0xFFFFFFFF;
	p2 =	slt.u32 s8, $0xFFFFF086  }
0x1c: {  	p1 =	slt.u32 s9, $0xF7A;
	s5 =	simm.s32 @!p2 $0x0  }
0x1d: {  	s5 =	simm.s32 @p1 $0x1;
	p0 =	seq.s32 s7, s2  }
0x1e: {  	s7 =	smul.u32 @!p0 $0xF7A, s2;
	p2 =	seq.s32 @!p0 s5, $0x0  }
0x1f: {  	s9 =	smul.u32 $0xF7A, s1;
	s8 =	simm.s32 @!p0 $0x1BF5;
	p2 =	por !p2, p0  }
0x20: {  	[sflag:s8] =	ssyncset.s32 @!p0 $0xFFFFF086;
	s6 =	sadd.s32 @!p0 s3, s7;
	s7 =	simm.s32 @!p0 $0x108  }
0x21: {  	s3 =	sadd.s32 s3, s9;
	s6 =	sadd.s32 @!p0 $0x88, s6;
	s7 =	simm.s32 @p2 $0x1082  }
0x22: {  	[simem:s7], [sflag:s8] =	dma.local @!p0 [hbm:s6], $0xF7A  }
0x23: {  	s9 =	sor.u32 $0xD0000000, s2;
	s6 =	simm.s32 $0x108;
	_ =	swait.ge @!p0 [sflag:s8], $0x0  }
0x24: {  	s3 =	sadd.s32 $0x88, s3;
	s6 =	simm.s32 @!p1 $0x1082;
	[sflag:s4] =	ssyncset.s32 $0xFFFFF086  }
0x25: {  	[simem:s6], [sflag:s4] =	dma.local [hbm:s3], $0xF7A  }
0x26: {  	[smem:$0x3F9D] =	sst s1;
	(tag) =	ssettag s2;
	_ =	strace s9  }
0x27: {  	s1 =	sld [smem:$0x3FAD]  }
0x28: {  	s2 =	sld [smem:$0x3FAE]  }
0x29: {  	s4 =	sld [smem:$0x3FB0]  }
0x2a: {  	p0 =	seq.s32 s5, $0x0;
	s5 =	sld [smem:$0x3FB1]  }
0x2b: {  	s6 =	sld [smem:$0x3FB2]  }
0x2c: {  	s7 =	sld [smem:$0x3FB3]  }
0x2d: {  	s3 =	simm.s32 $0x108;
	s8 =	sld [smem:$0x3FB4]  }
0x2e: {  	s3 =	simm.s32 @!p0 $0x1082;
	s9 =	sld [smem:$0x3FB5]  }
0x2f: {  	lr =	sadd.s32 s0, s3;
	s0 =	sld [smem:$0x3FAC]  }
0x30: {  	s3 =	sld [smem:$0x3FAF]  }
0x31: {  	[smem:$0x3FB8] =	sst s10  }
0x32: {  	s10 =	sld [smem:$0x3FB6];
	_ =	sdelay $0x3  }
0x33: {  	p0 =	seq.s32 s10, $0x1;
	s10 =	sld [smem:$0x3FB8];
	_ =	sdelay $0x3  }
0x34: {  	[smem:$0x3FB8] =	sst s10  }
0x35: {  	s10 =	sld [smem:$0x3FB7];
	_ =	sdelay $0x3  }
0x36: {  	p1 =	seq.s32 s10, $0x1;
	s10 =	sld [smem:$0x3FB8];
	_ =	sdelay $0x3  }
0x37: {  	[smem:$0x3FB8] =	sst s10  }
0x38: {  	s10 =	sld [smem:$0x3FB9]  }
0x39: {  	_ = 	snop;
	(pc) =	sbr.ind lr, $3  }
0x3a: {  	_ = 	snop  }
0x3b: {  	_ = 	snop  }
0x3c: {  	p2 =	seq.s32 s10, $0x1;
	s10 =	sld [smem:$0x3FB8]  }
0x3d: {  	_ =	shalt  }
0x3e: {  	_ =	shalt  }
0x3f: {  	_ =	shalt  }
0x40: {  	_ =	shalt  }
0x41: {  	_ =	shalt  }
0x42: {  	_ =	shalt  }
0x43: {  	_ =	shalt  }
0x44: {  	_ =	shalt  }
0x45: {  	_ =	shalt  }
0x46: {  	_ =	shalt  }
0x47: {  	_ =	shalt  }
0x48: {  	_ =	shalt  }
0x49: {  	_ =	shalt  }
0x4a: {  	_ =	shalt  }
0x4b: {  	_ =	shalt  }
0x4c: {  	_ =	shalt  }
0x4d: {  	_ =	shalt  }
0x4e: {  	_ =	shalt  }
0x4f: {  	_ =	shalt  }
0x50: {  	_ =	shalt  }
0x51: {  	_ =	shalt  }
0x52: {  	_ =	shalt  }
0x53: {  	_ =	shalt  }
0x54: {  	_ =	shalt  }
0x55: {  	_ =	shalt  }
0x56: {  	_ =	shalt  }
0x57: {  	_ =	shalt  }
0x58: {  	_ =	shalt  }
0x59: {  	_ =	shalt  }
0x5a: {  	_ =	shalt  }
0x5b: {  	_ =	shalt  }
0x5c: {  	_ =	shalt  }
0x5d: {  	_ =	shalt  }
0x5e: {  	_ =	shalt  }
0x5f: {  	_ =	shalt  }
0x60: {  	_ =	shalt  }
0x61: {  	_ =	shalt  }
0x62: {  	_ =	shalt  }
0x63: {  	_ =	shalt  }
0x64: {  	_ =	shalt  }
0x65: {  	_ =	shalt  }
0x66: {  	_ =	shalt  }
0x67: {  	_ =	shalt  }
0x68: {  	_ =	shalt  }
0x69: {  	_ =	shalt  }
0x6a: {  	_ =	shalt  }
0x6b: {  	_ =	shalt  }
0x6c: {  	_ =	shalt  }
0x6d: {  	_ =	shalt  }
0x6e: {  	_ =	shalt  }
0x6f: {  	_ =	shalt  }
0x70: {  	_ =	shalt  }
0x71: {  	_ =	shalt  }
0x72: {  	_ =	shalt  }
0x73: {  	_ =	shalt  }
0x74: {  	_ =	shalt  }
0x75: {  	_ =	shalt  }
0x76: {  	_ =	shalt  }
0x77: {  	_ =	shalt  }
0x78: {  	_ =	shalt  }
0x79: {  	_ =	shalt  }
0x7a: {  	_ =	shalt  }
0x7b: {  	_ =	shalt  }
0x7c: {  	_ =	shalt  }
0x7d: {  	_ =	shalt  }
0x7e: {  	_ =	shalt  }
0x7f: {  	_ =	shalt  }
0x80: {  	_ =	shalt  }
0x81: {  	_ =	shalt  }
0x82: {  	_ =	shalt  }
0x83: {  	_ =	shalt  }
0x84: {  	_ =	shalt  }
0x85: {  	_ =	shalt  }
0x86: {  	_ =	shalt  }
0x87: {  	_ =	shalt  }
.Lfunc_end0:
.L_simem_size_0:
called_computation.1_lowered:
.L_overlay_start_0:
0x88: {  	s2 =	sld [smem:$0x3FD9]  }
0x89: {  	s3 =	sld [smem:$0x3FFE];
	_ =	sdelay $0x1  }
0x8a: {  	s1 =	srdreg.scid  }
0x8b: {  	s0 =	sand.u32 $0x1, s1  }
0x8c: {  	s17 =	sshll.u32 s0, $0xA;
	s2 =	sadd.s32 s3, s2  }
0x8d: {  	s2 =	sadd.s32 s2, s17  }
0x8e: {  	[smem:$0x3FC4] =	sst s2  }
0x8f: {  	_ = 	snop  }
0x90: {  	s2 =	sld [smem:$0x3FC9]  }
0x91: {  	s18 =	sld [smem:$0x3FC7]  }
0x92: {  	s4 =	sld [smem:$0x3FC6]  }
0x93: {  	s5 =	sld [smem:$0x3FD0];
	(tm) =	ssettm $0x1  }
0x94: {  	s6 =	sld [smem:$0x3FFB];
	_ =	sdelay $0x3  }
0x95: {  	_ =	strace s6  }
0x96: {  	s6 =	sld [smem:$0x3FFC];
	_ =	sdelay $0x3  }
0x97: {  	_ =	strace s6  }
0x98: {  	s6 =	sld [smem:$0x3FFD];
	_ =	sdelay $0x3  }
0x99: {  	_ =	strace s6  }
0x9a: {  	_ =	strace $0x8FFFFFFF  }
0x9b: {  	s19 =	sld [smem:$0x3FDB];
	_ =	sdelay $0x1  }
0x9c: {  	s7 =	simm.s32 $_scs_section_size  }
0x9d: {  	s8 =	simm.s32 $_size__tile_overlayer_lowered;
	s9 =	simm.s32 $_tile_overlayer_lowered  }
0x9e: {  	s22 =	simm.s32 $0x1BFF;
	s21 =	sshll.u32 s9, $0x1;
	s6 =	sadd.s32 s7, s19  }
0x9f: {  	s10 =	simm.s32 $0x0;
	s20 =	sshll.u32 s8, $0x1;
	s8 =	sadd.s32 s21, s6  }
0xa0: {  	[timem:s10], [sflag:s22] =	dma.local [hbm:s8], s20  }
0xa1: {  	_ =	swait.ge [sflag:s22], s20  }
0xa2: {  	s7 =	ssub.s32 $0x0, s20;
	[sflag:s22] =	ssyncset.done $0x0  }
0xa3: {  	[sflag:s22] =	ssyncadd.s32 s7;
	_ =	sdelay $0x1  }
0xa4: {  	s23 =	simm.s32 $0x1B8B  }
0xa5: {  	_ =	swait.ge [sflag:s23], $0x1  }
0xa6: {  	[sflag:s23] =	ssyncset.done $0x0  }
0xa7: {  	s25 =	simm.s32 $0x1B8E;
	s24 =	sld [smem:$0x3FFE];
	[sflag:s23] =	ssyncadd.s32 $0xFFFFFFFF  }
0xa8: {  	s26 =	simm.s32 $execute0_lowered;
	[smem:$0x3FD2] =	sst s25  }
0xa9: {  	s8 =	sshll.u32 s26, $0x1;
	_ =	strace $0x80000046;
	[dreg:$0x1] =	wrdreg $0xFFFFFFFF  }
0xaa: {  	s28 =	simm.s32 $_size_execute0_lowered;
	s6 =	sadd.s32 s6, s8;
	[dreg:$0x0] =	wrdreg $0x0  }
0xab: {  	s8 =	sshll.u32 s28, $0x1;
	[dreg:$0x2] =	wrdreg s6  }
0xac: {  	[dreg:$0x3] =	wrdreg s8  }
0xad: {  	[dreg:$0x4] =	wrdreg $0xC0  }
0xae: {  	_ =	task [dreg:s10], $0x5FFFF  }
0xaf: {  	[dreg:$0x1] =	wrdreg $0xFFFFFFFF  }
0xb0: {  	[dreg:$0x0] =	wrdreg $0x60  }
0xb1: {  	[dreg:$0x2] =	wrdreg s2  }
0xb2: {  	[dreg:$0x3] =	wrdreg s24  }
0xb3: {  	[dreg:$0x4] =	wrdreg s18  }
0xb4: {  	[dreg:$0x5] =	wrdreg s4  }
0xb5: {  	[dreg:$0x6] =	wrdreg s5  }
0xb6: {  	[dreg:$0x7] =	wrdreg $0x9  }
0xb7: {  	_ =	task.clear_ibuf [dreg:s10], $0x8FFFF;
	_ =	strace $0x90000046  }
0xb8: {  	s29 =	simm.s32 $0x9;
	_ =	strace $0x80000048  }
0xb9: {  	_ =	swait.ge [sflag:s29], $0x1  }
0xba: {  	[sflag:s29] =	ssyncadd.s32 $0xFFFFFFFF  }
0xbb: {  	_ =	strace $0x90000048  }
0xbc: {  	_ =	sfence  }
0xbd: {  	s30 =	sld [smem:$0x0];
	_ =	sdelay $0x2  }
0xbe: {  	s31 =	sshll.u32 s1, $0xD;
	s1 =	sshrl.u32 s1, $0x2  }
0xbf: {  	s3 =	sand.u32 $0x4000, s31;
	s1 =	sadd.s32 s1, s30  }
0xc0: {  	s0 =	sor.u32 s3, s0;
	s1 =	sshll.u32 s1, $0x11  }
0xc1: {  	s0 =	sor.u32 s1, s0  }
0xc2: {  	s0 =	sadd.s32 $0x8F2B, s0  }
0xc3: {  	[sflag:s0] =	ssyncadd.remote.s32 $0x1  }
0xc4: {  	_ =	sfence.sel $0xFFFF  }
0xc5: {  	[dreg:$0x0] =	wrdreg $0xFFFFFFFF;
	(pc) =	sbr.abs _section_cstart, $3  }
0xc6: {  	[dreg:$0x1] =	wrdreg $0xFFFFFFFF  }
0xc7: {  	_ =	task.clear_ibuf [dreg:s10], $0x2FFFF;
	_ =	strace $0x9FFFFFFF  }
0xc8: {  	(tm) =	ssettm $0x7FFFFFFF  }
0xc9: {  	_ =	shalt  }
tec
execute0_lowered:
.L_overlay_start_1:
0x0: {  	(tag) =	ssettag $0x1  }
0x1: {  	v0 =	vlaneseq.u32  }
0x2: {  	vm4 =	vcmask $0x300;
	v6 =	vimm.s32 $0x0;
	v8 =	vimm.f32 $1.600000000e+01  }
0x3: {  	vm14 =	vcmask $0x704;
	vm6 =	vcmask $0xB08;
	v9 =	vimm.f32 $3.200000000e+01  }
0x4: {  	vm7 =	vcmask $0xF0C;
	vm8 =	vcmask $0x1310;
	vm9 =	vcmask $0x1714  }
0x5: {  	vm10 =	vcmask $0x1B18;
	vm11 =	vcmask $0x1F1C;
	vm12 =	vcmask $0x2320  }
0x6: {  	vm13 =	vcmask $0x2724;
	vm5 =	vcmask $0x2B28;
	vm3 =	vcmask $0x2F2C  }
0x7: {  	vm2 =	vcmask $0x3330;
	vm1 =	vcmask $0x3734;
	vm0 =	vcmask $0x3B38  }
0x8: {  	v12 =	vimm.f32 $4.800000000e+01;
	v14 =	vimm.f32 $6.400000000e+01;
	v15 =	vimm.f32 $8.000000000e+01  }
0x9: {  	v19 =	vimm.f32 $9.600000000e+01;
	v20 =	vimm.f32 $1.120000000e+02;
	v21 =	vimm.f32 $1.280000000e+02  }
0xa: {  	v25 =	vimm.f32 $1.201550360e-01;
	v26 =	vimm.f32 $2.441860440e-01;
	v27 =	vimm.f32 $3.682170510e-01  }
0xb: {  	v30 =	vimm.f32 $4.922480580e-01;
	v31 =	vimm.f32 $6.162790650e-01;
	v32 =	vimm.f32 $7.403100730e-01  }
0xc: {  	v36 =	vimm.f32 $8.643410800e-01;
	v37 =	vimm.f32 $9.883720870e-01;
	v38 =	vimm.f32 $1.112403150e+00  }
0xd: {  	v5 =	vmul.u32 $0x100, v0;
	v3 =	vsel vm4, $0x1, v6;
	v8 =	vsel vm4, $0x3F800000, v8  }
0xe: {  	v9 =	vsel vm4, $0x41880000, v9;
	v13 =	vsel vm4, $0x42040000, v12;
	v12 =	vadd.s32 $0x11, v0  }
0xf: {  	v14 =	vsel vm4, $0x42440000, v14;
	v15 =	vsel vm4, $0x42820000, v15;
	v18 =	vadd.s32 $0x41, v0  }
0x10: {  	v19 =	vsel vm4, $0x42A20000, v19;
	v20 =	vsel vm4, $0x42C20000, v20;
	v21 =	vsel vm4, $0x42E20000, v21  }
0x11: {  	v24 =	vadd.s32 $0x71, v0;
	v25 =	vsel vm4, $0x3B7E03F8, v25;
	v26 =	vsel vm4, $0x3E02FA0C, v26  }
0x12: {  	v27 =	vsel vm4, $0x3E80FE04, v27;
	v63 =	vor.u32 $0x10, v0;
	v2 =	vor.u32 $0x20, v0  }
0x13: {  	v30 =	vsel vm4, $0x3EC07F02, v30;
	v31 =	vsel vm4, $0x3F000000, v31;
	v32 =	vsel vm4, $0x3F1FC07F, v32  }
0x14: {  	v35 =	vor.u32 $0x30, v0;
	v61 =	vor.u32 $0x40, v0;
	v60 =	vor.u32 $0x50, v0  }
0x15: {  	v36 =	vsel vm4, $0x3F3F80FE, v36;
	v37 =	vsel vm4, $0x3F5F417D, v37;
	v38 =	vsel vm4, $0x3F7F01FC, v38  }
0x16: {  	v8 =	vsel vm14, $0x40000000, v8;
	v9 =	vsel vm14, $0x41900000, v9;
	v13 =	vsel vm14, $0x42080000, v13  }
0x17: {  	v14 =	vsel vm14, $0x42480000, v14;
	v15 =	vsel vm14, $0x42840000, v15;
	v19 =	vsel vm14, $0x42A40000, v19  }
0x18: {  	v20 =	vsel vm14, $0x42C40000, v20;
	v21 =	vsel vm14, $0x42E40000, v21;
	v25 =	vsel vm14, $0x3C3E82FA, v25  }
0x19: {  	v26 =	vsel vm14, $0x3E0AEA2C, v26;
	v27 =	vsel vm14, $0x3E84F614, v27;
	v30 =	vsel vm14, $0x3EC47712, v30  }
0x1a: {  	v31 =	vsel vm14, $0x3F01FC08, v31;
	v32 =	vsel vm14, $0x3F21BC87, v32;
	v36 =	vsel vm14, $0x3F417D06, v36  }
0x1b: {  	v37 =	vsel vm14, $0x3F613D85, v37;
	v38 =	vsel vm14, $0x3F807F02, v38;
	v1 =	vor.u32 $0xFF, v5  }
0x1c: {  	v8 =	vsel vm6, $0x40400000, v8;
	v9 =	vsel vm6, $0x41980000, v9;
	v13 =	vsel vm6, $0x420C0000, v13  }
0x1d: {  	v14 =	vsel vm6, $0x424C0000, v14;
	v15 =	vsel vm6, $0x42860000, v15;
	v19 =	vsel vm6, $0x42A60000, v19  }
0x1e: {  	v20 =	vsel vm6, $0x42C60000, v20;
	v21 =	vsel vm6, $0x42E60000, v21;
	v25 =	vsel vm6, $0x3C9EC27B, v25  }
0x1f: {  	v26 =	vsel vm6, $0x3E12DA4C, v26;
	v27 =	vsel vm6, $0x3E88EE24, v27;
	v30 =	vsel vm6, $0x3EC86F22, v30  }
0x20: {  	v31 =	vsel vm6, $0x3F03F810, v31;
	v32 =	vsel vm6, $0x3F23B88F, v32;
	v36 =	vsel vm6, $0x3F43790E, v36  }
0x21: {  	v37 =	vsel vm6, $0x3F63398D, v37;
	v38 =	vsel vm6, $0x3F817D06, v38;
	[tilespmem:$0x1FF80] =	vst v1;
	v1 =	vor.u32 $0x10FF, v5  }
0x22: {  	v8 =	vsel vm7, $0x40800000, v8;
	v9 =	vsel vm7, $0x41A00000, v9;
	v13 =	vsel vm7, $0x42100000, v13  }
0x23: {  	v14 =	vsel vm7, $0x42500000, v14;
	v15 =	vsel vm7, $0x42880000, v15;
	v19 =	vsel vm7, $0x42A80000, v19  }
0x24: {  	v20 =	vsel vm7, $0x42C80000, v20;
	v21 =	vsel vm7, $0x42E80000, v21;
	v25 =	vsel vm7, $0x3CDE4379, v25  }
0x25: {  	v26 =	vsel vm7, $0x3E1ACA6B, v26;
	v27 =	vsel vm7, $0x3E8CE634, v27;
	v30 =	vsel vm7, $0x3ECC6732, v30  }
0x26: {  	v31 =	vsel vm7, $0x3F05F418, v31;
	v32 =	vsel vm7, $0x3F25B497, v32;
	v36 =	vsel vm7, $0x3F457516, v36  }
0x27: {  	v37 =	vsel vm7, $0x3F653595, v37;
	v38 =	vsel vm7, $0x3F827B0A, v38;
	[tilespmem:$0x1FF90] =	vst v1;
	v1 =	vor.u32 $0x20FF, v5  }
0x28: {  	v8 =	vsel vm8, $0x40A00000, v8;
	v9 =	vsel vm8, $0x41A80000, v9;
	v13 =	vsel vm8, $0x42140000, v13  }
0x29: {  	v14 =	vsel vm8, $0x42540000, v14;
	v15 =	vsel vm8, $0x428A0000, v15;
	v19 =	vsel vm8, $0x42AA0000, v19  }
0x2a: {  	v20 =	vsel vm8, $0x42CA0000, v20;
	v21 =	vsel vm8, $0x42EA0000, v21;
	v25 =	vsel vm8, $0x3D0EE23C, v25  }
0x2b: {  	v26 =	vsel vm8, $0x3E22BA8B, v26;
	v27 =	vsel vm8, $0x3E90DE44, v27;
	v30 =	vsel vm8, $0x3ED05F42, v30  }
0x2c: {  	v31 =	vsel vm8, $0x3F07F020, v31;
	v32 =	vsel vm8, $0x3F27B09F, v32;
	v36 =	vsel vm8, $0x3F47711E, v36  }
0x2d: {  	v37 =	vsel vm8, $0x3F67319D, v37;
	v38 =	vsel vm8, $0x3F83790E, v38;
	[tilespmem:$0x1FFA0] =	vst v1;
	v1 =	vor.u32 $0x30FF, v5  }
0x2e: {  	v8 =	vsel vm9, $0x40C00000, v8;
	v9 =	vsel vm9, $0x41B00000, v9;
	v13 =	vsel vm9, $0x42180000, v13  }
0x2f: {  	v14 =	vsel vm9, $0x42580000, v14;
	v15 =	vsel vm9, $0x428C0000, v15;
	v19 =	vsel vm9, $0x42AC0000, v19  }
0x30: {  	v20 =	vsel vm9, $0x42CC0000, v20;
	v21 =	vsel vm9, $0x42EC0000, v21;
	v25 =	vsel vm9, $0x3D2EA2BA, v25  }
0x31: {  	v26 =	vsel vm9, $0x3E2AAAAB, v26;
	v27 =	vsel vm9, $0x3E94D653, v27;
	v30 =	vsel vm9, $0x3ED45751, v30  }
0x32: {  	v31 =	vsel vm9, $0x3F09EC28, v31;
	v32 =	vsel vm9, $0x3F29ACA7, v32;
	v36 =	vsel vm9, $0x3F496D26, v36  }
0x33: {  	v37 =	vsel vm9, $0x3F692DA5, v37;
	v38 =	vsel vm9, $0x3F847712, v38;
	v8 =	vsel vm10, $0x40E00000, v8  }
0x34: {  	v9 =	vsel vm10, $0x41B80000, v9;
	v13 =	vsel vm10, $0x421C0000, v13;
	v14 =	vsel vm10, $0x425C0000, v14  }
0x35: {  	v15 =	vsel vm10, $0x428E0000, v15;
	v19 =	vsel vm10, $0x42AE0000, v19;
	v20 =	vsel vm10, $0x42CE0000, v20  }
0x36: {  	v21 =	vsel vm10, $0x42EE0000, v21;
	v25 =	vsel vm10, $0x3D4E633A, v25;
	v26 =	vsel vm10, $0x3E329ACA, v26  }
0x37: {  	v27 =	vsel vm10, $0x3E98CE63, v27;
	v30 =	vsel vm10, $0x3ED84F61, v30;
	v31 =	vsel vm10, $0x3F0BE830, v31  }
0x38: {  	v32 =	vsel vm10, $0x3F2BA8AF, v32;
	v36 =	vsel vm10, $0x3F4B692E, v36;
	v37 =	vsel vm10, $0x3F6B29AD, v37  }
0x39: {  	v38 =	vsel vm10, $0x3F857516, v38;
	v8 =	vsel vm11, $0x41000000, v8;
	v9 =	vsel vm11, $0x41C00000, v9  }
0x3a: {  	v13 =	vsel vm11, $0x42200000, v13;
	v14 =	vsel vm11, $0x42600000, v14;
	v15 =	vsel vm11, $0x42900000, v15  }
0x3b: {  	v19 =	vsel vm11, $0x42B00000, v19;
	v20 =	vsel vm11, $0x42D00000, v20;
	v21 =	vsel vm11, $0x42F00000, v21  }
0x3c: {  	v25 =	vsel vm11, $0x3D6E23B8, v25;
	v26 =	vsel vm11, $0x3E3A8AEA, v26;
	v27 =	vsel vm11, $0x3E9CC673, v27  }
0x3d: {  	v30 =	vsel vm11, $0x3EDC4771, v30;
	v31 =	vsel vm11, $0x3F0DE438, v31;
	v32 =	vsel vm11, $0x3F2DA4B7, v32  }
0x3e: {  	v36 =	vsel vm11, $0x3F4D6536, v36;
	v37 =	vsel vm11, $0x3F6D25B5, v37;
	v38 =	vsel vm11, $0x3F86731A, v38  }
0x3f: {  	v8 =	vsel vm12, $0x41100000, v8;
	v9 =	vsel vm12, $0x41C80000, v9;
	v13 =	vsel vm12, $0x42240000, v13  }
0x40: {  	v14 =	vsel vm12, $0x42640000, v14;
	v15 =	vsel vm12, $0x42920000, v15;
	v19 =	vsel vm12, $0x42B20000, v19  }
0x41: {  	v20 =	vsel vm12, $0x42D20000, v20;
	v21 =	vsel vm12, $0x42F20000, v21;
	v25 =	vsel vm12, $0x3D86F21C, v25  }
0x42: {  	v26 =	vsel vm12, $0x3E427B0A, v26;
	v27 =	vsel vm12, $0x3EA0BE83, v27;
	v30 =	vsel vm12, $0x3EE03F81, v30  }
0x43: {  	v31 =	vsel vm12, $0x3F0FE040, v31;
	v32 =	vsel vm12, $0x3F2FA0BE, v32;
	v36 =	vsel vm12, $0x3F4F613E, v36  }
0x44: {  	v37 =	vsel vm12, $0x3F6F21BC, v37;
	v38 =	vsel vm12, $0x3F87711E, v38;
	v8 =	vsel vm13, $0x41200000, v8  }
0x45: {  	v9 =	vsel vm13, $0x41D00000, v9;
	v13 =	vsel vm13, $0x42280000, v13;
	v14 =	vsel vm13, $0x42680000, v14  }
0x46: {  	v15 =	vsel vm13, $0x42940000, v15;
	v19 =	vsel vm13, $0x42B40000, v19;
	v20 =	vsel vm13, $0x42D40000, v20  }
0x47: {  	v21 =	vsel vm13, $0x42F40000, v21;
	v25 =	vsel vm13, $0x3D96D25C, v25;
	v26 =	vsel vm13, $0x3E4A6B2A, v26  }
0x48: {  	v27 =	vsel vm13, $0x3EA4B693, v27;
	v30 =	vsel vm13, $0x3EE43791, v30;
	v31 =	vsel vm13, $0x3F11DC47, v31  }
0x49: {  	v32 =	vsel vm13, $0x3F319CC6, v32;
	v36 =	vsel vm13, $0x3F515D45, v36;
	v37 =	vsel vm13, $0x3F711DC4, v37  }
0x4a: {  	v38 =	vsel vm13, $0x3F886F22, v38;
	v8 =	vsel vm5, $0x41300000, v8;
	v9 =	vsel vm5, $0x41D80000, v9  }
0x4b: {  	v13 =	vsel vm5, $0x422C0000, v13;
	v14 =	vsel vm5, $0x426C0000, v14;
	v15 =	vsel vm5, $0x42960000, v15  }
0x4c: {  	v19 =	vsel vm5, $0x42B60000, v19;
	v20 =	vsel vm5, $0x42D60000, v20;
	v21 =	vsel vm5, $0x42F60000, v21  }
0x4d: {  	v25 =	vsel vm5, $0x3DA6B29B, v25;
	v26 =	vsel vm5, $0x3E525B4A, v26;
	v27 =	vsel vm5, $0x3EA8AEA3, v27  }
0x4e: {  	v30 =	vsel vm5, $0x3EE82FA1, v30;
	v31 =	vsel vm5, $0x3F13D84F, v31;
	v32 =	vsel vm5, $0x3F3398CE, v32  }
0x4f: {  	v36 =	vsel vm5, $0x3F53594D, v36;
	v37 =	vsel vm5, $0x3F7319CC, v37;
	v38 =	vsel vm5, $0x3F896D26, v38  }
0x50: {  	v8 =	vsel vm3, $0x41400000, v8;
	v10 =	vsel vm3, $0x41E00000, v9;
	v9 =	vimm.s32 $0x1  }
0x51: {  	v13 =	vsel vm3, $0x42300000, v13;
	v14 =	vsel vm3, $0x42700000, v14;
	v17 =	vsel vm3, $0x42980000, v15  }
0x52: {  	v19 =	vsel vm3, $0x42B80000, v19;
	v20 =	vsel vm3, $0x42D80000, v20;
	v21 =	vsel vm3, $0x42F80000, v21  }
0x53: {  	v25 =	vsel vm3, $0x3DB692DA, v25;
	v26 =	vsel vm3, $0x3E5A4B69, v26;
	v27 =	vsel vm3, $0x3EACA6B3, v27  }
0x54: {  	v30 =	vsel vm3, $0x3EEC27B1, v30;
	v31 =	vsel vm3, $0x3F15D457, v31;
	v32 =	vsel vm3, $0x3F3594D6, v32  }
0x55: {  	v36 =	vsel vm3, $0x3F555555, v36;
	v37 =	vsel vm3, $0x3F7515D4, v37;
	v38 =	vsel vm3, $0x3F8A6B2A, v38  }
0x56: {  	v15 =	vor.u32 $0x80, v0;
	v8 =	vsel vm2, $0x41500000, v8;
	v11 =	vsel vm2, $0x41E80000, v10  }
0x57: {  	v10 =	vadd.s32 $0x1, v0;
	v13 =	vsel vm2, $0x42340000, v13;
	v14 =	vsel vm2, $0x42740000, v14  }
0x58: {  	v17 =	vsel vm2, $0x429A0000, v17;
	v19 =	vsel vm2, $0x42BA0000, v19;
	v22 =	vsel vm2, $0x42DA0000, v20  }
0x59: {  	v21 =	vsel vm2, $0x42FA0000, v21;
	v20 =	vadd.s32 $0x51, v0;
	v25 =	vsel vm2, $0x3DC6731A, v25  }
0x5a: {  	v26 =	vsel vm2, $0x3E623B89, v26;
	v27 =	vsel vm2, $0x3EB09EC2, v27;
	v30 =	vsel vm2, $0x3EF01FC0, v30  }
0x5b: {  	v31 =	vsel vm2, $0x3F17D05F, v31;
	v34 =	vsel vm2, $0x3F3790DE, v32;
	v36 =	vsel vm2, $0x3F57515D, v36  }
0x5c: {  	v37 =	vsel vm2, $0x3F7711DC, v37;
	v40 =	vsel vm2, $0x3F8B692E, v38;
	v38 =	vor.u32 $0x70, v0  }
0x5d: {  	v8 =	vsel vm1, $0x41600000, v8;
	v11 =	vsel vm1, $0x41F00000, v11;
	v13 =	vsel vm1, $0x42380000, v13  }
0x5e: {  	s8 =	simm.s32 $0x2000;
	s9 =	simm.s32 $0x4080;
	v16 =	vsel vm1, $0x42780000, v14;
	v14 =	vadd.s32 $0x21, v0;
	v17 =	vsel vm1, $0x429C0000, v17  }
0x5f: {  	s13 =	simm.s32 $0x4100;
	s14 =	simm.s32 $0x4180;
	s15 =	simm.s32 $0xA580;
	v19 =	vsel vm1, $0x42BC0000, v19;
	v22 =	vsel vm1, $0x42DC0000, v22;
	v23 =	vsel vm1, $0x42FC0000, v21  }
0x60: {  	v25 =	vsel vm1, $0x3DD6535A, v25;
	v26 =	vsel vm1, $0x3E6A2BA9, v26;
	v28 =	vsel vm1, $0x3EB496D2, v27  }
0x61: {  	s0 =	rddreg [dreg:$0x1];
	v30 =	vsel vm1, $0x3EF417D0, v30;
	v33 =	vsel vm1, $0x3F19CC67, v31;
	v34 =	vsel vm1, $0x3F398CE6, v34  }
0x62: {  	s1 =	simm.s32 $0x0;
	s28 =	stileid.u32;
	s30 =	srdreg.scid;
	v36 =	vsel vm1, $0x3F594D65, v36;
	v39 =	vsel vm1, $0x3F790DE4, v37;
	v37 =	vor.u32 $0x60, v0  }
0x63: {  	[smem:$0x7FF] =	sst s1;
	s7 =	sadd.s32 $0x800, s0;
	s1 =	sand.u32 $0x1, s30;
	v40 =	vsel vm1, $0x3F8C6732, v40;
	v4 =	vsel vm0, $0x41700000, v8;
	v5 =	vsel vm0, $0x41F80000, v11  }
0x64: {  	s29 =	sshll.u32 s28, $0xC;
	s2 =	sshll.u32 s1, $0xB;
	[tilespmem:$0x1FFB0] =	vst v1;
	v7 =	vsel vm0, $0x423C0000, v13;
	v8 =	vsel vm0, $0x427C0000, v16;
	v16 =	vadd.s32 $0x31, v0  }
0x65: {  	s1 =	ssub.s32 $0x2, s1;
	_ =	strace $0x80000047;
	[tilespmem:$0x1FFC0] =	vst v60;
	v11 =	vsel vm0, $0x429E0000, v17;
	v13 =	vsel vm0, $0x42BE0000, v19;
	v41 =	vsel vm0, $0x42DE0000, v22  }
0x66: {  	s3 =	sshrl.u32 s1, $0x1;
	v29 =	vsel vm0, $0x3DE63399, v25;
	v62 =	vsel vm0, $0x3E721BC8, v26;
	v1 =	vsel vm0, $0x3EB88EE2, v28  }
0x67: {  	s1 =	ssub.s32 s1, s3;
	v22 =	vadd.s32 $0x61, v0;
	v19 =	vsel vm0, $0x3EF80FE0, v30;
	v40 =	vsel vm0, $0x3F8D6536, v40;
	[tilespmem:$0x1FFD0] =	vst v37  }
0x68: {  	s12 =	simm.s32 $0x1;
	s31 =	smax.u32 s1, $0x1;
	v17 =	vsel vm0, $0x42FE0000, v23;
	v33 =	vsel vm0, $0x3F1BC86F, v33;
	v39 =	vsel vm0, $0x3F7B09EC, v39;
	[tilespmem:$0x1FFE0] =	vst v40  }
0x69: {  	s10 =	sor.u32 s2, s29;
	s1 =	simm.s32 $0x0;
	[dreg:$0x6] =	wrdreg s31;
	v34 =	vsel vm0, $0x3F3B88EE, v34;
	v36 =	vsel vm0, $0x3F5B496D, v36;
	v31 =	vmovc v2;
	v32 =	vmovc v19;
	[tilespmem:$0x1FFF0] =	vst v39;
	v30 =	vmov v1  }
.LBB2_1:
0x6a: {  	[dreg:$0x7] =	wrdreg s1;
	s17 =	simm.s32 $0x0  }
.LBB2_2:
0x6b: {  	s0 =	sshll.u32 s17, $0x6  }
0x6c: {  	s18 =	sadd.s32 s10, s0  }
0x6d: {  	s1 =	rddreg [dreg:$0x0];
	s0 =	sshll.u32 s18, $0x4  }
0x6e: {  	s19 =	simm.s32 $0x0;
	s28 =	smul.u32 $0x81, s18;
	s0 =	sadd.s32 s1, s0  }
0x6f: {  	[tilespmem:s19], [sflag:$0x1] =	stream.linear.gather [hbm4b:s0+s19], $0x2000, $0x38;
	[tilespmem:$0xE600] =	vst v63  }
0x70: {  	_ =	swait.ge [sflag:s12], $0x2000  }
0x71: {  	s0 =	sshrl.u32 s28, $0x3;
	[sflag:s12] =	ssyncset.done $0x0  }
0x72: {  	s0 =	sadd.s32 s7, s0;
	[sflag:s12] =	ssyncadd.s32 $0xFFFFE000  }
0x73: {  	[tilespmem:s8], [sflag:$0x1] =	stream.linear.gather [hbm4b:s0+s19], $0x2040, $0x38;
	[tilespmem:$0xE600] =	vst v63  }
0x74: {  	_ =	swait.ge [sflag:s12], $0x2040  }
0x75: {  	[sflag:s12] =	ssyncset.done $0x0  }
0x76: {  	[sflag:s12] =	ssyncadd.s32 $0xFFFFDFC0  }
0x77: {  	s29 =	sshrl.u32 s18, $0x3;
	s30 =	rddreg [dreg:$0x2]  }
0x78: {  	s1 =	sadd.s32 s30, s29  }
0x79: {  	[tilespmem:s9], [sflag:$0x1] =	stream.linear.gather [hbm4b:s1+s19], $0x40, $0x38;
	[tilespmem:$0xE600] =	vst v63  }
0x7a: {  	_ =	swait.ge [sflag:s12], $0x40  }
0x7b: {  	[sflag:s12] =	ssyncset.done $0x0  }
0x7c: {  	[sflag:s12] =	ssyncadd.s32 $0xFFFFFFC0  }
0x7d: {  	s31 =	rddreg [dreg:$0x3]  }
0x7e: {  	s0 =	sadd.s32 s31, s29  }
0x7f: {  	[tilespmem:s13], [sflag:$0x1] =	stream.linear.gather [hbm4b:s0+s19], $0x40, $0x38;
	[tilespmem:$0xE600] =	vst v63  }
0x80: {  	_ =	swait.ge [sflag:s12], $0x40  }
0x81: {  	v1 =	vld [tilespmem:$0x1FF80];
	_ =	sdelay $0x5  }
0x82: {  	[sflag:s12] =	ssyncset.done $0x0  }
0x83: {  	v2 =	vimm.f32 $0.0e+00;
	[sflag:s12] =	ssyncadd.s32 $0xFFFFFFC0  }
0x84: {  	[tilespmem:v1+s14+$0x0] =	vst.idx.msk $0xffff, v2;
	v1 =	vld [tilespmem:$0x1FF90];
	_ =	sdelay $0x7  }
0x85: {  	[tilespmem:v1+s14+$0x0] =	vst.idx.msk $0xffff, v2;
	v1 =	vld [tilespmem:$0x1FFA0];
	_ =	sdelay $0x7  }
0x86: {  	[tilespmem:v1+s14+$0x0] =	vst.idx.msk $0xffff, v2;
	v1 =	vld [tilespmem:$0x1FFB0];
	_ =	sdelay $0x7  }
0x87: {  	[tilespmem:v1+s14+$0x0] =	vst.idx.msk $0xffff, v2  }
.LBB2_3:
0x88: {  	v42 =	vmov s19  }
0x89: {  	v42 =	vand.u32 $0xFFFFFFF8, v42  }
0x8a: {  	v43 =	vbroadcast v42, $0x0;
	_ =	sdelay $0x3  }
0x8b: {  	s0 =	smul.u32 $0x240, s19;
	_ =	sdelay $0x1  }
0x8c: {  	s3 =	sshra.s32 s0, $0x2;
	v42 =	vld.idx.msk [tilespmem:v43+s9+$0x0], $0xffff  }
0x8d: {  	v43 =	vld.idx.msk [tilespmem:v43+s13+$0x0], $0xffff;
	[tilespmem:s3+$0x8180] =	vst v3  }
0x8e: {  	[tilespmem:s3+$0x8190] =	vst v6  }
0x8f: {  	[tilespmem:s3+$0x81A0] =	vst v6  }
0x90: {  	[tilespmem:s3+$0x81B0] =	vst v6  }
0x91: {  	[tilespmem:s3+$0x81C0] =	vst v6  }
0x92: {  	[tilespmem:s3+$0x81D0] =	vst v6  }
0x93: {  	[tilespmem:s3+$0x81E0] =	vst v6  }
0x94: {  	s21 =	sshll.u32 s19, $0x7;
	[tilespmem:s3+$0x81F0] =	vst v6  }
0x95: {  	s0 =	sand.u32 $0x3FFFFF80, s21;
	[tilespmem:s3+$0x8200] =	vst v6  }
0x96: {  	v44 =	vld [tilespmem:s0+$0x0];
	_ =	sdelay $0x1  }
0x97: {  	v45 =	vld [tilespmem:s0+$0x10];
	_ =	sdelay $0x1  }
0x98: {  	v46 =	vld [tilespmem:s0+$0x20]  }
0x99: {  	v44 =	vadd.f32 $9.999999770e-03, v44  }
0x9a: {  	v47 =	vld [tilespmem:s0+$0x30]  }
0x9b: {  	v45 =	vadd.f32 $9.999999770e-03, v45;
	(xrf2) =	vadd.scan.msk.f32 $0xffff, v44  }
0x9c: {  	v51 =	vld [tilespmem:s0+$0x40]  }
0x9d: {  	v46 =	vadd.f32 $9.999999770e-03, v46;
	(xrf2) =	vadd.scan.msk.f32 $0xffff, v45  }
0x9e: {  	v52 =	vld [tilespmem:s0+$0x50]  }
0x9f: {  	v47 =	vadd.f32 $9.999999770e-03, v47;
	(xrf2) =	vadd.scan.msk.f32 $0xffff, v46  }
0xa0: {  	v53 =	vld [tilespmem:s0+$0x60]  }
0xa1: {  	v44 =	vadd.f32 $9.999999770e-03, v51;
	(xrf2) =	vadd.scan.msk.f32 $0xffff, v47  }
0xa2: {  	v54 =	vld [tilespmem:s0+$0x70]  }
0xa3: {  	v45 =	vadd.f32 $9.999999770e-03, v52;
	(xrf2) =	vadd.scan.msk.f32 $0xffff, v44;
	_ =	sdelay $0x1  }
0xa4: {  	v55 =	vadd.f32 $9.999999770e-03, v53;
	v48, _, _ =	vpop (xrf2);
	(xrf2) =	vadd.scan.msk.f32 $0xffff, v45  }
0xa5: {  	(v2sf) =	vpush v48, $0xF  }
0xa6: {  	v56 =	vadd.f32 $9.999999770e-03, v54;
	v49, _, _ =	vpop (xrf2);
	(xrf2) =	vadd.scan.msk.f32 $0xffff, v55  }
0xa7: {  	(v2sf) =	vpush v49, $0xF  }
0xa8: {  	v50, _, _ =	vpop (xrf2);
	(xrf2) =	vadd.scan.msk.f32 $0xffff, v56  }
0xa9: {  	(v2sf) =	vpush v50, $0xF  }
0xaa: {  	v51, _, _ =	vpop (xrf2)  }
0xab: {  	(v2sf) =	vpush v51, $0xF  }
0xac: {  	v52, _, _ =	vpop (xrf2)  }
0xad: {  	(v2sf) =	vpush v52, $0xF  }
0xae: {  	v47, _, _ =	vpop (xrf2)  }
0xaf: {  	(v2sf) =	vpush v47, $0xF  }
0xb0: {  	v46, _, _ =	vpop (xrf2)  }
0xb1: {  	(v2sf) =	vpush v46, $0xF  }
0xb2: {  	v44, _, _ =	vpop (xrf2)  }
0xb3: {  	(v2sf) =	vpush v44, $0xF  }
0xb4: {  	s22 =	spop (v2sf)  }
0xb5: {  	s11 =	sadd.f32 $0.0e+00, s22  }
0xb6: {  	s23 =	spop (v2sf)  }
0xb7: {  	s16 =	sadd.f32 s23, s11  }
0xb8: {  	s24 =	spop (v2sf)  }
0xb9: {  	s5 =	sadd.f32 s24, s16  }
0xba: {  	s25 =	spop (v2sf)  }
0xbb: {  	s4 =	sadd.f32 s25, s5  }
0xbc: {  	s26 =	spop (v2sf)  }
0xbd: {  	s2 =	sadd.f32 s26, s4  }
0xbe: {  	s28 =	spop (v2sf)  }
0xbf: {  	s1 =	sadd.f32 s28, s2  }
0xc0: {  	s29 =	spop (v2sf)  }
0xc1: {  	s6 =	sadd.f32 s29, s1  }
0xc2: {  	s30 =	spop (v2sf)  }
0xc3: {  	s0 =	sadd.f32 s30, s6;
	_ =	sdelay $0x1  }
0xc4: {  	s20 =	ssub.f32 $9.999999740e-06, s0;
	_ =	sdelay $0x1  }
0xc5: {  	s20 =	smax.f32 s20, $0.0e+00  }
0xc6: {  	s0 =	sadd.f32 s20, s0;
	_ =	sdelay $0x1  }
0xc7: {  	v57 =	vmov s0  }
0xc8: {  	(erf) = vrcp.f32 v57;
	_ =	sdelay $0x3  }
0xc9: {  	s31 =	smul.f32 $7.812500000e-03, s20;
	_ =	sdelay $0x1  }
0xca: {  	v58 =	vadd.f32 $0.0e+00, v48;
	v59 =	vmul.f32 s31, v4;
	_ =	sdelay $0x1  }
0xcb: {  	v48 =	vadd.f32 v59, v58  }
0xcc: {  	v45 =	vpop (erf)  }
0xcd: {  	v48 =	vmul.f32 v48, v45;
	_ =	sdelay $0x1  }
0xce: {  	v48 =	vmin.f32 v48, $1.000000000e+00  }
0xcf: {  	v53 =	vmul.f32 $1.290000000e+02, v48;
	_ =	sdelay $0x1  }
0xd0: {  	v53 =	vadd.f32 $5.000000000e-01, v53;
	_ =	sdelay $0x1  }
0xd1: {  	v53 =	vtrunc.f32 v53  }
0xd2: {  	v49 =	vadd.f32 s11, v49;
	v54 =	vmul.f32 s31, v5;
	v53 =	vcvt.f32.s32 v53;
	_ =	sdelay $0x1  }
0xd3: {  	v49 =	vadd.f32 v54, v49;
	v53 =	vxor.u32 $0x80000000, v53  }
0xd4: {  	(xrf0) =	vmax.scan.msk.u32 $0xffff, v53  }
0xd5: {  	v49 =	vmul.f32 v49, v45;
	_ =	sdelay $0x1  }
0xd6: {  	v49 =	vmin.f32 v49, $1.000000000e+00  }
0xd7: {  	v40 =	vmul.f32 $1.290000000e+02, v49;
	_ =	sdelay $0x1  }
0xd8: {  	v54 =	vadd.f32 $5.000000000e-01, v40;
	v53, _, _ =	vpop (xrf0)  }
0xd9: {  	v53 =	vxor.u32 $0x80000000, v53  }
0xda: {  	s21 =	smul.u32 $0x81, s19;
	v50 =	vadd.f32 s16, v50;
	v54 =	vtrunc.f32 v54;
	vm0 =	vgt.s32 v53, $0x0  }
0xdb: {  	v56 =	vmul.f32 s31, v7;
	v54 =	vcvt.f32.s32 v54;
	v53 =	vnsel vm0, $0x0, v53  }
0xdc: {  	v55 =	vadd.s32 s21, v10  }
0xdd: {  	s22 =	sshll.u32 s19, $0x8;
	v58 =	vadd.f32 v56, v50;
	v57 =	vxor.u32 $0x80000000, v54  }
0xde: {  	s22 =	sand.u32 $0x3FFFFF00, s22;
	(xrf0) =	vmax.scan.msk.u32 $0xffff, v57  }
0xdf: {  	[tilespmem:s22+$0x4180] =	vst v48;
	v48 =	vmul.f32 v58, v45  }
0xe0: {  	[tilespmem:v53+s3+$0x8180] =	vst.idx.add.s32.msk $0xffff, v9  }
0xe1: {  	v48 =	vmin.f32 v48, $1.000000000e+00;
	v59 =	vld.idx.msk [tilespmem:v55+s8+$0x0], $0xffff  }
0xe2: {  	s20 =	smul.u32 $0x102, s19;
	v54 =	vmul.f32 $1.290000000e+02, v48  }
0xe3: {  	v43 =	vsub.f32 v43, v42  }
0xe4: {  	v54 =	vadd.f32 $5.000000000e-01, v54;
	v40, _, _ =	vpop (xrf0);
	v55 =	vadd.s32 s20, v53;
	v53 =	vbroadcast v53, $0xF  }
0xe5: {  	v51 =	vadd.f32 s5, v51;
	v56 =	vxor.u32 $0x80000000, v40;
	v55 =	vadd.s32 v10, v55  }
0xe6: {  	v54 =	vtrunc.f32 v54;
	vm13 =	vgt.s32 v56, v53;
	v50 =	vmul.f32 v59, v43  }
0xe7: {  	v57 =	vmul.f32 s31, v8;
	v54 =	vcvt.f32.s32 v54;
	v53 =	vsel vm13, v56, v53  }
0xe8: {  	v40 =	vadd.s32 s21, v12;
	v50 =	vadd.f32 v50, v42  }
0xe9: {  	v51 =	vadd.f32 v57, v51;
	v58 =	vxor.u32 $0x80000000, v54  }
0xea: {  	(xrf0) =	vmax.scan.msk.u32 $0xffff, v58;
	[tilespmem:v55+s15+$0x0] =	vst.idx.msk $0xffff, v50  }
0xeb: {  	v59 =	vmul.f32 v51, v45;
	[tilespmem:s22+$0x4190] =	vst v49  }
0xec: {  	[tilespmem:v53+s3+$0x8180] =	vst.idx.add.s32.msk $0xffff, v9  }
0xed: {  	v49 =	vmin.f32 v59, $1.000000000e+00;
	v40 =	vld.idx.msk [tilespmem:v40+s8+$0x0], $0xffff  }
0xee: {  	v57 =	vmul.f32 $1.290000000e+02, v49;
	_ =	sdelay $0x1  }
0xef: {  	v58 =	vadd.s32 s20, v53;
	v59, _, _ =	vpop (xrf0);
	v53 =	vbroadcast v53, $0xF;
	v51 =	vadd.f32 $5.000000000e-01, v57  }
0xf0: {  	v52 =	vadd.f32 s4, v52;
	v54 =	vadd.s32 v12, v58;
	v55 =	vxor.u32 $0x80000000, v59  }
0xf1: {  	vm14 =	vgt.s32 v55, v53;
	v51 =	vtrunc.f32 v51;
	v50 =	vmul.f32 v40, v43  }
0xf2: {  	v53 =	vsel vm14, v55, v53;
	v51 =	vcvt.f32.s32 v51;
	v40 =	vmul.f32 s31, v11  }
0xf3: {  	v55 =	vadd.s32 s21, v14;
	v50 =	vadd.f32 v50, v42  }
0xf4: {  	v51 =	vxor.u32 $0x80000000, v51;
	v57 =	vadd.f32 v40, v52  }
0xf5: {  	(xrf0) =	vmax.scan.msk.u32 $0xffff, v51;
	[tilespmem:v54+s15+$0x0] =	vst.idx.msk $0xffff, v50  }
0xf6: {  	v58 =	vmul.f32 v57, v45;
	[tilespmem:s22+$0x41A0] =	vst v48  }
0xf7: {  	[tilespmem:v53+s3+$0x8180] =	vst.idx.add.s32.msk $0xffff, v9  }
0xf8: {  	v48 =	vmin.f32 v58, $1.000000000e+00;
	v59 =	vld.idx.msk [tilespmem:v55+s8+$0x0], $0xffff  }
0xf9: {  	v40 =	vmul.f32 $1.290000000e+02, v48;
	_ =	sdelay $0x1  }
0xfa: {  	v58 =	vbroadcast v53, $0xF;
	v53 =	vadd.s32 s20, v53;
	v57, _, _ =	vpop (xrf0);
	v51 =	vadd.f32 $5.000000000e-01, v40  }
0xfb: {  	v47 =	vadd.f32 s2, v47;
	v53 =	vadd.s32 v14, v53;
	v52 =	vxor.u32 $0x80000000, v57  }
0xfc: {  	vm15 =	vgt.s32 v52, v58;
	v51 =	vtrunc.f32 v51;
	v50 =	vmul.f32 v59, v43  }
0xfd: {  	v52 =	vsel vm15, v52, v58;
	v59 =	vmul.f32 s31, v13;
	v51 =	vcvt.f32.s32 v51  }
0xfe: {  	v40 =	vadd.s32 s21, v16;
	v50 =	vadd.f32 v50, v42  }
0xff: {  	v47 =	vadd.f32 v59, v47;
	v51 =	vxor.u32 $0x80000000, v51  }
0x100: {  	(xrf0) =	vmax.scan.msk.u32 $0xffff, v51;
	[tilespmem:v53+s15+$0x0] =	vst.idx.msk $0xffff, v50  }
0x101: {  	v47 =	vmul.f32 v47, v45;
	[tilespmem:s22+$0x41B0] =	vst v49  }
0x102: {  	[tilespmem:v52+s3+$0x8180] =	vst.idx.add.s32.msk $0xffff, v9  }
0x103: {  	v47 =	vmin.f32 v47, $1.000000000e+00;
	v49 =	vld.idx.msk [tilespmem:v40+s8+$0x0], $0xffff  }
0x104: {  	v56 =	vmul.f32 $1.290000000e+02, v47;
	_ =	sdelay $0x1  }
0x105: {  	v57 =	vadd.s32 s20, v52;
	v52 =	vbroadcast v52, $0xF;
	v50 =	vadd.f32 $5.000000000e-01, v56;
	v58, _, _ =	vpop (xrf0)  }
0x106: {  	v46 =	vadd.f32 s1, v46;
	v51 =	vadd.s32 v16, v57;
	v53 =	vxor.u32 $0x80000000, v58  }
0x107: {  	v50 =	vtrunc.f32 v50;
	vm4 =	vgt.s32 v53, v52;
	v49 =	vmul.f32 v49, v43  }
0x108: {  	v59 =	vmul.f32 s31, v41;
	v50 =	vcvt.f32.s32 v50;
	v52 =	vsel vm4, v53, v52  }
0x109: {  	v40 =	vadd.s32 s21, v18;
	v49 =	vadd.f32 v49, v42  }
0x10a: {  	v46 =	vadd.f32 v59, v46;
	v50 =	vxor.u32 $0x80000000, v50  }
0x10b: {  	(xrf0) =	vmax.scan.msk.u32 $0xffff, v50;
	[tilespmem:v51+s15+$0x0] =	vst.idx.msk $0xffff, v49  }
0x10c: {  	v46 =	vmul.f32 v46, v45;
	[tilespmem:s22+$0x41C0] =	vst v48  }
0x10d: {  	[tilespmem:v52+s3+$0x8180] =	vst.idx.add.s32.msk $0xffff, v9  }
0x10e: {  	v46 =	vmin.f32 v46, $1.000000000e+00;
	v48 =	vld.idx.msk [tilespmem:v40+s8+$0x0], $0xffff  }
0x10f: {  	v57 =	vmul.f32 $1.290000000e+02, v46;
	_ =	sdelay $0x1  }
0x110: {  	v58 =	vbroadcast v52, $0xF;
	v49 =	vadd.f32 $5.000000000e-01, v57;
	v52 =	vadd.s32 s20, v52;
	v50, _, _ =	vpop (xrf0)  }
0x111: {  	v44 =	vadd.f32 s6, v44;
	v52 =	vadd.s32 v18, v52;
	v50 =	vxor.u32 $0x80000000, v50  }
0x112: {  	v49 =	vtrunc.f32 v49;
	vm5 =	vgt.s32 v50, v58;
	v48 =	vmul.f32 v48, v43  }
0x113: {  	v59 =	vmul.f32 s31, v17;
	v49 =	vcvt.f32.s32 v49;
	v50 =	vsel vm5, v50, v58  }
0x114: {  	v40 =	vadd.s32 s21, v20;
	v48 =	vadd.f32 v48, v42  }
0x115: {  	v44 =	vadd.f32 v59, v44;
	v49 =	vxor.u32 $0x80000000, v49  }
0x116: {  	(xrf0) =	vmax.scan.msk.u32 $0xffff, v49;
	[tilespmem:v52+s15+$0x0] =	vst.idx.msk $0xffff, v48  }
0x117: {  	v44 =	vmul.f32 v44, v45;
	[tilespmem:s22+$0x41D0] =	vst v47  }
0x118: {  	[tilespmem:v50+s3+$0x8180] =	vst.idx.add.s32.msk $0xffff, v9  }
0x119: {  	v44 =	vmin.f32 v44, $1.000000000e+00;
	v53 =	vld.idx.msk [tilespmem:v40+s8+$0x0], $0xffff  }
0x11a: {  	v54 =	vmul.f32 $1.290000000e+02, v44;
	_ =	sdelay $0x1  }
0x11b: {  	v55 =	vadd.s32 s20, v50;
	v49, _, _ =	vpop (xrf0);
	v47 =	vadd.f32 $5.000000000e-01, v54;
	v50 =	vbroadcast v50, $0xF  }
0x11c: {  	v48 =	vadd.s32 v20, v55;
	v49 =	vxor.u32 $0x80000000, v49  }
0x11d: {  	v47 =	vtrunc.f32 v47;
	vm6 =	vgt.s32 v49, v50;
	v45 =	vmul.f32 v53, v43  }
0x11e: {  	v47 =	vcvt.f32.s32 v47;
	v49 =	vsel vm6, v49, v50  }
0x11f: {  	v56 =	vadd.s32 s21, v22;
	v45 =	vadd.f32 v45, v42  }
0x120: {  	v47 =	vxor.u32 $0x80000000, v47  }
0x121: {  	(xrf0) =	vmax.scan.msk.u32 $0xffff, v47;
	[tilespmem:v48+s15+$0x0] =	vst.idx.msk $0xffff, v45  }
0x122: {  	[tilespmem:s22+$0x41E0] =	vst v46  }
0x123: {  	[tilespmem:v49+s3+$0x8180] =	vst.idx.add.s32.msk $0xffff, v9  }
0x124: {  	v45 =	vld.idx.msk [tilespmem:v56+s8+$0x0], $0xffff;
	_ =	sdelay $0x2  }
0x125: {  	v57 =	vadd.s32 s20, v49;
	v58 =	vbroadcast v49, $0xF;
	v47, _, _ =	vpop (xrf0)  }
0x126: {  	v46 =	vadd.s32 v22, v57;
	v47 =	vxor.u32 $0x80000000, v47  }
0x127: {  	vm7 =	vgt.s32 v47, v58;
	v45 =	vmul.f32 v45, v43  }
0x128: {  	v47 =	vsel vm7, v47, v58  }
0x129: {  	v59 =	vadd.s32 s21, v24;
	v45 =	vadd.f32 v45, v42;
	_ =	sdelay $0x1  }
0x12a: {  	[tilespmem:v46+s15+$0x0] =	vst.idx.msk $0xffff, v45  }
0x12b: {  	[tilespmem:s22+$0x41F0] =	vst v44  }
0x12c: {  	[tilespmem:v47+s3+$0x8180] =	vst.idx.add.s32.msk $0xffff, v9  }
0x12d: {  	v44 =	vld.idx.msk [tilespmem:v59+s8+$0x0], $0xffff;
	_ =	sdelay $0x2  }
0x12e: {  	v40 =	vadd.s32 s20, v47  }
0x12f: {  	v45 =	vadd.s32 v24, v40  }
0x130: {  	v48 =	vmov s21;
	v44 =	vmul.f32 v44, v43;
	_ =	sdelay $0x1  }
0x131: {  	v44 =	vadd.f32 v44, v42;
	_ =	sdelay $0x1  }
0x132: {  	[tilespmem:v45+s15+$0x0] =	vst.idx.msk $0xffff, v44  }
0x133: {  	v44 =	vld.idx.msk [tilespmem:v48+s8+$0x0], $0xffff;
	_ =	sdelay $0x3  }
0x134: {  	v49 =	vmov s20  }
0x135: {  	v44 =	vmul.f32 v44, v43;
	_ =	sdelay $0x1  }
0x136: {  	v44 =	vadd.f32 v44, v42;
	_ =	sdelay $0x1  }
0x137: {  	[tilespmem:v49+s15+$0x0] =	vst.idx.msk $0x1, v44  }
0x138: {  	v44 =	vld [tilespmem:s3+$0x8180];
	_ =	sdelay $0x4  }
0x139: {  	(xrf0) =	vadd.scan.msk.s32 $0xffff, v44;
	_ =	sdelay $0x5  }
0x13a: {  	v44, _, _ =	vpop (xrf0)  }
0x13b: {  	v50 =	vadd.s32 $0xFFFFFFFF, v44  }
0x13c: {  	vm9 =	vlt.s32 v44, $0x80;
	vm8 =	vlt.s32 v50, $0x80  }
0x13d: {  	v52 =	vnsel vm9, $0x80, v44;
	v45 =	vnsel vm8, $0x80, v50  }
0x13e: {  	v53 =	vadd.s32 $0xFFFFFFFF, v52;
	v51 =	vadd.s32 $0xFFFFFFFF, v45  }
0x13f: {  	v46 =	vand.u32 $0xFF, v51;
	_ =	sdelay $0x3  }
0x140: {  	v48 =	vld.idx.msk [tilespmem:v53+s22+$0x4180], $0xffff  }
0x141: {  	v46 =	vld.idx.msk [tilespmem:v46+s22+$0x4180], $0xffff;
	_ =	sdelay $0x4  }
0x142: {  	v48 =	vsub.f32 v48, v46;
	_ =	sdelay $0x1  }
0x143: {  	v48 =	vmax.f32 v48, $9.999999910e-38  }
0x144: {  	(erf) = vrcp.f32 v48  }
0x145: {  	v54 =	vld [tilespmem:s3+$0x8190];
	v47 =	vadd.s32 s21, v52  }
0x146: {  	v45 =	vadd.s32 s21, v45;
	_ =	sdelay $0x3  }
0x147: {  	(xrf0) =	vadd.scan.msk.s32 $0xffff, v54;
	v47 =	vld.idx.msk [tilespmem:v47+s8+$0x0], $0xffff  }
0x148: {  	v45 =	vld.idx.msk [tilespmem:v45+s8+$0x0], $0xffff  }
0x149: {  	v46 =	vsub.f32 v29, v46  }
0x14a: {  	v55 =	vpop (erf)  }
0x14b: {  	v46 =	vmul.f32 v55, v46  }
0x14c: {  	v56 =	vbroadcast v44, $0xF  }
0x14d: {  	v49, _, _ =	vpop (xrf0);
	v47 =	vsub.f32 v47, v45;
	v46 =	vmax.f32 v46, $0.0e+00  }
0x14e: {  	v48 =	vadd.s32 v56, v49;
	v46 =	vmin.f32 v46, $1.000000000e+00  }
0x14f: {  	v57 =	vadd.s32 $0xFFFFFFFF, v48;
	v46 =	vmul.f32 v46, v47  }
0x150: {  	vm10 =	vlt.s32 v57, $0x80  }
0x151: {  	v54 =	vld [tilespmem:s3+$0x81D0];
	v58 =	vadd.s32 s20, v44;
	v47 =	vnsel vm10, $0x80, v57;
	v45 =	vadd.f32 v46, v45  }
0x152: {  	v50 =	vld [tilespmem:s3+$0x81A0];
	vm11 =	vlt.s32 v48, $0x80;
	v59 =	vadd.s32 $0xFFFFFFFF, v47;
	v46 =	vadd.s32 v0, v58  }
0x153: {  	v52 =	vld [tilespmem:s3+$0x81C0];
	v55 =	vnsel vm11, $0x80, v48;
	v53 =	vand.u32 $0xFF, v59;
	v45 =	vmul.f32 v45, v43  }
0x154: {  	v51 =	vld [tilespmem:s3+$0x81B0];
	v40 =	vadd.s32 $0xFFFFFFFF, v55  }
0x155: {  	v56 =	vld [tilespmem:s3+$0x81E0];
	v45 =	vadd.f32 v45, v42  }
0x156: {  	v58 =	vld [tilespmem:s3+$0x81F0]  }
0x157: {  	v59 =	vld [tilespmem:s3+$0x8200];
	[tilespmem:v46+s15+$0x0] =	vst.idx.msk $0xffff, v45  }
0x158: {  	v45 =	vld.idx.msk [tilespmem:v53+s22+$0x4180], $0xffff  }
0x159: {  	v46 =	vld.idx.msk [tilespmem:v40+s22+$0x4180], $0xffff;
	_ =	sdelay $0x2  }
0x15a: {  	(v2sf) =	vpush v44, $0xF  }
0x15b: {  	(v2sf) =	vpush v49, $0xF  }
0x15c: {  	v53 =	vsub.f32 v46, v45;
	_ =	sdelay $0x1  }
0x15d: {  	v44 =	vmax.f32 v53, $9.999999910e-38  }
0x15e: {  	(erf) = vrcp.f32 v44  }
0x15f: {  	v40 =	vadd.s32 s21, v55  }
0x160: {  	v57 =	vadd.s32 s21, v47;
	_ =	sdelay $0x3  }
0x161: {  	(xrf0) =	vadd.scan.msk.s32 $0xffff, v50;
	v46 =	vld.idx.msk [tilespmem:v40+s8+$0x0], $0xffff  }
0x162: {  	v44 =	vld.idx.msk [tilespmem:v57+s8+$0x0], $0xffff  }
0x163: {  	v45 =	vsub.f32 v62, v45  }
0x164: {  	v49 =	vpop (erf)  }
0x165: {  	s23 =	spop (v2sf);
	v45 =	vmul.f32 v49, v45  }
0x166: {  	s24 =	spop (v2sf)  }
0x167: {  	s0 =	sadd.s32 s23, s24;
	v47, _, _ =	vpop (xrf0);
	v46 =	vsub.f32 v46, v44;
	v45 =	vmax.f32 v45, $0.0e+00  }
0x168: {  	v49 =	vadd.s32 s0, v47;
	v45 =	vmin.f32 v45, $1.000000000e+00  }
0x169: {  	v50 =	vadd.s32 $0xFFFFFFFF, v49;
	v45 =	vmul.f32 v45, v46  }
0x16a: {  	vm12 =	vlt.s32 v50, $0x80  }
0x16b: {  	v53 =	vadd.s32 s20, v48;
	v46 =	vnsel vm12, $0x80, v50;
	v44 =	vadd.f32 v45, v44  }
0x16c: {  	vm13 =	vlt.s32 v49, $0x80;
	v55 =	vadd.s32 $0xFFFFFFFF, v46;
	v45 =	vadd.s32 v63, v53  }
0x16d: {  	v57 =	vnsel vm13, $0x80, v49;
	v48 =	vand.u32 $0xFF, v55;
	v44 =	vmul.f32 v44, v43  }
0x16e: {  	v40 =	vadd.s32 $0xFFFFFFFF, v57  }
0x16f: {  	v44 =	vadd.f32 v44, v42;
	_ =	sdelay $0x1  }
0x170: {  	[tilespmem:v45+s15+$0x0] =	vst.idx.msk $0xffff, v44  }
0x171: {  	v44 =	vld.idx.msk [tilespmem:v48+s22+$0x4180], $0xffff  }
0x172: {  	v45 =	vld.idx.msk [tilespmem:v40+s22+$0x4180], $0xffff;
	_ =	sdelay $0x3  }
0x173: {  	(v2sf) =	vpush v47, $0xF  }
0x174: {  	v45 =	vsub.f32 v45, v44;
	_ =	sdelay $0x1  }
0x175: {  	v45 =	vmax.f32 v45, $9.999999910e-38  }
0x176: {  	(erf) = vrcp.f32 v45  }
0x177: {  	v55 =	vadd.s32 s21, v57  }
0x178: {  	v53 =	vadd.s32 s21, v46;
	_ =	sdelay $0x3  }
0x179: {  	(xrf0) =	vadd.scan.msk.s32 $0xffff, v51;
	v46 =	vld.idx.msk [tilespmem:v55+s8+$0x0], $0xffff  }
0x17a: {  	v45 =	vld.idx.msk [tilespmem:v53+s8+$0x0], $0xffff  }
0x17b: {  	v44 =	vsub.f32 v30, v44  }
0x17c: {  	v57 =	vpop (erf)  }
0x17d: {  	v44 =	vmul.f32 v57, v44  }
0x17e: {  	s25 =	spop (v2sf)  }
0x17f: {  	s26 =	sadd.s32 s25, s0;
	v40, _, _ =	vpop (xrf0);
	v46 =	vsub.f32 v46, v45;
	v44 =	vmax.f32 v44, $0.0e+00  }
0x180: {  	v48 =	vadd.s32 s26, v40;
	v44 =	vmin.f32 v44, $1.000000000e+00  }
0x181: {  	v53 =	vadd.s32 $0xFFFFFFFF, v48;
	v44 =	vmul.f32 v44, v46  }
0x182: {  	(xrf0) =	vadd.scan.msk.s32 $0xffff, v52;
	vm14 =	vlt.s32 v53, $0x80  }
0x183: {  	(xrf0) =	vadd.scan.msk.s32 $0xffff, v54;
	v55 =	vadd.s32 s20, v49;
	v46 =	vnsel vm14, $0x80, v53;
	v44 =	vadd.f32 v44, v45  }
0x184: {  	(xrf0) =	vadd.scan.msk.s32 $0xffff, v56;
	vm15 =	vlt.s32 v48, $0x80;
	v56 =	vadd.s32 $0xFFFFFFFF, v46;
	v45 =	vadd.s32 v31, v55  }
0x185: {  	v57 =	vnsel vm15, $0x80, v48;
	v49 =	vand.u32 $0xFF, v56;
	v44 =	vmul.f32 v44, v43  }
0x186: {  	(xrf0) =	vadd.scan.msk.s32 $0xffff, v58;
	v58 =	vadd.s32 $0xFFFFFFFF, v57  }
0x187: {  	v44 =	vadd.f32 v44, v42;
	_ =	sdelay $0x1  }
0x188: {  	[tilespmem:v45+s15+$0x0] =	vst.idx.msk $0xffff, v44  }
0x189: {  	v49 =	vld.idx.msk [tilespmem:v49+s22+$0x4180], $0xffff  }
0x18a: {  	v51 =	vld.idx.msk [tilespmem:v58+s22+$0x4180], $0xffff;
	_ =	sdelay $0x3  }
0x18b: {  	(v2sf) =	vpush v40, $0xF  }
0x18c: {  	v51 =	vsub.f32 v51, v49;
	_ =	sdelay $0x1  }
0x18d: {  	v51 =	vmax.f32 v51, $9.999999910e-38  }
0x18e: {  	(erf) = vrcp.f32 v51  }
0x18f: {  	v50 =	vadd.s32 s21, v57  }
0x190: {  	v46 =	vadd.s32 s21, v46;
	_ =	sdelay $0x1  }
0x191: {  	v52, _, _ =	vpop (xrf0)  }
0x192: {  	v47, _, _ =	vpop (xrf0)  }
0x193: {  	v45, _, _ =	vpop (xrf0);
	v50 =	vld.idx.msk [tilespmem:v50+s8+$0x0], $0xffff  }
0x194: {  	v44, _, _ =	vpop (xrf0);
	(xrf0) =	vadd.scan.msk.s32 $0xffff, v59;
	v59 =	vld.idx.msk [tilespmem:v46+s8+$0x0], $0xffff  }
0x195: {  	v49 =	vsub.f32 v32, v49  }
0x196: {  	v40 =	vpop (erf)  }
0x197: {  	v49 =	vmul.f32 v40, v49  }
0x198: {  	s28 =	spop (v2sf)  }
0x199: {  	s2 =	sadd.s32 s28, s26;
	v50 =	vsub.f32 v50, v59;
	v49 =	vmax.f32 v49, $0.0e+00  }
0x19a: {  	(v2sf) =	vpush v52, $0xF;
	v52 =	vadd.s32 s2, v52;
	v49 =	vmin.f32 v49, $1.000000000e+00  }
0x19b: {  	v56 =	vadd.s32 $0xFFFFFFFF, v52;
	v49 =	vmul.f32 v49, v50  }
0x19c: {  	vm4 =	vlt.s32 v56, $0x80  }
0x19d: {  	v48 =	vadd.s32 s20, v48;
	v50 =	vnsel vm4, $0x80, v56;
	v49 =	vadd.f32 v49, v59  }
0x19e: {  	v48 =	vadd.s32 v35, v48;
	vm5 =	vlt.s32 v52, $0x80;
	v57 =	vadd.s32 $0xFFFFFFFF, v50  }
0x19f: {  	v58 =	vnsel vm5, $0x80, v52;
	v51 =	vand.u32 $0xFF, v57;
	v49 =	vmul.f32 v49, v43  }
0x1a0: {  	v59 =	vadd.s32 $0xFFFFFFFF, v58  }
0x1a1: {  	v49 =	vadd.f32 v49, v42;
	_ =	sdelay $0x1  }
0x1a2: {  	[tilespmem:v48+s15+$0x0] =	vst.idx.msk $0xffff, v49  }
0x1a3: {  	v48 =	vld.idx.msk [tilespmem:v51+s22+$0x4180], $0xffff  }
0x1a4: {  	v49 =	vld.idx.msk [tilespmem:v59+s22+$0x4180], $0xffff;
	_ =	sdelay $0x4  }
0x1a5: {  	v49 =	vsub.f32 v49, v48;
	_ =	sdelay $0x1  }
0x1a6: {  	v49 =	vmax.f32 v49, $9.999999910e-38  }
0x1a7: {  	(erf) = vrcp.f32 v49  }
0x1a8: {  	v54 =	vadd.s32 s21, v58  }
0x1a9: {  	v40 =	vadd.s32 s21, v50;
	_ =	sdelay $0x3  }
0x1aa: {  	v50 =	vld.idx.msk [tilespmem:v54+s8+$0x0], $0xffff  }
0x1ab: {  	v49 =	vld.idx.msk [tilespmem:v40+s8+$0x0], $0xffff  }
0x1ac: {  	v48 =	vsub.f32 v33, v48  }
0x1ad: {  	v55 =	vpop (erf)  }
0x1ae: {  	v48 =	vmul.f32 v55, v48  }
0x1af: {  	s29 =	spop (v2sf)  }
0x1b0: {  	s2 =	sadd.s32 s29, s2;
	v50 =	vsub.f32 v50, v49;
	v48 =	vmax.f32 v48, $0.0e+00  }
0x1b1: {  	(v2sf) =	vpush v47, $0xF;
	v47 =	vadd.s32 s2, v47;
	v48 =	vmin.f32 v48, $1.000000000e+00  }
0x1b2: {  	v56 =	vadd.s32 $0xFFFFFFFF, v47;
	v48 =	vmul.f32 v48, v50  }
0x1b3: {  	vm6 =	vlt.s32 v56, $0x80  }
0x1b4: {  	v57 =	vadd.s32 s20, v52;
	v50 =	vnsel vm6, $0x80, v56;
	v48 =	vadd.f32 v48, v49  }
0x1b5: {  	vm7 =	vlt.s32 v47, $0x80;
	v58 =	vadd.s32 $0xFFFFFFFF, v50;
	v49 =	vadd.s32 v61, v57  }
0x1b6: {  	v59 =	vnsel vm7, $0x80, v47;
	v51 =	vand.u32 $0xFF, v58;
	v48 =	vmul.f32 v48, v43  }
0x1b7: {  	v40 =	vadd.s32 $0xFFFFFFFF, v59  }
0x1b8: {  	v48 =	vadd.f32 v48, v42;
	_ =	sdelay $0x1  }
0x1b9: {  	[tilespmem:v49+s15+$0x0] =	vst.idx.msk $0xffff, v48  }
0x1ba: {  	v48 =	vld.idx.msk [tilespmem:v51+s22+$0x4180], $0xffff  }
0x1bb: {  	v49 =	vld.idx.msk [tilespmem:v40+s22+$0x4180], $0xffff;
	_ =	sdelay $0x4  }
0x1bc: {  	v49 =	vsub.f32 v49, v48;
	_ =	sdelay $0x1  }
0x1bd: {  	v49 =	vmax.f32 v49, $9.999999910e-38  }
0x1be: {  	(erf) = vrcp.f32 v49  }
0x1bf: {  	v54 =	vadd.s32 s21, v59  }
0x1c0: {  	v53 =	vadd.s32 s21, v50;
	_ =	sdelay $0x3  }
0x1c1: {  	v50 =	vld.idx.msk [tilespmem:v54+s8+$0x0], $0xffff  }
0x1c2: {  	v49 =	vld.idx.msk [tilespmem:v53+s8+$0x0], $0xffff  }
0x1c3: {  	v48 =	vsub.f32 v34, v48  }
0x1c4: {  	v55 =	vpop (erf)  }
0x1c5: {  	v48 =	vmul.f32 v55, v48  }
0x1c6: {  	s30 =	spop (v2sf)  }
0x1c7: {  	s1 =	sadd.s32 s30, s2;
	v50 =	vsub.f32 v50, v49;
	v48 =	vmax.f32 v48, $0.0e+00  }
0x1c8: {  	v51 =	vadd.s32 s1, v45;
	v48 =	vmin.f32 v48, $1.000000000e+00  }
0x1c9: {  	v57 =	vadd.s32 $0xFFFFFFFF, v51;
	v56 =	vmul.f32 v48, v50  }
0x1ca: {  	(v2sf) =	vpush v45, $0xF;
	vm8 =	vlt.s32 v57, $0x80  }
0x1cb: {  	v47 =	vadd.s32 s20, v47;
	v48 =	vnsel vm8, $0x80, v57;
	v45 =	vadd.f32 v56, v49  }
0x1cc: {  	v47 =	vadd.s32 v60, v47;
	vm9 =	vlt.s32 v51, $0x80;
	v58 =	vadd.s32 $0xFFFFFFFF, v48  }
0x1cd: {  	v59 =	vnsel vm9, $0x80, v51;
	v49 =	vand.u32 $0xFF, v58;
	v45 =	vmul.f32 v45, v43  }
0x1ce: {  	v60 =	vadd.s32 $0xFFFFFFFF, v59  }
0x1cf: {  	v45 =	vadd.f32 v45, v42;
	_ =	sdelay $0x1  }
0x1d0: {  	[tilespmem:v47+s15+$0x0] =	vst.idx.msk $0xffff, v45  }
0x1d1: {  	s11 =	sor.u32 $0x1, s19;
	(v2sf) =	vpush v44, $0xF;
	v47 =	vld.idx.msk [tilespmem:v49+s22+$0x4180], $0xffff  }
0x1d2: {  	v40 =	vmov s11;
	v53 =	vld.idx.msk [tilespmem:v60+s22+$0x4180], $0xffff  }
0x1d3: {  	v45 =	vand.u32 $0xFFFFFFF9, v40  }
0x1d4: {  	v54 =	vbroadcast v45, $0x0;
	_ =	sdelay $0x2  }
0x1d5: {  	v55 =	vsub.f32 v53, v47;
	_ =	sdelay $0x1  }
0x1d6: {  	s25 =	smul.u32 $0x90, s11;
	v49 =	vmax.f32 v55, $9.999999910e-38  }
0x1d7: {  	v45 =	vld.idx.msk [tilespmem:v54+s9+$0x0], $0xffff;
	(erf) = vrcp.f32 v49  }
0x1d8: {  	v48 =	vadd.s32 s21, v48;
	v50 =	vld.idx.msk [tilespmem:v54+s13+$0x0], $0xffff;
	[tilespmem:s25+$0x8180] =	vst v3  }
0x1d9: {  	s29 =	sor.u32 $0x30, s25;
	v56 =	vadd.s32 s21, v59;
	[tilespmem:s25+$0x8190] =	vst v6  }
0x1da: {  	[tilespmem:s29+$0x8180] =	vst v6  }
0x1db: {  	s28 =	sor.u32 $0x50, s25;
	[tilespmem:s25+$0x81B0] =	vst v6  }
0x1dc: {  	s31 =	spop (v2sf);
	[tilespmem:s28+$0x8180] =	vst v6  }
0x1dd: {  	s3 =	sor.u32 $0x70, s25;
	v46, _, _ =	vpop (xrf0);
	s5 =	spop (v2sf);
	v48 =	vld.idx.msk [tilespmem:v48+s8+$0x0], $0xffff;
	[tilespmem:s25+$0x81D0] =	vst v6  }
0x1de: {  	[tilespmem:s3+$0x8180] =	vst v6;
	v49 =	vld.idx.msk [tilespmem:v56+s8+$0x0], $0xffff  }
0x1df: {  	s16 =	sshll.u32 s11, $0x7;
	s26 =	sand.u32 $0x3F80, s25;
	v47 =	vsub.f32 v36, v47;
	[tilespmem:s25+$0x81F0] =	vst v6  }
0x1e0: {  	s2 =	sand.u32 $0x3FFFFF80, s16;
	[tilespmem:s26+$0x8210] =	vst v6;
	v57 =	vpop (erf)  }
0x1e1: {  	v58 =	vld [tilespmem:s2+$0x0];
	v47 =	vmul.f32 v57, v47;
	_ =	sdelay $0x1  }
0x1e2: {  	s0 =	sadd.s32 s31, s1;
	v49 =	vsub.f32 v49, v48;
	v57 =	vld [tilespmem:s2+$0x10];
	v47 =	vmax.f32 v47, $0.0e+00  }
0x1e3: {  	v54 =	vadd.s32 s0, v44;
	v47 =	vmin.f32 v47, $1.000000000e+00  }
0x1e4: {  	v60 =	vadd.s32 $0xFFFFFFFF, v54;
	v40 =	vld [tilespmem:s2+$0x20];
	v59 =	vmul.f32 v47, v49  }
0x1e5: {  	vm11 =	vlt.s32 v54, $0x80;
	vm10 =	vlt.s32 v60, $0x80;
	v52 =	vadd.f32 $9.999999770e-03, v58  }
0x1e6: {  	v58 =	vadd.s32 s20, v51;
	v51 =	vld [tilespmem:s2+$0x30];
	v47 =	vnsel vm10, $0x80, v60;
	v44 =	vadd.f32 v59, v48  }
0x1e7: {  	(xrf2) =	vadd.scan.msk.f32 $0xffff, v52;
	v60 =	vld [tilespmem:s2+$0x40];
	v53 =	vadd.f32 $9.999999770e-03, v57;
	v48 =	vadd.s32 v37, v58;
	v59 =	vadd.s32 $0xFFFFFFFF, v47  }
0x1e8: {  	v56 =	vnsel vm11, $0x80, v54;
	v52 =	vand.u32 $0xFF, v59;
	v44 =	vmul.f32 v44, v43  }
0x1e9: {  	v49 =	vadd.f32 $9.999999770e-03, v40;
	v37 =	vadd.s32 $0xFFFFFFFF, v56;
	(xrf2) =	vadd.scan.msk.f32 $0xffff, v53  }
0x1ea: {  	v40 =	vld [tilespmem:s2+$0x50];
	v44 =	vadd.f32 v44, v42  }
0x1eb: {  	v51 =	vadd.f32 $9.999999770e-03, v51;
	v58 =	vld [tilespmem:s2+$0x60];
	(xrf2) =	vadd.scan.msk.f32 $0xffff, v49  }
0x1ec: {  	v59 =	vadd.f32 $9.999999770e-03, v60;
	v60 =	vld [tilespmem:s2+$0x70];
	[tilespmem:v48+s15+$0x0] =	vst.idx.msk $0xffff, v44  }
0x1ed: {  	(xrf2) =	vadd.scan.msk.f32 $0xffff, v51;
	v48 =	vld.idx.msk [tilespmem:v52+s22+$0x4180], $0xffff  }
0x1ee: {  	v37 =	vld.idx.msk [tilespmem:v37+s22+$0x4180], $0xffff  }
0x1ef: {  	v40 =	vadd.f32 $9.999999770e-03, v40;
	(xrf2) =	vadd.scan.msk.f32 $0xffff, v59;
	_ =	sdelay $0x1  }
0x1f0: {  	v57, _, _ =	vpop (xrf2);
	v44 =	vadd.f32 $9.999999770e-03, v58;
	(xrf2) =	vadd.scan.msk.f32 $0xffff, v40  }
0x1f1: {  	(v2sf) =	vpush v57, $0xF  }
0x1f2: {  	v55 =	vadd.f32 $9.999999770e-03, v60;
	v58, _, _ =	vpop (xrf2);
	(xrf2) =	vadd.scan.msk.f32 $0xffff, v44;
	v60 =	vsub.f32 v37, v48  }
0x1f3: {  	(v2sf) =	vpush v58, $0xF  }
0x1f4: {  	v59, _, _ =	vpop (xrf2);
	(xrf2) =	vadd.scan.msk.f32 $0xffff, v55  }
0x1f5: {  	(v2sf) =	vpush v59, $0xF;
	v44 =	vmax.f32 v60, $9.999999910e-38  }
0x1f6: {  	(erf) = vrcp.f32 v44;
	v60, _, _ =	vpop (xrf2)  }
0x1f7: {  	v40 =	vadd.s32 s21, v56;
	(v2sf) =	vpush v60, $0xF  }
0x1f8: {  	v37 =	vadd.s32 s21, v47;
	v55, _, _ =	vpop (xrf2)  }
0x1f9: {  	(v2sf) =	vpush v55, $0xF  }
0x1fa: {  	v53, _, _ =	vpop (xrf2)  }
0x1fb: {  	(v2sf) =	vpush v53, $0xF  }
0x1fc: {  	v47 =	vld.idx.msk [tilespmem:v40+s8+$0x0], $0xffff;
	v52, _, _ =	vpop (xrf2)  }
0x1fd: {  	v37 =	vld.idx.msk [tilespmem:v37+s8+$0x0], $0xffff;
	(v2sf) =	vpush v52, $0xF  }
0x1fe: {  	v48 =	vsub.f32 v39, v48;
	v44, _, _ =	vpop (xrf2)  }
0x1ff: {  	(v2sf) =	vpush v44, $0xF;
	v40 =	vpop (erf)  }
0x200: {  	s23 =	spop (v2sf);
	v48 =	vmul.f32 v40, v48  }
0x201: {  	s23 =	sadd.f32 $0.0e+00, s23  }
0x202: {  	s0 =	sadd.s32 s5, s0;
	v47 =	vsub.f32 v47, v37;
	v48 =	vmax.f32 v48, $0.0e+00;
	s24 =	spop (v2sf)  }
0x203: {  	v46 =	vadd.s32 s0, v46;
	v48 =	vmin.f32 v48, $1.000000000e+00;
	s5 =	sadd.f32 s24, s23  }
0x204: {  	v56 =	vadd.s32 $0xFFFFFFFF, v46;
	s30 =	spop (v2sf);
	v47 =	vmul.f32 v48, v47  }
0x205: {  	vm12 =	vlt.s32 v56, $0x80;
	s4 =	sadd.f32 s30, s5  }
0x206: {  	v48 =	vnsel vm12, $0x80, v56;
	v47 =	vadd.f32 v47, v37;
	v37 =	vadd.s32 s20, v54;
	s31 =	spop (v2sf)  }
0x207: {  	vm13 =	vlt.s32 v46, $0x80;
	v40 =	vadd.s32 $0xFFFFFFFF, v48;
	v39 =	vadd.s32 v38, v37;
	s2 =	sadd.f32 s31, s4  }
0x208: {  	v49 =	vnsel vm13, $0x80, v46;
	v54 =	vand.u32 $0xFF, v40;
	v47 =	vmul.f32 v47, v43;
	s1 =	spop (v2sf)  }
0x209: {  	v37 =	vadd.s32 $0xFFFFFFFF, v49;
	s1 =	sadd.f32 s1, s2  }
0x20a: {  	s6 =	spop (v2sf);
	v47 =	vadd.f32 v47, v42  }
0x20b: {  	s0 =	sadd.f32 s6, s1  }
0x20c: {  	[tilespmem:v39+s15+$0x0] =	vst.idx.msk $0xffff, v47;
	s16 =	spop (v2sf)  }
0x20d: {  	v47 =	vld.idx.msk [tilespmem:v54+s22+$0x4180], $0xffff;
	s6 =	sadd.f32 s16, s0  }
0x20e: {  	v51 =	vld.idx.msk [tilespmem:v37+s22+$0x4180], $0xffff;
	s24 =	spop (v2sf)  }
0x20f: {  	s16 =	sadd.f32 s24, s6;
	_ =	sdelay $0x1  }
0x210: {  	s30 =	ssub.f32 $9.999999740e-06, s16;
	_ =	sdelay $0x1  }
0x211: {  	v51 =	vsub.f32 v51, v47;
	s22 =	smax.f32 s30, $0.0e+00  }
0x212: {  	s16 =	sadd.f32 s22, s16  }
0x213: {  	v51 =	vmax.f32 v51, $9.999999910e-38  }
0x214: {  	(erf) = vrcp.f32 v51;
	v39 =	vmov s16  }
0x215: {  	(erf) = vrcp.f32 v39;
	_ =	sdelay $0x3  }
0x216: {  	s31 =	smul.f32 $7.812500000e-03, s22;
	_ =	sdelay $0x1  }
0x217: {  	v40 =	vadd.f32 $0.0e+00, v57;
	v37 =	vmul.f32 s31, v4;
	_ =	sdelay $0x1  }
0x218: {  	v56 =	vadd.f32 v37, v40;
	v51 =	vpop (erf)  }
0x219: {  	v54 =	vpop (erf)  }
0x21a: {  	v56 =	vmul.f32 v56, v54;
	_ =	sdelay $0x1  }
0x21b: {  	v56 =	vmin.f32 v56, $1.000000000e+00  }
0x21c: {  	v39 =	vmul.f32 $1.290000000e+02, v56;
	_ =	sdelay $0x1  }
0x21d: {  	v57 =	vadd.f32 $5.000000000e-01, v39;
	_ =	sdelay $0x1  }
0x21e: {  	v57 =	vtrunc.f32 v57  }
0x21f: {  	v58 =	vadd.f32 s23, v58;
	v40 =	vmul.f32 s31, v5;
	v57 =	vcvt.f32.s32 v57;
	_ =	sdelay $0x1  }
0x220: {  	v39 =	vmov v61;
	v61 =	vadd.f32 v40, v58;
	v57 =	vxor.u32 $0x80000000, v57  }
0x221: {  	(xrf0) =	vmax.scan.msk.u32 $0xffff, v57  }
0x222: {  	v57 =	vmul.f32 v61, v54;
	_ =	sdelay $0x1  }
0x223: {  	v57 =	vmin.f32 v57, $1.000000000e+00  }
0x224: {  	v40 =	vmul.f32 $1.290000000e+02, v57;
	_ =	sdelay $0x1  }
0x225: {  	v37 =	vmov v38;
	v61 =	vadd.f32 $5.000000000e-01, v40;
	v38, _, _ =	vpop (xrf0)  }
0x226: {  	s23 =	smul.u32 $0x81, s11;
	v58 =	vxor.u32 $0x80000000, v38  }
0x227: {  	v59 =	vadd.f32 s5, v59;
	v38 =	vmovc v34;
	v34 =	vmovc v32;
	v61 =	vtrunc.f32 v61;
	vm14 =	vgt.s32 v58, $0x0  }
0x228: {  	v32 =	vmovc v30;
	v30 =	vmovc v62;
	v62 =	vadd.s32 s23, v10;
	v61 =	vcvt.f32.s32 v61;
	v58 =	vnsel vm14, $0x0, v58  }
0x229: {  	v40 =	vmovc v36;
	v36 =	vmovc v33;
	v33 =	vmov v31;
	v31 =	vmov v63;
	v63 =	vmul.f32 s31, v7  }
0x22a: {  	s24 =	sshll.u32 s11, $0x8;
	v61 =	vxor.u32 $0x80000000, v61  }
0x22b: {  	s24 =	sand.u32 $0x3FFFFF00, s24;
	(xrf0) =	vmax.scan.msk.u32 $0xffff, v61;
	v61 =	vadd.f32 v63, v59  }
0x22c: {  	[tilespmem:s24+$0x4180] =	vst v56  }
0x22d: {  	v56 =	vmul.f32 v61, v54;
	[tilespmem:v58+s25+$0x8180] =	vst.idx.add.s32.msk $0xffff, v9  }
0x22e: {  	v59 =	vld.idx.msk [tilespmem:v62+s8+$0x0], $0xffff  }
0x22f: {  	s22 =	smul.u32 $0x102, s11;
	v56 =	vmin.f32 v56, $1.000000000e+00  }
0x230: {  	v61 =	vmul.f32 $1.290000000e+02, v56  }
0x231: {  	v50 =	vsub.f32 v50, v45;
	v62 =	vadd.s32 s22, v58  }
0x232: {  	v58 =	vbroadcast v58, $0xF;
	v62 =	vadd.s32 v10, v62;
	v63, _, _ =	vpop (xrf0);
	v61 =	vadd.f32 $5.000000000e-01, v61  }
0x233: {  	v60 =	vadd.f32 s4, v60;
	v63 =	vxor.u32 $0x80000000, v63;
	v59 =	vmul.f32 v59, v50  }
0x234: {  	v1 =	vmul.f32 s31, v8;
	vm15 =	vgt.s32 v63, v58;
	v61 =	vtrunc.f32 v61  }
0x235: {  	v58 =	vsel vm15, v63, v58;
	v61 =	vcvt.f32.s32 v61;
	v59 =	vadd.f32 v59, v45  }
0x236: {  	v63 =	vadd.s32 s23, v12  }
0x237: {  	v1 =	vadd.f32 v1, v60;
	[tilespmem:v62+s15+$0x0] =	vst.idx.msk $0xffff, v59;
	v62 =	vxor.u32 $0x80000000, v61  }
0x238: {  	(xrf0) =	vmax.scan.msk.u32 $0xffff, v62  }
0x239: {  	v1 =	vmul.f32 v1, v54;
	[tilespmem:s24+$0x4190] =	vst v57  }
0x23a: {  	[tilespmem:v58+s25+$0x8180] =	vst.idx.add.s32.msk $0xffff, v9  }
0x23b: {  	v1 =	vmin.f32 v1, $1.000000000e+00;
	v57 =	vld.idx.msk [tilespmem:v63+s8+$0x0], $0xffff  }
0x23c: {  	v59 =	vmul.f32 $1.290000000e+02, v1;
	_ =	sdelay $0x1  }
0x23d: {  	v60 =	vadd.s32 s22, v58;
	v58 =	vbroadcast v58, $0xF;
	v59 =	vadd.f32 $5.000000000e-01, v59;
	v61, _, _ =	vpop (xrf0)  }
0x23e: {  	v55 =	vadd.f32 s2, v55;
	v60 =	vadd.s32 v12, v60;
	v61 =	vxor.u32 $0x80000000, v61  }
0x23f: {  	v59 =	vtrunc.f32 v59;
	v57 =	vmul.f32 v57, v50;
	vm4 =	vgt.s32 v61, v58  }
0x240: {  	v62 =	vmul.f32 s31, v11;
	v59 =	vcvt.f32.s32 v59;
	v58 =	vsel vm4, v61, v58  }
0x241: {  	v57 =	vadd.f32 v57, v45;
	v61 =	vadd.s32 s23, v14  }
0x242: {  	v55 =	vadd.f32 v62, v55;
	v59 =	vxor.u32 $0x80000000, v59  }
0x243: {  	(xrf0) =	vmax.scan.msk.u32 $0xffff, v59;
	[tilespmem:v60+s15+$0x0] =	vst.idx.msk $0xffff, v57  }
0x244: {  	v55 =	vmul.f32 v55, v54;
	[tilespmem:s24+$0x41A0] =	vst v56  }
0x245: {  	[tilespmem:v58+s25+$0x8180] =	vst.idx.add.s32.msk $0xffff, v9  }
0x246: {  	v55 =	vmin.f32 v55, $1.000000000e+00;
	v56 =	vld.idx.msk [tilespmem:v61+s8+$0x0], $0xffff  }
0x247: {  	v57 =	vmul.f32 $1.290000000e+02, v55;
	_ =	sdelay $0x1  }
0x248: {  	v60 =	vbroadcast v58, $0xF;
	v59, _, _ =	vpop (xrf0);
	v57 =	vadd.f32 $5.000000000e-01, v57;
	v58 =	vadd.s32 s22, v58  }
0x249: {  	v53 =	vadd.f32 s1, v53;
	v59 =	vxor.u32 $0x80000000, v59;
	v58 =	vadd.s32 v14, v58  }
0x24a: {  	vm5 =	vgt.s32 v59, v60;
	v57 =	vtrunc.f32 v57;
	v56 =	vmul.f32 v56, v50  }
0x24b: {  	v61 =	vmul.f32 s31, v13;
	v59 =	vsel vm5, v59, v60;
	v57 =	vcvt.f32.s32 v57  }
0x24c: {  	v60 =	vadd.s32 s23, v16;
	v56 =	vadd.f32 v56, v45  }
0x24d: {  	v53 =	vadd.f32 v61, v53;
	v57 =	vxor.u32 $0x80000000, v57  }
0x24e: {  	(xrf0) =	vmax.scan.msk.u32 $0xffff, v57;
	[tilespmem:v58+s15+$0x0] =	vst.idx.msk $0xffff, v56  }
0x24f: {  	v53 =	vmul.f32 v53, v54;
	[tilespmem:s24+$0x41B0] =	vst v1  }
0x250: {  	[tilespmem:v59+s25+$0x8180] =	vst.idx.add.s32.msk $0xffff, v9  }
0x251: {  	v1 =	vmin.f32 v53, $1.000000000e+00;
	v61 =	vld.idx.msk [tilespmem:v60+s8+$0x0], $0xffff  }
0x252: {  	v62 =	vmul.f32 $1.290000000e+02, v1;
	_ =	sdelay $0x1  }
0x253: {  	v63 =	vadd.s32 s22, v59;
	v59 =	vbroadcast v59, $0xF;
	v60, _, _ =	vpop (xrf0);
	v56 =	vadd.f32 $5.000000000e-01, v62  }
0x254: {  	v52 =	vadd.f32 s0, v52;
	v57 =	vadd.s32 v16, v63;
	v58 =	vxor.u32 $0x80000000, v60  }
0x255: {  	vm6 =	vgt.s32 v58, v59;
	v56 =	vtrunc.f32 v56;
	v53 =	vmul.f32 v61, v50  }
0x256: {  	v58 =	vsel vm6, v58, v59;
	v59 =	vmul.f32 s31, v41;
	v56 =	vcvt.f32.s32 v56  }
0x257: {  	v60 =	vadd.s32 s23, v18;
	v53 =	vadd.f32 v53, v45  }
0x258: {  	v52 =	vadd.f32 v59, v52;
	v56 =	vxor.u32 $0x80000000, v56  }
0x259: {  	(xrf0) =	vmax.scan.msk.u32 $0xffff, v56;
	[tilespmem:v57+s15+$0x0] =	vst.idx.msk $0xffff, v53  }
0x25a: {  	v52 =	vmul.f32 v52, v54;
	[tilespmem:s24+$0x41C0] =	vst v55  }
0x25b: {  	[tilespmem:v58+s25+$0x8180] =	vst.idx.add.s32.msk $0xffff, v9  }
0x25c: {  	v52 =	vmin.f32 v52, $1.000000000e+00;
	v53 =	vld.idx.msk [tilespmem:v60+s8+$0x0], $0xffff  }
0x25d: {  	v61 =	vmul.f32 $1.290000000e+02, v52;
	_ =	sdelay $0x1  }
0x25e: {  	v62 =	vbroadcast v58, $0xF;
	v58 =	vadd.s32 s22, v58;
	v55 =	vadd.f32 $5.000000000e-01, v61;
	v56, _, _ =	vpop (xrf0)  }
0x25f: {  	v44 =	vadd.f32 s6, v44;
	v58 =	vadd.s32 v18, v58;
	v56 =	vxor.u32 $0x80000000, v56  }
0x260: {  	v55 =	vtrunc.f32 v55;
	vm7 =	vgt.s32 v56, v62;
	v53 =	vmul.f32 v53, v50  }
0x261: {  	v63 =	vmul.f32 s31, v17;
	v55 =	vcvt.f32.s32 v55;
	v56 =	vsel vm7, v56, v62  }
0x262: {  	v60 =	vadd.s32 s23, v20;
	v53 =	vadd.f32 v53, v45  }
0x263: {  	v44 =	vadd.f32 v63, v44;
	v55 =	vxor.u32 $0x80000000, v55  }
0x264: {  	(xrf0) =	vmax.scan.msk.u32 $0xffff, v55;
	[tilespmem:v58+s15+$0x0] =	vst.idx.msk $0xffff, v53  }
0x265: {  	[tilespmem:s24+$0x41D0] =	vst v1;
	v1 =	vmul.f32 v44, v54  }
0x266: {  	[tilespmem:v56+s25+$0x8180] =	vst.idx.add.s32.msk $0xffff, v9  }
0x267: {  	v61 =	vld.idx.msk [tilespmem:v60+s8+$0x0], $0xffff;
	v1 =	vmin.f32 v1, $1.000000000e+00  }
0x268: {  	v62 =	vmul.f32 $1.290000000e+02, v1;
	_ =	sdelay $0x1  }
0x269: {  	v63 =	vadd.s32 s22, v56;
	v56 =	vbroadcast v56, $0xF;
	v55, _, _ =	vpop (xrf0);
	v53 =	vadd.f32 $5.000000000e-01, v62  }
0x26a: {  	v54 =	vadd.s32 v20, v63;
	v55 =	vxor.u32 $0x80000000, v55  }
0x26b: {  	vm8 =	vgt.s32 v55, v56;
	v44 =	vmul.f32 v61, v50;
	v53 =	vtrunc.f32 v53  }
0x26c: {  	v55 =	vsel vm8, v55, v56;
	v53 =	vcvt.f32.s32 v53  }
0x26d: {  	v60 =	vadd.s32 s23, v22;
	v44 =	vadd.f32 v44, v45  }
0x26e: {  	v53 =	vxor.u32 $0x80000000, v53  }
0x26f: {  	[tilespmem:v54+s15+$0x0] =	vst.idx.msk $0xffff, v44;
	(xrf0) =	vmax.scan.msk.u32 $0xffff, v53  }
0x270: {  	[tilespmem:s24+$0x41E0] =	vst v52  }
0x271: {  	[tilespmem:v55+s25+$0x8180] =	vst.idx.add.s32.msk $0xffff, v9  }
0x272: {  	v44 =	vld.idx.msk [tilespmem:v60+s8+$0x0], $0xffff;
	_ =	sdelay $0x2  }
0x273: {  	v62 =	vbroadcast v55, $0xF;
	v61 =	vadd.s32 s22, v55;
	v53, _, _ =	vpop (xrf0)  }
0x274: {  	v52 =	vadd.s32 v22, v61;
	v53 =	vxor.u32 $0x80000000, v53  }
0x275: {  	v44 =	vmul.f32 v44, v50;
	vm9 =	vgt.s32 v53, v62  }
0x276: {  	v53 =	vsel vm9, v53, v62  }
0x277: {  	v63 =	vadd.s32 s23, v24;
	v44 =	vadd.f32 v44, v45;
	_ =	sdelay $0x1  }
0x278: {  	[tilespmem:v52+s15+$0x0] =	vst.idx.msk $0xffff, v44  }
0x279: {  	[tilespmem:s24+$0x41F0] =	vst v1  }
0x27a: {  	[tilespmem:v53+s25+$0x8180] =	vst.idx.add.s32.msk $0xffff, v9  }
0x27b: {  	v1 =	vld.idx.msk [tilespmem:v63+s8+$0x0], $0xffff;
	_ =	sdelay $0x2  }
0x27c: {  	v57 =	vadd.s32 s22, v53  }
0x27d: {  	v44 =	vadd.s32 v24, v57  }
0x27e: {  	v58 =	vmov s23;
	v1 =	vmul.f32 v1, v50;
	_ =	sdelay $0x1  }
0x27f: {  	v1 =	vadd.f32 v1, v45;
	_ =	sdelay $0x1  }
0x280: {  	[tilespmem:v44+s15+$0x0] =	vst.idx.msk $0xffff, v1  }
0x281: {  	v1 =	vld.idx.msk [tilespmem:v58+s8+$0x0], $0xffff;
	_ =	sdelay $0x3  }
0x282: {  	v59 =	vmov s22  }
0x283: {  	v1 =	vmul.f32 v1, v50;
	_ =	sdelay $0x1  }
0x284: {  	v1 =	vadd.f32 v1, v45;
	_ =	sdelay $0x1  }
0x285: {  	[tilespmem:v59+s15+$0x0] =	vst.idx.msk $0x1, v1  }
0x286: {  	v1 =	vld [tilespmem:s25+$0x8180];
	_ =	sdelay $0x4  }
0x287: {  	(xrf0) =	vadd.scan.msk.s32 $0xffff, v1;
	_ =	sdelay $0x5  }
0x288: {  	v1, _, _ =	vpop (xrf0)  }
0x289: {  	v60 =	vadd.s32 $0xFFFFFFFF, v1  }
0x28a: {  	vm11 =	vlt.s32 v1, $0x80;
	vm10 =	vlt.s32 v60, $0x80  }
0x28b: {  	v62 =	vnsel vm11, $0x80, v1;
	v44 =	vnsel vm10, $0x80, v60  }
0x28c: {  	v63 =	vadd.s32 $0xFFFFFFFF, v62;
	v61 =	vadd.s32 $0xFFFFFFFF, v44  }
0x28d: {  	v52 =	vand.u32 $0xFF, v61;
	_ =	sdelay $0x3  }
0x28e: {  	v54 =	vld.idx.msk [tilespmem:v63+s24+$0x4180], $0xffff  }
0x28f: {  	v52 =	vld.idx.msk [tilespmem:v52+s24+$0x4180], $0xffff;
	_ =	sdelay $0x4  }
0x290: {  	v54 =	vsub.f32 v54, v52;
	_ =	sdelay $0x1  }
0x291: {  	v54 =	vmax.f32 v54, $9.999999910e-38  }
0x292: {  	(erf) = vrcp.f32 v54  }
0x293: {  	v57 =	vld [tilespmem:s25+$0x8190];
	v53 =	vadd.s32 s23, v62  }
0x294: {  	v44 =	vadd.s32 s23, v44;
	_ =	sdelay $0x3  }
0x295: {  	(xrf0) =	vadd.scan.msk.s32 $0xffff, v57;
	v53 =	vld.idx.msk [tilespmem:v53+s8+$0x0], $0xffff  }
0x296: {  	v44 =	vld.idx.msk [tilespmem:v44+s8+$0x0], $0xffff  }
0x297: {  	v52 =	vsub.f32 v29, v52  }
0x298: {  	v58 =	vpop (erf)  }
0x299: {  	v52 =	vmul.f32 v58, v52  }
0x29a: {  	v59 =	vbroadcast v1, $0xF  }
0x29b: {  	v55, _, _ =	vpop (xrf0);
	v53 =	vsub.f32 v53, v44;
	v52 =	vmax.f32 v52, $0.0e+00  }
0x29c: {  	v54 =	vadd.s32 v59, v55;
	v52 =	vmin.f32 v52, $1.000000000e+00  }
0x29d: {  	v60 =	vadd.s32 $0xFFFFFFFF, v54;
	v52 =	vmul.f32 v52, v53  }
0x29e: {  	vm12 =	vlt.s32 v60, $0x80  }
0x29f: {  	v56 =	vld [tilespmem:s29+$0x8180];
	v61 =	vadd.s32 s22, v1;
	v58 =	vnsel vm12, $0x80, v60;
	v44 =	vadd.f32 v52, v44  }
0x2a0: {  	v57 =	vld [tilespmem:s25+$0x81B0];
	vm13 =	vlt.s32 v54, $0x80;
	v60 =	vadd.s32 v0, v61;
	v52 =	vadd.s32 $0xFFFFFFFF, v58  }
0x2a1: {  	v59 =	vld [tilespmem:s28+$0x8180];
	v62 =	vnsel vm13, $0x80, v54;
	v63 =	vand.u32 $0xFF, v52;
	v44 =	vmul.f32 v44, v50  }
0x2a2: {  	v27 =	vmov v3;
	v3 =	vadd.s32 $0xFFFFFFFF, v62;
	v61 =	vld [tilespmem:s25+$0x81D0]  }
0x2a3: {  	v28 =	vmov v17;
	v17 =	vmov v4;
	v53 =	vld [tilespmem:s25+$0x81F0];
	v4 =	vadd.f32 v44, v45  }
0x2a4: {  	v52 =	vld [tilespmem:s3+$0x8180]  }
0x2a5: {  	v44 =	vld [tilespmem:s26+$0x8210];
	[tilespmem:v60+s15+$0x0] =	vst.idx.msk $0xffff, v4  }
0x2a6: {  	v4 =	vld.idx.msk [tilespmem:v63+s24+$0x4180], $0xffff  }
0x2a7: {  	v3 =	vld.idx.msk [tilespmem:v3+s24+$0x4180], $0xffff;
	_ =	sdelay $0x2  }
0x2a8: {  	(v2sf) =	vpush v1, $0xF  }
0x2a9: {  	(v2sf) =	vpush v55, $0xF  }
0x2aa: {  	v1 =	vsub.f32 v3, v4;
	_ =	sdelay $0x1  }
0x2ab: {  	v1 =	vmax.f32 v1, $9.999999910e-38  }
0x2ac: {  	(erf) = vrcp.f32 v1  }
0x2ad: {  	v3 =	vadd.s32 s23, v62  }
0x2ae: {  	v1 =	vadd.s32 s23, v58;
	_ =	sdelay $0x3  }
0x2af: {  	(xrf0) =	vadd.scan.msk.s32 $0xffff, v56;
	v3 =	vld.idx.msk [tilespmem:v3+s8+$0x0], $0xffff  }
0x2b0: {  	v1 =	vld.idx.msk [tilespmem:v1+s8+$0x0], $0xffff  }
0x2b1: {  	v4 =	vsub.f32 v30, v4  }
0x2b2: {  	v62 =	vpop (erf)  }
0x2b3: {  	s26 =	spop (v2sf);
	v4 =	vmul.f32 v62, v4  }
0x2b4: {  	s28 =	spop (v2sf)  }
0x2b5: {  	v55, _, _ =	vpop (xrf0);
	s0 =	sadd.s32 s26, s28;
	v3 =	vsub.f32 v3, v1;
	v4 =	vmax.f32 v4, $0.0e+00  }
0x2b6: {  	v56 =	vadd.s32 s0, v55;
	v4 =	vmin.f32 v4, $1.000000000e+00  }
0x2b7: {  	v3 =	vmul.f32 v4, v3;
	v4 =	vadd.s32 $0xFFFFFFFF, v56  }
0x2b8: {  	vm14 =	vlt.s32 v4, $0x80  }
0x2b9: {  	v1 =	vadd.f32 v3, v1;
	v3 =	vadd.s32 s22, v54;
	v4 =	vnsel vm14, $0x80, v4  }
0x2ba: {  	vm15 =	vlt.s32 v56, $0x80;
	v3 =	vadd.s32 v31, v3;
	v63 =	vadd.s32 $0xFFFFFFFF, v4  }
0x2bb: {  	v58 =	vnsel vm15, $0x80, v56;
	v1 =	vmul.f32 v1, v50;
	v54 =	vand.u32 $0xFF, v63  }
0x2bc: {  	v60 =	vadd.s32 $0xFFFFFFFF, v58  }
0x2bd: {  	v1 =	vadd.f32 v1, v45;
	_ =	sdelay $0x1  }
0x2be: {  	[tilespmem:v3+s15+$0x0] =	vst.idx.msk $0xffff, v1  }
0x2bf: {  	v1 =	vld.idx.msk [tilespmem:v54+s24+$0x4180], $0xffff  }
0x2c0: {  	v3 =	vld.idx.msk [tilespmem:v60+s24+$0x4180], $0xffff;
	_ =	sdelay $0x3  }
0x2c1: {  	(v2sf) =	vpush v55, $0xF  }
0x2c2: {  	v3 =	vsub.f32 v3, v1;
	_ =	sdelay $0x1  }
0x2c3: {  	v3 =	vmax.f32 v3, $9.999999910e-38  }
0x2c4: {  	(erf) = vrcp.f32 v3  }
0x2c5: {  	v3 =	vadd.s32 s23, v4  }
0x2c6: {  	v4 =	vadd.s32 s23, v58;
	_ =	sdelay $0x3  }
0x2c7: {  	(xrf0) =	vadd.scan.msk.s32 $0xffff, v57;
	v3 =	vld.idx.msk [tilespmem:v3+s8+$0x0], $0xffff  }
0x2c8: {  	v4 =	vld.idx.msk [tilespmem:v4+s8+$0x0], $0xffff  }
0x2c9: {  	v1 =	vsub.f32 v32, v1  }
0x2ca: {  	v58 =	vpop (erf)  }
0x2cb: {  	v1 =	vmul.f32 v58, v1  }
0x2cc: {  	s29 =	spop (v2sf)  }
0x2cd: {  	s0 =	sadd.s32 s29, s0;
	v54, _, _ =	vpop (xrf0);
	v4 =	vsub.f32 v4, v3;
	v1 =	vmax.f32 v1, $0.0e+00  }
0x2ce: {  	v55 =	vadd.s32 s0, v54;
	v1 =	vmin.f32 v1, $1.000000000e+00  }
0x2cf: {  	v1 =	vmul.f32 v1, v4;
	v4 =	vadd.s32 $0xFFFFFFFF, v55  }
0x2d0: {  	vm4 =	vlt.s32 v4, $0x80  }
0x2d1: {  	v1 =	vadd.f32 v1, v3;
	v3 =	vadd.s32 s22, v56;
	v4 =	vnsel vm4, $0x80, v4  }
0x2d2: {  	vm5 =	vlt.s32 v55, $0x80;
	v3 =	vadd.s32 v33, v3;
	v60 =	vadd.s32 $0xFFFFFFFF, v4  }
0x2d3: {  	v62 =	vnsel vm5, $0x80, v55;
	v1 =	vmul.f32 v1, v50;
	v56 =	vand.u32 $0xFF, v60  }
0x2d4: {  	v63 =	vadd.s32 $0xFFFFFFFF, v62  }
0x2d5: {  	v1 =	vadd.f32 v1, v45;
	_ =	sdelay $0x1  }
0x2d6: {  	[tilespmem:v3+s15+$0x0] =	vst.idx.msk $0xffff, v1  }
0x2d7: {  	v1 =	vld.idx.msk [tilespmem:v56+s24+$0x4180], $0xffff  }
0x2d8: {  	v3 =	vld.idx.msk [tilespmem:v63+s24+$0x4180], $0xffff;
	_ =	sdelay $0x3  }
0x2d9: {  	(v2sf) =	vpush v54, $0xF  }
0x2da: {  	v3 =	vsub.f32 v3, v1;
	_ =	sdelay $0x1  }
0x2db: {  	v3 =	vmax.f32 v3, $9.999999910e-38  }
0x2dc: {  	(erf) = vrcp.f32 v3  }
0x2dd: {  	v3 =	vadd.s32 s23, v4  }
0x2de: {  	v4 =	vadd.s32 s23, v62;
	_ =	sdelay $0x3  }
0x2df: {  	(xrf0) =	vadd.scan.msk.s32 $0xffff, v59;
	v3 =	vld.idx.msk [tilespmem:v3+s8+$0x0], $0xffff  }
0x2e0: {  	v4 =	vld.idx.msk [tilespmem:v4+s8+$0x0], $0xffff  }
0x2e1: {  	v1 =	vsub.f32 v34, v1  }
0x2e2: {  	v59 =	vpop (erf)  }
0x2e3: {  	v1 =	vmul.f32 v59, v1  }
0x2e4: {  	s30 =	spop (v2sf)  }
0x2e5: {  	v54, _, _ =	vpop (xrf0);
	s0 =	sadd.s32 s30, s0;
	v4 =	vsub.f32 v4, v3;
	v1 =	vmax.f32 v1, $0.0e+00  }
0x2e6: {  	v56 =	vadd.s32 s0, v54;
	v1 =	vmin.f32 v1, $1.000000000e+00  }
0x2e7: {  	v1 =	vmul.f32 v1, v4;
	v4 =	vadd.s32 $0xFFFFFFFF, v56  }
0x2e8: {  	vm6 =	vlt.s32 v4, $0x80  }
0x2e9: {  	v1 =	vadd.f32 v1, v3;
	v3 =	vadd.s32 s22, v55;
	v4 =	vnsel vm6, $0x80, v4  }
0x2ea: {  	vm7 =	vlt.s32 v56, $0x80;
	v3 =	vadd.s32 v35, v3;
	v60 =	vadd.s32 $0xFFFFFFFF, v4  }
0x2eb: {  	v62 =	vnsel vm7, $0x80, v56;
	v1 =	vmul.f32 v1, v50;
	v55 =	vand.u32 $0xFF, v60  }
0x2ec: {  	v63 =	vadd.s32 $0xFFFFFFFF, v62  }
0x2ed: {  	v1 =	vadd.f32 v1, v45;
	_ =	sdelay $0x1  }
0x2ee: {  	[tilespmem:v3+s15+$0x0] =	vst.idx.msk $0xffff, v1  }
0x2ef: {  	v1 =	vld.idx.msk [tilespmem:v55+s24+$0x4180], $0xffff  }
0x2f0: {  	v3 =	vld.idx.msk [tilespmem:v63+s24+$0x4180], $0xffff;
	_ =	sdelay $0x3  }
0x2f1: {  	(v2sf) =	vpush v54, $0xF  }
0x2f2: {  	v3 =	vsub.f32 v3, v1;
	_ =	sdelay $0x1  }
0x2f3: {  	v3 =	vmax.f32 v3, $9.999999910e-38  }
0x2f4: {  	(erf) = vrcp.f32 v3  }
0x2f5: {  	v3 =	vadd.s32 s23, v4  }
0x2f6: {  	v4 =	vadd.s32 s23, v62;
	_ =	sdelay $0x3  }
0x2f7: {  	(xrf0) =	vadd.scan.msk.s32 $0xffff, v61;
	v3 =	vld.idx.msk [tilespmem:v3+s8+$0x0], $0xffff  }
0x2f8: {  	v4 =	vld.idx.msk [tilespmem:v4+s8+$0x0], $0xffff  }
0x2f9: {  	v1 =	vsub.f32 v36, v1  }
0x2fa: {  	v59 =	vpop (erf)  }
0x2fb: {  	v1 =	vmul.f32 v59, v1  }
0x2fc: {  	s31 =	spop (v2sf)  }
0x2fd: {  	s0 =	sadd.s32 s31, s0;
	v60, _, _ =	vpop (xrf0);
	v4 =	vsub.f32 v4, v3;
	v1 =	vmax.f32 v1, $0.0e+00  }
0x2fe: {  	v55 =	vadd.s32 s0, v60;
	v1 =	vmin.f32 v1, $1.000000000e+00  }
0x2ff: {  	v1 =	vmul.f32 v1, v4;
	v4 =	vadd.s32 $0xFFFFFFFF, v55  }
0x300: {  	vm8 =	vlt.s32 v4, $0x80  }
0x301: {  	v1 =	vadd.f32 v1, v3;
	v3 =	vadd.s32 s22, v56;
	v4 =	vnsel vm8, $0x80, v4  }
0x302: {  	vm9 =	vlt.s32 v55, $0x80;
	v3 =	vadd.s32 v39, v3;
	v61 =	vadd.s32 $0xFFFFFFFF, v4  }
0x303: {  	v62 =	vnsel vm9, $0x80, v55;
	v1 =	vmul.f32 v1, v50;
	v56 =	vand.u32 $0xFF, v61  }
0x304: {  	v63 =	vadd.s32 $0xFFFFFFFF, v62  }
0x305: {  	v1 =	vadd.f32 v1, v45;
	_ =	sdelay $0x1  }
0x306: {  	[tilespmem:v3+s15+$0x0] =	vst.idx.msk $0xffff, v1  }
0x307: {  	v1 =	vld.idx.msk [tilespmem:v56+s24+$0x4180], $0xffff  }
0x308: {  	v3 =	vld.idx.msk [tilespmem:v63+s24+$0x4180], $0xffff;
	_ =	sdelay $0x3  }
0x309: {  	(v2sf) =	vpush v60, $0xF  }
0x30a: {  	v3 =	vsub.f32 v3, v1;
	_ =	sdelay $0x1  }
0x30b: {  	v3 =	vmax.f32 v3, $9.999999910e-38  }
0x30c: {  	(erf) = vrcp.f32 v3  }
0x30d: {  	v3 =	vadd.s32 s23, v4  }
0x30e: {  	v4 =	vadd.s32 s23, v62;
	_ =	sdelay $0x3  }
0x30f: {  	(xrf0) =	vadd.scan.msk.s32 $0xffff, v52;
	v3 =	vld.idx.msk [tilespmem:v3+s8+$0x0], $0xffff  }
0x310: {  	v4 =	vld.idx.msk [tilespmem:v4+s8+$0x0], $0xffff  }
0x311: {  	v1 =	vsub.f32 v38, v1  }
0x312: {  	v60 =	vpop (erf)  }
0x313: {  	v1 =	vmul.f32 v60, v1  }
0x314: {  	s2 =	spop (v2sf)  }
0x315: {  	v0 =	vld [tilespmem:$0x1FFC0];
	v52, _, _ =	vpop (xrf0);
	s0 =	sadd.s32 s2, s0;
	v4 =	vsub.f32 v4, v3;
	v1 =	vmax.f32 v1, $0.0e+00  }
0x316: {  	v54 =	vadd.s32 s0, v52;
	v1 =	vmin.f32 v1, $1.000000000e+00  }
0x317: {  	v1 =	vmul.f32 v1, v4;
	v4 =	vadd.s32 $0xFFFFFFFF, v54  }
0x318: {  	vm10 =	vlt.s32 v4, $0x80  }
0x319: {  	v1 =	vadd.f32 v1, v3;
	v3 =	vadd.s32 s22, v55;
	v4 =	vnsel vm10, $0x80, v4  }
0x31a: {  	vm11 =	vlt.s32 v54, $0x80;
	v3 =	vadd.s32 v0, v3;
	v61 =	vadd.s32 $0xFFFFFFFF, v4  }
0x31b: {  	v62 =	vnsel vm11, $0x80, v54;
	v1 =	vmul.f32 v1, v50;
	v55 =	vand.u32 $0xFF, v61  }
0x31c: {  	v63 =	vadd.s32 $0xFFFFFFFF, v62  }
0x31d: {  	v1 =	vadd.f32 v1, v45;
	_ =	sdelay $0x1  }
0x31e: {  	[tilespmem:v3+s15+$0x0] =	vst.idx.msk $0xffff, v1  }
0x31f: {  	s11 =	sor.u32 $0x2, s19;
	v1 =	vld.idx.msk [tilespmem:v55+s24+$0x4180], $0xffff  }
0x320: {  	v3 =	vmov s11;
	v60 =	vld.idx.msk [tilespmem:v63+s24+$0x4180], $0xffff  }
0x321: {  	v3 =	vand.u32 $0xFFFFFFFA, v3  }
0x322: {  	v3 =	vbroadcast v3, $0x0;
	_ =	sdelay $0x1  }
0x323: {  	(v2sf) =	vpush v52, $0xF  }
0x324: {  	v61 =	vsub.f32 v60, v1;
	_ =	sdelay $0x1  }
0x325: {  	s28 =	smul.u32 $0x90, s11;
	v55 =	vmax.f32 v61, $9.999999910e-38  }
0x326: {  	v52 =	vld.idx.msk [tilespmem:v3+s9+$0x0], $0xffff;
	(erf) = vrcp.f32 v55  }
0x327: {  	s6 =	sor.u32 $0x30, s28;
	v58 =	vld.idx.msk [tilespmem:v3+s13+$0x0], $0xffff;
	v3 =	vadd.s32 s23, v4;
	[tilespmem:s28+$0x8180] =	vst v27  }
0x328: {  	s3 =	sadd.s32 $0x20, s28;
	v4 =	vadd.s32 s23, v62;
	[tilespmem:s6+$0x8180] =	vst v6  }
0x329: {  	s3 =	sor.u32 $0x50, s3;
	[tilespmem:s28+$0x81A0] =	vst v6  }
0x32a: {  	s31 =	sor.u32 $0x60, s28;
	[tilespmem:s3+$0x8180] =	vst v6  }
0x32b: {  	s29 =	sor.u32 $0x70, s28;
	[tilespmem:s31+$0x8180] =	vst v6  }
0x32c: {  	(xrf0) =	vadd.scan.msk.s32 $0xffff, v53;
	v3 =	vld.idx.msk [tilespmem:v3+s8+$0x0], $0xffff;
	[tilespmem:s29+$0x8180] =	vst v6  }
0x32d: {  	v4 =	vld.idx.msk [tilespmem:v4+s8+$0x0], $0xffff;
	[tilespmem:s28+$0x81E0] =	vst v6  }
0x32e: {  	s4 =	sshll.u32 s11, $0x7;
	s30 =	sand.u32 $0x3F80, s28;
	v1 =	vsub.f32 v40, v1;
	[tilespmem:s28+$0x81F0] =	vst v6  }
0x32f: {  	s1 =	sand.u32 $0x3FFFFF80, s4;
	[tilespmem:s30+$0x8220] =	vst v6;
	v62 =	vpop (erf)  }
0x330: {  	v63 =	vld [tilespmem:s1+$0x0];
	v1 =	vmul.f32 v62, v1  }
0x331: {  	s5 =	spop (v2sf);
	v0 =	vld [tilespmem:$0x1FFD0]  }
0x332: {  	s0 =	sadd.s32 s5, s0;
	v55, _, _ =	vpop (xrf0);
	v56 =	vld [tilespmem:s1+$0x10];
	v4 =	vsub.f32 v4, v3;
	v1 =	vmax.f32 v1, $0.0e+00  }
0x333: {  	v57 =	vadd.s32 s0, v55;
	v1 =	vmin.f32 v1, $1.000000000e+00  }
0x334: {  	v1 =	vmul.f32 v1, v4;
	v4 =	vadd.s32 $0xFFFFFFFF, v57  }
0x335: {  	vm13 =	vlt.s32 v57, $0x80;
	v59 =	vld [tilespmem:s1+$0x20];
	v53 =	vadd.f32 $9.999999770e-03, v63;
	vm12 =	vlt.s32 v4, $0x80  }
0x336: {  	v1 =	vadd.f32 v1, v3;
	v3 =	vadd.s32 s22, v54;
	v4 =	vnsel vm12, $0x80, v4  }
0x337: {  	v56 =	vadd.f32 $9.999999770e-03, v56;
	v54 =	vld [tilespmem:s1+$0x30];
	v3 =	vadd.s32 v0, v3;
	v60 =	vadd.s32 $0xFFFFFFFF, v4  }
0x338: {  	v61 =	vnsel vm13, $0x80, v57;
	(xrf2) =	vadd.scan.msk.f32 $0xffff, v53;
	v1 =	vmul.f32 v1, v50;
	v53 =	vand.u32 $0xFF, v60  }
0x339: {  	(xrf2) =	vadd.scan.msk.f32 $0xffff, v56;
	v56 =	vadd.s32 $0xFFFFFFFF, v61;
	v60 =	vld [tilespmem:s1+$0x40]  }
0x33a: {  	v62 =	vld [tilespmem:s1+$0x50];
	v59 =	vadd.f32 $9.999999770e-03, v59;
	v1 =	vadd.f32 v1, v45;
	_ =	sdelay $0x1  }
0x33b: {  	(xrf2) =	vadd.scan.msk.f32 $0xffff, v59;
	v54 =	vadd.f32 $9.999999770e-03, v54;
	[tilespmem:v3+s15+$0x0] =	vst.idx.msk $0xffff, v1;
	v1 =	vld [tilespmem:s1+$0x60]  }
0x33c: {  	v3 =	vld.idx.msk [tilespmem:v53+s24+$0x4180], $0xffff  }
0x33d: {  	v53 =	vadd.f32 $9.999999770e-03, v60;
	(xrf2) =	vadd.scan.msk.f32 $0xffff, v54;
	v56 =	vld.idx.msk [tilespmem:v56+s24+$0x4180], $0xffff  }
0x33e: {  	v63 =	vadd.f32 $9.999999770e-03, v62;
	v60 =	vld [tilespmem:s1+$0x70]  }
0x33f: {  	(xrf2) =	vadd.scan.msk.f32 $0xffff, v53  }
0x340: {  	v1 =	vadd.f32 $9.999999770e-03, v1  }
0x341: {  	(v2sf) =	vpush v55, $0xF;
	v55, _, _ =	vpop (xrf2);
	(xrf2) =	vadd.scan.msk.f32 $0xffff, v63  }
0x342: {  	(v2sf) =	vpush v55, $0xF;
	v63, _, _ =	vpop (xrf2);
	(xrf2) =	vadd.scan.msk.f32 $0xffff, v1;
	v1 =	vsub.f32 v56, v3  }
0x343: {  	v59 =	vadd.f32 $9.999999770e-03, v60  }
0x344: {  	(v2sf) =	vpush v63, $0xF;
	v1 =	vmax.f32 v1, $9.999999910e-38  }
0x345: {  	v19 =	vmov v5;
	v5, _, _ =	vpop (xrf2);
	(xrf2) =	vadd.scan.msk.f32 $0xffff, v59  }
0x346: {  	(v2sf) =	vpush v5, $0xF  }
0x347: {  	(erf) = vrcp.f32 v1;
	v1, _, _ =	vpop (xrf2)  }
0x348: {  	v4 =	vadd.s32 s23, v4;
	(v2sf) =	vpush v1, $0xF  }
0x349: {  	v53 =	vadd.s32 s23, v61;
	v62, _, _ =	vpop (xrf2)  }
0x34a: {  	v0 =	vld [tilespmem:$0x1FFF0];
	(v2sf) =	vpush v62, $0xF  }
0x34b: {  	v60, _, _ =	vpop (xrf2)  }
0x34c: {  	(v2sf) =	vpush v60, $0xF  }
0x34d: {  	(xrf0) =	vadd.scan.msk.s32 $0xffff, v44;
	v4 =	vld.idx.msk [tilespmem:v4+s8+$0x0], $0xffff;
	v59, _, _ =	vpop (xrf2)  }
0x34e: {  	v53 =	vld.idx.msk [tilespmem:v53+s8+$0x0], $0xffff;
	(v2sf) =	vpush v59, $0xF  }
0x34f: {  	v3 =	vsub.f32 v0, v3;
	v44, _, _ =	vpop (xrf2)  }
0x350: {  	s16 =	spop (v2sf);
	v61 =	vpop (erf);
	(v2sf) =	vpush v44, $0xF  }
0x351: {  	s25 =	spop (v2sf);
	v3 =	vmul.f32 v61, v3  }
0x352: {  	s25 =	sadd.f32 $0.0e+00, s25  }
0x353: {  	s0 =	sadd.s32 s16, s0;
	v54, _, _ =	vpop (xrf0);
	v61 =	vsub.f32 v53, v4;
	s26 =	spop (v2sf);
	v3 =	vmax.f32 v3, $0.0e+00  }
0x354: {  	v53 =	vadd.s32 s0, v54;
	s26 =	sadd.f32 s26, s25;
	v3 =	vmin.f32 v3, $1.000000000e+00  }
0x355: {  	v54 =	vadd.s32 $0xFFFFFFFF, v53;
	s2 =	spop (v2sf);
	v3 =	vmul.f32 v3, v61  }
0x356: {  	vm14 =	vlt.s32 v54, $0x80;
	s5 =	sadd.f32 s2, s26  }
0x357: {  	v56 =	vnsel vm14, $0x80, v54;
	v3 =	vadd.f32 v3, v4;
	v4 =	vadd.s32 s22, v57;
	s4 =	spop (v2sf)  }
0x358: {  	vm15 =	vlt.s32 v53, $0x80;
	v54 =	vadd.s32 $0xFFFFFFFF, v56;
	v4 =	vadd.s32 v37, v4;
	s4 =	sadd.f32 s4, s5  }
0x359: {  	v54 =	vand.u32 $0xFF, v54;
	v57 =	vnsel vm15, $0x80, v53;
	v3 =	vmul.f32 v3, v50;
	s16 =	spop (v2sf)  }
0x35a: {  	v61 =	vadd.s32 $0xFFFFFFFF, v57;
	s2 =	sadd.f32 s16, s4  }
0x35b: {  	v3 =	vadd.f32 v3, v45;
	s1 =	spop (v2sf)  }
0x35c: {  	s1 =	sadd.f32 s1, s2  }
0x35d: {  	[tilespmem:v4+s15+$0x0] =	vst.idx.msk $0xffff, v3;
	s16 =	spop (v2sf)  }
0x35e: {  	v54 =	vld.idx.msk [tilespmem:v54+s24+$0x4180], $0xffff;
	s16 =	sadd.f32 s16, s1  }
0x35f: {  	v3 =	vld.idx.msk [tilespmem:v61+s24+$0x4180], $0xffff;
	s24 =	spop (v2sf)  }
0x360: {  	s0 =	sadd.f32 s24, s16;
	_ =	sdelay $0x1  }
0x361: {  	s24 =	ssub.f32 $9.999999740e-06, s0;
	_ =	sdelay $0x1  }
0x362: {  	v3 =	vsub.f32 v3, v54;
	s24 =	smax.f32 s24, $0.0e+00  }
0x363: {  	s0 =	sadd.f32 s24, s0  }
0x364: {  	v3 =	vmax.f32 v3, $9.999999910e-38  }
0x365: {  	(erf) = vrcp.f32 v3;
	v3 =	vmov s0  }
0x366: {  	(erf) = vrcp.f32 v3;
	_ =	sdelay $0x3  }
0x367: {  	s0 =	smul.f32 $7.812500000e-03, s24;
	_ =	sdelay $0x1  }
0x368: {  	v3 =	vadd.f32 $0.0e+00, v55;
	v4 =	vmul.f32 s0, v17;
	_ =	sdelay $0x1  }
0x369: {  	v3 =	vadd.f32 v4, v3;
	v55 =	vpop (erf)  }
0x36a: {  	v61 =	vpop (erf)  }
0x36b: {  	v3 =	vmul.f32 v3, v61;
	_ =	sdelay $0x1  }
0x36c: {  	v3 =	vmin.f32 v3, $1.000000000e+00  }
0x36d: {  	v4 =	vmul.f32 $1.290000000e+02, v3;
	_ =	sdelay $0x1  }
0x36e: {  	v4 =	vadd.f32 $5.000000000e-01, v4;
	_ =	sdelay $0x1  }
0x36f: {  	v4 =	vtrunc.f32 v4  }
0x370: {  	v63 =	vadd.f32 s25, v63;
	v2 =	vmul.f32 s0, v19;
	v4 =	vcvt.f32.s32 v4;
	_ =	sdelay $0x1  }
0x371: {  	v2 =	vadd.f32 v2, v63;
	v4 =	vxor.u32 $0x80000000, v4  }
0x372: {  	(xrf0) =	vmax.scan.msk.u32 $0xffff, v4  }
0x373: {  	v2 =	vmul.f32 v2, v61;
	_ =	sdelay $0x1  }
0x374: {  	v2 =	vmin.f32 v2, $1.000000000e+00  }
0x375: {  	v63 =	vmul.f32 $1.290000000e+02, v2;
	_ =	sdelay $0x1  }
0x376: {  	v63 =	vadd.f32 $5.000000000e-01, v63;
	v4, _, _ =	vpop (xrf0)  }
0x377: {  	v4 =	vxor.u32 $0x80000000, v4  }
0x378: {  	s25 =	smul.u32 $0x81, s11;
	v63 =	vtrunc.f32 v63;
	vm4 =	vgt.s32 v4, $0x0  }
0x379: {  	s24 =	sshll.u32 s11, $0x8;
	v63 =	vcvt.f32.s32 v63;
	v4 =	vnsel vm4, $0x0, v4  }
0x37a: {  	v21 =	vmovc v7;
	v0 =	vadd.s32 s25, v10;
	v5 =	vadd.f32 s26, v5;
	s26 =	sand.u32 $0x3FFFFF00, s24;
	v7 =	vmul.f32 s0, v7  }
0x37b: {  	[tilespmem:s26+$0x4180] =	vst v3;
	v3 =	vxor.u32 $0x80000000, v63  }
0x37c: {  	(xrf0) =	vmax.scan.msk.u32 $0xffff, v3;
	v3 =	vadd.f32 v7, v5;
	_ =	sdelay $0x1  }
0x37d: {  	v3 =	vmul.f32 v3, v61;
	[tilespmem:v4+s28+$0x8180] =	vst.idx.add.s32.msk $0xffff, v9  }
0x37e: {  	v0 =	vld.idx.msk [tilespmem:v0+s8+$0x0], $0xffff  }
0x37f: {  	s24 =	smul.u32 $0x102, s11;
	v3 =	vmin.f32 v3, $1.000000000e+00  }
0x380: {  	v5 =	vmul.f32 $1.290000000e+02, v3  }
0x381: {  	v58 =	vsub.f32 v58, v52;
	v63, _, _ =	vpop (xrf0);
	v7 =	vadd.s32 s24, v4;
	v4 =	vbroadcast v4, $0xF  }
0x382: {  	v63 =	vxor.u32 $0x80000000, v63;
	v5 =	vadd.f32 $5.000000000e-01, v5;
	v7 =	vadd.s32 v10, v7  }
0x383: {  	v1 =	vadd.f32 s5, v1;
	vm5 =	vgt.s32 v63, v4;
	v0 =	vmul.f32 v0, v58  }
0x384: {  	v23 =	vmovc v8;
	v8 =	vmul.f32 s0, v8;
	v5 =	vtrunc.f32 v5;
	v4 =	vsel vm5, v63, v4  }
0x385: {  	v5 =	vcvt.f32.s32 v5;
	v63 =	vadd.s32 s25, v12;
	v0 =	vadd.f32 v0, v52;
	_ =	sdelay $0x1  }
0x386: {  	v1 =	vadd.f32 v8, v1;
	[tilespmem:v7+s15+$0x0] =	vst.idx.msk $0xffff, v0;
	v0 =	vxor.u32 $0x80000000, v5  }
0x387: {  	[tilespmem:s26+$0x4190] =	vst v2;
	(xrf0) =	vmax.scan.msk.u32 $0xffff, v0  }
0x388: {  	v0 =	vmul.f32 v1, v61;
	[tilespmem:v4+s28+$0x8180] =	vst.idx.add.s32.msk $0xffff, v9  }
0x389: {  	v1 =	vld.idx.msk [tilespmem:v63+s8+$0x0], $0xffff  }
0x38a: {  	v0 =	vmin.f32 v0, $1.000000000e+00  }
0x38b: {  	v2 =	vmul.f32 $1.290000000e+02, v0  }
0x38c: {  	v5 =	vadd.s32 s24, v4  }
0x38d: {  	v5 =	vadd.s32 v12, v5;
	v4 =	vbroadcast v4, $0xF;
	v2 =	vadd.f32 $5.000000000e-01, v2;
	v7, _, _ =	vpop (xrf0)  }
0x38e: {  	v8 =	vadd.f32 s4, v62;
	v1 =	vmul.f32 v1, v58;
	v7 =	vxor.u32 $0x80000000, v7  }
0x38f: {  	v62 =	vmul.f32 s0, v11;
	v2 =	vtrunc.f32 v2;
	vm6 =	vgt.s32 v7, v4  }
0x390: {  	v2 =	vcvt.f32.s32 v2;
	v1 =	vadd.f32 v1, v52;
	v4 =	vsel vm6, v7, v4  }
0x391: {  	v7 =	vadd.s32 s25, v14  }
0x392: {  	v2 =	vxor.u32 $0x80000000, v2;
	[tilespmem:v5+s15+$0x0] =	vst.idx.msk $0xffff, v1;
	v1 =	vadd.f32 v62, v8  }
0x393: {  	(xrf0) =	vmax.scan.msk.u32 $0xffff, v2  }
0x394: {  	[tilespmem:s26+$0x41A0] =	vst v3;
	v1 =	vmul.f32 v1, v61  }
0x395: {  	[tilespmem:v4+s28+$0x8180] =	vst.idx.add.s32.msk $0xffff, v9  }
0x396: {  	v2 =	vld.idx.msk [tilespmem:v7+s8+$0x0], $0xffff;
	v1 =	vmin.f32 v1, $1.000000000e+00  }
0x397: {  	v3 =	vmul.f32 $1.290000000e+02, v1  }
0x398: {  	v8 =	vadd.f32 s2, v60  }
0x399: {  	v7 =	vbroadcast v4, $0xF;
	v4 =	vadd.s32 s24, v4;
	v5, _, _ =	vpop (xrf0);
	v3 =	vadd.f32 $5.000000000e-01, v3  }
0x39a: {  	v60 =	vmul.f32 s0, v13;
	v4 =	vadd.s32 v14, v4;
	v5 =	vxor.u32 $0x80000000, v5  }
0x39b: {  	vm7 =	vgt.s32 v5, v7;
	v2 =	vmul.f32 v2, v58;
	v3 =	vtrunc.f32 v3  }
0x39c: {  	v5 =	vsel vm7, v5, v7;
	v3 =	vcvt.f32.s32 v3  }
0x39d: {  	v8 =	vadd.f32 v60, v8;
	v7 =	vadd.s32 s25, v16;
	v2 =	vadd.f32 v2, v52  }
0x39e: {  	v3 =	vxor.u32 $0x80000000, v3  }
0x39f: {  	[tilespmem:v4+s15+$0x0] =	vst.idx.msk $0xffff, v2;
	(xrf0) =	vmax.scan.msk.u32 $0xffff, v3;
	v2 =	vmul.f32 v8, v61  }
0x3a0: {  	[tilespmem:s26+$0x41B0] =	vst v0  }
0x3a1: {  	[tilespmem:v5+s28+$0x8180] =	vst.idx.add.s32.msk $0xffff, v9;
	v0 =	vmin.f32 v2, $1.000000000e+00  }
0x3a2: {  	v2 =	vld.idx.msk [tilespmem:v7+s8+$0x0], $0xffff;
	v3 =	vmul.f32 $1.290000000e+02, v0;
	_ =	sdelay $0x1  }
0x3a3: {  	v3 =	vadd.f32 $5.000000000e-01, v3  }
0x3a4: {  	v4 =	vadd.s32 s24, v5;
	v5 =	vbroadcast v5, $0xF;
	v7, _, _ =	vpop (xrf0)  }
0x3a5: {  	v4 =	vadd.s32 v16, v4;
	v7 =	vxor.u32 $0x80000000, v7;
	v3 =	vtrunc.f32 v3  }
0x3a6: {  	v2 =	vmul.f32 v2, v58;
	vm8 =	vgt.s32 v7, v5;
	v3 =	vcvt.f32.s32 v3  }
0x3a7: {  	v8 =	vmul.f32 s0, v41;
	v5 =	vsel vm8, v7, v5;
	v7 =	vadd.f32 s1, v59  }
0x3a8: {  	v62 =	vadd.s32 s25, v18;
	v2 =	vadd.f32 v2, v52;
	v3 =	vxor.u32 $0x80000000, v3  }
0x3a9: {  	(xrf0) =	vmax.scan.msk.u32 $0xffff, v3;
	v3 =	vadd.f32 v8, v7  }
0x3aa: {  	[tilespmem:v4+s15+$0x0] =	vst.idx.msk $0xffff, v2  }
0x3ab: {  	[tilespmem:s26+$0x41C0] =	vst v1;
	v1 =	vmul.f32 v3, v61  }
0x3ac: {  	[tilespmem:v5+s28+$0x8180] =	vst.idx.add.s32.msk $0xffff, v9  }
0x3ad: {  	v2 =	vld.idx.msk [tilespmem:v62+s8+$0x0], $0xffff;
	v1 =	vmin.f32 v1, $1.000000000e+00  }
0x3ae: {  	v3 =	vmul.f32 $1.290000000e+02, v1;
	_ =	sdelay $0x1  }
0x3af: {  	v7 =	vbroadcast v5, $0xF;
	v5 =	vadd.s32 s24, v5;
	v4, _, _ =	vpop (xrf0);
	v3 =	vadd.f32 $5.000000000e-01, v3  }
0x3b0: {  	v8 =	vmul.f32 s0, v28;
	v5 =	vadd.s32 v18, v5;
	v4 =	vxor.u32 $0x80000000, v4  }
0x3b1: {  	vm9 =	vgt.s32 v4, v7;
	v2 =	vmul.f32 v2, v58;
	v3 =	vtrunc.f32 v3  }
0x3b2: {  	v4 =	vsel vm9, v4, v7;
	v7 =	vadd.f32 s16, v44;
	v3 =	vcvt.f32.s32 v3  }
0x3b3: {  	v63 =	vadd.s32 s25, v20;
	v2 =	vadd.f32 v2, v52  }
0x3b4: {  	v7 =	vadd.f32 v8, v7;
	v3 =	vxor.u32 $0x80000000, v3  }
0x3b5: {  	[tilespmem:v5+s15+$0x0] =	vst.idx.msk $0xffff, v2;
	(xrf0) =	vmax.scan.msk.u32 $0xffff, v3  }
0x3b6: {  	[tilespmem:s26+$0x41D0] =	vst v0;
	v0 =	vmul.f32 v7, v61  }
0x3b7: {  	[tilespmem:v4+s28+$0x8180] =	vst.idx.add.s32.msk $0xffff, v9  }
0x3b8: {  	v2 =	vld.idx.msk [tilespmem:v63+s8+$0x0], $0xffff;
	v0 =	vmin.f32 v0, $1.000000000e+00  }
0x3b9: {  	v3 =	vmul.f32 $1.290000000e+02, v0;
	_ =	sdelay $0x1  }
0x3ba: {  	v5 =	vadd.s32 s24, v4;
	v4 =	vbroadcast v4, $0xF;
	v7, _, _ =	vpop (xrf0);
	v3 =	vadd.f32 $5.000000000e-01, v3  }
0x3bb: {  	v5 =	vadd.s32 v20, v5;
	v7 =	vxor.u32 $0x80000000, v7  }
0x3bc: {  	v2 =	vmul.f32 v2, v58;
	vm10 =	vgt.s32 v7, v4;
	v3 =	vtrunc.f32 v3  }
0x3bd: {  	v4 =	vsel vm10, v7, v4;
	v3 =	vcvt.f32.s32 v3  }
0x3be: {  	v7 =	vadd.s32 s25, v22;
	v2 =	vadd.f32 v2, v52  }
0x3bf: {  	v3 =	vxor.u32 $0x80000000, v3  }
0x3c0: {  	[tilespmem:v5+s15+$0x0] =	vst.idx.msk $0xffff, v2;
	(xrf0) =	vmax.scan.msk.u32 $0xffff, v3  }
0x3c1: {  	[tilespmem:s26+$0x41E0] =	vst v1  }
0x3c2: {  	[tilespmem:v4+s28+$0x8180] =	vst.idx.add.s32.msk $0xffff, v9  }
0x3c3: {  	v1 =	vld.idx.msk [tilespmem:v7+s8+$0x0], $0xffff;
	_ =	sdelay $0x2  }
0x3c4: {  	v2 =	vadd.s32 s24, v4;
	v4 =	vbroadcast v4, $0xF;
	v3, _, _ =	vpop (xrf0)  }
0x3c5: {  	v2 =	vadd.s32 v22, v2;
	v3 =	vxor.u32 $0x80000000, v3  }
0x3c6: {  	v1 =	vmul.f32 v1, v58;
	vm11 =	vgt.s32 v3, v4  }
0x3c7: {  	v3 =	vsel vm11, v3, v4  }
0x3c8: {  	v4 =	vadd.s32 s25, v24;
	v1 =	vadd.f32 v1, v52;
	_ =	sdelay $0x1  }
0x3c9: {  	[tilespmem:v2+s15+$0x0] =	vst.idx.msk $0xffff, v1  }
0x3ca: {  	[tilespmem:s26+$0x41F0] =	vst v0  }
0x3cb: {  	[tilespmem:v3+s28+$0x8180] =	vst.idx.add.s32.msk $0xffff, v9  }
0x3cc: {  	v0 =	vld.idx.msk [tilespmem:v4+s8+$0x0], $0xffff;
	_ =	sdelay $0x2  }
0x3cd: {  	v1 =	vadd.s32 s24, v3  }
0x3ce: {  	v1 =	vadd.s32 v24, v1  }
0x3cf: {  	v2 =	vmov s25;
	v0 =	vmul.f32 v0, v58;
	_ =	sdelay $0x1  }
0x3d0: {  	v0 =	vadd.f32 v0, v52;
	_ =	sdelay $0x1  }
0x3d1: {  	[tilespmem:v1+s15+$0x0] =	vst.idx.msk $0xffff, v0  }
0x3d2: {  	v0 =	vld.idx.msk [tilespmem:v2+s8+$0x0], $0xffff;
	_ =	sdelay $0x3  }
0x3d3: {  	v1 =	vmov s24  }
0x3d4: {  	v0 =	vmul.f32 v0, v58;
	_ =	sdelay $0x1  }
0x3d5: {  	v0 =	vadd.f32 v0, v52;
	_ =	sdelay $0x1  }
0x3d6: {  	[tilespmem:v1+s15+$0x0] =	vst.idx.msk $0x1, v0  }
0x3d7: {  	v0 =	vld [tilespmem:s28+$0x8180];
	_ =	sdelay $0x4  }
0x3d8: {  	(xrf0) =	vadd.scan.msk.s32 $0xffff, v0;
	_ =	sdelay $0x5  }
0x3d9: {  	v0, _, _ =	vpop (xrf0)  }
0x3da: {  	v1 =	vadd.s32 $0xFFFFFFFF, v0  }
0x3db: {  	vm13 =	vlt.s32 v0, $0x80;
	vm12 =	vlt.s32 v1, $0x80  }
0x3dc: {  	v3 =	vnsel vm13, $0x80, v0;
	v1 =	vnsel vm12, $0x80, v1  }
0x3dd: {  	v4 =	vadd.s32 $0xFFFFFFFF, v3;
	v2 =	vadd.s32 $0xFFFFFFFF, v1  }
0x3de: {  	v2 =	vand.u32 $0xFF, v2;
	_ =	sdelay $0x3  }
0x3df: {  	v4 =	vld.idx.msk [tilespmem:v4+s26+$0x4180], $0xffff  }
0x3e0: {  	v2 =	vld.idx.msk [tilespmem:v2+s26+$0x4180], $0xffff;
	_ =	sdelay $0x4  }
0x3e1: {  	v4 =	vsub.f32 v4, v2;
	_ =	sdelay $0x1  }
0x3e2: {  	v4 =	vmax.f32 v4, $9.999999910e-38  }
0x3e3: {  	(erf) = vrcp.f32 v4  }
0x3e4: {  	v3 =	vadd.s32 s25, v3;
	v4 =	vld [tilespmem:s6+$0x8180]  }
0x3e5: {  	v1 =	vadd.s32 s25, v1;
	_ =	sdelay $0x3  }
0x3e6: {  	v3 =	vld.idx.msk [tilespmem:v3+s8+$0x0], $0xffff;
	(xrf0) =	vadd.scan.msk.s32 $0xffff, v4  }
0x3e7: {  	v1 =	vld.idx.msk [tilespmem:v1+s8+$0x0], $0xffff  }
0x3e8: {  	v2 =	vsub.f32 v29, v2  }
0x3e9: {  	v4 =	vpop (erf)  }
0x3ea: {  	v2 =	vmul.f32 v4, v2  }
0x3eb: {  	v4 =	vbroadcast v0, $0xF  }
0x3ec: {  	v3 =	vsub.f32 v3, v1;
	v5, _, _ =	vpop (xrf0);
	v2 =	vmax.f32 v2, $0.0e+00  }
0x3ed: {  	v4 =	vadd.s32 v4, v5;
	v2 =	vmin.f32 v2, $1.000000000e+00  }
0x3ee: {  	v2 =	vmul.f32 v2, v3;
	v3 =	vadd.s32 $0xFFFFFFFF, v4  }
0x3ef: {  	v25 =	vmov v11;
	v11 =	vlaneseq.u32;
	vm14 =	vlt.s32 v3, $0x80  }
0x3f0: {  	v7 =	vld [tilespmem:s28+$0x81A0];
	v1 =	vadd.f32 v2, v1;
	v2 =	vadd.s32 s24, v0;
	v3 =	vnsel vm14, $0x80, v3  }
0x3f1: {  	v8 =	vld [tilespmem:s3+$0x8180];
	vm15 =	vlt.s32 v4, $0x80;
	v2 =	vadd.s32 v11, v2;
	v59 =	vadd.s32 $0xFFFFFFFF, v3  }
0x3f2: {  	v61 =	vld [tilespmem:s31+$0x8180];
	v63 =	vnsel vm15, $0x80, v4;
	v1 =	vmul.f32 v1, v58;
	v11 =	vand.u32 $0xFF, v59  }
0x3f3: {  	v26 =	vmov v13;
	v62 =	vld [tilespmem:s29+$0x8180];
	v13 =	vadd.s32 $0xFFFFFFFF, v63  }
0x3f4: {  	v60 =	vld [tilespmem:s28+$0x81E0];
	v1 =	vadd.f32 v1, v52  }
0x3f5: {  	v44 =	vld [tilespmem:s30+$0x8220]  }
0x3f6: {  	v59 =	vld [tilespmem:s28+$0x81F0];
	[tilespmem:v2+s15+$0x0] =	vst.idx.msk $0xffff, v1  }
0x3f7: {  	v1 =	vld.idx.msk [tilespmem:v11+s26+$0x4180], $0xffff  }
0x3f8: {  	v2 =	vld.idx.msk [tilespmem:v13+s26+$0x4180], $0xffff;
	_ =	sdelay $0x2  }
0x3f9: {  	(v2sf) =	vpush v0, $0xF  }
0x3fa: {  	(v2sf) =	vpush v5, $0xF  }
0x3fb: {  	v0 =	vsub.f32 v2, v1;
	_ =	sdelay $0x1  }
0x3fc: {  	v0 =	vmax.f32 v0, $9.999999910e-38  }
0x3fd: {  	(erf) = vrcp.f32 v0  }
0x3fe: {  	v2 =	vadd.s32 s25, v63  }
0x3ff: {  	v0 =	vadd.s32 s25, v3;
	_ =	sdelay $0x3  }
0x400: {  	(xrf0) =	vadd.scan.msk.s32 $0xffff, v7;
	v2 =	vld.idx.msk [tilespmem:v2+s8+$0x0], $0xffff  }
0x401: {  	v0 =	vld.idx.msk [tilespmem:v0+s8+$0x0], $0xffff  }
0x402: {  	v1 =	vsub.f32 v30, v1  }
0x403: {  	v3 =	vpop (erf)  }
0x404: {  	s5 =	spop (v2sf);
	v1 =	vmul.f32 v3, v1  }
0x405: {  	s6 =	spop (v2sf)  }
0x406: {  	s0 =	sadd.s32 s5, s6;
	v3, _, _ =	vpop (xrf0);
	v2 =	vsub.f32 v2, v0;
	v1 =	vmax.f32 v1, $0.0e+00  }
0x407: {  	v5 =	vadd.s32 s0, v3;
	v1 =	vmin.f32 v1, $1.000000000e+00  }
0x408: {  	v1 =	vmul.f32 v1, v2;
	v2 =	vadd.s32 $0xFFFFFFFF, v5  }
0x409: {  	vm4 =	vlt.s32 v2, $0x80  }
0x40a: {  	v0 =	vadd.f32 v1, v0;
	v1 =	vadd.s32 s24, v4;
	v2 =	vnsel vm4, $0x80, v2  }
0x40b: {  	vm5 =	vlt.s32 v5, $0x80;
	v1 =	vadd.s32 v31, v1;
	v4 =	vadd.s32 $0xFFFFFFFF, v2  }
0x40c: {  	v7 =	vnsel vm5, $0x80, v5;
	v0 =	vmul.f32 v0, v58;
	v4 =	vand.u32 $0xFF, v4  }
0x40d: {  	v11 =	vadd.s32 $0xFFFFFFFF, v7  }
0x40e: {  	v0 =	vadd.f32 v0, v52;
	_ =	sdelay $0x1  }
0x40f: {  	[tilespmem:v1+s15+$0x0] =	vst.idx.msk $0xffff, v0  }
0x410: {  	v0 =	vld.idx.msk [tilespmem:v4+s26+$0x4180], $0xffff  }
0x411: {  	v1 =	vld.idx.msk [tilespmem:v11+s26+$0x4180], $0xffff;
	_ =	sdelay $0x3  }
0x412: {  	(v2sf) =	vpush v3, $0xF  }
0x413: {  	v1 =	vsub.f32 v1, v0;
	_ =	sdelay $0x1  }
0x414: {  	v1 =	vmax.f32 v1, $9.999999910e-38  }
0x415: {  	(erf) = vrcp.f32 v1  }
0x416: {  	v1 =	vadd.s32 s25, v2  }
0x417: {  	v2 =	vadd.s32 s25, v7;
	_ =	sdelay $0x3  }
0x418: {  	(xrf0) =	vadd.scan.msk.s32 $0xffff, v8;
	v1 =	vld.idx.msk [tilespmem:v1+s8+$0x0], $0xffff  }
0x419: {  	v2 =	vld.idx.msk [tilespmem:v2+s8+$0x0], $0xffff  }
0x41a: {  	v0 =	vsub.f32 v32, v0  }
0x41b: {  	v3 =	vpop (erf)  }
0x41c: {  	v0 =	vmul.f32 v3, v0  }
0x41d: {  	s11 =	spop (v2sf)  }
0x41e: {  	s0 =	sadd.s32 s11, s0;
	v3, _, _ =	vpop (xrf0);
	v2 =	vsub.f32 v2, v1;
	v0 =	vmax.f32 v0, $0.0e+00  }
0x41f: {  	v4 =	vadd.s32 s0, v3;
	v0 =	vmin.f32 v0, $1.000000000e+00  }
0x420: {  	v0 =	vmul.f32 v0, v2;
	v2 =	vadd.s32 $0xFFFFFFFF, v4  }
0x421: {  	vm6 =	vlt.s32 v2, $0x80  }
0x422: {  	v0 =	vadd.f32 v0, v1;
	v1 =	vadd.s32 s24, v5;
	v2 =	vnsel vm6, $0x80, v2  }
0x423: {  	vm7 =	vlt.s32 v4, $0x80;
	v1 =	vadd.s32 v33, v1;
	v5 =	vadd.s32 $0xFFFFFFFF, v2  }
0x424: {  	v7 =	vnsel vm7, $0x80, v4;
	v0 =	vmul.f32 v0, v58;
	v5 =	vand.u32 $0xFF, v5  }
0x425: {  	v8 =	vadd.s32 $0xFFFFFFFF, v7  }
0x426: {  	v0 =	vadd.f32 v0, v52;
	_ =	sdelay $0x1  }
0x427: {  	[tilespmem:v1+s15+$0x0] =	vst.idx.msk $0xffff, v0  }
0x428: {  	v0 =	vld.idx.msk [tilespmem:v5+s26+$0x4180], $0xffff  }
0x429: {  	v1 =	vld.idx.msk [tilespmem:v8+s26+$0x4180], $0xffff;
	_ =	sdelay $0x3  }
0x42a: {  	(v2sf) =	vpush v3, $0xF  }
0x42b: {  	v1 =	vsub.f32 v1, v0;
	_ =	sdelay $0x1  }
0x42c: {  	v1 =	vmax.f32 v1, $9.999999910e-38  }
0x42d: {  	(erf) = vrcp.f32 v1  }
0x42e: {  	v1 =	vadd.s32 s25, v2  }
0x42f: {  	v2 =	vadd.s32 s25, v7;
	_ =	sdelay $0x3  }
0x430: {  	(xrf0) =	vadd.scan.msk.s32 $0xffff, v61;
	v1 =	vld.idx.msk [tilespmem:v1+s8+$0x0], $0xffff  }
0x431: {  	v2 =	vld.idx.msk [tilespmem:v2+s8+$0x0], $0xffff  }
0x432: {  	v0 =	vsub.f32 v34, v0  }
0x433: {  	v3 =	vpop (erf)  }
0x434: {  	v0 =	vmul.f32 v3, v0  }
0x435: {  	s16 =	spop (v2sf)  }
0x436: {  	s0 =	sadd.s32 s16, s0;
	v3, _, _ =	vpop (xrf0);
	v2 =	vsub.f32 v2, v1;
	v0 =	vmax.f32 v0, $0.0e+00  }
0x437: {  	v5 =	vadd.s32 s0, v3;
	v0 =	vmin.f32 v0, $1.000000000e+00  }
0x438: {  	v0 =	vmul.f32 v0, v2;
	v2 =	vadd.s32 $0xFFFFFFFF, v5  }
0x439: {  	vm8 =	vlt.s32 v2, $0x80  }
0x43a: {  	v0 =	vadd.f32 v0, v1;
	v1 =	vadd.s32 s24, v4;
	v2 =	vnsel vm8, $0x80, v2  }
0x43b: {  	vm9 =	vlt.s32 v5, $0x80;
	v1 =	vadd.s32 v35, v1;
	v4 =	vadd.s32 $0xFFFFFFFF, v2  }
0x43c: {  	v7 =	vnsel vm9, $0x80, v5;
	v0 =	vmul.f32 v0, v58;
	v4 =	vand.u32 $0xFF, v4  }
0x43d: {  	v8 =	vadd.s32 $0xFFFFFFFF, v7  }
0x43e: {  	v0 =	vadd.f32 v0, v52;
	_ =	sdelay $0x1  }
0x43f: {  	[tilespmem:v1+s15+$0x0] =	vst.idx.msk $0xffff, v0  }
0x440: {  	v0 =	vld.idx.msk [tilespmem:v4+s26+$0x4180], $0xffff  }
0x441: {  	v1 =	vld.idx.msk [tilespmem:v8+s26+$0x4180], $0xffff;
	_ =	sdelay $0x3  }
0x442: {  	(v2sf) =	vpush v3, $0xF  }
0x443: {  	v1 =	vsub.f32 v1, v0;
	_ =	sdelay $0x1  }
0x444: {  	v1 =	vmax.f32 v1, $9.999999910e-38  }
0x445: {  	(erf) = vrcp.f32 v1  }
0x446: {  	v1 =	vadd.s32 s25, v2  }
0x447: {  	v2 =	vadd.s32 s25, v7;
	_ =	sdelay $0x3  }
0x448: {  	(xrf0) =	vadd.scan.msk.s32 $0xffff, v62;
	v1 =	vld.idx.msk [tilespmem:v1+s8+$0x0], $0xffff  }
0x449: {  	v2 =	vld.idx.msk [tilespmem:v2+s8+$0x0], $0xffff  }
0x44a: {  	v0 =	vsub.f32 v36, v0  }
0x44b: {  	v3 =	vpop (erf)  }
0x44c: {  	v0 =	vmul.f32 v3, v0  }
0x44d: {  	s28 =	spop (v2sf)  }
0x44e: {  	s0 =	sadd.s32 s28, s0;
	v3, _, _ =	vpop (xrf0);
	v2 =	vsub.f32 v2, v1;
	v0 =	vmax.f32 v0, $0.0e+00  }
0x44f: {  	v4 =	vadd.s32 s0, v3;
	v0 =	vmin.f32 v0, $1.000000000e+00  }
0x450: {  	v0 =	vmul.f32 v0, v2;
	v2 =	vadd.s32 $0xFFFFFFFF, v4  }
0x451: {  	vm10 =	vlt.s32 v2, $0x80  }
0x452: {  	v0 =	vadd.f32 v0, v1;
	v1 =	vadd.s32 s24, v5;
	v2 =	vnsel vm10, $0x80, v2  }
0x453: {  	vm11 =	vlt.s32 v4, $0x80;
	v1 =	vadd.s32 v39, v1;
	v5 =	vadd.s32 $0xFFFFFFFF, v2  }
0x454: {  	v7 =	vnsel vm11, $0x80, v4;
	v0 =	vmul.f32 v0, v58;
	v5 =	vand.u32 $0xFF, v5  }
0x455: {  	v8 =	vadd.s32 $0xFFFFFFFF, v7  }
0x456: {  	v0 =	vadd.f32 v0, v52;
	_ =	sdelay $0x1  }
0x457: {  	[tilespmem:v1+s15+$0x0] =	vst.idx.msk $0xffff, v0  }
0x458: {  	v0 =	vld.idx.msk [tilespmem:v5+s26+$0x4180], $0xffff  }
0x459: {  	v1 =	vld.idx.msk [tilespmem:v8+s26+$0x4180], $0xffff;
	_ =	sdelay $0x4  }
0x45a: {  	v1 =	vsub.f32 v1, v0;
	_ =	sdelay $0x1  }
0x45b: {  	v1 =	vmax.f32 v1, $9.999999910e-38  }
0x45c: {  	(v2sf) =	vpush v3, $0xF;
	(erf) = vrcp.f32 v1  }
0x45d: {  	v1 =	vadd.s32 s25, v2  }
0x45e: {  	v2 =	vadd.s32 s25, v7;
	_ =	sdelay $0x3  }
0x45f: {  	v1 =	vld.idx.msk [tilespmem:v1+s8+$0x0], $0xffff  }
0x460: {  	v2 =	vld.idx.msk [tilespmem:v2+s8+$0x0], $0xffff  }
0x461: {  	v0 =	vsub.f32 v38, v0  }
0x462: {  	v3 =	vpop (erf)  }
0x463: {  	(xrf0) =	vadd.scan.msk.s32 $0xffff, v60;
	v0 =	vmul.f32 v3, v0;
	_ =	sdelay $0x1  }
0x464: {  	v2 =	vsub.f32 v2, v1;
	v0 =	vmax.f32 v0, $0.0e+00  }
0x465: {  	v0 =	vmin.f32 v0, $1.000000000e+00  }
0x466: {  	v0 =	vmul.f32 v0, v2  }
0x467: {  	s29 =	spop (v2sf)  }
0x468: {  	s0 =	sadd.s32 s29, s0;
	v3, _, _ =	vpop (xrf0);
	v0 =	vadd.f32 v0, v1;
	v1 =	vadd.s32 s24, v4;
	v4 =	vld [tilespmem:$0x1FFC0]  }
0x469: {  	v5 =	vadd.s32 s0, v3  }
0x46a: {  	v2 =	vadd.s32 $0xFFFFFFFF, v5  }
0x46b: {  	vm12 =	vlt.s32 v2, $0x80  }
0x46c: {  	v2 =	vnsel vm12, $0x80, v2  }
0x46d: {  	vm13 =	vlt.s32 v5, $0x80;
	v1 =	vadd.s32 v4, v1;
	v4 =	vadd.s32 $0xFFFFFFFF, v2  }
0x46e: {  	v7 =	vnsel vm13, $0x80, v5;
	v0 =	vmul.f32 v0, v58;
	v4 =	vand.u32 $0xFF, v4  }
0x46f: {  	v8 =	vadd.s32 $0xFFFFFFFF, v7  }
0x470: {  	v0 =	vadd.f32 v0, v52;
	_ =	sdelay $0x1  }
0x471: {  	[tilespmem:v1+s15+$0x0] =	vst.idx.msk $0xffff, v0  }
0x472: {  	v0 =	vld.idx.msk [tilespmem:v4+s26+$0x4180], $0xffff  }
0x473: {  	v1 =	vld.idx.msk [tilespmem:v8+s26+$0x4180], $0xffff;
	_ =	sdelay $0x4  }
0x474: {  	v1 =	vsub.f32 v1, v0;
	_ =	sdelay $0x1  }
0x475: {  	v1 =	vmax.f32 v1, $9.999999910e-38  }
0x476: {  	(v2sf) =	vpush v3, $0xF;
	(erf) = vrcp.f32 v1  }
0x477: {  	v1 =	vadd.s32 s25, v2  }
0x478: {  	v2 =	vadd.s32 s25, v7;
	_ =	sdelay $0x3  }
0x479: {  	v1 =	vld.idx.msk [tilespmem:v1+s8+$0x0], $0xffff  }
0x47a: {  	v2 =	vld.idx.msk [tilespmem:v2+s8+$0x0], $0xffff  }
0x47b: {  	v0 =	vsub.f32 v40, v0  }
0x47c: {  	v3 =	vpop (erf)  }
0x47d: {  	(xrf0) =	vadd.scan.msk.s32 $0xffff, v59;
	v0 =	vmul.f32 v3, v0;
	_ =	sdelay $0x1  }
0x47e: {  	v2 =	vsub.f32 v2, v1;
	v0 =	vmax.f32 v0, $0.0e+00  }
0x47f: {  	v0 =	vmin.f32 v0, $1.000000000e+00  }
0x480: {  	v0 =	vmul.f32 v0, v2  }
0x481: {  	s30 =	spop (v2sf)  }
0x482: {  	s0 =	sadd.s32 s30, s0;
	v3, _, _ =	vpop (xrf0);
	v0 =	vadd.f32 v0, v1;
	v1 =	vadd.s32 s24, v5;
	v5 =	vld [tilespmem:$0x1FFD0]  }
0x483: {  	v4 =	vadd.s32 s0, v3  }
0x484: {  	v2 =	vadd.s32 $0xFFFFFFFF, v4  }
0x485: {  	vm14 =	vlt.s32 v2, $0x80  }
0x486: {  	v2 =	vnsel vm14, $0x80, v2  }
0x487: {  	vm15 =	vlt.s32 v4, $0x80;
	v1 =	vadd.s32 v5, v1;
	v5 =	vadd.s32 $0xFFFFFFFF, v2  }
0x488: {  	v7 =	vnsel vm15, $0x80, v4;
	v0 =	vmul.f32 v0, v58;
	v5 =	vand.u32 $0xFF, v5  }
0x489: {  	v8 =	vadd.s32 $0xFFFFFFFF, v7  }
0x48a: {  	v0 =	vadd.f32 v0, v52;
	_ =	sdelay $0x1  }
0x48b: {  	[tilespmem:v1+s15+$0x0] =	vst.idx.msk $0xffff, v0  }
0x48c: {  	v0 =	vld.idx.msk [tilespmem:v5+s26+$0x4180], $0xffff  }
0x48d: {  	v1 =	vld.idx.msk [tilespmem:v8+s26+$0x4180], $0xffff;
	_ =	sdelay $0x4  }
0x48e: {  	s3 =	sor.u32 $0x3, s19;
	v1 =	vsub.f32 v1, v0  }
0x48f: {  	(v2sf) =	vpush v3, $0xF;
	v3 =	vmov s3  }
0x490: {  	v3 =	vand.u32 $0xFFFFFFFB, v3;
	v1 =	vmax.f32 v1, $9.999999910e-38  }
0x491: {  	(erf) = vrcp.f32 v1;
	v1 =	vbroadcast v3, $0x0;
	_ =	sdelay $0x5  }
0x492: {  	(xrf0) =	vadd.scan.msk.s32 $0xffff, v44;
	v2 =	vadd.s32 s25, v2;
	v44 =	vld.idx.msk [tilespmem:v1+s9+$0x0], $0xffff  }
0x493: {  	v5 =	vadd.s32 s25, v7;
	v59 =	vld.idx.msk [tilespmem:v1+s13+$0x0], $0xffff  }
0x494: {  	v1 =	vld [tilespmem:$0x1FFF0];
	_ =	sdelay $0x2  }
0x495: {  	s28 =	smul.u32 $0x90, s3;
	v2 =	vld.idx.msk [tilespmem:v2+s8+$0x0], $0xffff  }
0x496: {  	v3 =	vld.idx.msk [tilespmem:v5+s8+$0x0], $0xffff  }
0x497: {  	[tilespmem:s28+$0x8180] =	vst v27;
	v0 =	vsub.f32 v1, v0  }
0x498: {  	[tilespmem:s28+$0x8190] =	vst v6;
	v1 =	vpop (erf)  }
0x499: {  	[tilespmem:s28+$0x81A0] =	vst v6;
	v0 =	vmul.f32 v1, v0  }
0x49a: {  	s29 =	sor.u32 $0x70, s28;
	s31 =	spop (v2sf);
	[tilespmem:s28+$0x81B0] =	vst v6  }
0x49b: {  	s0 =	sadd.s32 s31, s0;
	v3 =	vsub.f32 v3, v2;
	[tilespmem:s29+$0x8180] =	vst v6;
	v1, _, _ =	vpop (xrf0);
	v0 =	vmax.f32 v0, $0.0e+00  }
0x49c: {  	[tilespmem:s28+$0x81D0] =	vst v6;
	v1 =	vadd.s32 s0, v1;
	v0 =	vmin.f32 v0, $1.000000000e+00  }
0x49d: {  	[tilespmem:s28+$0x81E0] =	vst v6;
	v0 =	vmul.f32 v0, v3;
	v3 =	vadd.s32 $0xFFFFFFFF, v1  }
0x49e: {  	s1 =	sshll.u32 s3, $0x7;
	s30 =	sand.u32 $0x3F80, s28;
	[tilespmem:s28+$0x81F0] =	vst v6;
	vm4 =	vlt.s32 v3, $0x80  }
0x49f: {  	[tilespmem:s30+$0x8230] =	vst v6;
	s0 =	sand.u32 $0x3FFFFF80, s1;
	v0 =	vadd.f32 v0, v2;
	v2 =	vadd.s32 s24, v4;
	v3 =	vnsel vm4, $0x80, v3  }
0x4a0: {  	v5 =	vld [tilespmem:s0+$0x0];
	v2 =	vadd.s32 v37, v2;
	v4 =	vadd.s32 $0xFFFFFFFF, v3  }
0x4a1: {  	v8 =	vld [tilespmem:s0+$0x10];
	v0 =	vmul.f32 v0, v58;
	v4 =	vand.u32 $0xFF, v4  }
0x4a2: {  	vm5 =	vlt.s32 v1, $0x80;
	v13 =	vld [tilespmem:s0+$0x20]  }
0x4a3: {  	v7 =	vnsel vm5, $0x80, v1;
	v0 =	vadd.f32 v0, v52  }
0x4a4: {  	v60 =	vld [tilespmem:s0+$0x30];
	v11 =	vadd.s32 $0xFFFFFFFF, v7  }
0x4a5: {  	v61 =	vld [tilespmem:s0+$0x40];
	[tilespmem:v2+s15+$0x0] =	vst.idx.msk $0xffff, v0;
	v0 =	vadd.f32 $9.999999770e-03, v5  }
0x4a6: {  	v2 =	vld.idx.msk [tilespmem:v4+s26+$0x4180], $0xffff;
	v4 =	vadd.f32 $9.999999770e-03, v8  }
0x4a7: {  	v8 =	vadd.f32 $9.999999770e-03, v13;
	(xrf2) =	vadd.scan.msk.f32 $0xffff, v0  }
0x4a8: {  	(xrf2) =	vadd.scan.msk.f32 $0xffff, v4  }
0x4a9: {  	v5 =	vld.idx.msk [tilespmem:v11+s26+$0x4180], $0xffff;
	v0 =	vadd.f32 $9.999999770e-03, v60;
	(xrf2) =	vadd.scan.msk.f32 $0xffff, v8  }
0x4aa: {  	v11 =	vadd.f32 $9.999999770e-03, v61  }
0x4ab: {  	(xrf2) =	vadd.scan.msk.f32 $0xffff, v0  }
0x4ac: {  	(xrf2) =	vadd.scan.msk.f32 $0xffff, v11;
	v11 =	vadd.s32 s23, v57;
	_ =	sdelay $0x1  }
0x4ad: {  	v13 =	vld [tilespmem:$0x1FFE0];
	v5 =	vsub.f32 v5, v2  }
0x4ae: {  	v61 =	vld [tilespmem:$0x1FFE0]  }
0x4af: {  	v8 =	vadd.s32 s21, v49;
	v49 =	vld [tilespmem:s0+$0x50];
	v5 =	vmax.f32 v5, $9.999999910e-38  }
0x4b0: {  	(erf) = vrcp.f32 v5;
	v5 =	vld.idx.msk [tilespmem:v11+s8+$0x0], $0xffff;
	v11, _, _ =	vpop (xrf2)  }
0x4b1: {  	v0 =	vadd.s32 s23, v56;
	v56, _, _ =	vpop (xrf2);
	(v2sf) =	vpush v11, $0xF  }
0x4b2: {  	v3 =	vadd.s32 s25, v3;
	v13 =	vsub.f32 v13, v47;
	v57 =	vld [tilespmem:s0+$0x60];
	v60, _, _ =	vpop (xrf2);
	(v2sf) =	vpush v56, $0xF  }
0x4b3: {  	v7 =	vadd.s32 s25, v7;
	v54 =	vsub.f32 v61, v54;
	v61 =	vld [tilespmem:$0x1FFE0];
	(v2sf) =	vpush v60, $0xF  }
0x4b4: {  	v4 =	vadd.s32 s21, v48;
	v13 =	vmul.f32 v51, v13;
	v51 =	vld [tilespmem:s0+$0x70];
	v48, _, _ =	vpop (xrf2)  }
0x4b5: {  	v49 =	vadd.f32 $9.999999770e-03, v49;
	(v2sf) =	vpush v48, $0xF  }
0x4b6: {  	v47, _, _ =	vpop (xrf2)  }
0x4b7: {  	v3 =	vld.idx.msk [tilespmem:v3+s8+$0x0], $0xffff;
	v63 =	vadd.f32 $9.999999770e-03, v57;
	(xrf2) =	vadd.scan.msk.f32 $0xffff, v49;
	(v2sf) =	vpush v47, $0xF  }
0x4b8: {  	v7 =	vld.idx.msk [tilespmem:v7+s8+$0x0], $0xffff  }
0x4b9: {  	v2 =	vsub.f32 v61, v2;
	v51 =	vadd.f32 $9.999999770e-03, v51;
	(xrf2) =	vadd.scan.msk.f32 $0xffff, v63  }
0x4ba: {  	v62 =	vpop (erf)  }
0x4bb: {  	(xrf2) =	vadd.scan.msk.f32 $0xffff, v51;
	v2 =	vmul.f32 v62, v2  }
0x4bc: {  	v4 =	vld.idx.msk [tilespmem:v4+s8+$0x0], $0xffff  }
0x4bd: {  	v7 =	vsub.f32 v7, v3;
	v8 =	vld.idx.msk [tilespmem:v8+s8+$0x0], $0xffff;
	v2 =	vmax.f32 v2, $0.0e+00  }
0x4be: {  	v2 =	vmin.f32 v2, $1.000000000e+00  }
0x4bf: {  	v2 =	vmul.f32 v2, v7  }
0x4c0: {  	v0 =	vld.idx.msk [tilespmem:v0+s8+$0x0], $0xffff;
	s2 =	spop (v2sf)  }
0x4c1: {  	v49, _, _ =	vpop (xrf2);
	v2 =	vadd.f32 v2, v3;
	s4 =	spop (v2sf)  }
0x4c2: {  	v13 =	vmax.f32 v13, $0.0e+00;
	v8 =	vsub.f32 v8, v4;
	s5 =	spop (v2sf);
	(v2sf) =	vpush v49, $0xF  }
0x4c3: {  	v13 =	vmin.f32 v13, $1.000000000e+00;
	v51, _, _ =	vpop (xrf2);
	v2 =	vmul.f32 v2, v58  }
0x4c4: {  	v8 =	vmul.f32 v13, v8;
	v13 =	vmul.f32 v55, v54;
	s6 =	spop (v2sf);
	(v2sf) =	vpush v51, $0xF  }
0x4c5: {  	v5 =	vsub.f32 v5, v0;
	v2 =	vadd.f32 v2, v52;
	v52, _, _ =	vpop (xrf2)  }
0x4c6: {  	v4 =	vadd.f32 v8, v4;
	v8 =	vmax.f32 v13, $0.0e+00;
	s11 =	spop (v2sf);
	(v2sf) =	vpush v52, $0xF  }
0x4c7: {  	v8 =	vmin.f32 v8, $1.000000000e+00  }
0x4c8: {  	v5 =	vmul.f32 v8, v5;
	s16 =	sadd.f32 $0.0e+00, s2;
	_ =	sdelay $0x1  }
0x4c9: {  	v0 =	vadd.f32 v5, v0;
	v5 =	vadd.s32 s22, v53;
	s22 =	sadd.f32 s4, s16;
	_ =	sdelay $0x1  }
0x4ca: {  	s2 =	sadd.f32 s5, s22;
	_ =	sdelay $0x1  }
0x4cb: {  	s4 =	sadd.f32 s6, s2;
	_ =	sdelay $0x1  }
0x4cc: {  	s31 =	sadd.f32 s11, s4  }
0x4cd: {  	s1 =	spop (v2sf)  }
0x4ce: {  	s6 =	sadd.f32 s1, s31  }
0x4cf: {  	v8 =	vadd.s32 s20, v46;
	s20 =	spop (v2sf)  }
0x4d0: {  	s21 =	sadd.f32 s20, s6  }
0x4d1: {  	s23 =	spop (v2sf)  }
0x4d2: {  	s0 =	sadd.f32 s23, s21;
	_ =	sdelay $0x1  }
0x4d3: {  	v1 =	vadd.s32 s24, v1;
	v5 =	vadd.s32 v15, v5;
	s24 =	ssub.f32 $9.999999740e-06, s0  }
0x4d4: {  	v0 =	vmul.f32 v0, v50  }
0x4d5: {  	s20 =	smax.f32 s24, $0.0e+00  }
0x4d6: {  	v0 =	vadd.f32 v0, v45;
	s0 =	sadd.f32 s20, s0;
	_ =	sdelay $0x1  }
0x4d7: {  	[tilespmem:v5+s15+$0x0] =	vst.idx.msk $0x1, v0;
	v0 =	vmov s0  }
0x4d8: {  	(erf) = vrcp.f32 v0  }
0x4d9: {  	v1 =	vadd.s32 v15, v1;
	_ =	sdelay $0x2  }
0x4da: {  	s25 =	smul.f32 $7.812500000e-03, s20;
	_ =	sdelay $0x1  }
0x4db: {  	[tilespmem:v1+s15+$0x0] =	vst.idx.msk $0x1, v2;
	v1 =	vmul.f32 s25, v17;
	v0 =	vadd.f32 $0.0e+00, v11;
	_ =	sdelay $0x1  }
0x4dc: {  	v0 =	vadd.f32 v1, v0  }
0x4dd: {  	v53 =	vpop (erf)  }
0x4de: {  	v0 =	vmul.f32 v0, v53;
	_ =	sdelay $0x1  }
0x4df: {  	v0 =	vmin.f32 v0, $1.000000000e+00  }
0x4e0: {  	v1 =	vmul.f32 $1.290000000e+02, v0  }
0x4e1: {  	v7 =	vadd.s32 v15, v8  }
0x4e2: {  	v4 =	vmul.f32 v4, v43;
	v1 =	vadd.f32 $5.000000000e-01, v1;
	_ =	sdelay $0x1  }
0x4e3: {  	v3 =	vadd.f32 v4, v42;
	v1 =	vtrunc.f32 v1  }
0x4e4: {  	v1 =	vcvt.f32.s32 v1  }
0x4e5: {  	[tilespmem:v7+s15+$0x0] =	vst.idx.msk $0x1, v3;
	v2 =	vadd.f32 s16, v56;
	v3 =	vmul.f32 s25, v19  }
0x4e6: {  	v1 =	vxor.u32 $0x80000000, v1  }
0x4e7: {  	(xrf0) =	vmax.scan.msk.u32 $0xffff, v1;
	v1 =	vadd.f32 v3, v2;
	_ =	sdelay $0x1  }
0x4e8: {  	v1 =	vmul.f32 v1, v53;
	_ =	sdelay $0x1  }
0x4e9: {  	v1 =	vmin.f32 v1, $1.000000000e+00  }
0x4ea: {  	v3 =	vmul.f32 $1.290000000e+02, v1;
	_ =	sdelay $0x1  }
0x4eb: {  	v2, _, _ =	vpop (xrf0);
	v3 =	vadd.f32 $5.000000000e-01, v3  }
0x4ec: {  	v2 =	vxor.u32 $0x80000000, v2  }
0x4ed: {  	s23 =	smul.u32 $0x81, s3;
	vm6 =	vgt.s32 v2, $0x0;
	v3 =	vtrunc.f32 v3  }
0x4ee: {  	s26 =	sshll.u32 s3, $0x8;
	v2 =	vnsel vm6, $0x0, v2;
	v3 =	vcvt.f32.s32 v3  }
0x4ef: {  	v5 =	vadd.f32 s22, v60;
	v4 =	vadd.s32 s23, v10;
	s20 =	sand.u32 $0x3FFFFF00, s26;
	v7 =	vmul.f32 s25, v21  }
0x4f0: {  	[tilespmem:s20+$0x4180] =	vst v0;
	v0 =	vxor.u32 $0x80000000, v3  }
0x4f1: {  	(xrf0) =	vmax.scan.msk.u32 $0xffff, v0;
	v0 =	vadd.f32 v7, v5;
	_ =	sdelay $0x1  }
0x4f2: {  	[tilespmem:v2+s28+$0x8180] =	vst.idx.add.s32.msk $0xffff, v9;
	v0 =	vmul.f32 v0, v53  }
0x4f3: {  	v3 =	vld.idx.msk [tilespmem:v4+s8+$0x0], $0xffff  }
0x4f4: {  	s22 =	smul.u32 $0x102, s3;
	v0 =	vmin.f32 v0, $1.000000000e+00  }
0x4f5: {  	v4 =	vmul.f32 $1.290000000e+02, v0  }
0x4f6: {  	v45 =	vsub.f32 v59, v44;
	v5 =	vadd.s32 s22, v2;
	v2 =	vbroadcast v2, $0xF;
	v7, _, _ =	vpop (xrf0)  }
0x4f7: {  	v5 =	vadd.s32 v10, v5;
	v7 =	vxor.u32 $0x80000000, v7;
	v4 =	vadd.f32 $5.000000000e-01, v4  }
0x4f8: {  	v8 =	vadd.f32 s2, v48;
	v3 =	vmul.f32 v3, v45;
	vm7 =	vgt.s32 v7, v2  }
0x4f9: {  	v11 =	vmul.f32 s25, v23;
	v2 =	vsel vm7, v7, v2;
	v4 =	vtrunc.f32 v4  }
0x4fa: {  	v3 =	vadd.f32 v3, v44;
	v7 =	vadd.s32 s23, v12;
	v4 =	vcvt.f32.s32 v4;
	_ =	sdelay $0x1  }
0x4fb: {  	[tilespmem:v5+s15+$0x0] =	vst.idx.msk $0xffff, v3;
	v3 =	vxor.u32 $0x80000000, v4;
	v4 =	vadd.f32 v11, v8  }
0x4fc: {  	[tilespmem:s20+$0x4190] =	vst v1;
	(xrf0) =	vmax.scan.msk.u32 $0xffff, v3  }
0x4fd: {  	[tilespmem:v2+s28+$0x8180] =	vst.idx.add.s32.msk $0xffff, v9;
	v1 =	vmul.f32 v4, v53  }
0x4fe: {  	v3 =	vld.idx.msk [tilespmem:v7+s8+$0x0], $0xffff  }
0x4ff: {  	v1 =	vmin.f32 v1, $1.000000000e+00  }
0x500: {  	v4 =	vmul.f32 $1.290000000e+02, v1  }
0x501: {  	v5 =	vadd.s32 s22, v2  }
0x502: {  	v5 =	vadd.s32 v12, v5;
	v2 =	vbroadcast v2, $0xF;
	v7, _, _ =	vpop (xrf0);
	v4 =	vadd.f32 $5.000000000e-01, v4  }
0x503: {  	v8 =	vadd.f32 s4, v47;
	v3 =	vmul.f32 v3, v45;
	v7 =	vxor.u32 $0x80000000, v7  }
0x504: {  	v11 =	vmul.f32 s25, v25;
	vm8 =	vgt.s32 v7, v2;
	v4 =	vtrunc.f32 v4  }
0x505: {  	v3 =	vadd.f32 v3, v44;
	v2 =	vsel vm8, v7, v2;
	v4 =	vcvt.f32.s32 v4  }
0x506: {  	v7 =	vadd.s32 s23, v14  }
0x507: {  	v4 =	vxor.u32 $0x80000000, v4;
	[tilespmem:v5+s15+$0x0] =	vst.idx.msk $0xffff, v3;
	v3 =	vadd.f32 v11, v8  }
0x508: {  	(xrf0) =	vmax.scan.msk.u32 $0xffff, v4  }
0x509: {  	[tilespmem:s20+$0x41A0] =	vst v0;
	v0 =	vmul.f32 v3, v53  }
0x50a: {  	[tilespmem:v2+s28+$0x8180] =	vst.idx.add.s32.msk $0xffff, v9  }
0x50b: {  	v3 =	vld.idx.msk [tilespmem:v7+s8+$0x0], $0xffff;
	v0 =	vmin.f32 v0, $1.000000000e+00  }
0x50c: {  	v4 =	vmul.f32 $1.290000000e+02, v0  }
0x50d: {  	v8 =	vadd.f32 s31, v49  }
0x50e: {  	v7 =	vbroadcast v2, $0xF;
	v2 =	vadd.s32 s22, v2;
	v5, _, _ =	vpop (xrf0);
	v4 =	vadd.f32 $5.000000000e-01, v4  }
0x50f: {  	v11 =	vmul.f32 s25, v26;
	v2 =	vadd.s32 v14, v2;
	v5 =	vxor.u32 $0x80000000, v5  }
0x510: {  	v3 =	vmul.f32 v3, v45;
	vm9 =	vgt.s32 v5, v7;
	v4 =	vtrunc.f32 v4  }
0x511: {  	v5 =	vsel vm9, v5, v7;
	v4 =	vcvt.f32.s32 v4  }
0x512: {  	v8 =	vadd.f32 v11, v8;
	v7 =	vadd.s32 s23, v16;
	v3 =	vadd.f32 v3, v44  }
0x513: {  	v4 =	vxor.u32 $0x80000000, v4  }
0x514: {  	[tilespmem:v2+s15+$0x0] =	vst.idx.msk $0xffff, v3;
	(xrf0) =	vmax.scan.msk.u32 $0xffff, v4;
	v2 =	vmul.f32 v8, v53  }
0x515: {  	[tilespmem:s20+$0x41B0] =	vst v1  }
0x516: {  	[tilespmem:v5+s28+$0x8180] =	vst.idx.add.s32.msk $0xffff, v9;
	v1 =	vmin.f32 v2, $1.000000000e+00  }
0x517: {  	v2 =	vld.idx.msk [tilespmem:v7+s8+$0x0], $0xffff;
	v3 =	vmul.f32 $1.290000000e+02, v1;
	_ =	sdelay $0x1  }
0x518: {  	v3 =	vadd.f32 $5.000000000e-01, v3  }
0x519: {  	v4 =	vadd.s32 s22, v5;
	v5 =	vbroadcast v5, $0xF;
	v7, _, _ =	vpop (xrf0)  }
0x51a: {  	v4 =	vadd.s32 v16, v4;
	v7 =	vxor.u32 $0x80000000, v7;
	v3 =	vtrunc.f32 v3  }
0x51b: {  	v2 =	vmul.f32 v2, v45;
	vm10 =	vgt.s32 v7, v5;
	v3 =	vcvt.f32.s32 v3  }
0x51c: {  	v8 =	vmul.f32 s25, v41;
	v5 =	vsel vm10, v7, v5;
	v7 =	vadd.f32 s6, v51  }
0x51d: {  	v11 =	vadd.s32 s23, v18;
	v2 =	vadd.f32 v2, v44;
	v3 =	vxor.u32 $0x80000000, v3  }
0x51e: {  	(xrf0) =	vmax.scan.msk.u32 $0xffff, v3;
	v3 =	vadd.f32 v8, v7  }
0x51f: {  	[tilespmem:v4+s15+$0x0] =	vst.idx.msk $0xffff, v2  }
0x520: {  	[tilespmem:s20+$0x41C0] =	vst v0;
	v0 =	vmul.f32 v3, v53  }
0x521: {  	[tilespmem:v5+s28+$0x8180] =	vst.idx.add.s32.msk $0xffff, v9  }
0x522: {  	v2 =	vld.idx.msk [tilespmem:v11+s8+$0x0], $0xffff;
	v0 =	vmin.f32 v0, $1.000000000e+00  }
0x523: {  	v3 =	vmul.f32 $1.290000000e+02, v0;
	_ =	sdelay $0x1  }
0x524: {  	v7 =	vbroadcast v5, $0xF;
	v5 =	vadd.s32 s22, v5;
	v4, _, _ =	vpop (xrf0);
	v3 =	vadd.f32 $5.000000000e-01, v3  }
0x525: {  	v8 =	vmul.f32 s25, v28;
	v5 =	vadd.s32 v18, v5;
	v4 =	vxor.u32 $0x80000000, v4  }
0x526: {  	vm11 =	vgt.s32 v4, v7;
	v2 =	vmul.f32 v2, v45;
	v3 =	vtrunc.f32 v3  }
0x527: {  	v4 =	vsel vm11, v4, v7;
	v7 =	vadd.f32 s21, v52;
	v3 =	vcvt.f32.s32 v3  }
0x528: {  	v11 =	vadd.s32 s23, v20;
	v2 =	vadd.f32 v2, v44  }
0x529: {  	v7 =	vadd.f32 v8, v7;
	v3 =	vxor.u32 $0x80000000, v3  }
0x52a: {  	[tilespmem:v5+s15+$0x0] =	vst.idx.msk $0xffff, v2;
	(xrf0) =	vmax.scan.msk.u32 $0xffff, v3  }
0x52b: {  	[tilespmem:s20+$0x41D0] =	vst v1;
	v1 =	vmul.f32 v7, v53  }
0x52c: {  	[tilespmem:v4+s28+$0x8180] =	vst.idx.add.s32.msk $0xffff, v9  }
0x52d: {  	v2 =	vld.idx.msk [tilespmem:v11+s8+$0x0], $0xffff;
	v1 =	vmin.f32 v1, $1.000000000e+00  }
0x52e: {  	v3 =	vmul.f32 $1.290000000e+02, v1;
	_ =	sdelay $0x1  }
0x52f: {  	v5 =	vadd.s32 s22, v4;
	v4 =	vbroadcast v4, $0xF;
	v7, _, _ =	vpop (xrf0);
	v3 =	vadd.f32 $5.000000000e-01, v3  }
0x530: {  	v5 =	vadd.s32 v20, v5;
	v7 =	vxor.u32 $0x80000000, v7  }
0x531: {  	v2 =	vmul.f32 v2, v45;
	vm12 =	vgt.s32 v7, v4;
	v3 =	vtrunc.f32 v3  }
0x532: {  	v4 =	vsel vm12, v7, v4;
	v3 =	vcvt.f32.s32 v3  }
0x533: {  	v7 =	vadd.s32 s23, v22;
	v2 =	vadd.f32 v2, v44  }
0x534: {  	v3 =	vxor.u32 $0x80000000, v3  }
0x535: {  	[tilespmem:v5+s15+$0x0] =	vst.idx.msk $0xffff, v2;
	(xrf0) =	vmax.scan.msk.u32 $0xffff, v3  }
0x536: {  	[tilespmem:s20+$0x41E0] =	vst v0  }
0x537: {  	[tilespmem:v4+s28+$0x8180] =	vst.idx.add.s32.msk $0xffff, v9  }
0x538: {  	v0 =	vld.idx.msk [tilespmem:v7+s8+$0x0], $0xffff;
	_ =	sdelay $0x2  }
0x539: {  	v2 =	vadd.s32 s22, v4;
	v4 =	vbroadcast v4, $0xF;
	v3, _, _ =	vpop (xrf0)  }
0x53a: {  	v2 =	vadd.s32 v22, v2;
	v3 =	vxor.u32 $0x80000000, v3  }
0x53b: {  	v0 =	vmul.f32 v0, v45;
	vm13 =	vgt.s32 v3, v4  }
0x53c: {  	v3 =	vsel vm13, v3, v4  }
0x53d: {  	v4 =	vadd.s32 s23, v24;
	v0 =	vadd.f32 v0, v44;
	_ =	sdelay $0x1  }
0x53e: {  	[tilespmem:v2+s15+$0x0] =	vst.idx.msk $0xffff, v0  }
0x53f: {  	[tilespmem:s20+$0x41F0] =	vst v1  }
0x540: {  	[tilespmem:v3+s28+$0x8180] =	vst.idx.add.s32.msk $0xffff, v9  }
0x541: {  	v0 =	vld.idx.msk [tilespmem:v4+s8+$0x0], $0xffff;
	_ =	sdelay $0x2  }
0x542: {  	v1 =	vadd.s32 s22, v3  }
0x543: {  	v1 =	vadd.s32 v24, v1  }
0x544: {  	v2 =	vmov s23;
	v0 =	vmul.f32 v0, v45;
	_ =	sdelay $0x1  }
0x545: {  	v0 =	vadd.f32 v0, v44;
	_ =	sdelay $0x1  }
0x546: {  	[tilespmem:v1+s15+$0x0] =	vst.idx.msk $0xffff, v0  }
0x547: {  	v0 =	vld.idx.msk [tilespmem:v2+s8+$0x0], $0xffff;
	_ =	sdelay $0x3  }
0x548: {  	v1 =	vmov s22  }
0x549: {  	v0 =	vmul.f32 v0, v45;
	_ =	sdelay $0x1  }
0x54a: {  	v0 =	vadd.f32 v0, v44;
	_ =	sdelay $0x1  }
0x54b: {  	[tilespmem:v1+s15+$0x0] =	vst.idx.msk $0x1, v0  }
0x54c: {  	v0 =	vld [tilespmem:s28+$0x8180];
	_ =	sdelay $0x4  }
0x54d: {  	(xrf0) =	vadd.scan.msk.s32 $0xffff, v0;
	_ =	sdelay $0x5  }
0x54e: {  	v0, _, _ =	vpop (xrf0)  }
0x54f: {  	v1 =	vadd.s32 $0xFFFFFFFF, v0  }
0x550: {  	vm15 =	vlt.s32 v0, $0x80;
	vm14 =	vlt.s32 v1, $0x80  }
0x551: {  	v3 =	vnsel vm15, $0x80, v0;
	v1 =	vnsel vm14, $0x80, v1  }
0x552: {  	v4 =	vadd.s32 $0xFFFFFFFF, v3;
	v2 =	vadd.s32 $0xFFFFFFFF, v1  }
0x553: {  	v2 =	vand.u32 $0xFF, v2;
	_ =	sdelay $0x3  }
0x554: {  	v4 =	vld.idx.msk [tilespmem:v4+s20+$0x4180], $0xffff  }
0x555: {  	v2 =	vld.idx.msk [tilespmem:v2+s20+$0x4180], $0xffff;
	_ =	sdelay $0x4  }
0x556: {  	v4 =	vsub.f32 v4, v2;
	_ =	sdelay $0x1  }
0x557: {  	v4 =	vmax.f32 v4, $9.999999910e-38  }
0x558: {  	(erf) = vrcp.f32 v4  }
0x559: {  	v3 =	vadd.s32 s23, v3;
	v4 =	vld [tilespmem:s28+$0x8190]  }
0x55a: {  	v1 =	vadd.s32 s23, v1;
	_ =	sdelay $0x3  }
0x55b: {  	v3 =	vld.idx.msk [tilespmem:v3+s8+$0x0], $0xffff;
	(xrf0) =	vadd.scan.msk.s32 $0xffff, v4  }
0x55c: {  	v1 =	vld.idx.msk [tilespmem:v1+s8+$0x0], $0xffff  }
0x55d: {  	v2 =	vsub.f32 v29, v2  }
0x55e: {  	v4 =	vpop (erf)  }
0x55f: {  	v2 =	vmul.f32 v4, v2  }
0x560: {  	v4 =	vbroadcast v0, $0xF  }
0x561: {  	v3 =	vsub.f32 v3, v1;
	v5, _, _ =	vpop (xrf0);
	v2 =	vmax.f32 v2, $0.0e+00  }
0x562: {  	v4 =	vadd.s32 v4, v5;
	v2 =	vmin.f32 v2, $1.000000000e+00  }
0x563: {  	v2 =	vmul.f32 v2, v3;
	v3 =	vadd.s32 $0xFFFFFFFF, v4  }
0x564: {  	v13 =	vlaneseq.u32;
	vm4 =	vlt.s32 v3, $0x80  }
0x565: {  	v7 =	vld [tilespmem:s28+$0x81A0];
	v1 =	vadd.f32 v2, v1;
	v2 =	vadd.s32 s22, v0;
	v3 =	vnsel vm4, $0x80, v3  }
0x566: {  	v8 =	vld [tilespmem:s28+$0x81B0];
	vm5 =	vlt.s32 v4, $0x80;
	v2 =	vadd.s32 v13, v2;
	v13 =	vadd.s32 $0xFFFFFFFF, v3  }
0x567: {  	v11 =	vld [tilespmem:s29+$0x8180];
	v55 =	vnsel vm5, $0x80, v4;
	v1 =	vmul.f32 v1, v45;
	v13 =	vand.u32 $0xFF, v13  }
0x568: {  	v54 =	vld [tilespmem:s28+$0x81D0];
	v57 =	vadd.s32 $0xFFFFFFFF, v55  }
0x569: {  	v56 =	vld [tilespmem:s28+$0x81E0];
	v1 =	vadd.f32 v1, v44  }
0x56a: {  	v58 =	vld [tilespmem:s28+$0x81F0]  }
0x56b: {  	v59 =	vld [tilespmem:s30+$0x8230];
	[tilespmem:v2+s15+$0x0] =	vst.idx.msk $0xffff, v1  }
0x56c: {  	v1 =	vld.idx.msk [tilespmem:v13+s20+$0x4180], $0xffff  }
0x56d: {  	v2 =	vld.idx.msk [tilespmem:v57+s20+$0x4180], $0xffff;
	_ =	sdelay $0x2  }
0x56e: {  	(v2sf) =	vpush v0, $0xF  }
0x56f: {  	(v2sf) =	vpush v5, $0xF  }
0x570: {  	v0 =	vsub.f32 v2, v1;
	_ =	sdelay $0x1  }
0x571: {  	v0 =	vmax.f32 v0, $9.999999910e-38  }
0x572: {  	(erf) = vrcp.f32 v0  }
0x573: {  	v2 =	vadd.s32 s23, v55  }
0x574: {  	v0 =	vadd.s32 s23, v3;
	_ =	sdelay $0x3  }
0x575: {  	(xrf0) =	vadd.scan.msk.s32 $0xffff, v7;
	v2 =	vld.idx.msk [tilespmem:v2+s8+$0x0], $0xffff  }
0x576: {  	v0 =	vld.idx.msk [tilespmem:v0+s8+$0x0], $0xffff  }
0x577: {  	v1 =	vsub.f32 v30, v1  }
0x578: {  	v3 =	vpop (erf)  }
0x579: {  	s28 =	spop (v2sf);
	v1 =	vmul.f32 v3, v1  }
0x57a: {  	s29 =	spop (v2sf)  }
0x57b: {  	s0 =	sadd.s32 s28, s29;
	v3, _, _ =	vpop (xrf0);
	v2 =	vsub.f32 v2, v0;
	v1 =	vmax.f32 v1, $0.0e+00  }
0x57c: {  	v5 =	vadd.s32 s0, v3;
	v1 =	vmin.f32 v1, $1.000000000e+00  }
0x57d: {  	v1 =	vmul.f32 v1, v2;
	v2 =	vadd.s32 $0xFFFFFFFF, v5  }
0x57e: {  	vm6 =	vlt.s32 v2, $0x80  }
0x57f: {  	v0 =	vadd.f32 v1, v0;
	v1 =	vadd.s32 s22, v4;
	v2 =	vnsel vm6, $0x80, v2  }
0x580: {  	vm7 =	vlt.s32 v5, $0x80;
	v1 =	vadd.s32 v31, v1;
	v4 =	vadd.s32 $0xFFFFFFFF, v2  }
0x581: {  	v7 =	vnsel vm7, $0x80, v5;
	v0 =	vmul.f32 v0, v45;
	v4 =	vand.u32 $0xFF, v4  }
0x582: {  	v13 =	vadd.s32 $0xFFFFFFFF, v7  }
0x583: {  	v0 =	vadd.f32 v0, v44;
	_ =	sdelay $0x1  }
0x584: {  	[tilespmem:v1+s15+$0x0] =	vst.idx.msk $0xffff, v0  }
0x585: {  	v0 =	vld.idx.msk [tilespmem:v4+s20+$0x4180], $0xffff  }
0x586: {  	v1 =	vld.idx.msk [tilespmem:v13+s20+$0x4180], $0xffff;
	_ =	sdelay $0x3  }
0x587: {  	(v2sf) =	vpush v3, $0xF  }
0x588: {  	v1 =	vsub.f32 v1, v0;
	_ =	sdelay $0x1  }
0x589: {  	v1 =	vmax.f32 v1, $9.999999910e-38  }
0x58a: {  	(erf) = vrcp.f32 v1  }
0x58b: {  	v1 =	vadd.s32 s23, v2  }
0x58c: {  	v2 =	vadd.s32 s23, v7;
	_ =	sdelay $0x3  }
0x58d: {  	(xrf0) =	vadd.scan.msk.s32 $0xffff, v8;
	v1 =	vld.idx.msk [tilespmem:v1+s8+$0x0], $0xffff  }
0x58e: {  	v2 =	vld.idx.msk [tilespmem:v2+s8+$0x0], $0xffff  }
0x58f: {  	v0 =	vsub.f32 v32, v0  }
0x590: {  	v3 =	vpop (erf)  }
0x591: {  	v0 =	vmul.f32 v3, v0  }
0x592: {  	s30 =	spop (v2sf)  }
0x593: {  	s0 =	sadd.s32 s30, s0;
	v3, _, _ =	vpop (xrf0);
	v2 =	vsub.f32 v2, v1;
	v0 =	vmax.f32 v0, $0.0e+00  }
0x594: {  	v4 =	vadd.s32 s0, v3;
	v0 =	vmin.f32 v0, $1.000000000e+00  }
0x595: {  	v0 =	vmul.f32 v0, v2;
	v2 =	vadd.s32 $0xFFFFFFFF, v4  }
0x596: {  	vm8 =	vlt.s32 v2, $0x80  }
0x597: {  	v0 =	vadd.f32 v0, v1;
	v1 =	vadd.s32 s22, v5;
	v2 =	vnsel vm8, $0x80, v2  }
0x598: {  	vm9 =	vlt.s32 v4, $0x80;
	v1 =	vadd.s32 v33, v1;
	v5 =	vadd.s32 $0xFFFFFFFF, v2  }
0x599: {  	v7 =	vnsel vm9, $0x80, v4;
	v0 =	vmul.f32 v0, v45;
	v5 =	vand.u32 $0xFF, v5  }
0x59a: {  	v8 =	vadd.s32 $0xFFFFFFFF, v7  }
0x59b: {  	v0 =	vadd.f32 v0, v44;
	_ =	sdelay $0x1  }
0x59c: {  	[tilespmem:v1+s15+$0x0] =	vst.idx.msk $0xffff, v0  }
0x59d: {  	v0 =	vld.idx.msk [tilespmem:v5+s20+$0x4180], $0xffff  }
0x59e: {  	v1 =	vld.idx.msk [tilespmem:v8+s20+$0x4180], $0xffff;
	_ =	sdelay $0x3  }
0x59f: {  	(v2sf) =	vpush v3, $0xF  }
0x5a0: {  	v1 =	vsub.f32 v1, v0;
	_ =	sdelay $0x1  }
0x5a1: {  	v1 =	vmax.f32 v1, $9.999999910e-38  }
0x5a2: {  	(erf) = vrcp.f32 v1  }
0x5a3: {  	v1 =	vadd.s32 s23, v2  }
0x5a4: {  	v2 =	vadd.s32 s23, v7;
	_ =	sdelay $0x3  }
0x5a5: {  	(xrf0) =	vadd.scan.msk.s32 $0xffff, v11;
	v1 =	vld.idx.msk [tilespmem:v1+s8+$0x0], $0xffff  }
0x5a6: {  	v2 =	vld.idx.msk [tilespmem:v2+s8+$0x0], $0xffff  }
0x5a7: {  	v0 =	vsub.f32 v34, v0  }
0x5a8: {  	v3 =	vpop (erf)  }
0x5a9: {  	v0 =	vmul.f32 v3, v0  }
0x5aa: {  	s31 =	spop (v2sf)  }
0x5ab: {  	s0 =	sadd.s32 s31, s0;
	v3, _, _ =	vpop (xrf0);
	v2 =	vsub.f32 v2, v1;
	v0 =	vmax.f32 v0, $0.0e+00  }
0x5ac: {  	v5 =	vadd.s32 s0, v3;
	v0 =	vmin.f32 v0, $1.000000000e+00  }
0x5ad: {  	v0 =	vmul.f32 v0, v2;
	v2 =	vadd.s32 $0xFFFFFFFF, v5  }
0x5ae: {  	vm10 =	vlt.s32 v2, $0x80  }
0x5af: {  	v0 =	vadd.f32 v0, v1;
	v1 =	vadd.s32 s22, v4;
	v2 =	vnsel vm10, $0x80, v2  }
0x5b0: {  	vm11 =	vlt.s32 v5, $0x80;
	v1 =	vadd.s32 v35, v1;
	v4 =	vadd.s32 $0xFFFFFFFF, v2  }
0x5b1: {  	v7 =	vnsel vm11, $0x80, v5;
	v0 =	vmul.f32 v0, v45;
	v4 =	vand.u32 $0xFF, v4  }
0x5b2: {  	v8 =	vadd.s32 $0xFFFFFFFF, v7  }
0x5b3: {  	v0 =	vadd.f32 v0, v44;
	_ =	sdelay $0x1  }
0x5b4: {  	[tilespmem:v1+s15+$0x0] =	vst.idx.msk $0xffff, v0  }
0x5b5: {  	v0 =	vld.idx.msk [tilespmem:v4+s20+$0x4180], $0xffff  }
0x5b6: {  	v1 =	vld.idx.msk [tilespmem:v8+s20+$0x4180], $0xffff;
	_ =	sdelay $0x3  }
0x5b7: {  	(v2sf) =	vpush v3, $0xF  }
0x5b8: {  	v1 =	vsub.f32 v1, v0;
	_ =	sdelay $0x1  }
0x5b9: {  	v1 =	vmax.f32 v1, $9.999999910e-38  }
0x5ba: {  	(erf) = vrcp.f32 v1  }
0x5bb: {  	v1 =	vadd.s32 s23, v2  }
0x5bc: {  	v2 =	vadd.s32 s23, v7;
	_ =	sdelay $0x3  }
0x5bd: {  	(xrf0) =	vadd.scan.msk.s32 $0xffff, v54;
	v1 =	vld.idx.msk [tilespmem:v1+s8+$0x0], $0xffff  }
0x5be: {  	v2 =	vld.idx.msk [tilespmem:v2+s8+$0x0], $0xffff  }
0x5bf: {  	v0 =	vsub.f32 v36, v0  }
0x5c0: {  	v3 =	vpop (erf)  }
0x5c1: {  	v0 =	vmul.f32 v3, v0  }
0x5c2: {  	s2 =	spop (v2sf)  }
0x5c3: {  	s0 =	sadd.s32 s2, s0;
	v3, _, _ =	vpop (xrf0);
	v2 =	vsub.f32 v2, v1;
	v0 =	vmax.f32 v0, $0.0e+00  }
0x5c4: {  	v4 =	vadd.s32 s0, v3;
	v0 =	vmin.f32 v0, $1.000000000e+00  }
0x5c5: {  	v0 =	vmul.f32 v0, v2;
	v2 =	vadd.s32 $0xFFFFFFFF, v4  }
0x5c6: {  	vm12 =	vlt.s32 v2, $0x80  }
0x5c7: {  	v0 =	vadd.f32 v0, v1;
	v1 =	vadd.s32 s22, v5;
	v2 =	vnsel vm12, $0x80, v2  }
0x5c8: {  	vm13 =	vlt.s32 v4, $0x80;
	v1 =	vadd.s32 v39, v1;
	v5 =	vadd.s32 $0xFFFFFFFF, v2  }
0x5c9: {  	v7 =	vnsel vm13, $0x80, v4;
	v0 =	vmul.f32 v0, v45;
	v5 =	vand.u32 $0xFF, v5  }
0x5ca: {  	v8 =	vadd.s32 $0xFFFFFFFF, v7  }
0x5cb: {  	v0 =	vadd.f32 v0, v44;
	_ =	sdelay $0x1  }
0x5cc: {  	[tilespmem:v1+s15+$0x0] =	vst.idx.msk $0xffff, v0  }
0x5cd: {  	v0 =	vld.idx.msk [tilespmem:v5+s20+$0x4180], $0xffff  }
0x5ce: {  	v1 =	vld.idx.msk [tilespmem:v8+s20+$0x4180], $0xffff;
	_ =	sdelay $0x4  }
0x5cf: {  	v1 =	vsub.f32 v1, v0;
	_ =	sdelay $0x1  }
0x5d0: {  	v1 =	vmax.f32 v1, $9.999999910e-38  }
0x5d1: {  	(v2sf) =	vpush v3, $0xF;
	(erf) = vrcp.f32 v1  }
0x5d2: {  	v1 =	vadd.s32 s23, v2  }
0x5d3: {  	v2 =	vadd.s32 s23, v7;
	_ =	sdelay $0x3  }
0x5d4: {  	v1 =	vld.idx.msk [tilespmem:v1+s8+$0x0], $0xffff  }
0x5d5: {  	v2 =	vld.idx.msk [tilespmem:v2+s8+$0x0], $0xffff  }
0x5d6: {  	v0 =	vsub.f32 v38, v0  }
0x5d7: {  	v3 =	vpop (erf)  }
0x5d8: {  	(xrf0) =	vadd.scan.msk.s32 $0xffff, v56;
	v0 =	vmul.f32 v3, v0;
	_ =	sdelay $0x1  }
0x5d9: {  	v2 =	vsub.f32 v2, v1;
	v0 =	vmax.f32 v0, $0.0e+00  }
0x5da: {  	v0 =	vmin.f32 v0, $1.000000000e+00  }
0x5db: {  	v0 =	vmul.f32 v0, v2  }
0x5dc: {  	s3 =	spop (v2sf)  }
0x5dd: {  	s0 =	sadd.s32 s3, s0;
	v3, _, _ =	vpop (xrf0);
	v0 =	vadd.f32 v0, v1;
	v1 =	vadd.s32 s22, v4;
	v4 =	vld [tilespmem:$0x1FFC0]  }
0x5de: {  	v5 =	vadd.s32 s0, v3  }
0x5df: {  	v2 =	vadd.s32 $0xFFFFFFFF, v5  }
0x5e0: {  	vm14 =	vlt.s32 v2, $0x80  }
0x5e1: {  	v2 =	vnsel vm14, $0x80, v2  }
0x5e2: {  	vm15 =	vlt.s32 v5, $0x80;
	v1 =	vadd.s32 v4, v1;
	v4 =	vadd.s32 $0xFFFFFFFF, v2  }
0x5e3: {  	v7 =	vnsel vm15, $0x80, v5;
	v0 =	vmul.f32 v0, v45;
	v4 =	vand.u32 $0xFF, v4  }
0x5e4: {  	v8 =	vadd.s32 $0xFFFFFFFF, v7  }
0x5e5: {  	v0 =	vadd.f32 v0, v44;
	_ =	sdelay $0x1  }
0x5e6: {  	[tilespmem:v1+s15+$0x0] =	vst.idx.msk $0xffff, v0  }
0x5e7: {  	s11 =	sor.u32 $0x4, s19;
	v0 =	vld.idx.msk [tilespmem:v4+s20+$0x4180], $0xffff  }
0x5e8: {  	v1 =	vmov s11;
	v4 =	vld.idx.msk [tilespmem:v8+s20+$0x4180], $0xffff  }
0x5e9: {  	v1 =	vand.u32 $0xFFFFFFFC, v1  }
0x5ea: {  	v1 =	vbroadcast v1, $0x0;
	_ =	sdelay $0x1  }
0x5eb: {  	(v2sf) =	vpush v3, $0xF  }
0x5ec: {  	v3 =	vsub.f32 v4, v0;
	_ =	sdelay $0x1  }
0x5ed: {  	s21 =	smul.u32 $0x90, s11;
	v3 =	vmax.f32 v3, $9.999999910e-38  }
0x5ee: {  	v46 =	vld.idx.msk [tilespmem:v1+s9+$0x0], $0xffff;
	(erf) = vrcp.f32 v3  }
0x5ef: {  	s6 =	sor.u32 $0x50, s21;
	v52 =	vld.idx.msk [tilespmem:v1+s13+$0x0], $0xffff;
	v1 =	vadd.s32 s23, v2;
	[tilespmem:s21+$0x8180] =	vst v27  }
0x5f0: {  	s3 =	sor.u32 $0x60, s21;
	v2 =	vadd.s32 s23, v7;
	[tilespmem:s6+$0x8180] =	vst v6  }
0x5f1: {  	s28 =	sor.u32 $0x70, s21;
	[tilespmem:s3+$0x8180] =	vst v6  }
0x5f2: {  	[tilespmem:s28+$0x8180] =	vst v6  }
0x5f3: {  	[tilespmem:s21+$0x81C0] =	vst v6  }
0x5f4: {  	(xrf0) =	vadd.scan.msk.s32 $0xffff, v58;
	[tilespmem:s21+$0x81D0] =	vst v6;
	v1 =	vld.idx.msk [tilespmem:v1+s8+$0x0], $0xffff  }
0x5f5: {  	[tilespmem:s21+$0x81E0] =	vst v6;
	v2 =	vld.idx.msk [tilespmem:v2+s8+$0x0], $0xffff  }
0x5f6: {  	s4 =	sshll.u32 s11, $0x7;
	s26 =	sand.u32 $0x3F80, s21;
	v0 =	vsub.f32 v40, v0;
	[tilespmem:s21+$0x81F0] =	vst v6  }
0x5f7: {  	s1 =	sand.u32 $0x3FFFFF80, s4;
	[tilespmem:s26+$0x8240] =	vst v6;
	v3 =	vpop (erf)  }
0x5f8: {  	v0 =	vmul.f32 v3, v0;
	v3 =	vld [tilespmem:s1+$0x0]  }
0x5f9: {  	s5 =	spop (v2sf)  }
0x5fa: {  	v13 =	vld [tilespmem:$0x1FFD0];
	s0 =	sadd.s32 s5, s0;
	v4, _, _ =	vpop (xrf0);
	v2 =	vsub.f32 v2, v1;
	v0 =	vmax.f32 v0, $0.0e+00  }
0x5fb: {  	v8 =	vadd.s32 s0, v4;
	v7 =	vld [tilespmem:s1+$0x10];
	v0 =	vmin.f32 v0, $1.000000000e+00  }
0x5fc: {  	v0 =	vmul.f32 v0, v2;
	v2 =	vadd.s32 $0xFFFFFFFF, v8  }
0x5fd: {  	vm4 =	vlt.s32 v2, $0x80;
	v3 =	vadd.f32 $9.999999770e-03, v3  }
0x5fe: {  	v11 =	vld [tilespmem:s1+$0x20];
	v0 =	vadd.f32 v0, v1;
	v1 =	vadd.s32 s22, v5;
	v2 =	vnsel vm4, $0x80, v2  }
0x5ff: {  	vm5 =	vlt.s32 v8, $0x80;
	v5 =	vld [tilespmem:s1+$0x30];
	v1 =	vadd.s32 v13, v1;
	v13 =	vadd.s32 $0xFFFFFFFF, v2  }
0x600: {  	v7 =	vadd.f32 $9.999999770e-03, v7;
	(xrf2) =	vadd.scan.msk.f32 $0xffff, v3;
	v0 =	vmul.f32 v0, v45;
	v3 =	vand.u32 $0xFF, v13  }
0x601: {  	v60 =	vnsel vm5, $0x80, v8;
	v13 =	vld [tilespmem:s1+$0x40]  }
0x602: {  	(xrf2) =	vadd.scan.msk.f32 $0xffff, v7;
	v7 =	vadd.s32 $0xFFFFFFFF, v60;
	v0 =	vadd.f32 v0, v44  }
0x603: {  	v61 =	vld [tilespmem:s1+$0x50];
	v11 =	vadd.f32 $9.999999770e-03, v11  }
0x604: {  	v5 =	vadd.f32 $9.999999770e-03, v5;
	[tilespmem:v1+s15+$0x0] =	vst.idx.msk $0xffff, v0;
	v0 =	vld [tilespmem:s1+$0x60]  }
0x605: {  	(xrf2) =	vadd.scan.msk.f32 $0xffff, v11;
	v1 =	vld.idx.msk [tilespmem:v3+s20+$0x4180], $0xffff  }
0x606: {  	v3 =	vadd.f32 $9.999999770e-03, v13;
	(xrf2) =	vadd.scan.msk.f32 $0xffff, v5;
	v5 =	vld [tilespmem:s1+$0x70]  }
0x607: {  	v7 =	vld.idx.msk [tilespmem:v7+s20+$0x4180], $0xffff;
	_ =	sdelay $0x1  }
0x608: {  	v11 =	vadd.f32 $9.999999770e-03, v61;
	(xrf2) =	vadd.scan.msk.f32 $0xffff, v3  }
0x609: {  	(v2sf) =	vpush v4, $0xF;
	v0 =	vadd.f32 $9.999999770e-03, v0;
	v3, _, _ =	vpop (xrf2)  }
0x60a: {  	(xrf2) =	vadd.scan.msk.f32 $0xffff, v11;
	(v2sf) =	vpush v3, $0xF  }
0x60b: {  	v4 =	vadd.f32 $9.999999770e-03, v5;
	v5, _, _ =	vpop (xrf2);
	(xrf2) =	vadd.scan.msk.f32 $0xffff, v0;
	v0 =	vsub.f32 v7, v1;
	_ =	sdelay $0x1  }
0x60c: {  	(v2sf) =	vpush v5, $0xF;
	v0 =	vmax.f32 v0, $9.999999910e-38  }
0x60d: {  	v7, _, _ =	vpop (xrf2);
	(xrf2) =	vadd.scan.msk.f32 $0xffff, v4  }
0x60e: {  	(v2sf) =	vpush v7, $0xF  }
0x60f: {  	(erf) = vrcp.f32 v0;
	v0, _, _ =	vpop (xrf2)  }
0x610: {  	v2 =	vadd.s32 s23, v2;
	(v2sf) =	vpush v0, $0xF  }
0x611: {  	v4 =	vadd.s32 s23, v60;
	v62, _, _ =	vpop (xrf2)  }
0x612: {  	v11 =	vld [tilespmem:$0x1FFF0];
	(v2sf) =	vpush v62, $0xF  }
0x613: {  	v63, _, _ =	vpop (xrf2)  }
0x614: {  	(v2sf) =	vpush v63, $0xF  }
0x615: {  	(xrf0) =	vadd.scan.msk.s32 $0xffff, v59;
	v2 =	vld.idx.msk [tilespmem:v2+s8+$0x0], $0xffff;
	v57, _, _ =	vpop (xrf2)  }
0x616: {  	v4 =	vld.idx.msk [tilespmem:v4+s8+$0x0], $0xffff;
	(v2sf) =	vpush v57, $0xF  }
0x617: {  	v1 =	vsub.f32 v11, v1;
	v58, _, _ =	vpop (xrf2)  }
0x618: {  	s16 =	spop (v2sf);
	v11 =	vpop (erf);
	(v2sf) =	vpush v58, $0xF  }
0x619: {  	v1 =	vmul.f32 v11, v1;
	s24 =	spop (v2sf)  }
0x61a: {  	s24 =	sadd.f32 $0.0e+00, s24  }
0x61b: {  	s0 =	sadd.s32 s16, s0;
	v4 =	vsub.f32 v4, v2;
	v11, _, _ =	vpop (xrf0);
	v1 =	vmax.f32 v1, $0.0e+00;
	s25 =	spop (v2sf)  }
0x61c: {  	v47 =	vadd.s32 s0, v11;
	v1 =	vmin.f32 v1, $1.000000000e+00;
	s5 =	sadd.f32 s25, s24  }
0x61d: {  	s29 =	spop (v2sf);
	v1 =	vmul.f32 v1, v4;
	v4 =	vadd.s32 $0xFFFFFFFF, v47  }
0x61e: {  	vm6 =	vlt.s32 v4, $0x80;
	s29 =	sadd.f32 s29, s5  }
0x61f: {  	v1 =	vadd.f32 v1, v2;
	v2 =	vadd.s32 s22, v8;
	v48 =	vnsel vm6, $0x80, v4;
	s30 =	spop (v2sf)  }
0x620: {  	vm7 =	vlt.s32 v47, $0x80;
	v2 =	vadd.s32 v37, v2;
	v4 =	vadd.s32 $0xFFFFFFFF, v48;
	s4 =	sadd.f32 s30, s29  }
0x621: {  	v50 =	vnsel vm7, $0x80, v47;
	v1 =	vmul.f32 v1, v45;
	v4 =	vand.u32 $0xFF, v4;
	s31 =	spop (v2sf)  }
0x622: {  	v8 =	vadd.s32 $0xFFFFFFFF, v50;
	s2 =	sadd.f32 s31, s4  }
0x623: {  	v1 =	vadd.f32 v1, v44;
	s1 =	spop (v2sf)  }
0x624: {  	s1 =	sadd.f32 s1, s2  }
0x625: {  	[tilespmem:v2+s15+$0x0] =	vst.idx.msk $0xffff, v1;
	s16 =	spop (v2sf)  }
0x626: {  	v49 =	vld.idx.msk [tilespmem:v4+s20+$0x4180], $0xffff;
	s16 =	sadd.f32 s16, s1  }
0x627: {  	v1 =	vld.idx.msk [tilespmem:v8+s20+$0x4180], $0xffff;
	s25 =	spop (v2sf)  }
0x628: {  	s0 =	sadd.f32 s25, s16;
	_ =	sdelay $0x1  }
0x629: {  	s30 =	ssub.f32 $9.999999740e-06, s0;
	_ =	sdelay $0x1  }
0x62a: {  	v1 =	vsub.f32 v1, v49;
	s20 =	smax.f32 s30, $0.0e+00  }
0x62b: {  	s0 =	sadd.f32 s20, s0  }
0x62c: {  	v1 =	vmax.f32 v1, $9.999999910e-38  }
0x62d: {  	(erf) = vrcp.f32 v1;
	v1 =	vmov s0  }
0x62e: {  	(erf) = vrcp.f32 v1;
	_ =	sdelay $0x3  }
0x62f: {  	s31 =	smul.f32 $7.812500000e-03, s20;
	_ =	sdelay $0x1  }
0x630: {  	v2 =	vmul.f32 s31, v17;
	v1 =	vadd.f32 $0.0e+00, v3;
	_ =	sdelay $0x1  }
0x631: {  	v1 =	vadd.f32 v2, v1;
	v51 =	vpop (erf)  }
0x632: {  	v59 =	vpop (erf)  }
0x633: {  	v1 =	vmul.f32 v1, v59;
	_ =	sdelay $0x1  }
0x634: {  	v1 =	vmin.f32 v1, $1.000000000e+00  }
0x635: {  	v2 =	vmul.f32 $1.290000000e+02, v1;
	_ =	sdelay $0x1  }
0x636: {  	v2 =	vadd.f32 $5.000000000e-01, v2;
	_ =	sdelay $0x1  }
0x637: {  	v2 =	vtrunc.f32 v2  }
0x638: {  	v2 =	vcvt.f32.s32 v2  }
0x639: {  	v4 =	vmul.f32 s31, v19;
	v3 =	vadd.f32 s24, v5  }
0x63a: {  	v2 =	vxor.u32 $0x80000000, v2  }
0x63b: {  	(xrf0) =	vmax.scan.msk.u32 $0xffff, v2;
	v2 =	vadd.f32 v4, v3;
	_ =	sdelay $0x1  }
0x63c: {  	v2 =	vmul.f32 v2, v59;
	_ =	sdelay $0x1  }
0x63d: {  	v2 =	vmin.f32 v2, $1.000000000e+00  }
0x63e: {  	v4 =	vmul.f32 $1.290000000e+02, v2;
	_ =	sdelay $0x1  }
0x63f: {  	v3, _, _ =	vpop (xrf0);
	v4 =	vadd.f32 $5.000000000e-01, v4  }
0x640: {  	v3 =	vxor.u32 $0x80000000, v3  }
0x641: {  	s25 =	smul.u32 $0x81, s11;
	vm8 =	vgt.s32 v3, $0x0;
	v4 =	vtrunc.f32 v4  }
0x642: {  	s24 =	sshll.u32 s11, $0x8;
	v3 =	vnsel vm8, $0x0, v3;
	v4 =	vcvt.f32.s32 v4  }
0x643: {  	v7 =	vadd.f32 s5, v7;
	v8 =	vmul.f32 s31, v21;
	v5 =	vadd.s32 s25, v10;
	s20 =	sand.u32 $0x3FFFFF00, s24  }
0x644: {  	[tilespmem:s20+$0x4180] =	vst v1;
	v1 =	vxor.u32 $0x80000000, v4  }
0x645: {  	(xrf0) =	vmax.scan.msk.u32 $0xffff, v1;
	v1 =	vadd.f32 v8, v7;
	_ =	sdelay $0x1  }
0x646: {  	[tilespmem:v3+s21+$0x8180] =	vst.idx.add.s32.msk $0xffff, v9;
	v1 =	vmul.f32 v1, v59  }
0x647: {  	v4 =	vld.idx.msk [tilespmem:v5+s8+$0x0], $0xffff  }
0x648: {  	s24 =	smul.u32 $0x102, s11;
	v1 =	vmin.f32 v1, $1.000000000e+00  }
0x649: {  	v5 =	vmul.f32 $1.290000000e+02, v1  }
0x64a: {  	v52 =	vsub.f32 v52, v46;
	v7 =	vadd.s32 s24, v3;
	v3 =	vbroadcast v3, $0xF;
	v8, _, _ =	vpop (xrf0)  }
0x64b: {  	v7 =	vadd.s32 v10, v7;
	v8 =	vxor.u32 $0x80000000, v8;
	v5 =	vadd.f32 $5.000000000e-01, v5  }
0x64c: {  	v0 =	vadd.f32 s29, v0;
	v4 =	vmul.f32 v4, v52;
	vm9 =	vgt.s32 v8, v3  }
0x64d: {  	v11 =	vmul.f32 s31, v23;
	v3 =	vsel vm9, v8, v3;
	v5 =	vtrunc.f32 v5  }
0x64e: {  	v4 =	vadd.f32 v4, v46;
	v8 =	vadd.s32 s25, v12;
	v5 =	vcvt.f32.s32 v5;
	_ =	sdelay $0x1  }
0x64f: {  	v0 =	vadd.f32 v11, v0;
	[tilespmem:v7+s15+$0x0] =	vst.idx.msk $0xffff, v4;
	v4 =	vxor.u32 $0x80000000, v5  }
0x650: {  	[tilespmem:s20+$0x4190] =	vst v2;
	(xrf0) =	vmax.scan.msk.u32 $0xffff, v4  }
0x651: {  	v0 =	vmul.f32 v0, v59;
	[tilespmem:v3+s21+$0x8180] =	vst.idx.add.s32.msk $0xffff, v9  }
0x652: {  	v2 =	vld.idx.msk [tilespmem:v8+s8+$0x0], $0xffff  }
0x653: {  	v0 =	vmin.f32 v0, $1.000000000e+00  }
0x654: {  	v4 =	vmul.f32 $1.290000000e+02, v0  }
0x655: {  	v5 =	vadd.s32 s24, v3  }
0x656: {  	v5 =	vadd.s32 v12, v5;
	v3 =	vbroadcast v3, $0xF;
	v4 =	vadd.f32 $5.000000000e-01, v4;
	v7, _, _ =	vpop (xrf0)  }
0x657: {  	v11 =	vmul.f32 s31, v25;
	v2 =	vmul.f32 v2, v52;
	v7 =	vxor.u32 $0x80000000, v7  }
0x658: {  	v8 =	vadd.f32 s4, v62;
	v4 =	vtrunc.f32 v4;
	vm10 =	vgt.s32 v7, v3  }
0x659: {  	v4 =	vcvt.f32.s32 v4;
	v2 =	vadd.f32 v2, v46;
	v3 =	vsel vm10, v7, v3  }
0x65a: {  	v7 =	vadd.s32 s25, v14  }
0x65b: {  	v4 =	vxor.u32 $0x80000000, v4;
	[tilespmem:v5+s15+$0x0] =	vst.idx.msk $0xffff, v2;
	v2 =	vadd.f32 v11, v8  }
0x65c: {  	(xrf0) =	vmax.scan.msk.u32 $0xffff, v4  }
0x65d: {  	[tilespmem:s20+$0x41A0] =	vst v1;
	v1 =	vmul.f32 v2, v59  }
0x65e: {  	[tilespmem:v3+s21+$0x8180] =	vst.idx.add.s32.msk $0xffff, v9  }
0x65f: {  	v2 =	vld.idx.msk [tilespmem:v7+s8+$0x0], $0xffff;
	v1 =	vmin.f32 v1, $1.000000000e+00  }
0x660: {  	v4 =	vmul.f32 $1.290000000e+02, v1  }
0x661: {  	v8 =	vadd.f32 s2, v63  }
0x662: {  	v5, _, _ =	vpop (xrf0);
	v7 =	vbroadcast v3, $0xF;
	v3 =	vadd.s32 s24, v3;
	v4 =	vadd.f32 $5.000000000e-01, v4  }
0x663: {  	v11 =	vmul.f32 s31, v26;
	v5 =	vxor.u32 $0x80000000, v5;
	v3 =	vadd.s32 v14, v3  }
0x664: {  	vm11 =	vgt.s32 v5, v7;
	v2 =	vmul.f32 v2, v52;
	v4 =	vtrunc.f32 v4  }
0x665: {  	v5 =	vsel vm11, v5, v7;
	v4 =	vcvt.f32.s32 v4  }
0x666: {  	v8 =	vadd.f32 v11, v8;
	v7 =	vadd.s32 s25, v16;
	v2 =	vadd.f32 v2, v46  }
0x667: {  	v4 =	vxor.u32 $0x80000000, v4  }
0x668: {  	[tilespmem:v3+s15+$0x0] =	vst.idx.msk $0xffff, v2;
	(xrf0) =	vmax.scan.msk.u32 $0xffff, v4;
	v2 =	vmul.f32 v8, v59  }
0x669: {  	[tilespmem:s20+$0x41B0] =	vst v0  }
0x66a: {  	[tilespmem:v5+s21+$0x8180] =	vst.idx.add.s32.msk $0xffff, v9;
	v0 =	vmin.f32 v2, $1.000000000e+00  }
0x66b: {  	v2 =	vld.idx.msk [tilespmem:v7+s8+$0x0], $0xffff;
	v3 =	vmul.f32 $1.290000000e+02, v0;
	_ =	sdelay $0x1  }
0x66c: {  	v3 =	vadd.f32 $5.000000000e-01, v3  }
0x66d: {  	v4 =	vadd.s32 s24, v5;
	v5 =	vbroadcast v5, $0xF;
	v7, _, _ =	vpop (xrf0)  }
0x66e: {  	v4 =	vadd.s32 v16, v4;
	v7 =	vxor.u32 $0x80000000, v7;
	v3 =	vtrunc.f32 v3  }
0x66f: {  	v2 =	vmul.f32 v2, v52;
	vm12 =	vgt.s32 v7, v5;
	v3 =	vcvt.f32.s32 v3  }
0x670: {  	v8 =	vmul.f32 s31, v41;
	v5 =	vsel vm12, v7, v5;
	v7 =	vadd.f32 s1, v57  }
0x671: {  	v11 =	vadd.s32 s25, v18;
	v2 =	vadd.f32 v2, v46;
	v3 =	vxor.u32 $0x80000000, v3  }
0x672: {  	(xrf0) =	vmax.scan.msk.u32 $0xffff, v3;
	v3 =	vadd.f32 v8, v7  }
0x673: {  	[tilespmem:v4+s15+$0x0] =	vst.idx.msk $0xffff, v2  }
0x674: {  	[tilespmem:s20+$0x41C0] =	vst v1;
	v1 =	vmul.f32 v3, v59  }
0x675: {  	[tilespmem:v5+s21+$0x8180] =	vst.idx.add.s32.msk $0xffff, v9  }
0x676: {  	v2 =	vld.idx.msk [tilespmem:v11+s8+$0x0], $0xffff;
	v1 =	vmin.f32 v1, $1.000000000e+00  }
0x677: {  	v3 =	vmul.f32 $1.290000000e+02, v1;
	_ =	sdelay $0x1  }
0x678: {  	v7 =	vbroadcast v5, $0xF;
	v5 =	vadd.s32 s24, v5;
	v4, _, _ =	vpop (xrf0);
	v3 =	vadd.f32 $5.000000000e-01, v3  }
0x679: {  	v8 =	vmul.f32 s31, v28;
	v5 =	vadd.s32 v18, v5;
	v4 =	vxor.u32 $0x80000000, v4  }
0x67a: {  	vm13 =	vgt.s32 v4, v7;
	v2 =	vmul.f32 v2, v52;
	v3 =	vtrunc.f32 v3  }
0x67b: {  	v4 =	vsel vm13, v4, v7;
	v7 =	vadd.f32 s16, v58;
	v3 =	vcvt.f32.s32 v3  }
0x67c: {  	v11 =	vadd.s32 s25, v20;
	v2 =	vadd.f32 v2, v46  }
0x67d: {  	v7 =	vadd.f32 v8, v7;
	v3 =	vxor.u32 $0x80000000, v3  }
0x67e: {  	[tilespmem:v5+s15+$0x0] =	vst.idx.msk $0xffff, v2;
	(xrf0) =	vmax.scan.msk.u32 $0xffff, v3  }
0x67f: {  	[tilespmem:s20+$0x41D0] =	vst v0;
	v0 =	vmul.f32 v7, v59  }
0x680: {  	[tilespmem:v4+s21+$0x8180] =	vst.idx.add.s32.msk $0xffff, v9  }
0x681: {  	v2 =	vld.idx.msk [tilespmem:v11+s8+$0x0], $0xffff;
	v0 =	vmin.f32 v0, $1.000000000e+00  }
0x682: {  	v3 =	vmul.f32 $1.290000000e+02, v0;
	_ =	sdelay $0x1  }
0x683: {  	v5 =	vadd.s32 s24, v4;
	v4 =	vbroadcast v4, $0xF;
	v7, _, _ =	vpop (xrf0);
	v3 =	vadd.f32 $5.000000000e-01, v3  }
0x684: {  	v5 =	vadd.s32 v20, v5;
	v7 =	vxor.u32 $0x80000000, v7  }
0x685: {  	v2 =	vmul.f32 v2, v52;
	vm14 =	vgt.s32 v7, v4;
	v3 =	vtrunc.f32 v3  }
0x686: {  	v4 =	vsel vm14, v7, v4;
	v3 =	vcvt.f32.s32 v3  }
0x687: {  	v7 =	vadd.s32 s25, v22;
	v2 =	vadd.f32 v2, v46  }
0x688: {  	v3 =	vxor.u32 $0x80000000, v3  }
0x689: {  	[tilespmem:v5+s15+$0x0] =	vst.idx.msk $0xffff, v2;
	(xrf0) =	vmax.scan.msk.u32 $0xffff, v3  }
0x68a: {  	[tilespmem:s20+$0x41E0] =	vst v1  }
0x68b: {  	[tilespmem:v4+s21+$0x8180] =	vst.idx.add.s32.msk $0xffff, v9  }
0x68c: {  	v1 =	vld.idx.msk [tilespmem:v7+s8+$0x0], $0xffff;
	_ =	sdelay $0x2  }
0x68d: {  	v2 =	vadd.s32 s24, v4;
	v4 =	vbroadcast v4, $0xF;
	v3, _, _ =	vpop (xrf0)  }
0x68e: {  	v2 =	vadd.s32 v22, v2;
	v3 =	vxor.u32 $0x80000000, v3  }
0x68f: {  	v1 =	vmul.f32 v1, v52;
	vm15 =	vgt.s32 v3, v4  }
0x690: {  	v3 =	vsel vm15, v3, v4  }
0x691: {  	v4 =	vadd.s32 s25, v24;
	v1 =	vadd.f32 v1, v46;
	_ =	sdelay $0x1  }
0x692: {  	[tilespmem:v2+s15+$0x0] =	vst.idx.msk $0xffff, v1  }
0x693: {  	[tilespmem:s20+$0x41F0] =	vst v0  }
0x694: {  	[tilespmem:v3+s21+$0x8180] =	vst.idx.add.s32.msk $0xffff, v9  }
0x695: {  	v0 =	vld.idx.msk [tilespmem:v4+s8+$0x0], $0xffff;
	_ =	sdelay $0x2  }
0x696: {  	v1 =	vadd.s32 s24, v3  }
0x697: {  	v1 =	vadd.s32 v24, v1  }
0x698: {  	v2 =	vmov s25;
	v0 =	vmul.f32 v0, v52;
	_ =	sdelay $0x1  }
0x699: {  	v0 =	vadd.f32 v0, v46;
	_ =	sdelay $0x1  }
0x69a: {  	[tilespmem:v1+s15+$0x0] =	vst.idx.msk $0xffff, v0  }
0x69b: {  	v0 =	vld.idx.msk [tilespmem:v2+s8+$0x0], $0xffff;
	_ =	sdelay $0x3  }
0x69c: {  	v1 =	vmov s24  }
0x69d: {  	v0 =	vmul.f32 v0, v52;
	_ =	sdelay $0x1  }
0x69e: {  	v0 =	vadd.f32 v0, v46;
	_ =	sdelay $0x1  }
0x69f: {  	[tilespmem:v1+s15+$0x0] =	vst.idx.msk $0x1, v0  }
0x6a0: {  	v0 =	vld [tilespmem:s21+$0x8180];
	_ =	sdelay $0x4  }
0x6a1: {  	(xrf0) =	vadd.scan.msk.s32 $0xffff, v0;
	_ =	sdelay $0x5  }
0x6a2: {  	v0, _, _ =	vpop (xrf0)  }
0x6a3: {  	v1 =	vadd.s32 $0xFFFFFFFF, v0  }
0x6a4: {  	vm5 =	vlt.s32 v0, $0x80;
	vm4 =	vlt.s32 v1, $0x80  }
0x6a5: {  	v3 =	vnsel vm5, $0x80, v0;
	v1 =	vnsel vm4, $0x80, v1  }
0x6a6: {  	v4 =	vadd.s32 $0xFFFFFFFF, v3;
	v2 =	vadd.s32 $0xFFFFFFFF, v1  }
0x6a7: {  	v2 =	vand.u32 $0xFF, v2;
	_ =	sdelay $0x3  }
0x6a8: {  	v4 =	vld.idx.msk [tilespmem:v4+s20+$0x4180], $0xffff  }
0x6a9: {  	v2 =	vld.idx.msk [tilespmem:v2+s20+$0x4180], $0xffff;
	_ =	sdelay $0x4  }
0x6aa: {  	v4 =	vsub.f32 v4, v2;
	_ =	sdelay $0x1  }
0x6ab: {  	v4 =	vmax.f32 v4, $9.999999910e-38  }
0x6ac: {  	(erf) = vrcp.f32 v4  }
0x6ad: {  	v3 =	vadd.s32 s25, v3;
	v4 =	vld [tilespmem:s6+$0x8180]  }
0x6ae: {  	v1 =	vadd.s32 s25, v1;
	_ =	sdelay $0x3  }
0x6af: {  	v3 =	vld.idx.msk [tilespmem:v3+s8+$0x0], $0xffff;
	(xrf0) =	vadd.scan.msk.s32 $0xffff, v4  }
0x6b0: {  	v1 =	vld.idx.msk [tilespmem:v1+s8+$0x0], $0xffff  }
0x6b1: {  	v2 =	vsub.f32 v29, v2  }
0x6b2: {  	v4 =	vpop (erf)  }
0x6b3: {  	v2 =	vmul.f32 v4, v2  }
0x6b4: {  	v4 =	vbroadcast v0, $0xF  }
0x6b5: {  	v3 =	vsub.f32 v3, v1;
	v5, _, _ =	vpop (xrf0);
	v2 =	vmax.f32 v2, $0.0e+00  }
0x6b6: {  	v4 =	vadd.s32 v4, v5;
	v2 =	vmin.f32 v2, $1.000000000e+00  }
0x6b7: {  	v2 =	vmul.f32 v2, v3;
	v3 =	vadd.s32 $0xFFFFFFFF, v4  }
0x6b8: {  	v13 =	vlaneseq.u32;
	vm6 =	vlt.s32 v3, $0x80  }
0x6b9: {  	v7 =	vld [tilespmem:s3+$0x8180];
	v1 =	vadd.f32 v2, v1;
	v2 =	vadd.s32 s24, v0;
	v3 =	vnsel vm6, $0x80, v3  }
0x6ba: {  	v8 =	vld [tilespmem:s28+$0x8180];
	vm7 =	vlt.s32 v4, $0x80;
	v2 =	vadd.s32 v13, v2;
	v13 =	vadd.s32 $0xFFFFFFFF, v3  }
0x6bb: {  	v11 =	vld [tilespmem:s21+$0x81C0];
	v60 =	vnsel vm7, $0x80, v4;
	v1 =	vmul.f32 v1, v52;
	v13 =	vand.u32 $0xFF, v13  }
0x6bc: {  	v54 =	vld [tilespmem:s21+$0x81D0];
	v62 =	vadd.s32 $0xFFFFFFFF, v60  }
0x6bd: {  	v61 =	vld [tilespmem:s21+$0x81E0];
	v1 =	vadd.f32 v1, v46  }
0x6be: {  	v63 =	vld [tilespmem:s21+$0x81F0]  }
0x6bf: {  	v43 =	vld [tilespmem:s26+$0x8240];
	[tilespmem:v2+s15+$0x0] =	vst.idx.msk $0xffff, v1  }
0x6c0: {  	v1 =	vld.idx.msk [tilespmem:v13+s20+$0x4180], $0xffff  }
0x6c1: {  	v2 =	vld.idx.msk [tilespmem:v62+s20+$0x4180], $0xffff;
	_ =	sdelay $0x2  }
0x6c2: {  	(v2sf) =	vpush v0, $0xF  }
0x6c3: {  	(v2sf) =	vpush v5, $0xF  }
0x6c4: {  	v0 =	vsub.f32 v2, v1;
	_ =	sdelay $0x1  }
0x6c5: {  	v0 =	vmax.f32 v0, $9.999999910e-38  }
0x6c6: {  	(erf) = vrcp.f32 v0  }
0x6c7: {  	v2 =	vadd.s32 s25, v60  }
0x6c8: {  	v0 =	vadd.s32 s25, v3;
	_ =	sdelay $0x3  }
0x6c9: {  	(xrf0) =	vadd.scan.msk.s32 $0xffff, v7;
	v2 =	vld.idx.msk [tilespmem:v2+s8+$0x0], $0xffff  }
0x6ca: {  	v0 =	vld.idx.msk [tilespmem:v0+s8+$0x0], $0xffff  }
0x6cb: {  	v1 =	vsub.f32 v30, v1  }
0x6cc: {  	v3 =	vpop (erf)  }
0x6cd: {  	s28 =	spop (v2sf);
	v1 =	vmul.f32 v3, v1  }
0x6ce: {  	s29 =	spop (v2sf)  }
0x6cf: {  	s0 =	sadd.s32 s28, s29;
	v3, _, _ =	vpop (xrf0);
	v2 =	vsub.f32 v2, v0;
	v1 =	vmax.f32 v1, $0.0e+00  }
0x6d0: {  	v5 =	vadd.s32 s0, v3;
	v1 =	vmin.f32 v1, $1.000000000e+00  }
0x6d1: {  	v1 =	vmul.f32 v1, v2;
	v2 =	vadd.s32 $0xFFFFFFFF, v5  }
0x6d2: {  	vm8 =	vlt.s32 v2, $0x80  }
0x6d3: {  	v0 =	vadd.f32 v1, v0;
	v1 =	vadd.s32 s24, v4;
	v2 =	vnsel vm8, $0x80, v2  }
0x6d4: {  	vm9 =	vlt.s32 v5, $0x80;
	v1 =	vadd.s32 v31, v1;
	v4 =	vadd.s32 $0xFFFFFFFF, v2  }
0x6d5: {  	v7 =	vnsel vm9, $0x80, v5;
	v0 =	vmul.f32 v0, v52;
	v4 =	vand.u32 $0xFF, v4  }
0x6d6: {  	v13 =	vadd.s32 $0xFFFFFFFF, v7  }
0x6d7: {  	v0 =	vadd.f32 v0, v46;
	_ =	sdelay $0x1  }
0x6d8: {  	[tilespmem:v1+s15+$0x0] =	vst.idx.msk $0xffff, v0  }
0x6d9: {  	v0 =	vld.idx.msk [tilespmem:v4+s20+$0x4180], $0xffff  }
0x6da: {  	v1 =	vld.idx.msk [tilespmem:v13+s20+$0x4180], $0xffff;
	_ =	sdelay $0x3  }
0x6db: {  	(v2sf) =	vpush v3, $0xF  }
0x6dc: {  	v1 =	vsub.f32 v1, v0;
	_ =	sdelay $0x1  }
0x6dd: {  	v1 =	vmax.f32 v1, $9.999999910e-38  }
0x6de: {  	(erf) = vrcp.f32 v1  }
0x6df: {  	v1 =	vadd.s32 s25, v2  }
0x6e0: {  	v2 =	vadd.s32 s25, v7;
	_ =	sdelay $0x3  }
0x6e1: {  	(xrf0) =	vadd.scan.msk.s32 $0xffff, v8;
	v1 =	vld.idx.msk [tilespmem:v1+s8+$0x0], $0xffff  }
0x6e2: {  	v2 =	vld.idx.msk [tilespmem:v2+s8+$0x0], $0xffff  }
0x6e3: {  	v0 =	vsub.f32 v32, v0  }
0x6e4: {  	v3 =	vpop (erf)  }
0x6e5: {  	v0 =	vmul.f32 v3, v0  }
0x6e6: {  	s30 =	spop (v2sf)  }
0x6e7: {  	s0 =	sadd.s32 s30, s0;
	v3, _, _ =	vpop (xrf0);
	v2 =	vsub.f32 v2, v1;
	v0 =	vmax.f32 v0, $0.0e+00  }
0x6e8: {  	v4 =	vadd.s32 s0, v3;
	v0 =	vmin.f32 v0, $1.000000000e+00  }
0x6e9: {  	v0 =	vmul.f32 v0, v2;
	v2 =	vadd.s32 $0xFFFFFFFF, v4  }
0x6ea: {  	vm10 =	vlt.s32 v2, $0x80  }
0x6eb: {  	v0 =	vadd.f32 v0, v1;
	v1 =	vadd.s32 s24, v5;
	v2 =	vnsel vm10, $0x80, v2  }
0x6ec: {  	vm11 =	vlt.s32 v4, $0x80;
	v1 =	vadd.s32 v33, v1;
	v5 =	vadd.s32 $0xFFFFFFFF, v2  }
0x6ed: {  	v7 =	vnsel vm11, $0x80, v4;
	v0 =	vmul.f32 v0, v52;
	v5 =	vand.u32 $0xFF, v5  }
0x6ee: {  	v8 =	vadd.s32 $0xFFFFFFFF, v7  }
0x6ef: {  	v0 =	vadd.f32 v0, v46;
	_ =	sdelay $0x1  }
0x6f0: {  	[tilespmem:v1+s15+$0x0] =	vst.idx.msk $0xffff, v0  }
0x6f1: {  	v0 =	vld.idx.msk [tilespmem:v5+s20+$0x4180], $0xffff  }
0x6f2: {  	v1 =	vld.idx.msk [tilespmem:v8+s20+$0x4180], $0xffff;
	_ =	sdelay $0x3  }
0x6f3: {  	(v2sf) =	vpush v3, $0xF  }
0x6f4: {  	v1 =	vsub.f32 v1, v0;
	_ =	sdelay $0x1  }
0x6f5: {  	v1 =	vmax.f32 v1, $9.999999910e-38  }
0x6f6: {  	(erf) = vrcp.f32 v1  }
0x6f7: {  	v1 =	vadd.s32 s25, v2  }
0x6f8: {  	v2 =	vadd.s32 s25, v7;
	_ =	sdelay $0x3  }
0x6f9: {  	(xrf0) =	vadd.scan.msk.s32 $0xffff, v11;
	v1 =	vld.idx.msk [tilespmem:v1+s8+$0x0], $0xffff  }
0x6fa: {  	v2 =	vld.idx.msk [tilespmem:v2+s8+$0x0], $0xffff  }
0x6fb: {  	v0 =	vsub.f32 v34, v0  }
0x6fc: {  	v3 =	vpop (erf)  }
0x6fd: {  	v0 =	vmul.f32 v3, v0  }
0x6fe: {  	s31 =	spop (v2sf)  }
0x6ff: {  	s0 =	sadd.s32 s31, s0;
	v3, _, _ =	vpop (xrf0);
	v2 =	vsub.f32 v2, v1;
	v0 =	vmax.f32 v0, $0.0e+00  }
0x700: {  	v5 =	vadd.s32 s0, v3;
	v0 =	vmin.f32 v0, $1.000000000e+00  }
0x701: {  	v0 =	vmul.f32 v0, v2;
	v2 =	vadd.s32 $0xFFFFFFFF, v5  }
0x702: {  	vm12 =	vlt.s32 v2, $0x80  }
0x703: {  	v0 =	vadd.f32 v0, v1;
	v1 =	vadd.s32 s24, v4;
	v2 =	vnsel vm12, $0x80, v2  }
0x704: {  	vm13 =	vlt.s32 v5, $0x80;
	v1 =	vadd.s32 v35, v1;
	v4 =	vadd.s32 $0xFFFFFFFF, v2  }
0x705: {  	v7 =	vnsel vm13, $0x80, v5;
	v0 =	vmul.f32 v0, v52;
	v4 =	vand.u32 $0xFF, v4  }
0x706: {  	v8 =	vadd.s32 $0xFFFFFFFF, v7  }
0x707: {  	v0 =	vadd.f32 v0, v46;
	_ =	sdelay $0x1  }
0x708: {  	[tilespmem:v1+s15+$0x0] =	vst.idx.msk $0xffff, v0  }
0x709: {  	v0 =	vld.idx.msk [tilespmem:v4+s20+$0x4180], $0xffff  }
0x70a: {  	v1 =	vld.idx.msk [tilespmem:v8+s20+$0x4180], $0xffff;
	_ =	sdelay $0x3  }
0x70b: {  	(v2sf) =	vpush v3, $0xF  }
0x70c: {  	v1 =	vsub.f32 v1, v0;
	_ =	sdelay $0x1  }
0x70d: {  	v1 =	vmax.f32 v1, $9.999999910e-38  }
0x70e: {  	(erf) = vrcp.f32 v1  }
0x70f: {  	v1 =	vadd.s32 s25, v2  }
0x710: {  	v2 =	vadd.s32 s25, v7;
	_ =	sdelay $0x3  }
0x711: {  	(xrf0) =	vadd.scan.msk.s32 $0xffff, v54;
	v1 =	vld.idx.msk [tilespmem:v1+s8+$0x0], $0xffff  }
0x712: {  	v2 =	vld.idx.msk [tilespmem:v2+s8+$0x0], $0xffff  }
0x713: {  	v0 =	vsub.f32 v36, v0  }
0x714: {  	v3 =	vpop (erf)  }
0x715: {  	v0 =	vmul.f32 v3, v0  }
0x716: {  	s2 =	spop (v2sf)  }
0x717: {  	s0 =	sadd.s32 s2, s0;
	v3, _, _ =	vpop (xrf0);
	v2 =	vsub.f32 v2, v1;
	v0 =	vmax.f32 v0, $0.0e+00  }
0x718: {  	v4 =	vadd.s32 s0, v3;
	v0 =	vmin.f32 v0, $1.000000000e+00  }
0x719: {  	v0 =	vmul.f32 v0, v2;
	v2 =	vadd.s32 $0xFFFFFFFF, v4  }
0x71a: {  	vm14 =	vlt.s32 v2, $0x80  }
0x71b: {  	v0 =	vadd.f32 v0, v1;
	v1 =	vadd.s32 s24, v5;
	v2 =	vnsel vm14, $0x80, v2  }
0x71c: {  	vm15 =	vlt.s32 v4, $0x80;
	v1 =	vadd.s32 v39, v1;
	v5 =	vadd.s32 $0xFFFFFFFF, v2  }
0x71d: {  	v7 =	vnsel vm15, $0x80, v4;
	v0 =	vmul.f32 v0, v52;
	v5 =	vand.u32 $0xFF, v5  }
0x71e: {  	v8 =	vadd.s32 $0xFFFFFFFF, v7  }
0x71f: {  	v0 =	vadd.f32 v0, v46;
	_ =	sdelay $0x1  }
0x720: {  	[tilespmem:v1+s15+$0x0] =	vst.idx.msk $0xffff, v0  }
0x721: {  	v0 =	vld.idx.msk [tilespmem:v5+s20+$0x4180], $0xffff  }
0x722: {  	v1 =	vld.idx.msk [tilespmem:v8+s20+$0x4180], $0xffff;
	_ =	sdelay $0x4  }
0x723: {  	v1 =	vsub.f32 v1, v0;
	_ =	sdelay $0x1  }
0x724: {  	v1 =	vmax.f32 v1, $9.999999910e-38  }
0x725: {  	(v2sf) =	vpush v3, $0xF;
	(erf) = vrcp.f32 v1  }
0x726: {  	v1 =	vadd.s32 s25, v2  }
0x727: {  	v2 =	vadd.s32 s25, v7;
	_ =	sdelay $0x3  }
0x728: {  	v1 =	vld.idx.msk [tilespmem:v1+s8+$0x0], $0xffff  }
0x729: {  	v2 =	vld.idx.msk [tilespmem:v2+s8+$0x0], $0xffff  }
0x72a: {  	v0 =	vsub.f32 v38, v0  }
0x72b: {  	v3 =	vpop (erf)  }
0x72c: {  	(xrf0) =	vadd.scan.msk.s32 $0xffff, v61;
	v0 =	vmul.f32 v3, v0;
	_ =	sdelay $0x1  }
0x72d: {  	v2 =	vsub.f32 v2, v1;
	v0 =	vmax.f32 v0, $0.0e+00  }
0x72e: {  	v0 =	vmin.f32 v0, $1.000000000e+00  }
0x72f: {  	v0 =	vmul.f32 v0, v2  }
0x730: {  	s3 =	spop (v2sf)  }
0x731: {  	s0 =	sadd.s32 s3, s0;
	v3, _, _ =	vpop (xrf0);
	v0 =	vadd.f32 v0, v1;
	v1 =	vadd.s32 s24, v4;
	v4 =	vld [tilespmem:$0x1FFC0]  }
0x732: {  	v5 =	vadd.s32 s0, v3  }
0x733: {  	v2 =	vadd.s32 $0xFFFFFFFF, v5  }
0x734: {  	vm4 =	vlt.s32 v2, $0x80  }
0x735: {  	v2 =	vnsel vm4, $0x80, v2  }
0x736: {  	vm5 =	vlt.s32 v5, $0x80;
	v1 =	vadd.s32 v4, v1;
	v4 =	vadd.s32 $0xFFFFFFFF, v2  }
0x737: {  	v7 =	vnsel vm5, $0x80, v5;
	v0 =	vmul.f32 v0, v52;
	v4 =	vand.u32 $0xFF, v4  }
0x738: {  	v8 =	vadd.s32 $0xFFFFFFFF, v7  }
0x739: {  	v0 =	vadd.f32 v0, v46;
	_ =	sdelay $0x1  }
0x73a: {  	[tilespmem:v1+s15+$0x0] =	vst.idx.msk $0xffff, v0  }
0x73b: {  	s11 =	sor.u32 $0x5, s19;
	v0 =	vld.idx.msk [tilespmem:v4+s20+$0x4180], $0xffff  }
0x73c: {  	v1 =	vmov s11;
	v4 =	vld.idx.msk [tilespmem:v8+s20+$0x4180], $0xffff  }
0x73d: {  	v1 =	vand.u32 $0xFFFFFFFD, v1  }
0x73e: {  	v1 =	vbroadcast v1, $0x0;
	_ =	sdelay $0x1  }
0x73f: {  	(v2sf) =	vpush v3, $0xF  }
0x740: {  	v3 =	vsub.f32 v4, v0;
	_ =	sdelay $0x1  }
0x741: {  	s3 =	smul.u32 $0x90, s11;
	v3 =	vmax.f32 v3, $9.999999910e-38  }
0x742: {  	v42 =	vld.idx.msk [tilespmem:v1+s9+$0x0], $0xffff;
	(erf) = vrcp.f32 v3  }
0x743: {  	v59 =	vld.idx.msk [tilespmem:v1+s13+$0x0], $0xffff;
	v1 =	vadd.s32 s25, v2;
	[tilespmem:s3+$0x8180] =	vst v27  }
0x744: {  	s6 =	sor.u32 $0x70, s3;
	v2 =	vadd.s32 s25, v7;
	[tilespmem:s3+$0x8190] =	vst v6  }
0x745: {  	[tilespmem:s6+$0x8180] =	vst v6  }
0x746: {  	[tilespmem:s3+$0x81B0] =	vst v6  }
0x747: {  	[tilespmem:s3+$0x81C0] =	vst v6  }
0x748: {  	(xrf0) =	vadd.scan.msk.s32 $0xffff, v63;
	[tilespmem:s3+$0x81D0] =	vst v6;
	v1 =	vld.idx.msk [tilespmem:v1+s8+$0x0], $0xffff  }
0x749: {  	[tilespmem:s3+$0x81E0] =	vst v6;
	v2 =	vld.idx.msk [tilespmem:v2+s8+$0x0], $0xffff  }
0x74a: {  	s4 =	sshll.u32 s11, $0x7;
	s28 =	sand.u32 $0x3F80, s3;
	v0 =	vsub.f32 v40, v0;
	[tilespmem:s3+$0x81F0] =	vst v6  }
0x74b: {  	s1 =	sand.u32 $0x3FFFFF80, s4;
	[tilespmem:s28+$0x8250] =	vst v6;
	v3 =	vpop (erf)  }
0x74c: {  	v0 =	vmul.f32 v3, v0;
	v3 =	vld [tilespmem:s1+$0x0]  }
0x74d: {  	s5 =	spop (v2sf)  }
0x74e: {  	v13 =	vld [tilespmem:$0x1FFD0];
	s0 =	sadd.s32 s5, s0;
	v4, _, _ =	vpop (xrf0);
	v2 =	vsub.f32 v2, v1;
	v0 =	vmax.f32 v0, $0.0e+00  }
0x74f: {  	v8 =	vadd.s32 s0, v4;
	v7 =	vld [tilespmem:s1+$0x10];
	v0 =	vmin.f32 v0, $1.000000000e+00  }
0x750: {  	v0 =	vmul.f32 v0, v2;
	v2 =	vadd.s32 $0xFFFFFFFF, v8  }
0x751: {  	vm6 =	vlt.s32 v2, $0x80;
	v3 =	vadd.f32 $9.999999770e-03, v3  }
0x752: {  	v11 =	vld [tilespmem:s1+$0x20];
	v0 =	vadd.f32 v0, v1;
	v1 =	vadd.s32 s24, v5;
	v2 =	vnsel vm6, $0x80, v2  }
0x753: {  	vm7 =	vlt.s32 v8, $0x80;
	v5 =	vld [tilespmem:s1+$0x30];
	v1 =	vadd.s32 v13, v1;
	v13 =	vadd.s32 $0xFFFFFFFF, v2  }
0x754: {  	v7 =	vadd.f32 $9.999999770e-03, v7;
	(xrf2) =	vadd.scan.msk.f32 $0xffff, v3;
	v0 =	vmul.f32 v0, v52;
	v3 =	vand.u32 $0xFF, v13  }
0x755: {  	v60 =	vnsel vm7, $0x80, v8;
	v13 =	vld [tilespmem:s1+$0x40]  }
0x756: {  	(xrf2) =	vadd.scan.msk.f32 $0xffff, v7;
	v7 =	vadd.s32 $0xFFFFFFFF, v60;
	v0 =	vadd.f32 v0, v46  }
0x757: {  	v61 =	vld [tilespmem:s1+$0x50];
	v11 =	vadd.f32 $9.999999770e-03, v11  }
0x758: {  	v5 =	vadd.f32 $9.999999770e-03, v5;
	[tilespmem:v1+s15+$0x0] =	vst.idx.msk $0xffff, v0;
	v0 =	vld [tilespmem:s1+$0x60]  }
0x759: {  	(xrf2) =	vadd.scan.msk.f32 $0xffff, v11;
	v1 =	vld.idx.msk [tilespmem:v3+s20+$0x4180], $0xffff  }
0x75a: {  	v3 =	vadd.f32 $9.999999770e-03, v13;
	(xrf2) =	vadd.scan.msk.f32 $0xffff, v5;
	v5 =	vld [tilespmem:s1+$0x70]  }
0x75b: {  	v7 =	vld.idx.msk [tilespmem:v7+s20+$0x4180], $0xffff;
	_ =	sdelay $0x1  }
0x75c: {  	v11 =	vadd.f32 $9.999999770e-03, v61;
	(xrf2) =	vadd.scan.msk.f32 $0xffff, v3  }
0x75d: {  	(v2sf) =	vpush v4, $0xF;
	v0 =	vadd.f32 $9.999999770e-03, v0;
	v3, _, _ =	vpop (xrf2)  }
0x75e: {  	(xrf2) =	vadd.scan.msk.f32 $0xffff, v11;
	(v2sf) =	vpush v3, $0xF  }
0x75f: {  	v4 =	vadd.f32 $9.999999770e-03, v5;
	v5, _, _ =	vpop (xrf2);
	(xrf2) =	vadd.scan.msk.f32 $0xffff, v0;
	v0 =	vsub.f32 v7, v1;
	_ =	sdelay $0x1  }
0x760: {  	(v2sf) =	vpush v5, $0xF;
	v0 =	vmax.f32 v0, $9.999999910e-38  }
0x761: {  	v7, _, _ =	vpop (xrf2);
	(xrf2) =	vadd.scan.msk.f32 $0xffff, v4  }
0x762: {  	(v2sf) =	vpush v7, $0xF  }
0x763: {  	(erf) = vrcp.f32 v0;
	v0, _, _ =	vpop (xrf2)  }
0x764: {  	v2 =	vadd.s32 s25, v2;
	(v2sf) =	vpush v0, $0xF  }
0x765: {  	v4 =	vadd.s32 s25, v60;
	v63, _, _ =	vpop (xrf2)  }
0x766: {  	v11 =	vld [tilespmem:$0x1FFF0];
	(v2sf) =	vpush v63, $0xF  }
0x767: {  	v61, _, _ =	vpop (xrf2)  }
0x768: {  	(v2sf) =	vpush v61, $0xF  }
0x769: {  	(xrf0) =	vadd.scan.msk.s32 $0xffff, v43;
	v2 =	vld.idx.msk [tilespmem:v2+s8+$0x0], $0xffff;
	v60, _, _ =	vpop (xrf2)  }
0x76a: {  	v4 =	vld.idx.msk [tilespmem:v4+s8+$0x0], $0xffff;
	(v2sf) =	vpush v60, $0xF  }
0x76b: {  	v1 =	vsub.f32 v11, v1;
	v58, _, _ =	vpop (xrf2)  }
0x76c: {  	s16 =	spop (v2sf);
	v11 =	vpop (erf);
	(v2sf) =	vpush v58, $0xF  }
0x76d: {  	v1 =	vmul.f32 v11, v1;
	s21 =	spop (v2sf)  }
0x76e: {  	s21 =	sadd.f32 $0.0e+00, s21  }
0x76f: {  	s0 =	sadd.s32 s16, s0;
	v4 =	vsub.f32 v4, v2;
	v11, _, _ =	vpop (xrf0);
	v1 =	vmax.f32 v1, $0.0e+00;
	s26 =	spop (v2sf)  }
0x770: {  	v53 =	vadd.s32 s0, v11;
	v1 =	vmin.f32 v1, $1.000000000e+00;
	s5 =	sadd.f32 s26, s21  }
0x771: {  	s29 =	spop (v2sf);
	v1 =	vmul.f32 v1, v4;
	v4 =	vadd.s32 $0xFFFFFFFF, v53  }
0x772: {  	vm8 =	vlt.s32 v4, $0x80;
	s29 =	sadd.f32 s29, s5  }
0x773: {  	v1 =	vadd.f32 v1, v2;
	v2 =	vadd.s32 s24, v8;
	v54 =	vnsel vm8, $0x80, v4;
	s30 =	spop (v2sf)  }
0x774: {  	vm9 =	vlt.s32 v53, $0x80;
	v2 =	vadd.s32 v37, v2;
	v4 =	vadd.s32 $0xFFFFFFFF, v54;
	s4 =	sadd.f32 s30, s29  }
0x775: {  	v56 =	vnsel vm9, $0x80, v53;
	v1 =	vmul.f32 v1, v52;
	v4 =	vand.u32 $0xFF, v4;
	s31 =	spop (v2sf)  }
0x776: {  	v8 =	vadd.s32 $0xFFFFFFFF, v56;
	s2 =	sadd.f32 s31, s4  }
0x777: {  	v1 =	vadd.f32 v1, v46;
	s1 =	spop (v2sf)  }
0x778: {  	s1 =	sadd.f32 s1, s2  }
0x779: {  	[tilespmem:v2+s15+$0x0] =	vst.idx.msk $0xffff, v1;
	s16 =	spop (v2sf)  }
0x77a: {  	v55 =	vld.idx.msk [tilespmem:v4+s20+$0x4180], $0xffff;
	s16 =	sadd.f32 s16, s1  }
0x77b: {  	v1 =	vld.idx.msk [tilespmem:v8+s20+$0x4180], $0xffff;
	s26 =	spop (v2sf)  }
0x77c: {  	s0 =	sadd.f32 s26, s16;
	_ =	sdelay $0x1  }
0x77d: {  	s30 =	ssub.f32 $9.999999740e-06, s0;
	_ =	sdelay $0x1  }
0x77e: {  	v1 =	vsub.f32 v1, v55;
	s20 =	smax.f32 s30, $0.0e+00  }
0x77f: {  	s0 =	sadd.f32 s20, s0  }
0x780: {  	v1 =	vmax.f32 v1, $9.999999910e-38  }
0x781: {  	(erf) = vrcp.f32 v1;
	v1 =	vmov s0  }
0x782: {  	(erf) = vrcp.f32 v1;
	_ =	sdelay $0x3  }
0x783: {  	s31 =	smul.f32 $7.812500000e-03, s20;
	_ =	sdelay $0x1  }
0x784: {  	v2 =	vmul.f32 s31, v17;
	v1 =	vadd.f32 $0.0e+00, v3;
	_ =	sdelay $0x1  }
0x785: {  	v1 =	vadd.f32 v2, v1;
	v57 =	vpop (erf)  }
0x786: {  	v62 =	vpop (erf)  }
0x787: {  	v1 =	vmul.f32 v1, v62;
	_ =	sdelay $0x1  }
0x788: {  	v1 =	vmin.f32 v1, $1.000000000e+00  }
0x789: {  	v2 =	vmul.f32 $1.290000000e+02, v1;
	_ =	sdelay $0x1  }
0x78a: {  	v2 =	vadd.f32 $5.000000000e-01, v2;
	_ =	sdelay $0x1  }
0x78b: {  	v2 =	vtrunc.f32 v2  }
0x78c: {  	v2 =	vcvt.f32.s32 v2  }
0x78d: {  	v4 =	vmul.f32 s31, v19;
	v3 =	vadd.f32 s21, v5  }
0x78e: {  	v2 =	vxor.u32 $0x80000000, v2  }
0x78f: {  	(xrf0) =	vmax.scan.msk.u32 $0xffff, v2;
	v2 =	vadd.f32 v4, v3;
	_ =	sdelay $0x1  }
0x790: {  	v2 =	vmul.f32 v2, v62;
	_ =	sdelay $0x1  }
0x791: {  	v2 =	vmin.f32 v2, $1.000000000e+00  }
0x792: {  	v4 =	vmul.f32 $1.290000000e+02, v2;
	_ =	sdelay $0x1  }
0x793: {  	v3, _, _ =	vpop (xrf0);
	v4 =	vadd.f32 $5.000000000e-01, v4  }
0x794: {  	v3 =	vxor.u32 $0x80000000, v3  }
0x795: {  	s21 =	smul.u32 $0x81, s11;
	vm10 =	vgt.s32 v3, $0x0;
	v4 =	vtrunc.f32 v4  }
0x796: {  	s26 =	sshll.u32 s11, $0x8;
	v3 =	vnsel vm10, $0x0, v3;
	v4 =	vcvt.f32.s32 v4  }
0x797: {  	v7 =	vadd.f32 s5, v7;
	s26 =	sand.u32 $0x3FFFFF00, s26;
	v8 =	vmul.f32 s31, v21;
	v5 =	vadd.s32 s21, v10  }
0x798: {  	[tilespmem:s26+$0x4180] =	vst v1;
	v1 =	vxor.u32 $0x80000000, v4  }
0x799: {  	(xrf0) =	vmax.scan.msk.u32 $0xffff, v1;
	v1 =	vadd.f32 v8, v7;
	_ =	sdelay $0x1  }
0x79a: {  	[tilespmem:v3+s3+$0x8180] =	vst.idx.add.s32.msk $0xffff, v9;
	v1 =	vmul.f32 v1, v62  }
0x79b: {  	v4 =	vld.idx.msk [tilespmem:v5+s8+$0x0], $0xffff  }
0x79c: {  	s20 =	smul.u32 $0x102, s11;
	v1 =	vmin.f32 v1, $1.000000000e+00  }
0x79d: {  	v5 =	vmul.f32 $1.290000000e+02, v1  }
0x79e: {  	v43 =	vsub.f32 v59, v42;
	v7 =	vadd.s32 s20, v3;
	v3 =	vbroadcast v3, $0xF;
	v8, _, _ =	vpop (xrf0)  }
0x79f: {  	v7 =	vadd.s32 v10, v7;
	v8 =	vxor.u32 $0x80000000, v8;
	v5 =	vadd.f32 $5.000000000e-01, v5  }
0x7a0: {  	v0 =	vadd.f32 s29, v0;
	v4 =	vmul.f32 v4, v43;
	vm11 =	vgt.s32 v8, v3  }
0x7a1: {  	v11 =	vmul.f32 s31, v23;
	v3 =	vsel vm11, v8, v3;
	v5 =	vtrunc.f32 v5  }
0x7a2: {  	v4 =	vadd.f32 v4, v42;
	v8 =	vadd.s32 s21, v12;
	v5 =	vcvt.f32.s32 v5;
	_ =	sdelay $0x1  }
0x7a3: {  	v0 =	vadd.f32 v11, v0;
	[tilespmem:v7+s15+$0x0] =	vst.idx.msk $0xffff, v4;
	v4 =	vxor.u32 $0x80000000, v5  }
0x7a4: {  	[tilespmem:s26+$0x4190] =	vst v2;
	(xrf0) =	vmax.scan.msk.u32 $0xffff, v4  }
0x7a5: {  	v0 =	vmul.f32 v0, v62;
	[tilespmem:v3+s3+$0x8180] =	vst.idx.add.s32.msk $0xffff, v9  }
0x7a6: {  	v2 =	vld.idx.msk [tilespmem:v8+s8+$0x0], $0xffff  }
0x7a7: {  	v0 =	vmin.f32 v0, $1.000000000e+00  }
0x7a8: {  	v4 =	vmul.f32 $1.290000000e+02, v0  }
0x7a9: {  	v5 =	vadd.s32 s20, v3  }
0x7aa: {  	v5 =	vadd.s32 v12, v5;
	v3 =	vbroadcast v3, $0xF;
	v4 =	vadd.f32 $5.000000000e-01, v4;
	v7, _, _ =	vpop (xrf0)  }
0x7ab: {  	v11 =	vmul.f32 s31, v25;
	v2 =	vmul.f32 v2, v43;
	v7 =	vxor.u32 $0x80000000, v7  }
0x7ac: {  	v8 =	vadd.f32 s4, v63;
	v4 =	vtrunc.f32 v4;
	vm12 =	vgt.s32 v7, v3  }
0x7ad: {  	v4 =	vcvt.f32.s32 v4;
	v2 =	vadd.f32 v2, v42;
	v3 =	vsel vm12, v7, v3  }
0x7ae: {  	v7 =	vadd.s32 s21, v14  }
0x7af: {  	v4 =	vxor.u32 $0x80000000, v4;
	[tilespmem:v5+s15+$0x0] =	vst.idx.msk $0xffff, v2;
	v2 =	vadd.f32 v11, v8  }
0x7b0: {  	(xrf0) =	vmax.scan.msk.u32 $0xffff, v4  }
0x7b1: {  	[tilespmem:s26+$0x41A0] =	vst v1;
	v1 =	vmul.f32 v2, v62  }
0x7b2: {  	[tilespmem:v3+s3+$0x8180] =	vst.idx.add.s32.msk $0xffff, v9  }
0x7b3: {  	v2 =	vld.idx.msk [tilespmem:v7+s8+$0x0], $0xffff;
	v1 =	vmin.f32 v1, $1.000000000e+00  }
0x7b4: {  	v4 =	vmul.f32 $1.290000000e+02, v1  }
0x7b5: {  	v8 =	vadd.f32 s2, v61  }
0x7b6: {  	v5, _, _ =	vpop (xrf0);
	v7 =	vbroadcast v3, $0xF;
	v3 =	vadd.s32 s20, v3;
	v4 =	vadd.f32 $5.000000000e-01, v4  }
0x7b7: {  	v11 =	vmul.f32 s31, v26;
	v5 =	vxor.u32 $0x80000000, v5;
	v3 =	vadd.s32 v14, v3  }
0x7b8: {  	vm13 =	vgt.s32 v5, v7;
	v2 =	vmul.f32 v2, v43;
	v4 =	vtrunc.f32 v4  }
0x7b9: {  	v5 =	vsel vm13, v5, v7;
	v4 =	vcvt.f32.s32 v4  }
0x7ba: {  	v8 =	vadd.f32 v11, v8;
	v7 =	vadd.s32 s21, v16;
	v2 =	vadd.f32 v2, v42  }
0x7bb: {  	v4 =	vxor.u32 $0x80000000, v4  }
0x7bc: {  	[tilespmem:v3+s15+$0x0] =	vst.idx.msk $0xffff, v2;
	(xrf0) =	vmax.scan.msk.u32 $0xffff, v4;
	v2 =	vmul.f32 v8, v62  }
0x7bd: {  	[tilespmem:s26+$0x41B0] =	vst v0  }
0x7be: {  	[tilespmem:v5+s3+$0x8180] =	vst.idx.add.s32.msk $0xffff, v9;
	v0 =	vmin.f32 v2, $1.000000000e+00  }
0x7bf: {  	v2 =	vld.idx.msk [tilespmem:v7+s8+$0x0], $0xffff;
	v3 =	vmul.f32 $1.290000000e+02, v0;
	_ =	sdelay $0x1  }
0x7c0: {  	v3 =	vadd.f32 $5.000000000e-01, v3  }
0x7c1: {  	v4 =	vadd.s32 s20, v5;
	v5 =	vbroadcast v5, $0xF;
	v7, _, _ =	vpop (xrf0)  }
0x7c2: {  	v4 =	vadd.s32 v16, v4;
	v7 =	vxor.u32 $0x80000000, v7;
	v3 =	vtrunc.f32 v3  }
0x7c3: {  	v2 =	vmul.f32 v2, v43;
	vm14 =	vgt.s32 v7, v5;
	v3 =	vcvt.f32.s32 v3  }
0x7c4: {  	v8 =	vmul.f32 s31, v41;
	v5 =	vsel vm14, v7, v5;
	v7 =	vadd.f32 s1, v60  }
0x7c5: {  	v11 =	vadd.s32 s21, v18;
	v2 =	vadd.f32 v2, v42;
	v3 =	vxor.u32 $0x80000000, v3  }
0x7c6: {  	(xrf0) =	vmax.scan.msk.u32 $0xffff, v3;
	v3 =	vadd.f32 v8, v7  }
0x7c7: {  	[tilespmem:v4+s15+$0x0] =	vst.idx.msk $0xffff, v2  }
0x7c8: {  	[tilespmem:s26+$0x41C0] =	vst v1;
	v1 =	vmul.f32 v3, v62  }
0x7c9: {  	[tilespmem:v5+s3+$0x8180] =	vst.idx.add.s32.msk $0xffff, v9  }
0x7ca: {  	v2 =	vld.idx.msk [tilespmem:v11+s8+$0x0], $0xffff;
	v1 =	vmin.f32 v1, $1.000000000e+00  }
0x7cb: {  	v3 =	vmul.f32 $1.290000000e+02, v1;
	_ =	sdelay $0x1  }
0x7cc: {  	v7 =	vbroadcast v5, $0xF;
	v5 =	vadd.s32 s20, v5;
	v4, _, _ =	vpop (xrf0);
	v3 =	vadd.f32 $5.000000000e-01, v3  }
0x7cd: {  	v8 =	vmul.f32 s31, v28;
	v5 =	vadd.s32 v18, v5;
	v4 =	vxor.u32 $0x80000000, v4  }
0x7ce: {  	vm15 =	vgt.s32 v4, v7;
	v2 =	vmul.f32 v2, v43;
	v3 =	vtrunc.f32 v3  }
0x7cf: {  	v4 =	vsel vm15, v4, v7;
	v7 =	vadd.f32 s16, v58;
	v3 =	vcvt.f32.s32 v3  }
0x7d0: {  	v11 =	vadd.s32 s21, v20;
	v2 =	vadd.f32 v2, v42  }
0x7d1: {  	v7 =	vadd.f32 v8, v7;
	v3 =	vxor.u32 $0x80000000, v3  }
0x7d2: {  	[tilespmem:v5+s15+$0x0] =	vst.idx.msk $0xffff, v2;
	(xrf0) =	vmax.scan.msk.u32 $0xffff, v3  }
0x7d3: {  	[tilespmem:s26+$0x41D0] =	vst v0;
	v0 =	vmul.f32 v7, v62  }
0x7d4: {  	[tilespmem:v4+s3+$0x8180] =	vst.idx.add.s32.msk $0xffff, v9  }
0x7d5: {  	v2 =	vld.idx.msk [tilespmem:v11+s8+$0x0], $0xffff;
	v0 =	vmin.f32 v0, $1.000000000e+00  }
0x7d6: {  	v3 =	vmul.f32 $1.290000000e+02, v0;
	_ =	sdelay $0x1  }
0x7d7: {  	v5 =	vadd.s32 s20, v4;
	v4 =	vbroadcast v4, $0xF;
	v7, _, _ =	vpop (xrf0);
	v3 =	vadd.f32 $5.000000000e-01, v3  }
0x7d8: {  	v5 =	vadd.s32 v20, v5;
	v7 =	vxor.u32 $0x80000000, v7  }
0x7d9: {  	v2 =	vmul.f32 v2, v43;
	vm4 =	vgt.s32 v7, v4;
	v3 =	vtrunc.f32 v3  }
0x7da: {  	v4 =	vsel vm4, v7, v4;
	v3 =	vcvt.f32.s32 v3  }
0x7db: {  	v7 =	vadd.s32 s21, v22;
	v2 =	vadd.f32 v2, v42  }
0x7dc: {  	v3 =	vxor.u32 $0x80000000, v3  }
0x7dd: {  	[tilespmem:v5+s15+$0x0] =	vst.idx.msk $0xffff, v2;
	(xrf0) =	vmax.scan.msk.u32 $0xffff, v3  }
0x7de: {  	[tilespmem:s26+$0x41E0] =	vst v1  }
0x7df: {  	[tilespmem:v4+s3+$0x8180] =	vst.idx.add.s32.msk $0xffff, v9  }
0x7e0: {  	v1 =	vld.idx.msk [tilespmem:v7+s8+$0x0], $0xffff;
	_ =	sdelay $0x2  }
0x7e1: {  	v2 =	vadd.s32 s20, v4;
	v4 =	vbroadcast v4, $0xF;
	v3, _, _ =	vpop (xrf0)  }
0x7e2: {  	v2 =	vadd.s32 v22, v2;
	v3 =	vxor.u32 $0x80000000, v3  }
0x7e3: {  	v1 =	vmul.f32 v1, v43;
	vm5 =	vgt.s32 v3, v4  }
0x7e4: {  	v3 =	vsel vm5, v3, v4  }
0x7e5: {  	v4 =	vadd.s32 s21, v24;
	v1 =	vadd.f32 v1, v42;
	_ =	sdelay $0x1  }
0x7e6: {  	[tilespmem:v2+s15+$0x0] =	vst.idx.msk $0xffff, v1  }
0x7e7: {  	[tilespmem:s26+$0x41F0] =	vst v0  }
0x7e8: {  	[tilespmem:v3+s3+$0x8180] =	vst.idx.add.s32.msk $0xffff, v9  }
0x7e9: {  	v0 =	vld.idx.msk [tilespmem:v4+s8+$0x0], $0xffff;
	_ =	sdelay $0x2  }
0x7ea: {  	v1 =	vadd.s32 s20, v3  }
0x7eb: {  	v1 =	vadd.s32 v24, v1  }
0x7ec: {  	v2 =	vmov s21;
	v0 =	vmul.f32 v0, v43;
	_ =	sdelay $0x1  }
0x7ed: {  	v0 =	vadd.f32 v0, v42;
	_ =	sdelay $0x1  }
0x7ee: {  	[tilespmem:v1+s15+$0x0] =	vst.idx.msk $0xffff, v0  }
0x7ef: {  	v0 =	vld.idx.msk [tilespmem:v2+s8+$0x0], $0xffff;
	_ =	sdelay $0x2  }
0x7f0: {  	v1 =	vadd.s32 s23, v48  }
0x7f1: {  	v3 =	vmov s20;
	v2 =	vadd.s32 s23, v50  }
0x7f2: {  	v0 =	vmul.f32 v0, v43  }
0x7f3: {  	v11 =	vld [tilespmem:$0x1FFE0];
	v4 =	vadd.s32 s25, v54  }
0x7f4: {  	v5 =	vadd.s32 s25, v56;
	v7 =	vld [tilespmem:$0x1FFE0];
	v0 =	vadd.f32 v0, v42  }
0x7f5: {  	v1 =	vld.idx.msk [tilespmem:v1+s8+$0x0], $0xffff  }
0x7f6: {  	v2 =	vld.idx.msk [tilespmem:v2+s8+$0x0], $0xffff;
	[tilespmem:v3+s15+$0x0] =	vst.idx.msk $0x1, v0  }
0x7f7: {  	v0 =	vld [tilespmem:s3+$0x8180]  }
0x7f8: {  	v3 =	vld.idx.msk [tilespmem:v4+s8+$0x0], $0xffff  }
0x7f9: {  	v4 =	vld.idx.msk [tilespmem:v5+s8+$0x0], $0xffff  }
0x7fa: {  	v7 =	vsub.f32 v7, v49;
	v5 =	vld [tilespmem:s3+$0x8190]  }
0x7fb: {  	v11 =	vsub.f32 v11, v55  }
0x7fc: {  	v8 =	vld [tilespmem:s6+$0x8180];
	(xrf0) =	vadd.scan.msk.s32 $0xffff, v0;
	v0 =	vmul.f32 v51, v7  }
0x7fd: {  	v11 =	vmul.f32 v57, v11;
	v13 =	vld [tilespmem:s3+$0x81B0]  }
0x7fe: {  	v2 =	vsub.f32 v2, v1;
	v4 =	vsub.f32 v4, v3;
	v7 =	vld [tilespmem:s3+$0x81C0];
	v0 =	vmax.f32 v0, $0.0e+00  }
0x7ff: {  	v62 =	vld [tilespmem:s3+$0x81D0];
	(xrf0) =	vadd.scan.msk.s32 $0xffff, v5;
	v5 =	vmax.f32 v11, $0.0e+00;
	v0 =	vmin.f32 v0, $1.000000000e+00  }
0x800: {  	v63 =	vld [tilespmem:s3+$0x81E0];
	v0 =	vmul.f32 v0, v2;
	v2 =	vmin.f32 v5, $1.000000000e+00  }
0x801: {  	v11 =	vld [tilespmem:s3+$0x81F0];
	(xrf0) =	vadd.scan.msk.s32 $0xffff, v8;
	v2 =	vmul.f32 v2, v4  }
0x802: {  	(xrf0) =	vadd.scan.msk.s32 $0xffff, v13;
	v5 =	vadd.s32 s22, v47;
	v4, _, _ =	vpop (xrf0);
	v0 =	vadd.f32 v0, v1  }
0x803: {  	(xrf0) =	vadd.scan.msk.s32 $0xffff, v7;
	v1 =	vadd.s32 v15, v5;
	v5 =	vadd.s32 $0xFFFFFFFF, v4;
	v2 =	vadd.f32 v2, v3  }
0x804: {  	(xrf0) =	vadd.scan.msk.s32 $0xffff, v62;
	vm7 =	vlt.s32 v4, $0x80;
	vm6 =	vlt.s32 v5, $0x80  }
0x805: {  	(xrf0) =	vadd.scan.msk.s32 $0xffff, v63;
	v5 =	vnsel vm6, $0x80, v5;
	v2 =	vmul.f32 v2, v52;
	v52 =	vnsel vm7, $0x80, v4  }
0x806: {  	v7, _, _ =	vpop (xrf0);
	(xrf0) =	vadd.scan.msk.s32 $0xffff, v11;
	v11 =	vadd.s32 $0xFFFFFFFF, v5;
	v54 =	vadd.s32 $0xFFFFFFFF, v52  }
0x807: {  	v0 =	vmul.f32 v0, v45;
	v11 =	vand.u32 $0xFF, v11;
	_ =	sdelay $0x1  }
0x808: {  	v0 =	vadd.f32 v0, v44;
	_ =	sdelay $0x1  }
0x809: {  	[tilespmem:v1+s15+$0x0] =	vst.idx.msk $0x1, v0;
	v1 =	vld.idx.msk [tilespmem:v54+s26+$0x4180], $0xffff  }
0x80a: {  	v0 =	vld.idx.msk [tilespmem:v11+s26+$0x4180], $0xffff;
	_ =	sdelay $0x2  }
0x80b: {  	v3 =	vadd.s32 s24, v53  }
0x80c: {  	v3 =	vadd.s32 v15, v3  }
0x80d: {  	v1 =	vsub.f32 v1, v0;
	_ =	sdelay $0x1  }
0x80e: {  	v2 =	vadd.f32 v2, v46;
	v1 =	vmax.f32 v1, $9.999999910e-38  }
0x80f: {  	(erf) = vrcp.f32 v1  }
0x810: {  	[tilespmem:v3+s15+$0x0] =	vst.idx.msk $0x1, v2;
	v2 =	vadd.s32 s21, v52  }
0x811: {  	v1 =	vadd.s32 s21, v5;
	_ =	sdelay $0x3  }
0x812: {  	v2 =	vld.idx.msk [tilespmem:v2+s8+$0x0], $0xffff  }
0x813: {  	v1 =	vld.idx.msk [tilespmem:v1+s8+$0x0], $0xffff  }
0x814: {  	v0 =	vsub.f32 v29, v0  }
0x815: {  	v3 =	vpop (erf)  }
0x816: {  	v0 =	vmul.f32 v3, v0  }
0x817: {  	v3 =	vbroadcast v4, $0xF  }
0x818: {  	v2 =	vsub.f32 v2, v1;
	v0 =	vmax.f32 v0, $0.0e+00  }
0x819: {  	v3 =	vadd.s32 v3, v7;
	v0 =	vmin.f32 v0, $1.000000000e+00  }
0x81a: {  	v0 =	vmul.f32 v0, v2;
	v2 =	vadd.s32 $0xFFFFFFFF, v3  }
0x81b: {  	v5 =	vlaneseq.u32;
	vm8 =	vlt.s32 v2, $0x80  }
0x81c: {  	v0 =	vadd.f32 v0, v1;
	v1 =	vadd.s32 s20, v4;
	v2 =	vnsel vm8, $0x80, v2  }
0x81d: {  	vm9 =	vlt.s32 v3, $0x80;
	v1 =	vadd.s32 v5, v1;
	v5 =	vadd.s32 $0xFFFFFFFF, v2  }
0x81e: {  	v11 =	vnsel vm9, $0x80, v3;
	v0 =	vmul.f32 v0, v43;
	v5 =	vand.u32 $0xFF, v5  }
0x81f: {  	v59 =	vadd.s32 $0xFFFFFFFF, v11  }
0x820: {  	v0 =	vadd.f32 v0, v42  }
0x821: {  	v8, _, _ =	vpop (xrf0)  }
0x822: {  	v57 =	vld [tilespmem:s28+$0x8250];
	v13, _, _ =	vpop (xrf0);
	[tilespmem:v1+s15+$0x0] =	vst.idx.msk $0xffff, v0  }
0x823: {  	v53, _, _ =	vpop (xrf0);
	v0 =	vld.idx.msk [tilespmem:v5+s26+$0x4180], $0xffff  }
0x824: {  	v55, _, _ =	vpop (xrf0);
	v1 =	vld.idx.msk [tilespmem:v59+s26+$0x4180], $0xffff  }
0x825: {  	v56, _, _ =	vpop (xrf0)  }
0x826: {  	v58, _, _ =	vpop (xrf0)  }
0x827: {  	(v2sf) =	vpush v4, $0xF  }
0x828: {  	(v2sf) =	vpush v7, $0xF  }
0x829: {  	v1 =	vsub.f32 v1, v0;
	_ =	sdelay $0x1  }
0x82a: {  	v1 =	vmax.f32 v1, $9.999999910e-38  }
0x82b: {  	(erf) = vrcp.f32 v1  }
0x82c: {  	v1 =	vadd.s32 s21, v2  }
0x82d: {  	v2 =	vadd.s32 s21, v11;
	_ =	sdelay $0x3  }
0x82e: {  	v1 =	vld.idx.msk [tilespmem:v1+s8+$0x0], $0xffff  }
0x82f: {  	v2 =	vld.idx.msk [tilespmem:v2+s8+$0x0], $0xffff  }
0x830: {  	v0 =	vsub.f32 v30, v0  }
0x831: {  	v4 =	vpop (erf)  }
0x832: {  	s28 =	spop (v2sf);
	v0 =	vmul.f32 v4, v0  }
0x833: {  	s29 =	spop (v2sf)  }
0x834: {  	s0 =	sadd.s32 s28, s29;
	v2 =	vsub.f32 v2, v1;
	v0 =	vmax.f32 v0, $0.0e+00  }
0x835: {  	v4 =	vadd.s32 s0, v8;
	v0 =	vmin.f32 v0, $1.000000000e+00  }
0x836: {  	v0 =	vmul.f32 v0, v2;
	v2 =	vadd.s32 $0xFFFFFFFF, v4  }
0x837: {  	vm10 =	vlt.s32 v2, $0x80  }
0x838: {  	v0 =	vadd.f32 v0, v1;
	v1 =	vadd.s32 s20, v3;
	v2 =	vnsel vm10, $0x80, v2  }
0x839: {  	vm11 =	vlt.s32 v4, $0x80;
	v1 =	vadd.s32 v31, v1;
	v3 =	vadd.s32 $0xFFFFFFFF, v2  }
0x83a: {  	v5 =	vnsel vm11, $0x80, v4;
	v0 =	vmul.f32 v0, v43;
	v3 =	vand.u32 $0xFF, v3  }
0x83b: {  	v7 =	vadd.s32 $0xFFFFFFFF, v5  }
0x83c: {  	v0 =	vadd.f32 v0, v42;
	_ =	sdelay $0x1  }
0x83d: {  	[tilespmem:v1+s15+$0x0] =	vst.idx.msk $0xffff, v0  }
0x83e: {  	v0 =	vld.idx.msk [tilespmem:v3+s26+$0x4180], $0xffff  }
0x83f: {  	v1 =	vld.idx.msk [tilespmem:v7+s26+$0x4180], $0xffff;
	_ =	sdelay $0x3  }
0x840: {  	(v2sf) =	vpush v8, $0xF  }
0x841: {  	v1 =	vsub.f32 v1, v0;
	_ =	sdelay $0x1  }
0x842: {  	v1 =	vmax.f32 v1, $9.999999910e-38  }
0x843: {  	(erf) = vrcp.f32 v1  }
0x844: {  	v1 =	vadd.s32 s21, v2  }
0x845: {  	v2 =	vadd.s32 s21, v5;
	_ =	sdelay $0x3  }
0x846: {  	v1 =	vld.idx.msk [tilespmem:v1+s8+$0x0], $0xffff  }
0x847: {  	v2 =	vld.idx.msk [tilespmem:v2+s8+$0x0], $0xffff  }
0x848: {  	v0 =	vsub.f32 v32, v0  }
0x849: {  	v3 =	vpop (erf)  }
0x84a: {  	v0 =	vmul.f32 v3, v0  }
0x84b: {  	s30 =	spop (v2sf)  }
0x84c: {  	s0 =	sadd.s32 s30, s0;
	v2 =	vsub.f32 v2, v1;
	v0 =	vmax.f32 v0, $0.0e+00  }
0x84d: {  	v3 =	vadd.s32 s0, v13;
	v0 =	vmin.f32 v0, $1.000000000e+00  }
0x84e: {  	v0 =	vmul.f32 v0, v2;
	v2 =	vadd.s32 $0xFFFFFFFF, v3  }
0x84f: {  	vm12 =	vlt.s32 v2, $0x80  }
0x850: {  	v0 =	vadd.f32 v0, v1;
	v1 =	vadd.s32 s20, v4;
	v2 =	vnsel vm12, $0x80, v2  }
0x851: {  	vm13 =	vlt.s32 v3, $0x80;
	v1 =	vadd.s32 v33, v1;
	v4 =	vadd.s32 $0xFFFFFFFF, v2  }
0x852: {  	v5 =	vnsel vm13, $0x80, v3;
	v0 =	vmul.f32 v0, v43;
	v4 =	vand.u32 $0xFF, v4  }
0x853: {  	v7 =	vadd.s32 $0xFFFFFFFF, v5  }
0x854: {  	v0 =	vadd.f32 v0, v42;
	_ =	sdelay $0x1  }
0x855: {  	[tilespmem:v1+s15+$0x0] =	vst.idx.msk $0xffff, v0  }
0x856: {  	v0 =	vld.idx.msk [tilespmem:v4+s26+$0x4180], $0xffff  }
0x857: {  	v1 =	vld.idx.msk [tilespmem:v7+s26+$0x4180], $0xffff;
	_ =	sdelay $0x3  }
0x858: {  	(v2sf) =	vpush v13, $0xF  }
0x859: {  	v1 =	vsub.f32 v1, v0;
	_ =	sdelay $0x1  }
0x85a: {  	v1 =	vmax.f32 v1, $9.999999910e-38  }
0x85b: {  	(erf) = vrcp.f32 v1  }
0x85c: {  	v1 =	vadd.s32 s21, v2  }
0x85d: {  	v2 =	vadd.s32 s21, v5;
	_ =	sdelay $0x3  }
0x85e: {  	v1 =	vld.idx.msk [tilespmem:v1+s8+$0x0], $0xffff  }
0x85f: {  	v2 =	vld.idx.msk [tilespmem:v2+s8+$0x0], $0xffff  }
0x860: {  	v0 =	vsub.f32 v34, v0  }
0x861: {  	v4 =	vpop (erf)  }
0x862: {  	v0 =	vmul.f32 v4, v0  }
0x863: {  	s31 =	spop (v2sf)  }
0x864: {  	s0 =	sadd.s32 s31, s0;
	v2 =	vsub.f32 v2, v1;
	v0 =	vmax.f32 v0, $0.0e+00  }
0x865: {  	v4 =	vadd.s32 s0, v53;
	v0 =	vmin.f32 v0, $1.000000000e+00  }
0x866: {  	v0 =	vmul.f32 v0, v2;
	v2 =	vadd.s32 $0xFFFFFFFF, v4  }
0x867: {  	vm14 =	vlt.s32 v2, $0x80  }
0x868: {  	v0 =	vadd.f32 v0, v1;
	v1 =	vadd.s32 s20, v3;
	v2 =	vnsel vm14, $0x80, v2  }
0x869: {  	vm15 =	vlt.s32 v4, $0x80;
	v1 =	vadd.s32 v35, v1;
	v3 =	vadd.s32 $0xFFFFFFFF, v2  }
0x86a: {  	v5 =	vnsel vm15, $0x80, v4;
	v0 =	vmul.f32 v0, v43;
	v3 =	vand.u32 $0xFF, v3  }
0x86b: {  	v7 =	vadd.s32 $0xFFFFFFFF, v5  }
0x86c: {  	v0 =	vadd.f32 v0, v42;
	_ =	sdelay $0x1  }
0x86d: {  	[tilespmem:v1+s15+$0x0] =	vst.idx.msk $0xffff, v0  }
0x86e: {  	v0 =	vld.idx.msk [tilespmem:v3+s26+$0x4180], $0xffff  }
0x86f: {  	v1 =	vld.idx.msk [tilespmem:v7+s26+$0x4180], $0xffff;
	_ =	sdelay $0x3  }
0x870: {  	(v2sf) =	vpush v53, $0xF  }
0x871: {  	v1 =	vsub.f32 v1, v0;
	_ =	sdelay $0x1  }
0x872: {  	v1 =	vmax.f32 v1, $9.999999910e-38  }
0x873: {  	(erf) = vrcp.f32 v1  }
0x874: {  	v1 =	vadd.s32 s21, v2  }
0x875: {  	v2 =	vadd.s32 s21, v5;
	_ =	sdelay $0x3  }
0x876: {  	v1 =	vld.idx.msk [tilespmem:v1+s8+$0x0], $0xffff  }
0x877: {  	v2 =	vld.idx.msk [tilespmem:v2+s8+$0x0], $0xffff  }
0x878: {  	v0 =	vsub.f32 v36, v0  }
0x879: {  	v3 =	vpop (erf)  }
0x87a: {  	v0 =	vmul.f32 v3, v0  }
0x87b: {  	s2 =	spop (v2sf)  }
0x87c: {  	s0 =	sadd.s32 s2, s0;
	v2 =	vsub.f32 v2, v1;
	v0 =	vmax.f32 v0, $0.0e+00  }
0x87d: {  	v3 =	vadd.s32 s0, v55;
	v0 =	vmin.f32 v0, $1.000000000e+00  }
0x87e: {  	v0 =	vmul.f32 v0, v2;
	v2 =	vadd.s32 $0xFFFFFFFF, v3  }
0x87f: {  	vm4 =	vlt.s32 v2, $0x80  }
0x880: {  	v0 =	vadd.f32 v0, v1;
	v1 =	vadd.s32 s20, v4;
	v2 =	vnsel vm4, $0x80, v2  }
0x881: {  	vm5 =	vlt.s32 v3, $0x80;
	v1 =	vadd.s32 v39, v1;
	v4 =	vadd.s32 $0xFFFFFFFF, v2  }
0x882: {  	v5 =	vnsel vm5, $0x80, v3;
	v0 =	vmul.f32 v0, v43;
	v4 =	vand.u32 $0xFF, v4  }
0x883: {  	v7 =	vadd.s32 $0xFFFFFFFF, v5  }
0x884: {  	v0 =	vadd.f32 v0, v42;
	_ =	sdelay $0x1  }
0x885: {  	[tilespmem:v1+s15+$0x0] =	vst.idx.msk $0xffff, v0  }
0x886: {  	v0 =	vld.idx.msk [tilespmem:v4+s26+$0x4180], $0xffff  }
0x887: {  	v1 =	vld.idx.msk [tilespmem:v7+s26+$0x4180], $0xffff;
	_ =	sdelay $0x4  }
0x888: {  	v1 =	vsub.f32 v1, v0;
	_ =	sdelay $0x1  }
0x889: {  	v1 =	vmax.f32 v1, $9.999999910e-38  }
0x88a: {  	(v2sf) =	vpush v55, $0xF;
	(erf) = vrcp.f32 v1  }
0x88b: {  	v1 =	vadd.s32 s21, v2  }
0x88c: {  	v2 =	vadd.s32 s21, v5;
	_ =	sdelay $0x3  }
0x88d: {  	v1 =	vld.idx.msk [tilespmem:v1+s8+$0x0], $0xffff  }
0x88e: {  	v2 =	vld.idx.msk [tilespmem:v2+s8+$0x0], $0xffff  }
0x88f: {  	v0 =	vsub.f32 v38, v0  }
0x890: {  	v4 =	vpop (erf)  }
0x891: {  	v0 =	vmul.f32 v4, v0;
	_ =	sdelay $0x1  }
0x892: {  	v2 =	vsub.f32 v2, v1;
	v0 =	vmax.f32 v0, $0.0e+00  }
0x893: {  	v0 =	vmin.f32 v0, $1.000000000e+00  }
0x894: {  	v0 =	vmul.f32 v0, v2  }
0x895: {  	s3 =	spop (v2sf)  }
0x896: {  	s0 =	sadd.s32 s3, s0;
	v0 =	vadd.f32 v0, v1;
	v1 =	vadd.s32 s20, v3;
	v3 =	vld [tilespmem:$0x1FFC0]  }
0x897: {  	v4 =	vadd.s32 s0, v56  }
0x898: {  	v2 =	vadd.s32 $0xFFFFFFFF, v4  }
0x899: {  	vm6 =	vlt.s32 v2, $0x80  }
0x89a: {  	v2 =	vnsel vm6, $0x80, v2  }
0x89b: {  	vm7 =	vlt.s32 v4, $0x80;
	v1 =	vadd.s32 v3, v1;
	v3 =	vadd.s32 $0xFFFFFFFF, v2  }
0x89c: {  	v5 =	vnsel vm7, $0x80, v4;
	v0 =	vmul.f32 v0, v43;
	v3 =	vand.u32 $0xFF, v3  }
0x89d: {  	v7 =	vadd.s32 $0xFFFFFFFF, v5  }
0x89e: {  	v0 =	vadd.f32 v0, v42;
	_ =	sdelay $0x1  }
0x89f: {  	[tilespmem:v1+s15+$0x0] =	vst.idx.msk $0xffff, v0  }
0x8a0: {  	s6 =	sor.u32 $0x6, s19;
	v0 =	vld.idx.msk [tilespmem:v3+s26+$0x4180], $0xffff  }
0x8a1: {  	v1 =	vmov s6;
	v3 =	vld.idx.msk [tilespmem:v7+s26+$0x4180], $0xffff  }
0x8a2: {  	v1 =	vand.u32 $0xFFFFFFFE, v1  }
0x8a3: {  	v1 =	vbroadcast v1, $0x0;
	_ =	sdelay $0x1  }
0x8a4: {  	(v2sf) =	vpush v56, $0xF  }
0x8a5: {  	v3 =	vsub.f32 v3, v0;
	_ =	sdelay $0x1  }
0x8a6: {  	s25 =	smul.u32 $0x90, s6;
	v3 =	vmax.f32 v3, $9.999999910e-38  }
0x8a7: {  	v44 =	vld.idx.msk [tilespmem:v1+s9+$0x0], $0xffff;
	(erf) = vrcp.f32 v3  }
0x8a8: {  	s3 =	sor.u32 $0x70, s25;
	v60 =	vld.idx.msk [tilespmem:v1+s13+$0x0], $0xffff;
	v1 =	vadd.s32 s21, v2;
	[tilespmem:s25+$0x8180] =	vst v27  }
0x8a9: {  	v2 =	vadd.s32 s21, v5;
	[tilespmem:s3+$0x8180] =	vst v6  }
0x8aa: {  	[tilespmem:s25+$0x81A0] =	vst v6  }
0x8ab: {  	[tilespmem:s25+$0x81B0] =	vst v6  }
0x8ac: {  	s28 =	sor.u32 $0x30, s25;
	[tilespmem:s25+$0x81C0] =	vst v6  }
0x8ad: {  	s4 =	sadd.s32 $0x60, s25;
	[tilespmem:s28+$0x81C0] =	vst v6;
	v1 =	vld.idx.msk [tilespmem:v1+s8+$0x0], $0xffff  }
0x8ae: {  	s29 =	sor.u32 $0x50, s4;
	[tilespmem:s25+$0x81E0] =	vst v6;
	v2 =	vld.idx.msk [tilespmem:v2+s8+$0x0], $0xffff  }
0x8af: {  	s5 =	sshll.u32 s6, $0x7;
	s30 =	sand.u32 $0x3F80, s25;
	v0 =	vsub.f32 v40, v0;
	[tilespmem:s29+$0x8180] =	vst v6  }
0x8b0: {  	s1 =	sand.u32 $0x3FFFFF80, s5;
	[tilespmem:s30+$0x8260] =	vst v6;
	v3 =	vpop (erf)  }
0x8b1: {  	v0 =	vmul.f32 v3, v0;
	v3 =	vld [tilespmem:s1+$0x0]  }
0x8b2: {  	v11 =	vld [tilespmem:$0x1FFD0];
	s11 =	spop (v2sf)  }
0x8b3: {  	s0 =	sadd.s32 s11, s0;
	v5 =	vld [tilespmem:s1+$0x10];
	v2 =	vsub.f32 v2, v1;
	v0 =	vmax.f32 v0, $0.0e+00  }
0x8b4: {  	v7 =	vadd.s32 s0, v58;
	v0 =	vmin.f32 v0, $1.000000000e+00  }
0x8b5: {  	v0 =	vmul.f32 v0, v2;
	v2 =	vadd.s32 $0xFFFFFFFF, v7  }
0x8b6: {  	vm9 =	vlt.s32 v7, $0x80;
	v8 =	vld [tilespmem:s1+$0x20];
	vm8 =	vlt.s32 v2, $0x80;
	v3 =	vadd.f32 $9.999999770e-03, v3  }
0x8b7: {  	v0 =	vadd.f32 v0, v1;
	v1 =	vadd.s32 s20, v4;
	v2 =	vnsel vm8, $0x80, v2  }
0x8b8: {  	v5 =	vadd.f32 $9.999999770e-03, v5;
	v4 =	vld [tilespmem:s1+$0x30];
	v1 =	vadd.s32 v11, v1;
	v11 =	vadd.s32 $0xFFFFFFFF, v2  }
0x8b9: {  	v13 =	vnsel vm9, $0x80, v7;
	(xrf2) =	vadd.scan.msk.f32 $0xffff, v3;
	v0 =	vmul.f32 v0, v43;
	v3 =	vand.u32 $0xFF, v11  }
0x8ba: {  	v11 =	vld [tilespmem:s1+$0x40];
	(xrf2) =	vadd.scan.msk.f32 $0xffff, v5;
	v5 =	vadd.s32 $0xFFFFFFFF, v13  }
0x8bb: {  	v61 =	vld [tilespmem:s1+$0x50];
	v8 =	vadd.f32 $9.999999770e-03, v8;
	v0 =	vadd.f32 v0, v42;
	_ =	sdelay $0x1  }
0x8bc: {  	(xrf2) =	vadd.scan.msk.f32 $0xffff, v8;
	v4 =	vadd.f32 $9.999999770e-03, v4;
	[tilespmem:v1+s15+$0x0] =	vst.idx.msk $0xffff, v0;
	v0 =	vld [tilespmem:s1+$0x60]  }
0x8bd: {  	v1 =	vld.idx.msk [tilespmem:v3+s26+$0x4180], $0xffff  }
0x8be: {  	v3 =	vadd.f32 $9.999999770e-03, v11;
	(xrf2) =	vadd.scan.msk.f32 $0xffff, v4;
	v5 =	vld.idx.msk [tilespmem:v5+s26+$0x4180], $0xffff  }
0x8bf: {  	v8 =	vadd.f32 $9.999999770e-03, v61;
	v4 =	vld [tilespmem:s1+$0x70]  }
0x8c0: {  	(xrf2) =	vadd.scan.msk.f32 $0xffff, v3  }
0x8c1: {  	v0 =	vadd.f32 $9.999999770e-03, v0  }
0x8c2: {  	(v2sf) =	vpush v58, $0xF;
	v3, _, _ =	vpop (xrf2);
	(xrf2) =	vadd.scan.msk.f32 $0xffff, v8  }
0x8c3: {  	(v2sf) =	vpush v3, $0xF;
	v8, _, _ =	vpop (xrf2);
	(xrf2) =	vadd.scan.msk.f32 $0xffff, v0;
	v0 =	vsub.f32 v5, v1  }
0x8c4: {  	v4 =	vadd.f32 $9.999999770e-03, v4  }
0x8c5: {  	(v2sf) =	vpush v8, $0xF;
	v0 =	vmax.f32 v0, $9.999999910e-38  }
0x8c6: {  	v5, _, _ =	vpop (xrf2);
	(xrf2) =	vadd.scan.msk.f32 $0xffff, v4  }
0x8c7: {  	(v2sf) =	vpush v5, $0xF  }
0x8c8: {  	(erf) = vrcp.f32 v0;
	v0, _, _ =	vpop (xrf2)  }
0x8c9: {  	v2 =	vadd.s32 s21, v2;
	(v2sf) =	vpush v0, $0xF  }
0x8ca: {  	v4 =	vadd.s32 s21, v13;
	v62, _, _ =	vpop (xrf2)  }
0x8cb: {  	v11 =	vld [tilespmem:$0x1FFF0];
	(v2sf) =	vpush v62, $0xF  }
0x8cc: {  	v63, _, _ =	vpop (xrf2)  }
0x8cd: {  	(v2sf) =	vpush v63, $0xF  }
0x8ce: {  	(xrf0) =	vadd.scan.msk.s32 $0xffff, v57;
	v2 =	vld.idx.msk [tilespmem:v2+s8+$0x0], $0xffff;
	v57, _, _ =	vpop (xrf2)  }
0x8cf: {  	v4 =	vld.idx.msk [tilespmem:v4+s8+$0x0], $0xffff;
	(v2sf) =	vpush v57, $0xF  }
0x8d0: {  	v1 =	vsub.f32 v11, v1;
	v58, _, _ =	vpop (xrf2)  }
0x8d1: {  	s16 =	spop (v2sf);
	v11 =	vpop (erf);
	(v2sf) =	vpush v58, $0xF  }
0x8d2: {  	v1 =	vmul.f32 v11, v1;
	s23 =	spop (v2sf)  }
0x8d3: {  	s22 =	sadd.f32 $0.0e+00, s23  }
0x8d4: {  	s0 =	sadd.s32 s16, s0;
	v4 =	vsub.f32 v4, v2;
	v11, _, _ =	vpop (xrf0);
	v1 =	vmax.f32 v1, $0.0e+00;
	s24 =	spop (v2sf)  }
0x8d5: {  	v45 =	vadd.s32 s0, v11;
	v1 =	vmin.f32 v1, $1.000000000e+00;
	s5 =	sadd.f32 s24, s22  }
0x8d6: {  	s31 =	spop (v2sf);
	v1 =	vmul.f32 v1, v4;
	v4 =	vadd.s32 $0xFFFFFFFF, v45  }
0x8d7: {  	vm10 =	vlt.s32 v4, $0x80;
	s16 =	sadd.f32 s31, s5  }
0x8d8: {  	v1 =	vadd.f32 v1, v2;
	v2 =	vadd.s32 s20, v7;
	v46 =	vnsel vm10, $0x80, v4;
	s1 =	spop (v2sf)  }
0x8d9: {  	vm11 =	vlt.s32 v45, $0x80;
	v2 =	vadd.s32 v37, v2;
	v4 =	vadd.s32 $0xFFFFFFFF, v46;
	s4 =	sadd.f32 s1, s16  }
0x8da: {  	v47 =	vnsel vm11, $0x80, v45;
	v1 =	vmul.f32 v1, v43;
	v4 =	vand.u32 $0xFF, v4;
	s2 =	spop (v2sf)  }
0x8db: {  	v7 =	vadd.s32 $0xFFFFFFFF, v47;
	s2 =	sadd.f32 s2, s4  }
0x8dc: {  	v1 =	vadd.f32 v1, v42;
	s11 =	spop (v2sf)  }
0x8dd: {  	s1 =	sadd.f32 s11, s2  }
0x8de: {  	[tilespmem:v2+s15+$0x0] =	vst.idx.msk $0xffff, v1;
	s23 =	spop (v2sf)  }
0x8df: {  	v48 =	vld.idx.msk [tilespmem:v4+s26+$0x4180], $0xffff;
	s11 =	sadd.f32 s23, s1  }
0x8e0: {  	v1 =	vld.idx.msk [tilespmem:v7+s26+$0x4180], $0xffff;
	s24 =	spop (v2sf)  }
0x8e1: {  	s0 =	sadd.f32 s24, s11;
	_ =	sdelay $0x1  }
0x8e2: {  	s26 =	ssub.f32 $9.999999740e-06, s0;
	_ =	sdelay $0x1  }
0x8e3: {  	v1 =	vsub.f32 v1, v48;
	s23 =	smax.f32 s26, $0.0e+00  }
0x8e4: {  	s0 =	sadd.f32 s23, s0  }
0x8e5: {  	v1 =	vmax.f32 v1, $9.999999910e-38  }
0x8e6: {  	(erf) = vrcp.f32 v1;
	v1 =	vmov s0  }
0x8e7: {  	(erf) = vrcp.f32 v1;
	_ =	sdelay $0x3  }
0x8e8: {  	s31 =	smul.f32 $7.812500000e-03, s23;
	_ =	sdelay $0x1  }
0x8e9: {  	v2 =	vmul.f32 s31, v17;
	v1 =	vadd.f32 $0.0e+00, v3;
	_ =	sdelay $0x1  }
0x8ea: {  	v1 =	vadd.f32 v2, v1;
	v49 =	vpop (erf)  }
0x8eb: {  	v59 =	vpop (erf)  }
0x8ec: {  	v1 =	vmul.f32 v1, v59;
	_ =	sdelay $0x1  }
0x8ed: {  	v1 =	vmin.f32 v1, $1.000000000e+00  }
0x8ee: {  	v2 =	vmul.f32 $1.290000000e+02, v1;
	_ =	sdelay $0x1  }
0x8ef: {  	v2 =	vadd.f32 $5.000000000e-01, v2;
	_ =	sdelay $0x1  }
0x8f0: {  	v2 =	vtrunc.f32 v2  }
0x8f1: {  	v2 =	vcvt.f32.s32 v2  }
0x8f2: {  	v4 =	vmul.f32 s31, v19;
	v3 =	vadd.f32 s22, v8  }
0x8f3: {  	v2 =	vxor.u32 $0x80000000, v2  }
0x8f4: {  	(xrf0) =	vmax.scan.msk.u32 $0xffff, v2;
	v2 =	vadd.f32 v4, v3;
	_ =	sdelay $0x1  }
0x8f5: {  	v2 =	vmul.f32 v2, v59;
	_ =	sdelay $0x1  }
0x8f6: {  	v2 =	vmin.f32 v2, $1.000000000e+00  }
0x8f7: {  	v4 =	vmul.f32 $1.290000000e+02, v2;
	_ =	sdelay $0x1  }
0x8f8: {  	v3, _, _ =	vpop (xrf0);
	v4 =	vadd.f32 $5.000000000e-01, v4  }
0x8f9: {  	v3 =	vxor.u32 $0x80000000, v3  }
0x8fa: {  	s23 =	smul.u32 $0x81, s6;
	vm12 =	vgt.s32 v3, $0x0;
	v4 =	vtrunc.f32 v4  }
0x8fb: {  	s26 =	sshll.u32 s6, $0x8;
	v3 =	vnsel vm12, $0x0, v3;
	v4 =	vcvt.f32.s32 v4  }
0x8fc: {  	v5 =	vadd.f32 s5, v5;
	s24 =	sand.u32 $0x3FFFFF00, s26;
	v7 =	vadd.s32 s23, v10;
	v8 =	vmul.f32 s31, v21  }
0x8fd: {  	[tilespmem:s24+$0x4180] =	vst v1;
	v1 =	vxor.u32 $0x80000000, v4  }
0x8fe: {  	(xrf0) =	vmax.scan.msk.u32 $0xffff, v1;
	v1 =	vadd.f32 v8, v5;
	_ =	sdelay $0x1  }
0x8ff: {  	[tilespmem:v3+s25+$0x8180] =	vst.idx.add.s32.msk $0xffff, v9;
	v1 =	vmul.f32 v1, v59  }
0x900: {  	v4 =	vld.idx.msk [tilespmem:v7+s8+$0x0], $0xffff  }
0x901: {  	s22 =	smul.u32 $0x102, s6;
	v1 =	vmin.f32 v1, $1.000000000e+00  }
0x902: {  	v5 =	vmul.f32 $1.290000000e+02, v1  }
0x903: {  	v50 =	vsub.f32 v60, v44;
	v7 =	vadd.s32 s22, v3;
	v3 =	vbroadcast v3, $0xF;
	v8, _, _ =	vpop (xrf0)  }
0x904: {  	v7 =	vadd.s32 v10, v7;
	v8 =	vxor.u32 $0x80000000, v8;
	v5 =	vadd.f32 $5.000000000e-01, v5  }
0x905: {  	v0 =	vadd.f32 s16, v0;
	v4 =	vmul.f32 v4, v50;
	vm13 =	vgt.s32 v8, v3  }
0x906: {  	v11 =	vmul.f32 s31, v23;
	v3 =	vsel vm13, v8, v3;
	v5 =	vtrunc.f32 v5  }
0x907: {  	v4 =	vadd.f32 v4, v44;
	v8 =	vadd.s32 s23, v12;
	v5 =	vcvt.f32.s32 v5;
	_ =	sdelay $0x1  }
0x908: {  	v0 =	vadd.f32 v11, v0;
	[tilespmem:v7+s15+$0x0] =	vst.idx.msk $0xffff, v4;
	v4 =	vxor.u32 $0x80000000, v5  }
0x909: {  	[tilespmem:s24+$0x4190] =	vst v2;
	(xrf0) =	vmax.scan.msk.u32 $0xffff, v4  }
0x90a: {  	v0 =	vmul.f32 v0, v59;
	[tilespmem:v3+s25+$0x8180] =	vst.idx.add.s32.msk $0xffff, v9  }
0x90b: {  	v2 =	vld.idx.msk [tilespmem:v8+s8+$0x0], $0xffff  }
0x90c: {  	v0 =	vmin.f32 v0, $1.000000000e+00  }
0x90d: {  	v4 =	vmul.f32 $1.290000000e+02, v0  }
0x90e: {  	v5 =	vadd.s32 s22, v3  }
0x90f: {  	v5 =	vadd.s32 v12, v5;
	v3 =	vbroadcast v3, $0xF;
	v4 =	vadd.f32 $5.000000000e-01, v4;
	v7, _, _ =	vpop (xrf0)  }
0x910: {  	v11 =	vmul.f32 s31, v25;
	v2 =	vmul.f32 v2, v50;
	v7 =	vxor.u32 $0x80000000, v7  }
0x911: {  	v8 =	vadd.f32 s4, v62;
	v4 =	vtrunc.f32 v4;
	vm14 =	vgt.s32 v7, v3  }
0x912: {  	v4 =	vcvt.f32.s32 v4;
	v2 =	vadd.f32 v2, v44;
	v3 =	vsel vm14, v7, v3  }
0x913: {  	v7 =	vadd.s32 s23, v14  }
0x914: {  	v4 =	vxor.u32 $0x80000000, v4;
	[tilespmem:v5+s15+$0x0] =	vst.idx.msk $0xffff, v2;
	v2 =	vadd.f32 v11, v8  }
0x915: {  	(xrf0) =	vmax.scan.msk.u32 $0xffff, v4  }
0x916: {  	[tilespmem:s24+$0x41A0] =	vst v1;
	v1 =	vmul.f32 v2, v59  }
0x917: {  	[tilespmem:v3+s25+$0x8180] =	vst.idx.add.s32.msk $0xffff, v9  }
0x918: {  	v2 =	vld.idx.msk [tilespmem:v7+s8+$0x0], $0xffff;
	v1 =	vmin.f32 v1, $1.000000000e+00  }
0x919: {  	v4 =	vmul.f32 $1.290000000e+02, v1  }
0x91a: {  	v8 =	vadd.f32 s2, v63  }
0x91b: {  	v5, _, _ =	vpop (xrf0);
	v7 =	vbroadcast v3, $0xF;
	v3 =	vadd.s32 s22, v3;
	v4 =	vadd.f32 $5.000000000e-01, v4  }
0x91c: {  	v11 =	vmul.f32 s31, v26;
	v5 =	vxor.u32 $0x80000000, v5;
	v3 =	vadd.s32 v14, v3  }
0x91d: {  	vm15 =	vgt.s32 v5, v7;
	v2 =	vmul.f32 v2, v50;
	v4 =	vtrunc.f32 v4  }
0x91e: {  	v5 =	vsel vm15, v5, v7;
	v4 =	vcvt.f32.s32 v4  }
0x91f: {  	v8 =	vadd.f32 v11, v8;
	v7 =	vadd.s32 s23, v16;
	v2 =	vadd.f32 v2, v44  }
0x920: {  	v4 =	vxor.u32 $0x80000000, v4  }
0x921: {  	[tilespmem:v3+s15+$0x0] =	vst.idx.msk $0xffff, v2;
	(xrf0) =	vmax.scan.msk.u32 $0xffff, v4;
	v2 =	vmul.f32 v8, v59  }
0x922: {  	[tilespmem:s24+$0x41B0] =	vst v0  }
0x923: {  	[tilespmem:v5+s25+$0x8180] =	vst.idx.add.s32.msk $0xffff, v9;
	v0 =	vmin.f32 v2, $1.000000000e+00  }
0x924: {  	v2 =	vld.idx.msk [tilespmem:v7+s8+$0x0], $0xffff;
	v3 =	vmul.f32 $1.290000000e+02, v0;
	_ =	sdelay $0x1  }
0x925: {  	v3 =	vadd.f32 $5.000000000e-01, v3  }
0x926: {  	v4 =	vadd.s32 s22, v5;
	v5 =	vbroadcast v5, $0xF;
	v7, _, _ =	vpop (xrf0)  }
0x927: {  	v4 =	vadd.s32 v16, v4;
	v7 =	vxor.u32 $0x80000000, v7;
	v3 =	vtrunc.f32 v3  }
0x928: {  	v2 =	vmul.f32 v2, v50;
	vm4 =	vgt.s32 v7, v5;
	v3 =	vcvt.f32.s32 v3  }
0x929: {  	v8 =	vmul.f32 s31, v41;
	v5 =	vsel vm4, v7, v5;
	v7 =	vadd.f32 s1, v57  }
0x92a: {  	v11 =	vadd.s32 s23, v18;
	v2 =	vadd.f32 v2, v44;
	v3 =	vxor.u32 $0x80000000, v3  }
0x92b: {  	(xrf0) =	vmax.scan.msk.u32 $0xffff, v3;
	v3 =	vadd.f32 v8, v7  }
0x92c: {  	[tilespmem:v4+s15+$0x0] =	vst.idx.msk $0xffff, v2  }
0x92d: {  	[tilespmem:s24+$0x41C0] =	vst v1;
	v1 =	vmul.f32 v3, v59  }
0x92e: {  	[tilespmem:v5+s25+$0x8180] =	vst.idx.add.s32.msk $0xffff, v9  }
0x92f: {  	v2 =	vld.idx.msk [tilespmem:v11+s8+$0x0], $0xffff;
	v1 =	vmin.f32 v1, $1.000000000e+00  }
0x930: {  	v3 =	vmul.f32 $1.290000000e+02, v1;
	_ =	sdelay $0x1  }
0x931: {  	v7 =	vbroadcast v5, $0xF;
	v5 =	vadd.s32 s22, v5;
	v4, _, _ =	vpop (xrf0);
	v3 =	vadd.f32 $5.000000000e-01, v3  }
0x932: {  	v8 =	vmul.f32 s31, v28;
	v5 =	vadd.s32 v18, v5;
	v4 =	vxor.u32 $0x80000000, v4  }
0x933: {  	vm5 =	vgt.s32 v4, v7;
	v2 =	vmul.f32 v2, v50;
	v3 =	vtrunc.f32 v3  }
0x934: {  	v4 =	vsel vm5, v4, v7;
	v7 =	vadd.f32 s11, v58;
	v3 =	vcvt.f32.s32 v3  }
0x935: {  	v11 =	vadd.s32 s23, v20;
	v2 =	vadd.f32 v2, v44  }
0x936: {  	v7 =	vadd.f32 v8, v7;
	v3 =	vxor.u32 $0x80000000, v3  }
0x937: {  	[tilespmem:v5+s15+$0x0] =	vst.idx.msk $0xffff, v2;
	(xrf0) =	vmax.scan.msk.u32 $0xffff, v3  }
0x938: {  	[tilespmem:s24+$0x41D0] =	vst v0;
	v0 =	vmul.f32 v7, v59  }
0x939: {  	[tilespmem:v4+s25+$0x8180] =	vst.idx.add.s32.msk $0xffff, v9  }
0x93a: {  	v2 =	vld.idx.msk [tilespmem:v11+s8+$0x0], $0xffff;
	v0 =	vmin.f32 v0, $1.000000000e+00  }
0x93b: {  	v3 =	vmul.f32 $1.290000000e+02, v0;
	_ =	sdelay $0x1  }
0x93c: {  	v5 =	vadd.s32 s22, v4;
	v4 =	vbroadcast v4, $0xF;
	v7, _, _ =	vpop (xrf0);
	v3 =	vadd.f32 $5.000000000e-01, v3  }
0x93d: {  	v5 =	vadd.s32 v20, v5;
	v7 =	vxor.u32 $0x80000000, v7  }
0x93e: {  	v2 =	vmul.f32 v2, v50;
	vm6 =	vgt.s32 v7, v4;
	v3 =	vtrunc.f32 v3  }
0x93f: {  	v4 =	vsel vm6, v7, v4;
	v3 =	vcvt.f32.s32 v3  }
0x940: {  	v7 =	vadd.s32 s23, v22;
	v2 =	vadd.f32 v2, v44  }
0x941: {  	v3 =	vxor.u32 $0x80000000, v3  }
0x942: {  	[tilespmem:v5+s15+$0x0] =	vst.idx.msk $0xffff, v2;
	(xrf0) =	vmax.scan.msk.u32 $0xffff, v3  }
0x943: {  	[tilespmem:s24+$0x41E0] =	vst v1  }
0x944: {  	[tilespmem:v4+s25+$0x8180] =	vst.idx.add.s32.msk $0xffff, v9  }
0x945: {  	v1 =	vld.idx.msk [tilespmem:v7+s8+$0x0], $0xffff;
	_ =	sdelay $0x2  }
0x946: {  	v2 =	vadd.s32 s22, v4;
	v4 =	vbroadcast v4, $0xF;
	v3, _, _ =	vpop (xrf0)  }
0x947: {  	v2 =	vadd.s32 v22, v2;
	v3 =	vxor.u32 $0x80000000, v3  }
0x948: {  	v1 =	vmul.f32 v1, v50;
	vm7 =	vgt.s32 v3, v4  }
0x949: {  	v3 =	vsel vm7, v3, v4  }
0x94a: {  	v4 =	vadd.s32 s23, v24;
	v1 =	vadd.f32 v1, v44;
	_ =	sdelay $0x1  }
0x94b: {  	[tilespmem:v2+s15+$0x0] =	vst.idx.msk $0xffff, v1  }
0x94c: {  	[tilespmem:s24+$0x41F0] =	vst v0  }
0x94d: {  	[tilespmem:v3+s25+$0x8180] =	vst.idx.add.s32.msk $0xffff, v9  }
0x94e: {  	v0 =	vld.idx.msk [tilespmem:v4+s8+$0x0], $0xffff;
	_ =	sdelay $0x2  }
0x94f: {  	v1 =	vadd.s32 s22, v3  }
0x950: {  	v1 =	vadd.s32 v24, v1  }
0x951: {  	v2 =	vmov s23;
	v0 =	vmul.f32 v0, v50;
	_ =	sdelay $0x1  }
0x952: {  	v0 =	vadd.f32 v0, v44;
	_ =	sdelay $0x1  }
0x953: {  	[tilespmem:v1+s15+$0x0] =	vst.idx.msk $0xffff, v0  }
0x954: {  	v0 =	vld.idx.msk [tilespmem:v2+s8+$0x0], $0xffff;
	_ =	sdelay $0x3  }
0x955: {  	v1 =	vmov s22  }
0x956: {  	v0 =	vmul.f32 v0, v50;
	_ =	sdelay $0x1  }
0x957: {  	v0 =	vadd.f32 v0, v44;
	_ =	sdelay $0x1  }
0x958: {  	[tilespmem:v1+s15+$0x0] =	vst.idx.msk $0x1, v0  }
0x959: {  	v0 =	vld [tilespmem:s25+$0x8180];
	_ =	sdelay $0x4  }
0x95a: {  	(xrf0) =	vadd.scan.msk.s32 $0xffff, v0;
	_ =	sdelay $0x5  }
0x95b: {  	v0, _, _ =	vpop (xrf0)  }
0x95c: {  	v1 =	vadd.s32 $0xFFFFFFFF, v0  }
0x95d: {  	vm9 =	vlt.s32 v0, $0x80;
	vm8 =	vlt.s32 v1, $0x80  }
0x95e: {  	v3 =	vnsel vm9, $0x80, v0;
	v1 =	vnsel vm8, $0x80, v1  }
0x95f: {  	v4 =	vadd.s32 $0xFFFFFFFF, v3;
	v2 =	vadd.s32 $0xFFFFFFFF, v1  }
0x960: {  	v2 =	vand.u32 $0xFF, v2;
	_ =	sdelay $0x3  }
0x961: {  	v4 =	vld.idx.msk [tilespmem:v4+s24+$0x4180], $0xffff  }
0x962: {  	v2 =	vld.idx.msk [tilespmem:v2+s24+$0x4180], $0xffff;
	_ =	sdelay $0x4  }
0x963: {  	v4 =	vsub.f32 v4, v2;
	_ =	sdelay $0x1  }
0x964: {  	v4 =	vmax.f32 v4, $9.999999910e-38  }
0x965: {  	(erf) = vrcp.f32 v4  }
0x966: {  	v3 =	vadd.s32 s23, v3;
	v4 =	vld [tilespmem:s3+$0x8180]  }
0x967: {  	v1 =	vadd.s32 s23, v1;
	_ =	sdelay $0x3  }
0x968: {  	v3 =	vld.idx.msk [tilespmem:v3+s8+$0x0], $0xffff;
	(xrf0) =	vadd.scan.msk.s32 $0xffff, v4  }
0x969: {  	v1 =	vld.idx.msk [tilespmem:v1+s8+$0x0], $0xffff  }
0x96a: {  	v2 =	vsub.f32 v29, v2  }
0x96b: {  	v4 =	vpop (erf)  }
0x96c: {  	v2 =	vmul.f32 v4, v2  }
0x96d: {  	v4 =	vbroadcast v0, $0xF  }
0x96e: {  	v3 =	vsub.f32 v3, v1;
	v5, _, _ =	vpop (xrf0);
	v2 =	vmax.f32 v2, $0.0e+00  }
0x96f: {  	v4 =	vadd.s32 v4, v5;
	v2 =	vmin.f32 v2, $1.000000000e+00  }
0x970: {  	v2 =	vmul.f32 v2, v3;
	v3 =	vadd.s32 $0xFFFFFFFF, v4  }
0x971: {  	v13 =	vlaneseq.u32;
	vm10 =	vlt.s32 v3, $0x80  }
0x972: {  	v7 =	vld [tilespmem:s25+$0x81A0];
	v1 =	vadd.f32 v2, v1;
	v2 =	vadd.s32 s22, v0;
	v3 =	vnsel vm10, $0x80, v3  }
0x973: {  	v8 =	vld [tilespmem:s25+$0x81B0];
	vm11 =	vlt.s32 v4, $0x80;
	v2 =	vadd.s32 v13, v2;
	v13 =	vadd.s32 $0xFFFFFFFF, v3  }
0x974: {  	v11 =	vld [tilespmem:s25+$0x81C0];
	v60 =	vnsel vm11, $0x80, v4;
	v1 =	vmul.f32 v1, v50;
	v13 =	vand.u32 $0xFF, v13  }
0x975: {  	v54 =	vld [tilespmem:s28+$0x81C0];
	v62 =	vadd.s32 $0xFFFFFFFF, v60  }
0x976: {  	v61 =	vld [tilespmem:s25+$0x81E0];
	v1 =	vadd.f32 v1, v44  }
0x977: {  	v63 =	vld [tilespmem:s29+$0x8180]  }
0x978: {  	v52 =	vld [tilespmem:s30+$0x8260];
	[tilespmem:v2+s15+$0x0] =	vst.idx.msk $0xffff, v1  }
0x979: {  	v1 =	vld.idx.msk [tilespmem:v13+s24+$0x4180], $0xffff  }
0x97a: {  	v2 =	vld.idx.msk [tilespmem:v62+s24+$0x4180], $0xffff;
	_ =	sdelay $0x2  }
0x97b: {  	(v2sf) =	vpush v0, $0xF  }
0x97c: {  	(v2sf) =	vpush v5, $0xF  }
0x97d: {  	v0 =	vsub.f32 v2, v1;
	_ =	sdelay $0x1  }
0x97e: {  	v0 =	vmax.f32 v0, $9.999999910e-38  }
0x97f: {  	(erf) = vrcp.f32 v0  }
0x980: {  	v2 =	vadd.s32 s23, v60  }
0x981: {  	v0 =	vadd.s32 s23, v3;
	_ =	sdelay $0x3  }
0x982: {  	(xrf0) =	vadd.scan.msk.s32 $0xffff, v7;
	v2 =	vld.idx.msk [tilespmem:v2+s8+$0x0], $0xffff  }
0x983: {  	v0 =	vld.idx.msk [tilespmem:v0+s8+$0x0], $0xffff  }
0x984: {  	v1 =	vsub.f32 v30, v1  }
0x985: {  	v3 =	vpop (erf)  }
0x986: {  	s29 =	spop (v2sf);
	v1 =	vmul.f32 v3, v1  }
0x987: {  	s30 =	spop (v2sf)  }
0x988: {  	s0 =	sadd.s32 s29, s30;
	v3, _, _ =	vpop (xrf0);
	v2 =	vsub.f32 v2, v0;
	v1 =	vmax.f32 v1, $0.0e+00  }
0x989: {  	v5 =	vadd.s32 s0, v3;
	v1 =	vmin.f32 v1, $1.000000000e+00  }
0x98a: {  	v1 =	vmul.f32 v1, v2;
	v2 =	vadd.s32 $0xFFFFFFFF, v5  }
0x98b: {  	vm12 =	vlt.s32 v2, $0x80  }
0x98c: {  	v0 =	vadd.f32 v1, v0;
	v1 =	vadd.s32 s22, v4;
	v2 =	vnsel vm12, $0x80, v2  }
0x98d: {  	vm13 =	vlt.s32 v5, $0x80;
	v1 =	vadd.s32 v31, v1;
	v4 =	vadd.s32 $0xFFFFFFFF, v2  }
0x98e: {  	v7 =	vnsel vm13, $0x80, v5;
	v0 =	vmul.f32 v0, v50;
	v4 =	vand.u32 $0xFF, v4  }
0x98f: {  	v13 =	vadd.s32 $0xFFFFFFFF, v7  }
0x990: {  	v0 =	vadd.f32 v0, v44;
	_ =	sdelay $0x1  }
0x991: {  	[tilespmem:v1+s15+$0x0] =	vst.idx.msk $0xffff, v0  }
0x992: {  	v0 =	vld.idx.msk [tilespmem:v4+s24+$0x4180], $0xffff  }
0x993: {  	v1 =	vld.idx.msk [tilespmem:v13+s24+$0x4180], $0xffff;
	_ =	sdelay $0x3  }
0x994: {  	(v2sf) =	vpush v3, $0xF  }
0x995: {  	v1 =	vsub.f32 v1, v0;
	_ =	sdelay $0x1  }
0x996: {  	v1 =	vmax.f32 v1, $9.999999910e-38  }
0x997: {  	(erf) = vrcp.f32 v1  }
0x998: {  	v1 =	vadd.s32 s23, v2  }
0x999: {  	v2 =	vadd.s32 s23, v7;
	_ =	sdelay $0x3  }
0x99a: {  	(xrf0) =	vadd.scan.msk.s32 $0xffff, v8;
	v1 =	vld.idx.msk [tilespmem:v1+s8+$0x0], $0xffff  }
0x99b: {  	v2 =	vld.idx.msk [tilespmem:v2+s8+$0x0], $0xffff  }
0x99c: {  	v0 =	vsub.f32 v32, v0  }
0x99d: {  	v3 =	vpop (erf)  }
0x99e: {  	v0 =	vmul.f32 v3, v0  }
0x99f: {  	s31 =	spop (v2sf)  }
0x9a0: {  	s0 =	sadd.s32 s31, s0;
	v3, _, _ =	vpop (xrf0);
	v2 =	vsub.f32 v2, v1;
	v0 =	vmax.f32 v0, $0.0e+00  }
0x9a1: {  	v4 =	vadd.s32 s0, v3;
	v0 =	vmin.f32 v0, $1.000000000e+00  }
0x9a2: {  	v0 =	vmul.f32 v0, v2;
	v2 =	vadd.s32 $0xFFFFFFFF, v4  }
0x9a3: {  	vm14 =	vlt.s32 v2, $0x80  }
0x9a4: {  	v0 =	vadd.f32 v0, v1;
	v1 =	vadd.s32 s22, v5;
	v2 =	vnsel vm14, $0x80, v2  }
0x9a5: {  	vm15 =	vlt.s32 v4, $0x80;
	v1 =	vadd.s32 v33, v1;
	v5 =	vadd.s32 $0xFFFFFFFF, v2  }
0x9a6: {  	v7 =	vnsel vm15, $0x80, v4;
	v0 =	vmul.f32 v0, v50;
	v5 =	vand.u32 $0xFF, v5  }
0x9a7: {  	v8 =	vadd.s32 $0xFFFFFFFF, v7  }
0x9a8: {  	v0 =	vadd.f32 v0, v44;
	_ =	sdelay $0x1  }
0x9a9: {  	[tilespmem:v1+s15+$0x0] =	vst.idx.msk $0xffff, v0  }
0x9aa: {  	v0 =	vld.idx.msk [tilespmem:v5+s24+$0x4180], $0xffff  }
0x9ab: {  	v1 =	vld.idx.msk [tilespmem:v8+s24+$0x4180], $0xffff;
	_ =	sdelay $0x3  }
0x9ac: {  	(v2sf) =	vpush v3, $0xF  }
0x9ad: {  	v1 =	vsub.f32 v1, v0;
	_ =	sdelay $0x1  }
0x9ae: {  	v1 =	vmax.f32 v1, $9.999999910e-38  }
0x9af: {  	(erf) = vrcp.f32 v1  }
0x9b0: {  	v1 =	vadd.s32 s23, v2  }
0x9b1: {  	v2 =	vadd.s32 s23, v7;
	_ =	sdelay $0x3  }
0x9b2: {  	(xrf0) =	vadd.scan.msk.s32 $0xffff, v11;
	v1 =	vld.idx.msk [tilespmem:v1+s8+$0x0], $0xffff  }
0x9b3: {  	v2 =	vld.idx.msk [tilespmem:v2+s8+$0x0], $0xffff  }
0x9b4: {  	v0 =	vsub.f32 v34, v0  }
0x9b5: {  	v3 =	vpop (erf)  }
0x9b6: {  	v0 =	vmul.f32 v3, v0  }
0x9b7: {  	s2 =	spop (v2sf)  }
0x9b8: {  	s0 =	sadd.s32 s2, s0;
	v3, _, _ =	vpop (xrf0);
	v2 =	vsub.f32 v2, v1;
	v0 =	vmax.f32 v0, $0.0e+00  }
0x9b9: {  	v5 =	vadd.s32 s0, v3;
	v0 =	vmin.f32 v0, $1.000000000e+00  }
0x9ba: {  	v0 =	vmul.f32 v0, v2;
	v2 =	vadd.s32 $0xFFFFFFFF, v5  }
0x9bb: {  	vm4 =	vlt.s32 v2, $0x80  }
0x9bc: {  	v0 =	vadd.f32 v0, v1;
	v1 =	vadd.s32 s22, v4;
	v2 =	vnsel vm4, $0x80, v2  }
0x9bd: {  	vm5 =	vlt.s32 v5, $0x80;
	v1 =	vadd.s32 v35, v1;
	v4 =	vadd.s32 $0xFFFFFFFF, v2  }
0x9be: {  	v7 =	vnsel vm5, $0x80, v5;
	v0 =	vmul.f32 v0, v50;
	v4 =	vand.u32 $0xFF, v4  }
0x9bf: {  	v8 =	vadd.s32 $0xFFFFFFFF, v7  }
0x9c0: {  	v0 =	vadd.f32 v0, v44;
	_ =	sdelay $0x1  }
0x9c1: {  	[tilespmem:v1+s15+$0x0] =	vst.idx.msk $0xffff, v0  }
0x9c2: {  	v0 =	vld.idx.msk [tilespmem:v4+s24+$0x4180], $0xffff  }
0x9c3: {  	v1 =	vld.idx.msk [tilespmem:v8+s24+$0x4180], $0xffff;
	_ =	sdelay $0x3  }
0x9c4: {  	(v2sf) =	vpush v3, $0xF  }
0x9c5: {  	v1 =	vsub.f32 v1, v0;
	_ =	sdelay $0x1  }
0x9c6: {  	v1 =	vmax.f32 v1, $9.999999910e-38  }
0x9c7: {  	(erf) = vrcp.f32 v1  }
0x9c8: {  	v1 =	vadd.s32 s23, v2  }
0x9c9: {  	v2 =	vadd.s32 s23, v7;
	_ =	sdelay $0x3  }
0x9ca: {  	(xrf0) =	vadd.scan.msk.s32 $0xffff, v54;
	v1 =	vld.idx.msk [tilespmem:v1+s8+$0x0], $0xffff  }
0x9cb: {  	v2 =	vld.idx.msk [tilespmem:v2+s8+$0x0], $0xffff  }
0x9cc: {  	v0 =	vsub.f32 v36, v0  }
0x9cd: {  	v3 =	vpop (erf)  }
0x9ce: {  	v0 =	vmul.f32 v3, v0  }
0x9cf: {  	s3 =	spop (v2sf)  }
0x9d0: {  	s0 =	sadd.s32 s3, s0;
	v3, _, _ =	vpop (xrf0);
	v2 =	vsub.f32 v2, v1;
	v0 =	vmax.f32 v0, $0.0e+00  }
0x9d1: {  	v4 =	vadd.s32 s0, v3;
	v0 =	vmin.f32 v0, $1.000000000e+00  }
0x9d2: {  	v0 =	vmul.f32 v0, v2;
	v2 =	vadd.s32 $0xFFFFFFFF, v4  }
0x9d3: {  	vm6 =	vlt.s32 v2, $0x80  }
0x9d4: {  	v0 =	vadd.f32 v0, v1;
	v1 =	vadd.s32 s22, v5;
	v2 =	vnsel vm6, $0x80, v2  }
0x9d5: {  	vm7 =	vlt.s32 v4, $0x80;
	v1 =	vadd.s32 v39, v1;
	v5 =	vadd.s32 $0xFFFFFFFF, v2  }
0x9d6: {  	v7 =	vnsel vm7, $0x80, v4;
	v0 =	vmul.f32 v0, v50;
	v5 =	vand.u32 $0xFF, v5  }
0x9d7: {  	v8 =	vadd.s32 $0xFFFFFFFF, v7  }
0x9d8: {  	v0 =	vadd.f32 v0, v44;
	_ =	sdelay $0x1  }
0x9d9: {  	[tilespmem:v1+s15+$0x0] =	vst.idx.msk $0xffff, v0  }
0x9da: {  	v0 =	vld.idx.msk [tilespmem:v5+s24+$0x4180], $0xffff  }
0x9db: {  	v1 =	vld.idx.msk [tilespmem:v8+s24+$0x4180], $0xffff;
	_ =	sdelay $0x4  }
0x9dc: {  	v1 =	vsub.f32 v1, v0;
	_ =	sdelay $0x1  }
0x9dd: {  	v1 =	vmax.f32 v1, $9.999999910e-38  }
0x9de: {  	(v2sf) =	vpush v3, $0xF;
	(erf) = vrcp.f32 v1  }
0x9df: {  	v1 =	vadd.s32 s23, v2  }
0x9e0: {  	v2 =	vadd.s32 s23, v7;
	_ =	sdelay $0x3  }
0x9e1: {  	v1 =	vld.idx.msk [tilespmem:v1+s8+$0x0], $0xffff  }
0x9e2: {  	v2 =	vld.idx.msk [tilespmem:v2+s8+$0x0], $0xffff  }
0x9e3: {  	v0 =	vsub.f32 v38, v0  }
0x9e4: {  	v3 =	vpop (erf)  }
0x9e5: {  	(xrf0) =	vadd.scan.msk.s32 $0xffff, v61;
	v0 =	vmul.f32 v3, v0;
	_ =	sdelay $0x1  }
0x9e6: {  	v2 =	vsub.f32 v2, v1;
	v0 =	vmax.f32 v0, $0.0e+00  }
0x9e7: {  	v0 =	vmin.f32 v0, $1.000000000e+00  }
0x9e8: {  	v0 =	vmul.f32 v0, v2  }
0x9e9: {  	s4 =	spop (v2sf)  }
0x9ea: {  	s0 =	sadd.s32 s4, s0;
	v3, _, _ =	vpop (xrf0);
	v0 =	vadd.f32 v0, v1;
	v1 =	vadd.s32 s22, v4;
	v4 =	vld [tilespmem:$0x1FFC0]  }
0x9eb: {  	v5 =	vadd.s32 s0, v3  }
0x9ec: {  	v2 =	vadd.s32 $0xFFFFFFFF, v5  }
0x9ed: {  	vm8 =	vlt.s32 v2, $0x80  }
0x9ee: {  	v2 =	vnsel vm8, $0x80, v2  }
0x9ef: {  	vm9 =	vlt.s32 v5, $0x80;
	v1 =	vadd.s32 v4, v1;
	v4 =	vadd.s32 $0xFFFFFFFF, v2  }
0x9f0: {  	v7 =	vnsel vm9, $0x80, v5;
	v0 =	vmul.f32 v0, v50;
	v4 =	vand.u32 $0xFF, v4  }
0x9f1: {  	v8 =	vadd.s32 $0xFFFFFFFF, v7  }
0x9f2: {  	v0 =	vadd.f32 v0, v44;
	_ =	sdelay $0x1  }
0x9f3: {  	[tilespmem:v1+s15+$0x0] =	vst.idx.msk $0xffff, v0  }
0x9f4: {  	v0 =	vld.idx.msk [tilespmem:v4+s24+$0x4180], $0xffff  }
0x9f5: {  	v1 =	vld.idx.msk [tilespmem:v8+s24+$0x4180], $0xffff;
	_ =	sdelay $0x1  }
0x9f6: {  	s3 =	sor.u32 $0x7, s19  }
0x9f7: {  	v4 =	vmov s3  }
0x9f8: {  	(v2sf) =	vpush v3, $0xF  }
0x9f9: {  	v1 =	vsub.f32 v1, v0;
	_ =	sdelay $0x1  }
0x9fa: {  	s28 =	smul.u32 $0x90, s3;
	v1 =	vmax.f32 v1, $9.999999910e-38  }
0x9fb: {  	v51 =	vld.idx.msk [tilespmem:v4+s9+$0x0], $0xffff;
	(erf) = vrcp.f32 v1  }
0x9fc: {  	v57 =	vld.idx.msk [tilespmem:v4+s13+$0x0], $0xffff;
	[tilespmem:s28+$0x8180] =	vst v27;
	v1 =	vadd.s32 s23, v2  }
0x9fd: {  	[tilespmem:s28+$0x8190] =	vst v6;
	v2 =	vadd.s32 s23, v7  }
0x9fe: {  	[tilespmem:s28+$0x81A0] =	vst v6  }
0x9ff: {  	[tilespmem:s28+$0x81B0] =	vst v6  }
0xa00: {  	[tilespmem:s28+$0x81C0] =	vst v6  }
0xa01: {  	(xrf0) =	vadd.scan.msk.s32 $0xffff, v63;
	[tilespmem:s28+$0x81D0] =	vst v6;
	v1 =	vld.idx.msk [tilespmem:v1+s8+$0x0], $0xffff  }
0xa02: {  	[tilespmem:s28+$0x81E0] =	vst v6;
	v2 =	vld.idx.msk [tilespmem:v2+s8+$0x0], $0xffff  }
0xa03: {  	s5 =	sshll.u32 s3, $0x7;
	s29 =	sand.u32 $0x3F80, s28;
	v0 =	vsub.f32 v40, v0;
	[tilespmem:s28+$0x81F0] =	vst v6  }
0xa04: {  	s1 =	sand.u32 $0x3FFFFF80, s5;
	[tilespmem:s29+$0x8270] =	vst v6;
	v3 =	vpop (erf)  }
0xa05: {  	v0 =	vmul.f32 v3, v0;
	v3 =	vld [tilespmem:s1+$0x0]  }
0xa06: {  	v13 =	vld [tilespmem:$0x1FFD0];
	s6 =	spop (v2sf)  }
0xa07: {  	s0 =	sadd.s32 s6, s0;
	v4, _, _ =	vpop (xrf0);
	v7 =	vld [tilespmem:s1+$0x10];
	v2 =	vsub.f32 v2, v1;
	v0 =	vmax.f32 v0, $0.0e+00  }
0xa08: {  	v8 =	vadd.s32 s0, v4;
	v0 =	vmin.f32 v0, $1.000000000e+00  }
0xa09: {  	v11 =	vld [tilespmem:s1+$0x20];
	v0 =	vmul.f32 v0, v2;
	v2 =	vadd.s32 $0xFFFFFFFF, v8  }
0xa0a: {  	vm10 =	vlt.s32 v2, $0x80;
	v3 =	vadd.f32 $9.999999770e-03, v3  }
0xa0b: {  	v0 =	vadd.f32 v0, v1;
	v1 =	vadd.s32 s22, v5;
	v2 =	vnsel vm10, $0x80, v2;
	v5 =	vld [tilespmem:s1+$0x30]  }
0xa0c: {  	v7 =	vadd.f32 $9.999999770e-03, v7;
	v1 =	vadd.s32 v13, v1;
	v13 =	vadd.s32 $0xFFFFFFFF, v2;
	(xrf2) =	vadd.scan.msk.f32 $0xffff, v3  }
0xa0d: {  	vm11 =	vlt.s32 v8, $0x80;
	v0 =	vmul.f32 v0, v50;
	v3 =	vand.u32 $0xFF, v13;
	v13 =	vld [tilespmem:s1+$0x40]  }
0xa0e: {  	v59 =	vnsel vm11, $0x80, v8;
	v11 =	vadd.f32 $9.999999770e-03, v11;
	(xrf2) =	vadd.scan.msk.f32 $0xffff, v7  }
0xa0f: {  	v63 =	vld [tilespmem:s1+$0x50];
	v7 =	vadd.s32 $0xFFFFFFFF, v59;
	v0 =	vadd.f32 v0, v44  }
0xa10: {  	(xrf2) =	vadd.scan.msk.f32 $0xffff, v11;
	v5 =	vadd.f32 $9.999999770e-03, v5  }
0xa11: {  	[tilespmem:v1+s15+$0x0] =	vst.idx.msk $0xffff, v0;
	v0 =	vld [tilespmem:s1+$0x60]  }
0xa12: {  	v1 =	vld.idx.msk [tilespmem:v3+s24+$0x4180], $0xffff;
	v3 =	vadd.f32 $9.999999770e-03, v13;
	(xrf2) =	vadd.scan.msk.f32 $0xffff, v5  }
0xa13: {  	v5 =	vld [tilespmem:s1+$0x70]  }
0xa14: {  	v11 =	vadd.f32 $9.999999770e-03, v63;
	v7 =	vld.idx.msk [tilespmem:v7+s24+$0x4180], $0xffff;
	(xrf2) =	vadd.scan.msk.f32 $0xffff, v3;
	_ =	sdelay $0x1  }
0xa15: {  	(v2sf) =	vpush v4, $0xF;
	v0 =	vadd.f32 $9.999999770e-03, v0;
	v3, _, _ =	vpop (xrf2);
	(xrf2) =	vadd.scan.msk.f32 $0xffff, v11  }
0xa16: {  	(v2sf) =	vpush v3, $0xF  }
0xa17: {  	v4 =	vadd.f32 $9.999999770e-03, v5;
	v5, _, _ =	vpop (xrf2);
	(xrf2) =	vadd.scan.msk.f32 $0xffff, v0  }
0xa18: {  	v0 =	vsub.f32 v7, v1;
	(v2sf) =	vpush v5, $0xF  }
0xa19: {  	v7, _, _ =	vpop (xrf2);
	(xrf2) =	vadd.scan.msk.f32 $0xffff, v4  }
0xa1a: {  	(v2sf) =	vpush v7, $0xF;
	v0 =	vmax.f32 v0, $9.999999910e-38  }
0xa1b: {  	(erf) = vrcp.f32 v0;
	v4, _, _ =	vpop (xrf2)  }
0xa1c: {  	v0 =	vadd.s32 s23, v2;
	(v2sf) =	vpush v4, $0xF  }
0xa1d: {  	v2 =	vadd.s32 s23, v59;
	v62, _, _ =	vpop (xrf2)  }
0xa1e: {  	v11 =	vld [tilespmem:$0x1FFF0];
	(v2sf) =	vpush v62, $0xF  }
0xa1f: {  	v60, _, _ =	vpop (xrf2)  }
0xa20: {  	(v2sf) =	vpush v60, $0xF  }
0xa21: {  	(xrf0) =	vadd.scan.msk.s32 $0xffff, v52;
	v0 =	vld.idx.msk [tilespmem:v0+s8+$0x0], $0xffff;
	v59, _, _ =	vpop (xrf2)  }
0xa22: {  	v2 =	vld.idx.msk [tilespmem:v2+s8+$0x0], $0xffff;
	(v2sf) =	vpush v59, $0xF  }
0xa23: {  	v1 =	vsub.f32 v11, v1;
	v58, _, _ =	vpop (xrf2)  }
0xa24: {  	s11 =	spop (v2sf);
	v11 =	vpop (erf);
	(v2sf) =	vpush v58, $0xF  }
0xa25: {  	v1 =	vmul.f32 v11, v1;
	s16 =	spop (v2sf)  }
0xa26: {  	s16 =	sadd.f32 $0.0e+00, s16  }
0xa27: {  	s0 =	sadd.s32 s11, s0;
	v11, _, _ =	vpop (xrf0);
	v2 =	vsub.f32 v2, v0;
	s25 =	spop (v2sf);
	v1 =	vmax.f32 v1, $0.0e+00  }
0xa28: {  	v52 =	vadd.s32 s0, v11;
	v1 =	vmin.f32 v1, $1.000000000e+00;
	s5 =	sadd.f32 s25, s16  }
0xa29: {  	s26 =	spop (v2sf);
	v1 =	vmul.f32 v1, v2;
	v2 =	vadd.s32 $0xFFFFFFFF, v52  }
0xa2a: {  	vm12 =	vlt.s32 v2, $0x80;
	s11 =	sadd.f32 s26, s5  }
0xa2b: {  	v0 =	vadd.f32 v1, v0;
	v1 =	vadd.s32 s22, v8;
	v53 =	vnsel vm12, $0x80, v2;
	s30 =	spop (v2sf)  }
0xa2c: {  	vm13 =	vlt.s32 v52, $0x80;
	v1 =	vadd.s32 v37, v1;
	v2 =	vadd.s32 $0xFFFFFFFF, v53;
	s4 =	sadd.f32 s30, s11  }
0xa2d: {  	v55 =	vnsel vm13, $0x80, v52;
	v0 =	vmul.f32 v0, v50;
	v2 =	vand.u32 $0xFF, v2;
	s31 =	spop (v2sf)  }
0xa2e: {  	v8 =	vadd.s32 $0xFFFFFFFF, v55;
	s2 =	sadd.f32 s31, s4  }
0xa2f: {  	v0 =	vadd.f32 v0, v44;
	s1 =	spop (v2sf)  }
0xa30: {  	s1 =	sadd.f32 s1, s2  }
0xa31: {  	[tilespmem:v1+s15+$0x0] =	vst.idx.msk $0xffff, v0;
	s6 =	spop (v2sf)  }
0xa32: {  	v54 =	vld.idx.msk [tilespmem:v2+s24+$0x4180], $0xffff;
	s6 =	sadd.f32 s6, s1  }
0xa33: {  	v0 =	vld.idx.msk [tilespmem:v8+s24+$0x4180], $0xffff;
	s24 =	spop (v2sf)  }
0xa34: {  	s0 =	sadd.f32 s24, s6;
	_ =	sdelay $0x1  }
0xa35: {  	s25 =	ssub.f32 $9.999999740e-06, s0;
	_ =	sdelay $0x1  }
0xa36: {  	v0 =	vsub.f32 v0, v54;
	s24 =	smax.f32 s25, $0.0e+00  }
0xa37: {  	s0 =	sadd.f32 s24, s0  }
0xa38: {  	v0 =	vmax.f32 v0, $9.999999910e-38  }
0xa39: {  	(erf) = vrcp.f32 v0;
	v0 =	vmov s0  }
0xa3a: {  	(erf) = vrcp.f32 v0;
	_ =	sdelay $0x3  }
0xa3b: {  	s26 =	smul.f32 $7.812500000e-03, s24;
	_ =	sdelay $0x1  }
0xa3c: {  	v1 =	vmul.f32 s26, v17;
	v0 =	vadd.f32 $0.0e+00, v3;
	_ =	sdelay $0x1  }
0xa3d: {  	v0 =	vadd.f32 v1, v0;
	v56 =	vpop (erf)  }
0xa3e: {  	v61 =	vpop (erf)  }
0xa3f: {  	v0 =	vmul.f32 v0, v61;
	_ =	sdelay $0x1  }
0xa40: {  	v0 =	vmin.f32 v0, $1.000000000e+00  }
0xa41: {  	v1 =	vmul.f32 $1.290000000e+02, v0;
	_ =	sdelay $0x1  }
0xa42: {  	v1 =	vadd.f32 $5.000000000e-01, v1;
	_ =	sdelay $0x1  }
0xa43: {  	v1 =	vtrunc.f32 v1  }
0xa44: {  	v1 =	vcvt.f32.s32 v1  }
0xa45: {  	v2 =	vadd.f32 s16, v5;
	v3 =	vmul.f32 s26, v19  }
0xa46: {  	v1 =	vxor.u32 $0x80000000, v1  }
0xa47: {  	(xrf0) =	vmax.scan.msk.u32 $0xffff, v1;
	v1 =	vadd.f32 v3, v2;
	_ =	sdelay $0x1  }
0xa48: {  	v1 =	vmul.f32 v1, v61;
	_ =	sdelay $0x1  }
0xa49: {  	v1 =	vmin.f32 v1, $1.000000000e+00  }
0xa4a: {  	v3 =	vmul.f32 $1.290000000e+02, v1;
	_ =	sdelay $0x1  }
0xa4b: {  	v2, _, _ =	vpop (xrf0);
	v3 =	vadd.f32 $5.000000000e-01, v3  }
0xa4c: {  	v2 =	vxor.u32 $0x80000000, v2  }
0xa4d: {  	s24 =	smul.u32 $0x81, s3;
	vm14 =	vgt.s32 v2, $0x0;
	v3 =	vtrunc.f32 v3  }
0xa4e: {  	s30 =	sshll.u32 s3, $0x8;
	v2 =	vnsel vm14, $0x0, v2;
	v3 =	vcvt.f32.s32 v3  }
0xa4f: {  	v7 =	vadd.f32 s5, v7;
	s31 =	sand.u32 $0x3FFFFF00, s30;
	v5 =	vadd.s32 s24, v10;
	v8 =	vmul.f32 s26, v21  }
0xa50: {  	[tilespmem:s31+$0x4180] =	vst v0;
	v0 =	vxor.u32 $0x80000000, v3  }
0xa51: {  	(xrf0) =	vmax.scan.msk.u32 $0xffff, v0;
	v0 =	vadd.f32 v8, v7;
	_ =	sdelay $0x1  }
0xa52: {  	[tilespmem:v2+s28+$0x8180] =	vst.idx.add.s32.msk $0xffff, v9;
	v0 =	vmul.f32 v0, v61  }
0xa53: {  	v3 =	vld.idx.msk [tilespmem:v5+s8+$0x0], $0xffff  }
0xa54: {  	s3 =	smul.u32 $0x102, s3;
	v0 =	vmin.f32 v0, $1.000000000e+00  }
0xa55: {  	v5 =	vmul.f32 $1.290000000e+02, v0  }
0xa56: {  	v57 =	vsub.f32 v57, v51;
	v7 =	vadd.s32 s3, v2;
	v2 =	vbroadcast v2, $0xF;
	v8, _, _ =	vpop (xrf0)  }
0xa57: {  	v7 =	vadd.s32 v10, v7;
	v8 =	vxor.u32 $0x80000000, v8;
	v5 =	vadd.f32 $5.000000000e-01, v5  }
0xa58: {  	v4 =	vadd.f32 s11, v4;
	v3 =	vmul.f32 v3, v57;
	vm15 =	vgt.s32 v8, v2  }
0xa59: {  	v11 =	vmul.f32 s26, v23;
	v2 =	vsel vm15, v8, v2;
	v5 =	vtrunc.f32 v5  }
0xa5a: {  	v3 =	vadd.f32 v3, v51;
	v8 =	vadd.s32 s24, v12;
	v5 =	vcvt.f32.s32 v5;
	_ =	sdelay $0x1  }
0xa5b: {  	v4 =	vadd.f32 v11, v4;
	[tilespmem:v7+s15+$0x0] =	vst.idx.msk $0xffff, v3;
	v3 =	vxor.u32 $0x80000000, v5  }
0xa5c: {  	[tilespmem:s31+$0x4190] =	vst v1;
	(xrf0) =	vmax.scan.msk.u32 $0xffff, v3  }
0xa5d: {  	v1 =	vmul.f32 v4, v61;
	[tilespmem:v2+s28+$0x8180] =	vst.idx.add.s32.msk $0xffff, v9  }
0xa5e: {  	v3 =	vld.idx.msk [tilespmem:v8+s8+$0x0], $0xffff  }
0xa5f: {  	v1 =	vmin.f32 v1, $1.000000000e+00  }
0xa60: {  	v4 =	vmul.f32 $1.290000000e+02, v1  }
0xa61: {  	v5 =	vadd.s32 s3, v2  }
0xa62: {  	v5 =	vadd.s32 v12, v5;
	v2 =	vbroadcast v2, $0xF;
	v4 =	vadd.f32 $5.000000000e-01, v4;
	v7, _, _ =	vpop (xrf0)  }
0xa63: {  	v11 =	vmul.f32 s26, v25;
	v3 =	vmul.f32 v3, v57;
	v7 =	vxor.u32 $0x80000000, v7  }
0xa64: {  	v8 =	vadd.f32 s4, v62;
	v4 =	vtrunc.f32 v4;
	vm4 =	vgt.s32 v7, v2  }
0xa65: {  	v4 =	vcvt.f32.s32 v4;
	v3 =	vadd.f32 v3, v51;
	v2 =	vsel vm4, v7, v2  }
0xa66: {  	v7 =	vadd.s32 s24, v14  }
0xa67: {  	v4 =	vxor.u32 $0x80000000, v4;
	[tilespmem:v5+s15+$0x0] =	vst.idx.msk $0xffff, v3;
	v3 =	vadd.f32 v11, v8  }
0xa68: {  	(xrf0) =	vmax.scan.msk.u32 $0xffff, v4  }
0xa69: {  	[tilespmem:s31+$0x41A0] =	vst v0;
	v0 =	vmul.f32 v3, v61  }
0xa6a: {  	[tilespmem:v2+s28+$0x8180] =	vst.idx.add.s32.msk $0xffff, v9  }
0xa6b: {  	v3 =	vld.idx.msk [tilespmem:v7+s8+$0x0], $0xffff;
	v0 =	vmin.f32 v0, $1.000000000e+00  }
0xa6c: {  	v4 =	vmul.f32 $1.290000000e+02, v0  }
0xa6d: {  	v8 =	vadd.f32 s2, v60  }
0xa6e: {  	v7 =	vbroadcast v2, $0xF;
	v2 =	vadd.s32 s3, v2;
	v5, _, _ =	vpop (xrf0);
	v4 =	vadd.f32 $5.000000000e-01, v4  }
0xa6f: {  	v11 =	vmul.f32 s26, v26;
	v2 =	vadd.s32 v14, v2;
	v5 =	vxor.u32 $0x80000000, v5  }
0xa70: {  	vm5 =	vgt.s32 v5, v7;
	v3 =	vmul.f32 v3, v57;
	v4 =	vtrunc.f32 v4  }
0xa71: {  	v5 =	vsel vm5, v5, v7;
	v4 =	vcvt.f32.s32 v4  }
0xa72: {  	v8 =	vadd.f32 v11, v8;
	v7 =	vadd.s32 s24, v16;
	v3 =	vadd.f32 v3, v51  }
0xa73: {  	v4 =	vxor.u32 $0x80000000, v4  }
0xa74: {  	[tilespmem:v2+s15+$0x0] =	vst.idx.msk $0xffff, v3;
	(xrf0) =	vmax.scan.msk.u32 $0xffff, v4;
	v2 =	vmul.f32 v8, v61  }
0xa75: {  	[tilespmem:s31+$0x41B0] =	vst v1  }
0xa76: {  	[tilespmem:v5+s28+$0x8180] =	vst.idx.add.s32.msk $0xffff, v9;
	v1 =	vmin.f32 v2, $1.000000000e+00  }
0xa77: {  	v2 =	vld.idx.msk [tilespmem:v7+s8+$0x0], $0xffff;
	v3 =	vmul.f32 $1.290000000e+02, v1;
	_ =	sdelay $0x1  }
0xa78: {  	v3 =	vadd.f32 $5.000000000e-01, v3  }
0xa79: {  	v4 =	vadd.s32 s3, v5;
	v5 =	vbroadcast v5, $0xF;
	v7, _, _ =	vpop (xrf0)  }
0xa7a: {  	v4 =	vadd.s32 v16, v4;
	v7 =	vxor.u32 $0x80000000, v7;
	v3 =	vtrunc.f32 v3  }
0xa7b: {  	v2 =	vmul.f32 v2, v57;
	vm6 =	vgt.s32 v7, v5;
	v3 =	vcvt.f32.s32 v3  }
0xa7c: {  	v8 =	vmul.f32 s26, v41;
	v5 =	vsel vm6, v7, v5;
	v7 =	vadd.f32 s1, v59  }
0xa7d: {  	v11 =	vadd.s32 s24, v18;
	v2 =	vadd.f32 v2, v51;
	v3 =	vxor.u32 $0x80000000, v3  }
0xa7e: {  	(xrf0) =	vmax.scan.msk.u32 $0xffff, v3;
	v3 =	vadd.f32 v8, v7  }
0xa7f: {  	[tilespmem:v4+s15+$0x0] =	vst.idx.msk $0xffff, v2  }
0xa80: {  	[tilespmem:s31+$0x41C0] =	vst v0;
	v0 =	vmul.f32 v3, v61  }
0xa81: {  	[tilespmem:v5+s28+$0x8180] =	vst.idx.add.s32.msk $0xffff, v9  }
0xa82: {  	v2 =	vld.idx.msk [tilespmem:v11+s8+$0x0], $0xffff;
	v0 =	vmin.f32 v0, $1.000000000e+00  }
0xa83: {  	v3 =	vmul.f32 $1.290000000e+02, v0;
	_ =	sdelay $0x1  }
0xa84: {  	v7 =	vbroadcast v5, $0xF;
	v5 =	vadd.s32 s3, v5;
	v4, _, _ =	vpop (xrf0);
	v3 =	vadd.f32 $5.000000000e-01, v3  }
0xa85: {  	v8 =	vmul.f32 s26, v28;
	v5 =	vadd.s32 v18, v5;
	v4 =	vxor.u32 $0x80000000, v4  }
0xa86: {  	vm7 =	vgt.s32 v4, v7;
	v2 =	vmul.f32 v2, v57;
	v3 =	vtrunc.f32 v3  }
0xa87: {  	v4 =	vsel vm7, v4, v7;
	v7 =	vadd.f32 s6, v58;
	v3 =	vcvt.f32.s32 v3  }
0xa88: {  	v11 =	vadd.s32 s24, v20;
	v2 =	vadd.f32 v2, v51  }
0xa89: {  	v7 =	vadd.f32 v8, v7;
	v3 =	vxor.u32 $0x80000000, v3  }
0xa8a: {  	[tilespmem:v5+s15+$0x0] =	vst.idx.msk $0xffff, v2;
	(xrf0) =	vmax.scan.msk.u32 $0xffff, v3  }
0xa8b: {  	[tilespmem:s31+$0x41D0] =	vst v1;
	v1 =	vmul.f32 v7, v61  }
0xa8c: {  	[tilespmem:v4+s28+$0x8180] =	vst.idx.add.s32.msk $0xffff, v9  }
0xa8d: {  	v2 =	vld.idx.msk [tilespmem:v11+s8+$0x0], $0xffff;
	v1 =	vmin.f32 v1, $1.000000000e+00  }
0xa8e: {  	v3 =	vmul.f32 $1.290000000e+02, v1;
	_ =	sdelay $0x1  }
0xa8f: {  	v5 =	vadd.s32 s3, v4;
	v4 =	vbroadcast v4, $0xF;
	v7, _, _ =	vpop (xrf0);
	v3 =	vadd.f32 $5.000000000e-01, v3  }
0xa90: {  	v5 =	vadd.s32 v20, v5;
	v7 =	vxor.u32 $0x80000000, v7  }
0xa91: {  	v2 =	vmul.f32 v2, v57;
	vm8 =	vgt.s32 v7, v4;
	v3 =	vtrunc.f32 v3  }
0xa92: {  	v4 =	vsel vm8, v7, v4;
	v3 =	vcvt.f32.s32 v3  }
0xa93: {  	v7 =	vadd.s32 s24, v22;
	v2 =	vadd.f32 v2, v51  }
0xa94: {  	v3 =	vxor.u32 $0x80000000, v3  }
0xa95: {  	[tilespmem:v5+s15+$0x0] =	vst.idx.msk $0xffff, v2;
	(xrf0) =	vmax.scan.msk.u32 $0xffff, v3  }
0xa96: {  	[tilespmem:s31+$0x41E0] =	vst v0  }
0xa97: {  	[tilespmem:v4+s28+$0x8180] =	vst.idx.add.s32.msk $0xffff, v9  }
0xa98: {  	v0 =	vld.idx.msk [tilespmem:v7+s8+$0x0], $0xffff;
	_ =	sdelay $0x2  }
0xa99: {  	v2 =	vadd.s32 s3, v4;
	v4 =	vbroadcast v4, $0xF;
	v3, _, _ =	vpop (xrf0)  }
0xa9a: {  	v2 =	vadd.s32 v22, v2;
	v3 =	vxor.u32 $0x80000000, v3  }
0xa9b: {  	v0 =	vmul.f32 v0, v57;
	vm9 =	vgt.s32 v3, v4  }
0xa9c: {  	v3 =	vsel vm9, v3, v4  }
0xa9d: {  	v4 =	vadd.s32 s24, v24;
	v0 =	vadd.f32 v0, v51;
	_ =	sdelay $0x1  }
0xa9e: {  	[tilespmem:v2+s15+$0x0] =	vst.idx.msk $0xffff, v0  }
0xa9f: {  	[tilespmem:s31+$0x41F0] =	vst v1  }
0xaa0: {  	[tilespmem:v3+s28+$0x8180] =	vst.idx.add.s32.msk $0xffff, v9  }
0xaa1: {  	v0 =	vld.idx.msk [tilespmem:v4+s8+$0x0], $0xffff;
	_ =	sdelay $0x2  }
0xaa2: {  	v1 =	vadd.s32 s3, v3  }
0xaa3: {  	v1 =	vadd.s32 v24, v1  }
0xaa4: {  	v2 =	vmov s24;
	v0 =	vmul.f32 v0, v57;
	_ =	sdelay $0x1  }
0xaa5: {  	v0 =	vadd.f32 v0, v51;
	_ =	sdelay $0x1  }
0xaa6: {  	[tilespmem:v1+s15+$0x0] =	vst.idx.msk $0xffff, v0  }
0xaa7: {  	v0 =	vld.idx.msk [tilespmem:v2+s8+$0x0], $0xffff;
	_ =	sdelay $0x3  }
0xaa8: {  	v1 =	vmov s3  }
0xaa9: {  	v0 =	vmul.f32 v0, v57;
	_ =	sdelay $0x1  }
0xaaa: {  	v0 =	vadd.f32 v0, v51;
	_ =	sdelay $0x1  }
0xaab: {  	[tilespmem:v1+s15+$0x0] =	vst.idx.msk $0x1, v0  }
0xaac: {  	v0 =	vld [tilespmem:s28+$0x8180];
	_ =	sdelay $0x4  }
0xaad: {  	(xrf0) =	vadd.scan.msk.s32 $0xffff, v0;
	_ =	sdelay $0x5  }
0xaae: {  	v0, _, _ =	vpop (xrf0)  }
0xaaf: {  	v1 =	vadd.s32 $0xFFFFFFFF, v0  }
0xab0: {  	vm11 =	vlt.s32 v0, $0x80;
	vm10 =	vlt.s32 v1, $0x80  }
0xab1: {  	v3 =	vnsel vm11, $0x80, v0;
	v1 =	vnsel vm10, $0x80, v1  }
0xab2: {  	v4 =	vadd.s32 $0xFFFFFFFF, v3;
	v2 =	vadd.s32 $0xFFFFFFFF, v1  }
0xab3: {  	v2 =	vand.u32 $0xFF, v2;
	_ =	sdelay $0x3  }
0xab4: {  	v4 =	vld.idx.msk [tilespmem:v4+s31+$0x4180], $0xffff  }
0xab5: {  	v2 =	vld.idx.msk [tilespmem:v2+s31+$0x4180], $0xffff;
	_ =	sdelay $0x4  }
0xab6: {  	v4 =	vsub.f32 v4, v2;
	_ =	sdelay $0x1  }
0xab7: {  	v4 =	vmax.f32 v4, $9.999999910e-38  }
0xab8: {  	(erf) = vrcp.f32 v4  }
0xab9: {  	v3 =	vadd.s32 s24, v3;
	v4 =	vld [tilespmem:s28+$0x8190]  }
0xaba: {  	v1 =	vadd.s32 s24, v1;
	_ =	sdelay $0x3  }
0xabb: {  	v3 =	vld.idx.msk [tilespmem:v3+s8+$0x0], $0xffff;
	(xrf0) =	vadd.scan.msk.s32 $0xffff, v4  }
0xabc: {  	v1 =	vld.idx.msk [tilespmem:v1+s8+$0x0], $0xffff  }
0xabd: {  	v2 =	vsub.f32 v29, v2  }
0xabe: {  	v4 =	vpop (erf)  }
0xabf: {  	v2 =	vmul.f32 v4, v2  }
0xac0: {  	v4 =	vbroadcast v0, $0xF  }
0xac1: {  	v3 =	vsub.f32 v3, v1;
	v5, _, _ =	vpop (xrf0);
	v2 =	vmax.f32 v2, $0.0e+00  }
0xac2: {  	v4 =	vadd.s32 v4, v5;
	v2 =	vmin.f32 v2, $1.000000000e+00  }
0xac3: {  	v2 =	vmul.f32 v2, v3;
	v3 =	vadd.s32 $0xFFFFFFFF, v4  }
0xac4: {  	v13 =	vlaneseq.u32;
	vm12 =	vlt.s32 v3, $0x80  }
0xac5: {  	v7 =	vld [tilespmem:s28+$0x81A0];
	v1 =	vadd.f32 v2, v1;
	v2 =	vadd.s32 s3, v0;
	v3 =	vnsel vm12, $0x80, v3  }
0xac6: {  	v8 =	vld [tilespmem:s28+$0x81B0];
	vm13 =	vlt.s32 v4, $0x80;
	v2 =	vadd.s32 v13, v2;
	v13 =	vadd.s32 $0xFFFFFFFF, v3  }
0xac7: {  	v11 =	vld [tilespmem:s28+$0x81C0];
	v62 =	vnsel vm13, $0x80, v4;
	v1 =	vmul.f32 v1, v57;
	v13 =	vand.u32 $0xFF, v13  }
0xac8: {  	v61 =	vld [tilespmem:s28+$0x81D0];
	v63 =	vadd.s32 $0xFFFFFFFF, v62  }
0xac9: {  	v60 =	vld [tilespmem:s28+$0x81E0];
	v1 =	vadd.f32 v1, v51  }
0xaca: {  	v59 =	vld [tilespmem:s28+$0x81F0]  }
0xacb: {  	v58 =	vld [tilespmem:s29+$0x8270];
	[tilespmem:v2+s15+$0x0] =	vst.idx.msk $0xffff, v1  }
0xacc: {  	v1 =	vld.idx.msk [tilespmem:v13+s31+$0x4180], $0xffff  }
0xacd: {  	v2 =	vld.idx.msk [tilespmem:v63+s31+$0x4180], $0xffff;
	_ =	sdelay $0x2  }
0xace: {  	(v2sf) =	vpush v0, $0xF  }
0xacf: {  	(v2sf) =	vpush v5, $0xF  }
0xad0: {  	v0 =	vsub.f32 v2, v1;
	_ =	sdelay $0x1  }
0xad1: {  	v0 =	vmax.f32 v0, $9.999999910e-38  }
0xad2: {  	(erf) = vrcp.f32 v0  }
0xad3: {  	v2 =	vadd.s32 s24, v62  }
0xad4: {  	v0 =	vadd.s32 s24, v3;
	_ =	sdelay $0x3  }
0xad5: {  	(xrf0) =	vadd.scan.msk.s32 $0xffff, v7;
	v2 =	vld.idx.msk [tilespmem:v2+s8+$0x0], $0xffff  }
0xad6: {  	v62 =	vmov v30;
	v0 =	vld.idx.msk [tilespmem:v0+s8+$0x0], $0xffff  }
0xad7: {  	v1 =	vsub.f32 v62, v1  }
0xad8: {  	v3 =	vpop (erf)  }
0xad9: {  	s4 =	spop (v2sf);
	v1 =	vmul.f32 v3, v1  }
0xada: {  	s5 =	spop (v2sf)  }
0xadb: {  	s0 =	sadd.s32 s4, s5;
	v3, _, _ =	vpop (xrf0);
	v2 =	vsub.f32 v2, v0;
	v1 =	vmax.f32 v1, $0.0e+00  }
0xadc: {  	v5 =	vadd.s32 s0, v3;
	v1 =	vmin.f32 v1, $1.000000000e+00  }
0xadd: {  	v1 =	vmul.f32 v1, v2;
	v2 =	vadd.s32 $0xFFFFFFFF, v5  }
0xade: {  	vm14 =	vlt.s32 v2, $0x80  }
0xadf: {  	v63 =	vmovc v31;
	v0 =	vadd.f32 v1, v0;
	v1 =	vadd.s32 s3, v4;
	v2 =	vnsel vm14, $0x80, v2  }
0xae0: {  	vm15 =	vlt.s32 v5, $0x80;
	v1 =	vadd.s32 v63, v1;
	v4 =	vadd.s32 $0xFFFFFFFF, v2  }
0xae1: {  	v7 =	vnsel vm15, $0x80, v5;
	v0 =	vmul.f32 v0, v57;
	v4 =	vand.u32 $0xFF, v4  }
0xae2: {  	v13 =	vadd.s32 $0xFFFFFFFF, v7  }
0xae3: {  	v0 =	vadd.f32 v0, v51;
	_ =	sdelay $0x1  }
0xae4: {  	[tilespmem:v1+s15+$0x0] =	vst.idx.msk $0xffff, v0  }
0xae5: {  	v0 =	vld.idx.msk [tilespmem:v4+s31+$0x4180], $0xffff  }
0xae6: {  	v1 =	vld.idx.msk [tilespmem:v13+s31+$0x4180], $0xffff;
	_ =	sdelay $0x3  }
0xae7: {  	(v2sf) =	vpush v3, $0xF  }
0xae8: {  	v1 =	vsub.f32 v1, v0;
	_ =	sdelay $0x1  }
0xae9: {  	v1 =	vmax.f32 v1, $9.999999910e-38  }
0xaea: {  	(erf) = vrcp.f32 v1  }
0xaeb: {  	v1 =	vadd.s32 s24, v2  }
0xaec: {  	v2 =	vadd.s32 s24, v7;
	_ =	sdelay $0x3  }
0xaed: {  	(xrf0) =	vadd.scan.msk.s32 $0xffff, v8;
	v1 =	vld.idx.msk [tilespmem:v1+s8+$0x0], $0xffff  }
0xaee: {  	v30 =	vmov v32;
	v2 =	vld.idx.msk [tilespmem:v2+s8+$0x0], $0xffff  }
0xaef: {  	v0 =	vsub.f32 v30, v0  }
0xaf0: {  	v3 =	vpop (erf)  }
0xaf1: {  	v0 =	vmul.f32 v3, v0  }
0xaf2: {  	s6 =	spop (v2sf)  }
0xaf3: {  	s0 =	sadd.s32 s6, s0;
	v3, _, _ =	vpop (xrf0);
	v2 =	vsub.f32 v2, v1;
	v0 =	vmax.f32 v0, $0.0e+00  }
0xaf4: {  	v4 =	vadd.s32 s0, v3;
	v0 =	vmin.f32 v0, $1.000000000e+00  }
0xaf5: {  	v0 =	vmul.f32 v0, v2;
	v2 =	vadd.s32 $0xFFFFFFFF, v4  }
0xaf6: {  	vm4 =	vlt.s32 v2, $0x80  }
0xaf7: {  	v31 =	vmovc v33;
	v0 =	vadd.f32 v0, v1;
	v1 =	vadd.s32 s3, v5;
	v2 =	vnsel vm4, $0x80, v2  }
0xaf8: {  	vm5 =	vlt.s32 v4, $0x80;
	v1 =	vadd.s32 v31, v1;
	v5 =	vadd.s32 $0xFFFFFFFF, v2  }
0xaf9: {  	v7 =	vnsel vm5, $0x80, v4;
	v0 =	vmul.f32 v0, v57;
	v5 =	vand.u32 $0xFF, v5  }
0xafa: {  	v8 =	vadd.s32 $0xFFFFFFFF, v7  }
0xafb: {  	v0 =	vadd.f32 v0, v51;
	_ =	sdelay $0x1  }
0xafc: {  	[tilespmem:v1+s15+$0x0] =	vst.idx.msk $0xffff, v0  }
0xafd: {  	v0 =	vld.idx.msk [tilespmem:v5+s31+$0x4180], $0xffff  }
0xafe: {  	v1 =	vld.idx.msk [tilespmem:v8+s31+$0x4180], $0xffff;
	_ =	sdelay $0x3  }
0xaff: {  	(v2sf) =	vpush v3, $0xF  }
0xb00: {  	v1 =	vsub.f32 v1, v0;
	_ =	sdelay $0x1  }
0xb01: {  	v1 =	vmax.f32 v1, $9.999999910e-38  }
0xb02: {  	(erf) = vrcp.f32 v1  }
0xb03: {  	v1 =	vadd.s32 s24, v2  }
0xb04: {  	v2 =	vadd.s32 s24, v7;
	_ =	sdelay $0x3  }
0xb05: {  	(xrf0) =	vadd.scan.msk.s32 $0xffff, v11;
	v1 =	vld.idx.msk [tilespmem:v1+s8+$0x0], $0xffff  }
0xb06: {  	v32 =	vmov v34;
	v2 =	vld.idx.msk [tilespmem:v2+s8+$0x0], $0xffff  }
0xb07: {  	v0 =	vsub.f32 v32, v0  }
0xb08: {  	v3 =	vpop (erf)  }
0xb09: {  	v0 =	vmul.f32 v3, v0  }
0xb0a: {  	s11 =	spop (v2sf)  }
0xb0b: {  	s0 =	sadd.s32 s11, s0;
	v3, _, _ =	vpop (xrf0);
	v2 =	vsub.f32 v2, v1;
	v0 =	vmax.f32 v0, $0.0e+00  }
0xb0c: {  	v5 =	vadd.s32 s0, v3;
	v0 =	vmin.f32 v0, $1.000000000e+00  }
0xb0d: {  	v0 =	vmul.f32 v0, v2;
	v2 =	vadd.s32 $0xFFFFFFFF, v5  }
0xb0e: {  	vm6 =	vlt.s32 v2, $0x80  }
0xb0f: {  	v0 =	vadd.f32 v0, v1;
	v1 =	vadd.s32 s3, v4;
	v2 =	vnsel vm6, $0x80, v2  }
0xb10: {  	vm7 =	vlt.s32 v5, $0x80;
	v1 =	vadd.s32 v35, v1;
	v4 =	vadd.s32 $0xFFFFFFFF, v2  }
0xb11: {  	v7 =	vnsel vm7, $0x80, v5;
	v0 =	vmul.f32 v0, v57;
	v4 =	vand.u32 $0xFF, v4  }
0xb12: {  	v8 =	vadd.s32 $0xFFFFFFFF, v7  }
0xb13: {  	v0 =	vadd.f32 v0, v51;
	_ =	sdelay $0x1  }
0xb14: {  	[tilespmem:v1+s15+$0x0] =	vst.idx.msk $0xffff, v0  }
0xb15: {  	v0 =	vld.idx.msk [tilespmem:v4+s31+$0x4180], $0xffff  }
0xb16: {  	v1 =	vld.idx.msk [tilespmem:v8+s31+$0x4180], $0xffff;
	_ =	sdelay $0x3  }
0xb17: {  	(v2sf) =	vpush v3, $0xF  }
0xb18: {  	v1 =	vsub.f32 v1, v0;
	_ =	sdelay $0x1  }
0xb19: {  	v1 =	vmax.f32 v1, $9.999999910e-38  }
0xb1a: {  	(erf) = vrcp.f32 v1  }
0xb1b: {  	v1 =	vadd.s32 s24, v2  }
0xb1c: {  	v2 =	vadd.s32 s24, v7;
	_ =	sdelay $0x3  }
0xb1d: {  	(xrf0) =	vadd.scan.msk.s32 $0xffff, v61;
	v1 =	vld.idx.msk [tilespmem:v1+s8+$0x0], $0xffff  }
0xb1e: {  	v33 =	vmov v36;
	v2 =	vld.idx.msk [tilespmem:v2+s8+$0x0], $0xffff  }
0xb1f: {  	v0 =	vsub.f32 v33, v0  }
0xb20: {  	v3 =	vpop (erf)  }
0xb21: {  	v0 =	vmul.f32 v3, v0  }
0xb22: {  	s16 =	spop (v2sf)  }
0xb23: {  	s0 =	sadd.s32 s16, s0;
	v3, _, _ =	vpop (xrf0);
	v2 =	vsub.f32 v2, v1;
	v0 =	vmax.f32 v0, $0.0e+00  }
0xb24: {  	v4 =	vadd.s32 s0, v3;
	v0 =	vmin.f32 v0, $1.000000000e+00  }
0xb25: {  	v0 =	vmul.f32 v0, v2;
	v2 =	vadd.s32 $0xFFFFFFFF, v4  }
0xb26: {  	vm8 =	vlt.s32 v2, $0x80  }
0xb27: {  	v61 =	vmovc v39;
	v0 =	vadd.f32 v0, v1;
	v1 =	vadd.s32 s3, v5;
	v2 =	vnsel vm8, $0x80, v2  }
0xb28: {  	vm9 =	vlt.s32 v4, $0x80;
	v1 =	vadd.s32 v61, v1;
	v5 =	vadd.s32 $0xFFFFFFFF, v2  }
0xb29: {  	v7 =	vnsel vm9, $0x80, v4;
	v0 =	vmul.f32 v0, v57;
	v5 =	vand.u32 $0xFF, v5  }
0xb2a: {  	v8 =	vadd.s32 $0xFFFFFFFF, v7  }
0xb2b: {  	v0 =	vadd.f32 v0, v51;
	_ =	sdelay $0x1  }
0xb2c: {  	[tilespmem:v1+s15+$0x0] =	vst.idx.msk $0xffff, v0  }
0xb2d: {  	v0 =	vld.idx.msk [tilespmem:v5+s31+$0x4180], $0xffff  }
0xb2e: {  	v1 =	vld.idx.msk [tilespmem:v8+s31+$0x4180], $0xffff;
	_ =	sdelay $0x3  }
0xb2f: {  	(v2sf) =	vpush v3, $0xF  }
0xb30: {  	v1 =	vsub.f32 v1, v0;
	_ =	sdelay $0x1  }
0xb31: {  	v1 =	vmax.f32 v1, $9.999999910e-38  }
0xb32: {  	(erf) = vrcp.f32 v1  }
0xb33: {  	v1 =	vadd.s32 s24, v2  }
0xb34: {  	v2 =	vadd.s32 s24, v7;
	_ =	sdelay $0x3  }
0xb35: {  	(xrf0) =	vadd.scan.msk.s32 $0xffff, v60;
	v1 =	vld.idx.msk [tilespmem:v1+s8+$0x0], $0xffff  }
0xb36: {  	v34 =	vmov v38;
	v2 =	vld.idx.msk [tilespmem:v2+s8+$0x0], $0xffff  }
0xb37: {  	v0 =	vsub.f32 v34, v0  }
0xb38: {  	v3 =	vpop (erf)  }
0xb39: {  	v0 =	vmul.f32 v3, v0  }
0xb3a: {  	s28 =	spop (v2sf)  }
0xb3b: {  	v60 =	vld [tilespmem:$0x1FFC0];
	s0 =	sadd.s32 s28, s0;
	v3, _, _ =	vpop (xrf0);
	v2 =	vsub.f32 v2, v1;
	v0 =	vmax.f32 v0, $0.0e+00  }
0xb3c: {  	v5 =	vadd.s32 s0, v3;
	v0 =	vmin.f32 v0, $1.000000000e+00  }
0xb3d: {  	v0 =	vmul.f32 v0, v2;
	v2 =	vadd.s32 $0xFFFFFFFF, v5  }
0xb3e: {  	vm10 =	vlt.s32 v2, $0x80  }
0xb3f: {  	v0 =	vadd.f32 v0, v1;
	v1 =	vadd.s32 s3, v4;
	v2 =	vnsel vm10, $0x80, v2  }
0xb40: {  	vm11 =	vlt.s32 v5, $0x80;
	v1 =	vadd.s32 v60, v1;
	v4 =	vadd.s32 $0xFFFFFFFF, v2  }
0xb41: {  	v7 =	vnsel vm11, $0x80, v5;
	v0 =	vmul.f32 v0, v57;
	v4 =	vand.u32 $0xFF, v4  }
0xb42: {  	v8 =	vadd.s32 $0xFFFFFFFF, v7  }
0xb43: {  	v0 =	vadd.f32 v0, v51;
	_ =	sdelay $0x1  }
0xb44: {  	[tilespmem:v1+s15+$0x0] =	vst.idx.msk $0xffff, v0  }
0xb45: {  	v0 =	vld.idx.msk [tilespmem:v4+s31+$0x4180], $0xffff  }
0xb46: {  	v1 =	vld.idx.msk [tilespmem:v8+s31+$0x4180], $0xffff;
	_ =	sdelay $0x3  }
0xb47: {  	(v2sf) =	vpush v3, $0xF  }
0xb48: {  	v1 =	vsub.f32 v1, v0;
	_ =	sdelay $0x1  }
0xb49: {  	v1 =	vmax.f32 v1, $9.999999910e-38  }
0xb4a: {  	(erf) = vrcp.f32 v1  }
0xb4b: {  	v1 =	vadd.s32 s24, v2  }
0xb4c: {  	v2 =	vadd.s32 s24, v7;
	_ =	sdelay $0x3  }
0xb4d: {  	(xrf0) =	vadd.scan.msk.s32 $0xffff, v59;
	v1 =	vld.idx.msk [tilespmem:v1+s8+$0x0], $0xffff  }
0xb4e: {  	v36 =	vmov v40;
	v2 =	vld.idx.msk [tilespmem:v2+s8+$0x0], $0xffff  }
0xb4f: {  	v0 =	vsub.f32 v36, v0  }
0xb50: {  	v3 =	vpop (erf)  }
0xb51: {  	v0 =	vmul.f32 v3, v0  }
0xb52: {  	s29 =	spop (v2sf)  }
0xb53: {  	v38 =	vmov v37;
	v37 =	vld [tilespmem:$0x1FFD0];
	s0 =	sadd.s32 s29, s0;
	v3, _, _ =	vpop (xrf0);
	v2 =	vsub.f32 v2, v1;
	v0 =	vmax.f32 v0, $0.0e+00  }
0xb54: {  	v4 =	vadd.s32 s0, v3;
	v0 =	vmin.f32 v0, $1.000000000e+00  }
0xb55: {  	v0 =	vmul.f32 v0, v2;
	v2 =	vadd.s32 $0xFFFFFFFF, v4  }
0xb56: {  	vm12 =	vlt.s32 v2, $0x80  }
0xb57: {  	v0 =	vadd.f32 v0, v1;
	v1 =	vadd.s32 s3, v5;
	v2 =	vnsel vm12, $0x80, v2  }
0xb58: {  	vm13 =	vlt.s32 v4, $0x80;
	v1 =	vadd.s32 v37, v1;
	v5 =	vadd.s32 $0xFFFFFFFF, v2  }
0xb59: {  	v7 =	vnsel vm13, $0x80, v4;
	v0 =	vmul.f32 v0, v57;
	v5 =	vand.u32 $0xFF, v5  }
0xb5a: {  	v8 =	vadd.s32 $0xFFFFFFFF, v7  }
0xb5b: {  	v0 =	vadd.f32 v0, v51;
	_ =	sdelay $0x1  }
0xb5c: {  	[tilespmem:v1+s15+$0x0] =	vst.idx.msk $0xffff, v0  }
0xb5d: {  	v0 =	vld.idx.msk [tilespmem:v5+s31+$0x4180], $0xffff  }
0xb5e: {  	v1 =	vld.idx.msk [tilespmem:v8+s31+$0x4180], $0xffff;
	_ =	sdelay $0x3  }
0xb5f: {  	(v2sf) =	vpush v3, $0xF  }
0xb60: {  	v1 =	vsub.f32 v1, v0;
	_ =	sdelay $0x1  }
0xb61: {  	v1 =	vmax.f32 v1, $9.999999910e-38  }
0xb62: {  	(erf) = vrcp.f32 v1  }
0xb63: {  	v1 =	vadd.s32 s24, v2  }
0xb64: {  	v2 =	vadd.s32 s24, v7  }
0xb65: {  	v39 =	vld [tilespmem:$0x1FFF0];
	_ =	sdelay $0x2  }
0xb66: {  	(xrf0) =	vadd.scan.msk.s32 $0xffff, v58;
	v1 =	vld.idx.msk [tilespmem:v1+s8+$0x0], $0xffff  }
0xb67: {  	v2 =	vld.idx.msk [tilespmem:v2+s8+$0x0], $0xffff  }
0xb68: {  	v0 =	vsub.f32 v39, v0  }
0xb69: {  	v3 =	vpop (erf)  }
0xb6a: {  	v0 =	vmul.f32 v3, v0  }
0xb6b: {  	s30 =	spop (v2sf)  }
0xb6c: {  	s0 =	sadd.s32 s30, s0;
	v3, _, _ =	vpop (xrf0);
	v2 =	vsub.f32 v2, v1;
	v0 =	vmax.f32 v0, $0.0e+00  }
0xb6d: {  	v3 =	vadd.s32 s0, v3;
	v0 =	vmin.f32 v0, $1.000000000e+00  }
0xb6e: {  	v0 =	vmul.f32 v0, v2;
	v2 =	vadd.s32 $0xFFFFFFFF, v3  }
0xb6f: {  	vm14 =	vlt.s32 v2, $0x80  }
0xb70: {  	v0 =	vadd.f32 v0, v1;
	v1 =	vadd.s32 s3, v4;
	v2 =	vnsel vm14, $0x80, v2  }
0xb71: {  	vm15 =	vlt.s32 v3, $0x80;
	v1 =	vadd.s32 v38, v1;
	v4 =	vadd.s32 $0xFFFFFFFF, v2  }
0xb72: {  	v5 =	vnsel vm15, $0x80, v3;
	v0 =	vmul.f32 v0, v57;
	v4 =	vand.u32 $0xFF, v4  }
0xb73: {  	v7 =	vadd.s32 $0xFFFFFFFF, v5  }
0xb74: {  	v0 =	vadd.f32 v0, v51;
	_ =	sdelay $0x1  }
0xb75: {  	[tilespmem:v1+s15+$0x0] =	vst.idx.msk $0xffff, v0  }
0xb76: {  	v0 =	vld.idx.msk [tilespmem:v4+s31+$0x4180], $0xffff  }
0xb77: {  	v1 =	vld.idx.msk [tilespmem:v7+s31+$0x4180], $0xffff;
	_ =	sdelay $0x3  }
0xb78: {  	v4 =	vadd.s32 s21, v46  }
0xb79: {  	v7 =	vadd.s32 s21, v47;
	v1 =	vsub.f32 v1, v0  }
0xb7a: {  	v40 =	vld [tilespmem:$0x1FFE0]  }
0xb7b: {  	v8 =	vadd.s32 s23, v53;
	v1 =	vmax.f32 v1, $9.999999910e-38  }
0xb7c: {  	v2 =	vadd.s32 s24, v2;
	(erf) = vrcp.f32 v1  }
0xb7d: {  	v4 =	vld.idx.msk [tilespmem:v4+s8+$0x0], $0xffff;
	v1 =	vadd.s32 s23, v55  }
0xb7e: {  	v5 =	vadd.s32 s24, v5;
	v7 =	vld.idx.msk [tilespmem:v7+s8+$0x0], $0xffff  }
0xb7f: {  	v11 =	vsub.f32 v40, v48  }
0xb80: {  	v8 =	vld.idx.msk [tilespmem:v8+s8+$0x0], $0xffff  }
0xb81: {  	v13 =	vsub.f32 v40, v54;
	v11 =	vmul.f32 v49, v11;
	v2 =	vld.idx.msk [tilespmem:v2+s8+$0x0], $0xffff  }
0xb82: {  	v1 =	vld.idx.msk [tilespmem:v1+s8+$0x0], $0xffff  }
0xb83: {  	v11 =	vmax.f32 v11, $0.0e+00;
	v5 =	vld.idx.msk [tilespmem:v5+s8+$0x0], $0xffff;
	v7 =	vsub.f32 v7, v4  }
0xb84: {  	v11 =	vmin.f32 v11, $1.000000000e+00;
	v0 =	vsub.f32 v40, v0  }
0xb85: {  	v7 =	vmul.f32 v11, v7;
	v11 =	vmul.f32 v56, v13;
	v13 =	vpop (erf)  }
0xb86: {  	v0 =	vmul.f32 v13, v0  }
0xb87: {  	v4 =	vadd.f32 v7, v4;
	v7 =	vmax.f32 v11, $0.0e+00;
	v1 =	vsub.f32 v1, v8  }
0xb88: {  	v5 =	vsub.f32 v5, v2;
	v7 =	vmin.f32 v7, $1.000000000e+00;
	v0 =	vmax.f32 v0, $0.0e+00  }
0xb89: {  	v1 =	vmul.f32 v7, v1;
	v0 =	vmin.f32 v0, $1.000000000e+00  }
0xb8a: {  	v4 =	vmul.f32 v4, v43;
	v7 =	vadd.s32 s20, v45;
	v0 =	vmul.f32 v0, v5  }
0xb8b: {  	v5 =	vadd.s32 v15, v7;
	v1 =	vadd.f32 v1, v8;
	v7 =	vadd.s32 s22, v52  }
0xb8c: {  	v7 =	vadd.s32 v15, v7;
	v0 =	vadd.f32 v0, v2;
	v2 =	vadd.s32 s3, v3  }
0xb8d: {  	p0 =	slt.u32 s19, $0x38;
	v1 =	vmul.f32 v1, v50;
	v2 =	vadd.s32 v15, v2  }
.Ltmp0:
0xb8e: {  	v3 =	vadd.f32 v4, v42;
	v0 =	vmul.f32 v0, v57;
	(pc) =	sbr.rel @p0 .LBB2_3-.Ltmp0, $4  }
0xb8f: {  	v1 =	vadd.f32 v1, v44  }
0xb90: {  	[tilespmem:v5+s15+$0x0] =	vst.idx.msk $0x1, v3;
	v0 =	vadd.f32 v0, v51  }
0xb91: {  	s31 =	sadd.s32 $0x8, s19;
	v11 =	vmovc v25;
	v13 =	vmov v26;
	v8 =	vmov v23;
	v4 =	vmov v17;
	[tilespmem:v7+s15+$0x0] =	vst.idx.msk $0x1, v1  }
0xb92: {  	s19 =	smov.u32 s31;
	v17 =	vmovc v28;
	v5 =	vmovc v19;
	v3 =	vmov v27;
	v7 =	vmov v21;
	[tilespmem:v2+s15+$0x0] =	vst.idx.msk $0x1, v0;
	v0 =	vlaneseq.u32  }
0xb93: {  	s0 =	smul.u32 $0x102, s18  }
0xb94: {  	s17 =	sadd.s32 $0x1, s17  }
0xb95: {  	s1 =	rddreg [dreg:$0x4];
	p0 =	sne.s32 s17, $0x20;
	s0 =	sshrl.u32 s0, $0x3  }
.Ltmp1:
0xb96: {  	s31 =	simm.s32 $0x0;
	s0 =	sadd.s32 s1, s0;
	(pc) =	sbr.rel @p0 .LBB2_2-.Ltmp1, $4  }
0xb97: {  	[hbm4b:s0+s31] =	stream.linear.scatter [tilespmem:s15], [sflag:$0x1], $0x4080, $0x38;
	[tilespmem:$0xE600] =	vst v63  }
0xb98: {  	_ =	swait.ge [sflag:s12], $0x4080  }
0xb99: {  	[sflag:s12] =	ssyncset.done $0x0  }
0xb9a: {  	[sflag:s12] =	ssyncadd.s32 $0xFFFFBF80  }
0xb9b: {  	s1 =	rddreg [dreg:$0x7]  }
0xb9c: {  	s0 =	rddreg [dreg:$0x6];
	s1 =	sadd.s32 $0x1, s1  }
0xb9d: {  	p0 =	sne.s32 s1, s0  }
.Ltmp2:
0xb9e: {  	_ = 	snop;
	(pc) =	sbr.rel @p0 .LBB2_1-.Ltmp2, $1  }
0xb9f: {  	_ =	sdelay $0x3  }
0xba0: {  	_ =	sfence.sel $0x180000  }
0xba1: {  	[bflag:$0x0] =	sbarrier.arrive $0xFFFF  }
0xba2: {  	_ =	strace $0x90000047  }
0xba3: {  	s0 =	stileid.u32;
	[bflag:$0x2] =	sbarrier.arrive $0xFFFF  }
0xba4: {  	p0 =	sne.s32 s0, $0x0;
	s0 =	rddreg [dreg:$0x5]  }
0xba5: {  	s0 =	sadd.s32 @!p0 $0x100000, s0  }
0xba6: {  	[sflag:s0] =	ssyncadd.tile.s32 @!p0 $0x1;
	_ =	shalt  }
.Lfunc_end2:
_tile_overlayer_lowered:
.L_overlay_start_2:
0xba7: {  	(tag) =	ssettag $0x2  }
0xba8: {  	s0 =	rddreg [dreg:$0x0];
	s2 =	stileid.u32  }
0xba9: {  	s1 =	rddreg [dreg:$0x1];
	p0 =	sne.s32 s2, $0x0  }
0xbaa: {  	s3 =	rddreg [dreg:$0x2];
	[bflag:$0x3] =	sbarrier.arrive $0xFFFF;
	s2 =	simm.s32 @!p0 $0x1C01  }
0xbab: {  	[timem:s3], [sflag:s2] =	dma.local @!p0 [hbm:s0], s1  }
0xbac: {  	s0 =	simm.s32 @!p0 $0x1  }
0xbad: {  	_ =	swait.ge @!p0 [sflag:s0], s1  }
0xbae: {  	s1 =	ssub.s32 @!p0 $0x0, s1;
	[sflag:s0] =	ssyncset.done @!p0 $0x0  }
0xbaf: {  	[sflag:s0] =	ssyncadd.s32 @!p0 s1  }
0xbb0: {  	[bflag:$0x3] =	sbarrier.arrive $0xFFFF  }
0xbb1: {  	_ =	shalt  }

// kernel: sparse-core-data-format-call.cloned.1.call-start
scs
called_computation_lowered:
.L_overlay_start_0:
0x0: {  	s2 =	sld [smem:$0x3FD9]  }
0x1: {  	s3 =	sld [smem:$0x3FFE];
	_ =	sdelay $0x1  }
0x2: {  	s1 =	srdreg.scid  }
0x3: {  	s0 =	sand.u32 $0x1, s1  }
0x4: {  	s18 =	sshll.u32 s0, $0xA;
	s2 =	sadd.s32 s3, s2  }
0x5: {  	s2 =	sadd.s32 s2, s18  }
0x6: {  	[smem:$0x3FC4] =	sst s2  }
0x7: {  	_ = 	snop  }
0x8: {  	s2 =	sld [smem:$0x3FD0];
	(tm) =	ssettm $0x1  }
0x9: {  	s19 =	sld [smem:$0x3FFB];
	_ =	sdelay $0x3  }
0xa: {  	_ =	strace s19  }
0xb: {  	s3 =	sld [smem:$0x3FFC];
	_ =	sdelay $0x3  }
0xc: {  	_ =	strace s3  }
0xd: {  	s3 =	sld [smem:$0x3FFD];
	_ =	sdelay $0x3  }
0xe: {  	_ =	strace s3  }
0xf: {  	_ =	strace $0x8FFFFFFF  }
0x10: {  	s20 =	sld [smem:$0x3FDB];
	_ =	sdelay $0x1  }
0x11: {  	s4 =	simm.s32 $_scs_section_size  }
0x12: {  	s5 =	simm.s32 $_size__tile_overlayer_lowered;
	s6 =	simm.s32 $_tile_overlayer_lowered  }
0x13: {  	s23 =	simm.s32 $0x1BFF;
	s22 =	sshll.u32 s6, $0x1;
	s3 =	sadd.s32 s4, s20  }
0x14: {  	s7 =	simm.s32 $0x0;
	s21 =	sshll.u32 s5, $0x1;
	s5 =	sadd.s32 s22, s3  }
0x15: {  	[timem:s7], [sflag:s23] =	dma.local [hbm:s5], s21  }
0x16: {  	_ =	swait.ge [sflag:s23], s21  }
0x17: {  	s4 =	ssub.s32 $0x0, s21;
	[sflag:s23] =	ssyncset.done $0x0  }
0x18: {  	[sflag:s23] =	ssyncadd.s32 s4;
	_ =	sdelay $0x1  }
0x19: {  	s24 =	simm.s32 $0x1B8B  }
0x1a: {  	_ =	swait.ge [sflag:s24], $0x1  }
0x1b: {  	[sflag:s24] =	ssyncset.done $0x0  }
0x1c: {  	s26 =	simm.s32 $0x1B8E;
	s25 =	sld [smem:$0x3FFE];
	[sflag:s24] =	ssyncadd.s32 $0xFFFFFFFF  }
0x1d: {  	s27 =	simm.s32 $execute0_lowered;
	[smem:$0x3FD2] =	sst s26  }
0x1e: {  	s5 =	sshll.u32 s27, $0x1;
	_ =	strace $0x80000049;
	[dreg:$0x1] =	wrdreg $0xFFFFFFFF  }
0x1f: {  	s28 =	simm.s32 $_size_execute0_lowered;
	s3 =	sadd.s32 s3, s5;
	[dreg:$0x0] =	wrdreg $0x0  }
0x20: {  	s5 =	sshll.u32 s28, $0x1;
	[dreg:$0x2] =	wrdreg s3  }
0x21: {  	[dreg:$0x3] =	wrdreg s5  }
0x22: {  	[dreg:$0x4] =	wrdreg $0xC0  }
0x23: {  	_ =	task [dreg:s7], $0x5FFFF  }
0x24: {  	[dreg:$0x1] =	wrdreg $0xFFFFFFFF  }
0x25: {  	[dreg:$0x0] =	wrdreg $0x60  }
0x26: {  	[dreg:$0x2] =	wrdreg s25  }
0x27: {  	[dreg:$0x3] =	wrdreg s2  }
0x28: {  	[dreg:$0x4] =	wrdreg $0x9  }
0x29: {  	_ =	task.clear_ibuf [dreg:s7], $0x5FFFF;
	_ =	strace $0x90000049  }
0x2a: {  	s29 =	simm.s32 $0x9;
	_ =	strace $0x8000004B  }
0x2b: {  	_ =	swait.ge [sflag:s29], $0x1  }
0x2c: {  	[sflag:s29] =	ssyncadd.s32 $0xFFFFFFFF  }
0x2d: {  	_ =	strace $0x9000004B  }
0x2e: {  	_ =	sfence  }
0x2f: {  	s30 =	sld [smem:$0x0];
	_ =	sdelay $0x2  }
0x30: {  	s31 =	sshll.u32 s1, $0xD;
	s1 =	sshrl.u32 s1, $0x2  }
0x31: {  	s3 =	sand.u32 $0x4000, s31;
	s1 =	sadd.s32 s1, s30  }
0x32: {  	s0 =	sor.u32 s3, s0;
	s1 =	sshll.u32 s1, $0x11  }
0x33: {  	s0 =	sor.u32 s1, s0  }
0x34: {  	s0 =	sadd.s32 $0x8F2B, s0  }
0x35: {  	[sflag:s0] =	ssyncadd.remote.s32 $0x1  }
0x36: {  	_ =	sfence.sel $0xFFFF  }
0x37: {  	[dreg:$0x0] =	wrdreg $0xFFFFFFFF;
	(pc) =	sbr.abs _section_cstart, $3  }
0x38: {  	[dreg:$0x1] =	wrdreg $0xFFFFFFFF  }
0x39: {  	_ =	task.clear_ibuf [dreg:s7], $0x2FFFF;
	_ =	strace $0x9FFFFFFF  }
0x3a: {  	(tm) =	ssettm $0x7FFFFFFF  }
0x3b: {  	_ =	shalt  }
tec
execute0_lowered:
.L_overlay_start_1:
0x0: {  	(tag) =	ssettag $0x1  }
0x1: {  	s0 =	srdreg.scid  }
0x2: {  	s1 =	sshll.u32 s0, $0x4  }
0x3: {  	s6 =	rddreg [dreg:$0x0];
	s0 =	stileid.u32;
	s1 =	sand.u32 $0x10, s1  }
0x4: {  	s3 =	rddreg [dreg:$0x1];
	s1 =	sor.u32 s0, s1  }
0x5: {  	s5 =	simm.s32 $0x1;
	s31 =	simm.s32 $0x2;
	s2 =	sshll.u32 s1, $0x7  }
0x6: {  	s15 =	simm.s32 $0x0;
	s8 =	simm.s32 $0x80000;
	s4 =	ssub.s32 $0x10000, s2  }
0x7: {  	s14 =	simm.s32 $0x0;
	s9 =	simm.s32 $0x0;
	s30 =	sand.u32 $0xF80, s4  }
0x8: {  	s10 =	simm.s32 $0x0;
	s11 =	simm.s32 $0x0;
	p0 =	sne.s32 s30, $0x0  }
.Ltmp0:
0x9: {  	s7 =	sshrl.u32 s4, $0xC;
	s5 =	simm.s32 @!p0 $0x0;
	(pc) =	sbr.rel .LBB1_1-.Ltmp0, $4  }
0xa: {  	s13 =	simm.s32 $0x0;
	s1 =	rddreg [dreg:$0x2];
	s5 =	sadd.s32 s5, s7  }
0xb: {  	_ =	strace $0x8000004A;
	s4 =	simm.s32 $0x1;
	s5 =	smul.u32 $0x3, s5  }
0xc: {  	s6 =	sadd.s32 $0x800, s6;
	s12 =	smov.u32 s2;
	[sflag:s4] =	ssyncpa.u1 $0x0  }
0xd: {  	[sflag:s31] =	ssyncpa.u1 $0x0;
	p0 =	por $0x0, $0x0;
	s7 =	sadd.s32 $0x1, s5  }
.LBB1_4:
0xe: {  	s21 =	sshll.u32 s9, $0x10;
	s22 =	sshll.u32 s10, $0x3;
	s20 =	sshra.s32 s20, $0x2  }
0xf: {  	s28 =	sand.u32 $0x78, s10;
	s29 =	sshll.u32 s9, $0x7;
	p1 =	sgt.s32 s9, $0x88  }
0x10: {  	s25 =	sshra.s32 s9, $0x1F;
	s31 =	sshra.s32 s10, $0x1F;
	s21 =	sand.u32 $0xFFF80000, s21  }
0x11: {  	s23 =	sand.u32 $0xFFFFFC00, s22;
	s19 =	sadd.s32 s20, s19;
	s22 =	sand.u32 $0xFC00, s22  }
0x12: {  	v5 =	vld [tilespmem:s17+$0xFFFFFFD0];
	[tilespmem:s18+$0x2040 ss:$0x81] =	vst.msk $0xffff, v4;
	s25 =	sand.u32 s25, s9;
	s27 =	sadd.s32 s23, s21;
	s23 =	sand.u32 $0x380, s29  }
0x13: {  	v58 =	vld [tilespmem:s17+$0xFFFFFFE0];
	[tilespmem:s18+$0x2850 ss:$0x81] =	vst.msk $0xffff, v3;
	s21 =	sor.u32 s28, s22;
	s22 =	smov.u32 s9;
	s20 =	sshrl.u32 s27, $0x10  }
0x14: {  	v59 =	vld [tilespmem:s17+$0xFFFFFFF0];
	[tilespmem:s18+$0x3060 ss:$0x81] =	vst.msk $0xffff, v2;
	s22 =	simm.s32 @!p1 $0x88;
	p1 =	sgt.s32 s10, $0xFF80;
	s24 =	smul.u32 $0xF83F, s20  }
0x15: {  	v60 =	vld [tilespmem:s17+$0x0];
	[tilespmem:s18+$0x0 ss:$0x81] =	vst.msk $0xffff, v1;
	s21 =	sor.u32 s23, s21;
	s30 =	ssub.s32 s22, s25;
	s22 =	smov.u32 s10  }
0x16: {  	v61 =	vld [tilespmem:s17+$0x10];
	[tilespmem:s19+$0x3870 ss:$0x81] =	vst.msk $0xffff, v0;
	s25 =	sand.u32 s31, s10;
	s22 =	simm.s32 @!p1 $0xFF80;
	s24 =	sshrl.u32 s24, $0x18  }
0x17: {  	v62 =	vld [tilespmem:s17+$0x20];
	[tilespmem:s19+$0x810 ss:$0x81] =	vst.msk $0xffff, v5;
	s26 =	sadd.s32 $0xFFFFFF78, s30;
	s22 =	ssub.s32 s22, s25;
	s24 =	smul.u32 $0x108, s24  }
0x18: {  	v63 =	vld [tilespmem:s17+$0xFFFFFFC0];
	[tilespmem:s19+$0x1020 ss:$0x81] =	vst.msk $0xffff, v58;
	s18 =	ssub.s32 $0x108, s30;
	p1 =	sgt.s32 s26, $0x7F;
	s28 =	sadd.s32 $0xFFFF0080, s22  }
0x19: {  	[tilespmem:s19+$0x1830 ss:$0x81] =	vst.msk $0xffff, v59;
	p2 =	sgt.s32 s28, $0x7F;
	s27 =	ssub.s32 s20, s24;
	s20 =	ssub.s32 $0x10000, s22  }
0x1a: {  	s29 =	sshrl.u32 s21, $0x3;
	[tilespmem:s19+$0x2040 ss:$0x81] =	vst.msk $0xffff, v60;
	s18 =	simm.s32 @p1 $0x0;
	s20 =	simm.s32 @p2 $0x0  }
0x1b: {  	[tilespmem:s19+$0x2850 ss:$0x81] =	vst.msk $0xffff, v61;
	s30 =	sand.u32 $0x7, s10;
	s17 =	sand.u32 $0xFFFF, s27;
	s18 =	smul.u32 s20, s18  }
0x1c: {  	[tilespmem:s19+$0x3060 ss:$0x81] =	vst.msk $0xffff, v62;
	s21 =	sshll.u32 s30, $0x12;
	s17 =	sshll.u32 s17, $0xD;
	s20 =	sadd.s32 s3, s29  }
0x1d: {  	[tilespmem:s19+$0x0 ss:$0x81] =	vst.msk $0xffff, v63;
	s31 =	sor.u32 $0x400, s21;
	s17 =	sadd.s32 s17, s20;
	s18 =	sand.u32 $0x3FFFFFFF, s18  }
0x1e: {  	[hbm4b:s17+s31] =	stream.strided.scatter [tilespmem:s16], [sflag:$0x2], s18, s8, s31, $0x20;
	[tilespmem:$0x10100] =	vst v63  }
.LBB1_5:
0x1f: {  	p1 =	slt.u32 s13, $0x2  }
0x20: {  	s17 =	smov.u32 s15;
	p2 =	sgt.s32 @!p1 s15, $0x88;
	s16 =	sshra.s32 @!p1 s15, $0x1F  }
0x21: {  	p3 =	sgt.s32 @!p1 s14, $0xFF80;
	s18 =	sshra.s32 @!p1 s14, $0x1F;
	p2 =	por !p2, p1  }
0x22: {  	s15 =	sand.u32 @!p1 s16, s15;
	p3 =	por !p3, p1;
	s16 =	smov.u32 s14  }
0x23: {  	s14 =	sand.u32 @!p1 s18, s14;
	s17 =	simm.s32 @p2 $0x88;
	s16 =	simm.s32 @p3 $0xFF80  }
0x24: {  	s15 =	ssub.s32 @!p1 s17, s15;
	s14 =	ssub.s32 @!p1 s16, s14  }
0x25: {  	s18 =	smov.u32 s12;
	s16 =	sadd.s32 @!p1 $0xFFFFFF78, s15;
	s17 =	sadd.s32 @!p1 $0xFFFF0080, s14  }
0x26: {  	s15 =	ssub.s32 @!p1 $0x108, s15;
	p2 =	sgt.s32 @!p1 s16, $0x7F;
	p3 =	sgt.s32 @!p1 s17, $0x7F  }
0x27: {  	s14 =	ssub.s32 @!p1 $0x10000, s14;
	p2 =	por !p2, p1;
	p3 =	por !p3, p1  }
0x28: {  	s16 =	sadd.s32 $0x80, s11;
	s15 =	simm.s32 @!p2 $0x0;
	s14 =	simm.s32 @!p3 $0x0  }
0x29: {  	p2 =	sgt.s32 s16, $0x101;
	s14 =	smul.u32 @!p1 s14, s15;
	s15 =	sadd.s32 $0x1000, s12  }
0x2a: {  	s18 =	smov.u32 @p2 s15  }
0x2b: {  	s16 =	simm.s32 @p2 $0x0;
	p2 =	sgt.s32 s18, $0xFFFF  }
0x2c: {  	s18 =	smov.u32 @p2 s2;
	p2 =	sne.s32 s13, s7  }
.Ltmp1:
0x2d: {  	p0 =	por !p0, !p0;
	s17 =	simm.s32 @!p1 $0x2;
	(pc) =	sbr.rel @!p2 .LBB1_6-.Ltmp1, $4  }
0x2e: {  	s15 =	smov.u32 s9;
	s9 =	smov.u32 s11;
	s14 =	sand.u32 @!p1 $0x3FFFFFFF, s14  }
0x2f: {  	s11 =	smov.u32 s16;
	_ =	swait.ge @!p1 [sflag:s17], s14;
	s19 =	ssub.s32 @!p1 $0x0, s14  }
0x30: {  	s14 =	smov.u32 s10;
	s13 =	sadd.s32 $0x1, s13;
	[sflag:s17] =	ssyncset.done @!p1 $0x0  }
0x31: {  	s10 =	smov.u32 s12;
	s12 =	smov.u32 s18;
	[sflag:s17] =	ssyncadd.s32 @!p1 s19  }
.LBB1_1:
0x32: {  	p1 =	sge.u32 s13, s5  }
0x33: {  	s16 =	sshrl.u32 @!p1 s12, $0x3  }
0x34: {  	s17 =	sshll.u32 @!p1 s11, $0x3;
	s16 =	smul.u32 @!p1 $0xC00, s16  }
0x35: {  	s18 =	sshll.u32 @!p1 s12, $0x7;
	s17 =	sand.u32 @!p1 $0xFFFFFC00, s17  }
0x36: {  	s16 =	sadd.s32 @!p1 s16, s17;
	s17 =	sand.u32 @!p1 $0x380, s18  }
0x37: {  	s18 =	sand.u32 @!p1 $0x7F, s11;
	s16 =	sor.u32 @!p1 s17, s16  }
0x38: {  	s17 =	sor.u32 @!p1 s18, s16  }
0x39: {  	s18 =	smulhi.u32 @!p1 $0xAAAAAAAB, s17;
	_ =	sdelay $0x1  }
0x3a: {  	s16 =	smulhi.u32 @!p1 $0xAAAAAAAB, s16;
	s18 =	sshrl.u32 @!p1 s18, $0x8  }
0x3b: {  	s18 =	smul.u32 @!p1 $0x180, s18  }
0x3c: {  	s31 =	sadd.s32 $0xFFFFFFFF, s13;
	s19 =	sxor.u32 @!p1 $0xFFFFFFFF, s13;
	s16 =	sshrl.u32 @!p1 s16, $0x8  }
0x3d: {  	s19 =	sshll.u32 @!p1 s19, $0xE;
	s16 =	sand.u32 @!p1 $0xFFFF, s16;
	s17 =	ssub.s32 @!p1 s17, s18  }
0x3e: {  	s16 =	smul.u32 @!p1 $0x30, s16;
	s18 =	sshrl.u32 @!p1 s17, $0x3;
	s17 =	sand.u32 @!p1 $0x7, s17  }
0x3f: {  	s19 =	sand.u32 @!p1 $0x4000, s19;
	s18 =	sadd.s32 @!p1 s6, s18;
	s17 =	sshll.u32 @!p1 s17, $0x12  }
0x40: {  	s16 =	sadd.s32 @!p1 s16, s18;
	s17 =	sor.u32 @!p1 $0x400, s17;
	s18 =	simm.s32 @!p1 $0xC00  }
0x41: {  	[tilespmem:s19], [sflag:$0x1] =	stream.strided.gather @!p1 [hbm4b:s16+s17], $0x4000, s18, s17, $0x38;
	[tilespmem:$0x10100] =	vst v63  }
0x42: {  	p1 =	sge.u32 s31, s5  }
.Ltmp2:
0x43: {  	_ = 	snop;
	(pc) =	sbr.rel @p1 .LBB1_5-.Ltmp2, $1  }
0x44: {  	_ =	sdelay $0x3  }
0x45: {  	s16 =	simm.s32 $0x1  }
0x46: {  	_ =	swait.ge [sflag:s4], $0x4000;
	s16 =	simm.s32 @!p0 $0x0  }
0x47: {  	[sflag:s4] =	ssyncset.done $0x0;
	s17 =	sshll.u32 s16, $0xE  }
0x48: {  	[sflag:s4] =	ssyncadd.s32 $0xFFFFC000;
	s17 =	sor.u32 $0x40, s17  }
0x49: {  	s16 =	smul.u32 $0x10200, s16;
	v0 =	vld [tilespmem:s17+$0x30]  }
0x4a: {  	v1 =	vld [tilespmem:s17+$0xFFFFFFD0]  }
0x4b: {  	s16 =	sshrl.u32 s16, $0x2;
	v5 =	vld [tilespmem:s17+$0xFFFFFFE0]  }
0x4c: {  	v6 =	vld [tilespmem:s17+$0xFFFFFFF0];
	s19 =	sor.u32 $0x8000, s16  }
0x4d: {  	s31 =	sand.u32 $0x1, s13;
	v4 =	vld [tilespmem:s17+$0x0];
	s18 =	sadd.s32 $0x0, s19  }
0x4e: {  	v3 =	vld [tilespmem:s17+$0x10];
	s16 =	smul.u32 $0x10200, s31;
	[tilespmem:s18+$0x3870 ss:$0x81] =	vst.msk $0xffff, v0  }
0x4f: {  	v2 =	vld [tilespmem:s17+$0x20];
	[tilespmem:s18+$0x810 ss:$0x81] =	vst.msk $0xffff, v1  }
0x50: {  	s16 =	sshrl.u32 s16, $0x2;
	v1 =	vld [tilespmem:s17+$0xFFFFFFC0];
	[tilespmem:s18+$0x1020 ss:$0x81] =	vst.msk $0xffff, v5;
	s17 =	sadd.s32 $0x80, s17  }
0x51: {  	s20 =	simm.s32 $0x4;
	s21 =	simm.s32 $0x8;
	s16 =	sor.u32 $0x8000, s16;
	[tilespmem:s18+$0x1830 ss:$0x81] =	vst.msk $0xffff, v6;
	v0 =	vld [tilespmem:s17+$0x30]  }
.LBB1_3:
0x52: {  	p1 =	sne.s32 s21, $0x1FC;
	v5 =	vld [tilespmem:s17+$0xFFFFFFD0];
	[tilespmem:s18+$0x2040 ss:$0x81] =	vst.msk $0xffff, v4  }
0x53: {  	v6 =	vld [tilespmem:s17+$0xFFFFFFE0];
	[tilespmem:s18+$0x2850 ss:$0x81] =	vst.msk $0xffff, v3  }
0x54: {  	s22 =	sshra.s32 s20, $0x2;
	s20 =	smov.u32 s21;
	v7 =	vld [tilespmem:s17+$0xFFFFFFF0];
	[tilespmem:s18+$0x3060 ss:$0x81] =	vst.msk $0xffff, v2  }
.Ltmp3:
0x55: {  	v4 =	vld [tilespmem:s17+$0x0];
	[tilespmem:s18+$0x0 ss:$0x81] =	vst.msk $0xffff, v1;
	s18 =	sadd.s32 s22, s19;
	(pc) =	sbr.rel @p1 .LBB1_3-.Ltmp3, $4  }
0x56: {  	v3 =	vld [tilespmem:s17+$0x10];
	[tilespmem:s18+$0x3870 ss:$0x81] =	vst.msk $0xffff, v0  }
0x57: {  	[tilespmem:s18+$0x810 ss:$0x81] =	vst.msk $0xffff, v5;
	v2 =	vld [tilespmem:s17+$0x20]  }
0x58: {  	v1 =	vld [tilespmem:s17+$0xFFFFFFC0];
	[tilespmem:s18+$0x1020 ss:$0x81] =	vst.msk $0xffff, v6;
	s17 =	sadd.s32 $0x80, s17  }
0x59: {  	s21 =	sadd.s32 $0x4, s21;
	v0 =	vld [tilespmem:s17+$0x30];
	[tilespmem:s18+$0x1830 ss:$0x81] =	vst.msk $0xffff, v7  }
.Ltmp4:
0x5a: {  	_ = 	snop;
	(pc) =	sbr.rel .LBB1_4-.Ltmp4, $1  }
0x5b: {  	_ =	sdelay $0x3  }
.LBB1_6:
0x5c: {  	_ =	sfence.sel $0x180000  }
0x5d: {  	s2 =	simm.s32 $0x1;
	[bflag:$0x0] =	sbarrier.arrive $0xFFFF  }
0x5e: {  	s31 =	simm.s32 $0x2;
	[sflag:s2] =	ssyncpa.u1 $0x1  }
0x5f: {  	[sflag:s31] =	ssyncpa.u1 $0x1  }
0x60: {  	p0 =	sne.s32 s0, $0x0;
	_ =	strace $0x9000004A  }
0x61: {  	s0 =	sadd.s32 @!p0 $0x100000, s1;
	[bflag:$0x2] =	sbarrier.arrive $0xFFFF  }
0x62: {  	[sflag:s0] =	ssyncadd.tile.s32 @!p0 $0x1;
	_ =	shalt  }
.Lfunc_end1:
_tile_overlayer_lowered:
.L_overlay_start_2:
0x63: {  	(tag) =	ssettag $0x2  }
0x64: {  	s0 =	rddreg [dreg:$0x0];
	s2 =	stileid.u32  }
0x65: {  	s1 =	rddreg [dreg:$0x1];
	p0 =	sne.s32 s2, $0x0  }
0x66: {  	s3 =	rddreg [dreg:$0x2];
	[bflag:$0x3] =	sbarrier.arrive $0xFFFF;
	s2 =	simm.s32 @!p0 $0x1C01  }
0x67: {  	[timem:s3], [sflag:s2] =	dma.local @!p0 [hbm:s0], s1  }
0x68: {  	s0 =	simm.s32 @!p0 $0x1  }
0x69: {  	_ =	swait.ge @!p0 [sflag:s0], s1  }
0x6a: {  	s1 =	ssub.s32 @!p0 $0x0, s1;
	[sflag:s0] =	ssyncset.done @!p0 $0x0  }
0x6b: {  	[sflag:s0] =	ssyncadd.s32 @!p0 s1  }
0x6c: {  	[bflag:$0x3] =	sbarrier.arrive $0xFFFF  }
0x6d: {  	_ =	shalt  }

</sc_bundles>
